<compile_context>
chip_gen: v7x
topology: tpu7x:2x2x1
jax: 0.10.2.dev20260603
libtpu: 0.0.44.dev20260713+nightly
codegen_flags: <defaults>
</compile_context>

<pallas_src>
import functools

import jax
import jax.numpy as jnp
from jax import lax
from jax.experimental import pallas as pl
from jax.experimental.pallas import tpu as pltpu
from jax.experimental.pallas import tpu_sc as plsc

_N = 10000
_D = 128
_H1 = 8
_C1 = 8
_C2 = 64
_NP = 10112
_ROW = 80
_ADW = 16
_B = 128
_NW = 32
_NBATCH = 82
_EP = _NW * _NBATCH * _B
_RPS = _NP // 16


def _lrelu(x):
    return jnp.maximum(x, 0.2 * x)


def _stage_a_body(x_ref, w1_ref, as1_ref, ad1_ref, t1_ref, adt_ref, mub_ref):
    xp = jnp.dot(x_ref[...], w1_ref[...], preferred_element_type=jnp.float32)
    als = jnp.dot(xp, as1_ref[...], preferred_element_type=jnp.float32)
    ald = jnp.dot(xp, ad1_ref[...], preferred_element_type=jnp.float32)
    mub = _lrelu(jnp.max(als, axis=0) + jnp.max(ald, axis=0))
    t1 = jnp.concatenate(
        [xp, als, jnp.zeros((_N, _ROW - _H1 * _C1 - _H1), jnp.float32)], axis=1)
    poison = jnp.concatenate(
        [jnp.zeros((_NP - _N, _H1 * _C1), jnp.float32),
         jnp.full((_NP - _N, _ROW - _H1 * _C1), -1000.0, jnp.float32)], axis=1)
    t1_ref[...] = jnp.concatenate([t1, poison], axis=0)
    adt = jnp.concatenate(
        [ald, jnp.zeros((_N, _ADW - _H1), jnp.float32)], axis=1)
    adt_ref[...] = jnp.concatenate(
        [adt, jnp.zeros((_NP - _N, _ADW), jnp.float32)], axis=0)
    mub_ref[...] = jnp.concatenate(
        [mub, jnp.full((16 - _H1,), 1e9, jnp.float32)]).reshape(1, 16)


_stage_a = pl.pallas_call(
    _stage_a_body,
    out_shape=(jax.ShapeDtypeStruct((_NP, _ROW), jnp.float32),
               jax.ShapeDtypeStruct((_NP, _ADW), jnp.float32),
               jax.ShapeDtypeStruct((1, 16), jnp.float32)),
)


def _stage_c_body(pa_ref, pb_ref, b1_ref, w2_ref, as2_ref, ad2_ref,
                  t2_ref, adt_ref, mub_ref):
    acc = pa_ref[...] + pb_ref[...]
    num = acc[:, 0:_H1 * _C1]
    wsum = acc[:, _H1 * _C1:_H1 * _C1 + _H1]
    ksel = (lax.broadcasted_iota(jnp.int32, (_H1, _H1 * _C1), 0)
            == lax.broadcasted_iota(jnp.int32, (_H1, _H1 * _C1), 1) // _C1
            ).astype(jnp.float32)
    recip = 1.0 / jnp.maximum(wsum, 1e-30)
    h1 = jnp.maximum(
        num * jnp.dot(recip, ksel, preferred_element_type=jnp.float32)
        + b1_ref[...][None, :], 0.0)
    xp2 = jnp.dot(h1, w2_ref[...], preferred_element_type=jnp.float32)
    as2 = lax.dot_general(xp2, as2_ref[...], (((1,), (1,)), ((), ())),
                          preferred_element_type=jnp.float32)
    ad2 = lax.dot_general(xp2, ad2_ref[...], (((1,), (1,)), ((), ())),
                          preferred_element_type=jnp.float32)
    mub2 = _lrelu(jnp.max(as2[0:_N]) + jnp.max(ad2[0:_N]))
    as2m = jnp.where(
        lax.broadcasted_iota(jnp.int32, (_NP, 1), 0) < _N, as2, -1000.0)
    t2_ref[...] = jnp.concatenate(
        [xp2, as2m, jnp.zeros((_NP, _ROW - _C2 - 1), jnp.float32)], axis=1)
    adt_ref[...] = jnp.concatenate(
        [ad2, jnp.zeros((_NP, _ADW - 1), jnp.float32)], axis=1)
    mub_ref[...] = jnp.concatenate(
        [mub2.reshape(1), jnp.full((15,), 1e9, jnp.float32)]).reshape(1, 16)


_stage_c = pl.pallas_call(
    _stage_c_body,
    out_shape=(jax.ShapeDtypeStruct((_NP, _ROW), jnp.float32),
               jax.ShapeDtypeStruct((_NP, _ADW), jnp.float32),
               jax.ShapeDtypeStruct((1, 16), jnp.float32)),
)


def _stage_d_body(pa_ref, pb_ref, b2_ref, fcw_ref, fcb_ref, out_ref):
    acc = pa_ref[...] + pb_ref[...]
    num = acc[0:_N, 0:_C2]
    wsum = acc[0:_N, _C2:_C2 + 1]
    h2 = num * (1.0 / jnp.maximum(wsum, 1e-30)) + b2_ref[...][None, :]
    out_ref[...] = (jnp.dot(h2, fcw_ref[...], preferred_element_type=jnp.float32)
                    + fcb_ref[...][None, :])


_stage_d = pl.pallas_call(
    _stage_d_body,
    out_shape=jax.ShapeDtypeStruct((_N, 2), jnp.float32),
)


def _make_edge_kernel(multi_head: bool):
    mesh = plsc.VectorSubcoreMesh(core_axis_name="c", subcore_axis_name="s")

    @functools.partial(
        pl.kernel,
        out_type=jax.ShapeDtypeStruct((2, _NP, _ROW), jnp.float32),
        mesh=mesh,
        compiler_params=pltpu.CompilerParams(use_tc_tiling_on_sc=False),
        scratch_types=[
            pltpu.VMEM((_B, _ROW), jnp.float32),
            pltpu.VMEM((_B, _ROW), jnp.float32),
            pltpu.VMEM((_B, _ADW), jnp.float32),
            pltpu.VMEM((_B, _ADW), jnp.float32),
            pltpu.VMEM((_B, _ROW), jnp.float32),
            pltpu.VMEM((_B, _ROW), jnp.float32),
            pltpu.VMEM((_NBATCH, _B), jnp.int32),
            pltpu.VMEM((_NBATCH, _B), jnp.int32),
            pltpu.VMEM((16,), jnp.float32),
            pltpu.VMEM_SHARED((_NP, _ROW), jnp.float32),
            pltpu.VMEM_SHARED((_NP, _ADW), jnp.float32),
            pltpu.SemaphoreType.DMA,
            pltpu.SemaphoreType.DMA,
            pltpu.SemaphoreType.DMA,
            pltpu.SemaphoreType.DMA,
            pltpu.SemaphoreType.DMA,
            pltpu.SemaphoreType.DMA,
        ],
    )
    def edge_kernel(t_hbm, ad_hbm, mub_hbm, src_hbm, dst_hbm, out_hbm,
                    rows0_v, rows1_v, adr0_v, adr1_v, msg0_v, msg1_v,
                    srcb_v, dstb_v, mub_v, acc_sh, ad_sh,
                    gt0, gt1, ga0, ga1, sc0, sc1):
        c = lax.axis_index("c")
        s = lax.axis_index("s")
        wid = s * 2 + c
        pltpu.sync_copy(src_hbm.at[wid], srcb_v)
        pltpu.sync_copy(dst_hbm.at[wid], dstb_v)
        pltpu.sync_copy(mub_hbm, mub_v)
        stage0 = s * _RPS
        pltpu.sync_copy(ad_hbm.at[pl.ds(stage0, _RPS)],
                        ad_sh.at[pl.ds(stage0, _RPS)])

        rows = (rows0_v, rows1_v)
        adr = (adr0_v, adr1_v)
        msg = (msg0_v, msg1_v)
        gt = (gt0, gt1)
        ga = (ga0, ga1)
        sc = (sc0, sc1)

        def _zrow(e, carry):
            for j in range(_ROW // 16):
                msg0_v[e, pl.ds(16 * j, 16)] = jnp.zeros((16,), jnp.float32)
            return carry
        lax.fori_loop(0, _B, _zrow, 0)
        base_row = s * _RPS
        nfull = _RPS // _B
        for k in range(nfull):
            pltpu.sync_copy(msg0_v, acc_sh.at[pl.ds(base_row + k * _B, _B)])
        rem = _RPS - nfull * _B
        pltpu.sync_copy(msg0_v.at[pl.ds(0, rem)],
                        acc_sh.at[pl.ds(base_row + nfull * _B, rem)])
        plsc.subcore_barrier()

        def _start_gather(b, i):
            pltpu.async_copy(t_hbm.at[srcb_v.at[b]], rows[i], gt[i])
            pltpu.async_copy(ad_sh.at[dstb_v.at[b]], adr[i], ga[i])

        def _wait_gather(b, i):
            pltpu.make_async_copy(t_hbm.at[srcb_v.at[b]], rows[i], gt[i]).wait()
            pltpu.make_async_copy(ad_sh.at[dstb_v.at[b]], adr[i], ga[i]).wait()

        def _wait_scatter(b, i):
            pltpu.make_async_copy(msg[i], acc_sh.at[dstb_v.at[b]], sc[i]).wait()

        def _compute(i):
            rows_v, adr_v, msg_v = rows[i], adr[i], msg[i]
            mub_vec = mub_v[...]
            iot = lax.iota(jnp.int32, 16)

            @plsc.parallel_loop(0, _B, unroll=4)
            def _edge(e):
                asv = rows_v[e, pl.ds(64, 16)]
                adv = adr_v[e, pl.ds(0, 16)]
                al = asv + adv
                al = jnp.maximum(al, 0.2 * al)
                w = jnp.exp(al - mub_vec)
                msg_v[e, pl.ds(64, 16)] = w
                for j in range(4):
                    if multi_head:
                        wj = jnp.where(iot < 8, w[2 * j], w[2 * j + 1])
                    else:
                        wj = jnp.broadcast_to(w[0], (16,))
                    msg_v[e, pl.ds(16 * j, 16)] = (
                        rows_v[e, pl.ds(16 * j, 16)] * wj)

        _start_gather(0, 0)

        def _pair(k, carry):
            for i in range(2):
                b = 2 * k + i
                _wait_gather(b, i)
                if i == 0:
                    _start_gather(b + 1, 1)
                else:
                    @pl.when(k < _NBATCH // 2 - 1)
                    def _():
                        _start_gather(b + 1, 0)

                @pl.when(k > 0)
                def _():
                    _wait_scatter(b, i)
                _compute(i)
                pltpu.async_copy(msg[i], acc_sh.at[dstb_v.at[b]], sc[i],
                                 add=True)
            return carry
        lax.fori_loop(0, _NBATCH // 2, _pair, 0)
        _wait_scatter(_NBATCH - 2, 0)
        _wait_scatter(_NBATCH - 1, 1)
        plsc.subcore_barrier()

        for k in range(nfull):
            r0 = base_row + k * _B
            pltpu.sync_copy(acc_sh.at[pl.ds(r0, _B)], rows0_v)
            pltpu.sync_copy(rows0_v, out_hbm.at[c, pl.ds(r0, _B)])
        r0 = base_row + nfull * _B
        pltpu.sync_copy(acc_sh.at[pl.ds(r0, rem)], rows0_v.at[pl.ds(0, rem)])
        pltpu.sync_copy(rows0_v.at[pl.ds(0, rem)],
                        out_hbm.at[c, pl.ds(r0, rem)])

    return edge_kernel


_edge_l1 = _make_edge_kernel(multi_head=True)
_edge_l2 = _make_edge_kernel(multi_head=False)


def kernel(x, edge_index, W1, a_src1, a_dst1, b1, W2, a_src2, a_dst2, b2,
           fc_W, fc_b):
    loop = jnp.arange(_N, dtype=jnp.int32)
    padn = _EP - (320000 + _N)
    ar = jnp.arange(padn, dtype=jnp.int32)
    pad_src = _N + (ar % (_NP - _N))
    pad_dst = (ar * 89) % _N
    src = jnp.concatenate([edge_index[0], loop, pad_src])
    dst = jnp.concatenate([edge_index[1], loop, pad_dst])
    src = src.reshape(_NW, _NBATCH, _B)
    dst = dst.reshape(_NW, _NBATCH, _B)

    hsel = (jnp.arange(_H1 * _C1)[:, None] // _C1 == jnp.arange(_H1)[None, :])
    as1m = a_src1.reshape(_H1 * _C1, 1) * hsel
    ad1m = a_dst1.reshape(_H1 * _C1, 1) * hsel
    t1, ad1t, mub1 = _stage_a(x, W1, as1m, ad1m)
    acc1 = _edge_l1(t1, ad1t, mub1.reshape(16), src, dst)
    t2, ad2t, mub2 = _stage_c(acc1[0], acc1[1], b1, W2, a_src2, a_dst2)
    acc2 = _edge_l2(t2, ad2t, mub2.reshape(16), src, dst)
    return _stage_d(acc2[0], acc2[1], b2, fc_W, fc_b)

# --- scband reference (transcript-rebuilt; emitter-appended) ---
"""Pipeline reference for scband-gat-40381282517712 (READ-ONLY COPY).

The authoritative reference and input builder live on the scoring server;
editing this copy changes nothing except your own understanding.
"""

import jax, jax.numpy as jnp
import numpy as np

N = 10000
E = 320000
D = 128
H1 = 8
C1 = 8
C2 = 64


def setup_inputs(seed: int = 0) -> dict:
    key = jax.random.key(seed)
    ks = jax.random.split(key, 10)
    x = jax.random.normal(ks[0], (N, D), dtype=jnp.float32)
    edge_index = jax.random.randint(ks[1], (2, E), 0, N, dtype=jnp.int32)
    s = 0.1
    W1 = jax.random.normal(ks[2], (D, H1 * C1), dtype=jnp.float32) * s
    a_src1 = jax.random.normal(ks[3], (H1, C1), dtype=jnp.float32) * s
    a_dst1 = jax.random.normal(ks[4], (H1, C1), dtype=jnp.float32) * s
    b1 = jnp.zeros((H1 * C1,), dtype=jnp.float32)
    W2 = jax.random.normal(ks[5], (H1 * C1, C2), dtype=jnp.float32) * s
    a_src2 = jax.random.normal(ks[6], (1, C2), dtype=jnp.float32) * s
    a_dst2 = jax.random.normal(ks[7], (1, C2), dtype=jnp.float32) * s
    b2 = jnp.zeros((C2,), dtype=jnp.float32)
    fc_W = jax.random.normal(ks[8], (C2, 2), dtype=jnp.float32) * s
    fc_b = jnp.zeros((2,), dtype=jnp.float32)
    return {'x': x, 'edge_index': edge_index, 'W1': W1, 'a_src1': a_src1,
            'a_dst1': a_dst1, 'b1': b1, 'W2': W2, 'a_src2': a_src2,
            'a_dst2': a_dst2, 'b2': b2, 'fc_W': fc_W, 'fc_b': fc_b}


def gat_conv(x, src, dst, W, a_s, a_d, b, heads, out_ch):
    n = x.shape[0]
    xp = (x @ W).reshape(n, heads, out_ch)
    alpha_src = (xp * a_s[None]).sum(-1)
    alpha_dst = (xp * a_d[None]).sum(-1)
    al = alpha_src[src] + alpha_dst[dst]
    al = jax.nn.leaky_relu(al, 0.2)
    m = jax.ops.segment_max(al, dst, num_segments=n)
    m = jnp.where(jnp.isfinite(m), m, 0.0)
    m = jax.lax.stop_gradient(m)
    e = jnp.exp(al - m[dst])
    ssum = jax.ops.segment_sum(e, dst, num_segments=n)
    a = e / (ssum[dst] + 1e-16)
    msg = xp[src] * a[:, :, None]
    out = jax.ops.segment_sum(msg, dst, num_segments=n)
    return out.reshape(n, heads * out_ch) + b


def reference(x, edge_index, W1, a_src1, a_dst1, b1, W2, a_src2, a_dst2, b2, fc_W, fc_b):
    n = x.shape[0]
    loop = jnp.arange(n, dtype=edge_index.dtype)
    src = jnp.concatenate([edge_index[0], loop])
    dst = jnp.concatenate([edge_index[1], loop])
    h = gat_conv(x, src, dst, W1, a_src1, a_dst1, b1, H1, C1)
    h = jax.nn.relu(h)
    h = gat_conv(h, src, dst, W2, a_src2, a_dst2, b2, 1, C2)
    return h @ fc_W + fc_b

if __name__ == "__main__":
    import jax
    _d = setup_inputs()
    print(jax.jit(kernel)(*tuple(_d.values())))

</pallas_src>

<mosaic_0001>
#map = affine_map<(d0, d1) -> (0, 0)>
#map1 = affine_map<(d0, d1) -> (0)>
#map2 = affine_map<(d0, d1) -> (0, 0, 0)>
module attributes {stable_mosaic.version = 14 : i64} {
  func.func @edge_kernel(%arg0: i32, %arg1: i32, %arg2: memref<10112x80xf32, #tpu.memory_space<hbm>>, %arg3: memref<10112x16xf32, #tpu.memory_space<hbm>>, %arg4: memref<16xf32, #tpu.memory_space<hbm>>, %arg5: memref<32x82x128xi32, #tpu.memory_space<hbm>>, %arg6: memref<32x82x128xi32, #tpu.memory_space<hbm>>, %arg7: memref<2x10112x80xf32, #tpu.memory_space<hbm>>, %arg8: memref<128x80xf32, #tpu.memory_space<vmem>>, %arg9: memref<128x80xf32, #tpu.memory_space<vmem>>, %arg10: memref<128x16xf32, #tpu.memory_space<vmem>>, %arg11: memref<128x16xf32, #tpu.memory_space<vmem>>, %arg12: memref<128x80xf32, #tpu.memory_space<vmem>>, %arg13: memref<128x80xf32, #tpu.memory_space<vmem>>, %arg14: memref<82x128xi32, #tpu.memory_space<vmem>>, %arg15: memref<82x128xi32, #tpu.memory_space<vmem>>, %arg16: memref<16xf32, #tpu.memory_space<vmem>>, %arg17: memref<10112x80xf32, #tpu.memory_space<vmem_shared>>, %arg18: memref<10112x16xf32, #tpu.memory_space<vmem_shared>>, %arg19: memref<!tpu.dma_semaphore, #tpu.memory_space<semaphore_mem>>, %arg20: memref<!tpu.dma_semaphore, #tpu.memory_space<semaphore_mem>>, %arg21: memref<!tpu.dma_semaphore, #tpu.memory_space<semaphore_mem>>, %arg22: memref<!tpu.dma_semaphore, #tpu.memory_space<semaphore_mem>>, %arg23: memref<!tpu.dma_semaphore, #tpu.memory_space<semaphore_mem>>, %arg24: memref<!tpu.dma_semaphore, #tpu.memory_space<semaphore_mem>>) attributes {dimension_semantics = [#tpu.dimension_semantics<core_parallel>, #tpu.dimension_semantics<subcore_parallel>], iteration_bounds = array<i64: 2, 16>, scalar_prefetch = 0 : i64, scratch_operands = 17 : i64, tpu.core_type = #tpu.core_type<sc_vector_subcore>, window_params = [{transform_indices = #map}, {transform_indices = #map}, {transform_indices = #map1}, {transform_indices = #map2}, {transform_indices = #map2}, {transform_indices = #map2}]} {
    %mul3A = arith.constant 2 : i32
    %mul3A_0 = arith.muli %arg1, %mul3A : i32
    %add3A = arith.addi %mul3A_0, %arg0 : i32
    "tpu.region"() ({
      %run_scoped3A = tpu.sem_alloc : memref<!tpu.dma_semaphore, #tpu.memory_space<semaphore_mem>>
      %dma_start3A_63 = arith.constant 0 : i32
      %dma_start3A_64 = arith.constant 0 : i32
      %dma_start3A_65 = tpu.memref_slice %arg5[%add3A, %dma_start3A_63, %dma_start3A_64] : memref<32x82x128xi32, #tpu.memory_space<hbm>> -> memref<1x82x128xi32, #tpu.memory_space<hbm>>
      %dma_start3A_66 = tpu.memref_squeeze %dma_start3A_65 : memref<1x82x128xi32, #tpu.memory_space<hbm>> -> memref<82x128xi32, #tpu.memory_space<hbm>>
      %dma_start3A_67 = arith.constant 0 : i32
      %dma_start3A_68 = arith.constant 0 : i32
      %dma_start3A_69 = tpu.memref_slice %arg5[%add3A, %dma_start3A_67, %dma_start3A_68] : memref<32x82x128xi32, #tpu.memory_space<hbm>> -> memref<1x82x128xi32, #tpu.memory_space<hbm>>
      %dma_start3A_70 = tpu.memref_squeeze %dma_start3A_69 : memref<1x82x128xi32, #tpu.memory_space<hbm>> -> memref<82x128xi32, #tpu.memory_space<hbm>>
      tpu.enqueue_dma source(%dma_start3A_70 : memref<82x128xi32, #tpu.memory_space<hbm>>) target(%arg14 : memref<82x128xi32, #tpu.memory_space<vmem>>) target_semaphore(%run_scoped3A : memref<!tpu.dma_semaphore, #tpu.memory_space<semaphore_mem>>)
      %dma_wait3A_71 = arith.constant 0 : i32
      %dma_wait3A_72 = arith.constant 0 : i32
      %dma_wait3A_73 = tpu.memref_slice %arg5[%add3A, %dma_wait3A_71, %dma_wait3A_72] : memref<32x82x128xi32, #tpu.memory_space<hbm>> -> memref<1x82x128xi32, #tpu.memory_space<hbm>>
      %dma_wait3A_74 = tpu.memref_squeeze %dma_wait3A_73 : memref<1x82x128xi32, #tpu.memory_space<hbm>> -> memref<82x128xi32, #tpu.memory_space<hbm>>
      %dma_wait3A_75 = arith.constant 0 : i32
      %dma_wait3A_76 = arith.constant 0 : i32
      %dma_wait3A_77 = tpu.memref_slice %arg5[%add3A, %dma_wait3A_75, %dma_wait3A_76] : memref<32x82x128xi32, #tpu.memory_space<hbm>> -> memref<1x82x128xi32, #tpu.memory_space<hbm>>
      %dma_wait3A_78 = tpu.memref_squeeze %dma_wait3A_77 : memref<1x82x128xi32, #tpu.memory_space<hbm>> -> memref<82x128xi32, #tpu.memory_space<hbm>>
      tpu.wait_dma2 semaphore(%run_scoped3A : memref<!tpu.dma_semaphore, #tpu.memory_space<semaphore_mem>>) src(%dma_wait3A_78 : memref<82x128xi32, #tpu.memory_space<hbm>>) dst(%arg14 : memref<82x128xi32, #tpu.memory_space<vmem>>)
      tpu.yield
    }) : () -> ()
    "tpu.region"() ({
      %run_scoped3A = tpu.sem_alloc : memref<!tpu.dma_semaphore, #tpu.memory_space<semaphore_mem>>
      %dma_start3A_63 = arith.constant 0 : i32
      %dma_start3A_64 = arith.constant 0 : i32
      %dma_start3A_65 = tpu.memref_slice %arg6[%add3A, %dma_start3A_63, %dma_start3A_64] : memref<32x82x128xi32, #tpu.memory_space<hbm>> -> memref<1x82x128xi32, #tpu.memory_space<hbm>>
      %dma_start3A_66 = tpu.memref_squeeze %dma_start3A_65 : memref<1x82x128xi32, #tpu.memory_space<hbm>> -> memref<82x128xi32, #tpu.memory_space<hbm>>
      %dma_start3A_67 = arith.constant 0 : i32
      %dma_start3A_68 = arith.constant 0 : i32
      %dma_start3A_69 = tpu.memref_slice %arg6[%add3A, %dma_start3A_67, %dma_start3A_68] : memref<32x82x128xi32, #tpu.memory_space<hbm>> -> memref<1x82x128xi32, #tpu.memory_space<hbm>>
      %dma_start3A_70 = tpu.memref_squeeze %dma_start3A_69 : memref<1x82x128xi32, #tpu.memory_space<hbm>> -> memref<82x128xi32, #tpu.memory_space<hbm>>
      tpu.enqueue_dma source(%dma_start3A_70 : memref<82x128xi32, #tpu.memory_space<hbm>>) target(%arg15 : memref<82x128xi32, #tpu.memory_space<vmem>>) target_semaphore(%run_scoped3A : memref<!tpu.dma_semaphore, #tpu.memory_space<semaphore_mem>>)
      %dma_wait3A_71 = arith.constant 0 : i32
      %dma_wait3A_72 = arith.constant 0 : i32
      %dma_wait3A_73 = tpu.memref_slice %arg6[%add3A, %dma_wait3A_71, %dma_wait3A_72] : memref<32x82x128xi32, #tpu.memory_space<hbm>> -> memref<1x82x128xi32, #tpu.memory_space<hbm>>
      %dma_wait3A_74 = tpu.memref_squeeze %dma_wait3A_73 : memref<1x82x128xi32, #tpu.memory_space<hbm>> -> memref<82x128xi32, #tpu.memory_space<hbm>>
      %dma_wait3A_75 = arith.constant 0 : i32
      %dma_wait3A_76 = arith.constant 0 : i32
      %dma_wait3A_77 = tpu.memref_slice %arg6[%add3A, %dma_wait3A_75, %dma_wait3A_76] : memref<32x82x128xi32, #tpu.memory_space<hbm>> -> memref<1x82x128xi32, #tpu.memory_space<hbm>>
      %dma_wait3A_78 = tpu.memref_squeeze %dma_wait3A_77 : memref<1x82x128xi32, #tpu.memory_space<hbm>> -> memref<82x128xi32, #tpu.memory_space<hbm>>
      tpu.wait_dma2 semaphore(%run_scoped3A : memref<!tpu.dma_semaphore, #tpu.memory_space<semaphore_mem>>) src(%dma_wait3A_78 : memref<82x128xi32, #tpu.memory_space<hbm>>) dst(%arg15 : memref<82x128xi32, #tpu.memory_space<vmem>>)
      tpu.yield
    }) : () -> ()
    "tpu.region"() ({
      %run_scoped3A = tpu.sem_alloc : memref<!tpu.dma_semaphore, #tpu.memory_space<semaphore_mem>>
      tpu.enqueue_dma source(%arg4 : memref<16xf32, #tpu.memory_space<hbm>>) target(%arg16 : memref<16xf32, #tpu.memory_space<vmem>>) target_semaphore(%run_scoped3A : memref<!tpu.dma_semaphore, #tpu.memory_space<semaphore_mem>>)
      tpu.wait_dma2 semaphore(%run_scoped3A : memref<!tpu.dma_semaphore, #tpu.memory_space<semaphore_mem>>) src(%arg4 : memref<16xf32, #tpu.memory_space<hbm>>) dst(%arg16 : memref<16xf32, #tpu.memory_space<vmem>>)
      tpu.yield
    }) : () -> ()
    %mul3A_1 = arith.constant 632 : i32
    %mul3A_2 = arith.muli %arg1, %mul3A_1 : i32
    "tpu.region"() ({
      %run_scoped3A = tpu.sem_alloc : memref<!tpu.dma_semaphore, #tpu.memory_space<semaphore_mem>>
      %dma_start3A_63 = arith.constant 0 : i32
      %dma_start3A_64 = tpu.memref_slice %arg18[%mul3A_2, %dma_start3A_63] : memref<10112x16xf32, #tpu.memory_space<vmem_shared>> -> memref<632x16xf32, #tpu.memory_space<vmem_shared>>
      %dma_start3A_65 = arith.constant 0 : i32
      %dma_start3A_66 = tpu.memref_slice %arg3[%mul3A_2, %dma_start3A_65] : memref<10112x16xf32, #tpu.memory_space<hbm>> -> memref<632x16xf32, #tpu.memory_space<hbm>>
      tpu.enqueue_dma source(%dma_start3A_66 : memref<632x16xf32, #tpu.memory_space<hbm>>) target(%dma_start3A_64 : memref<632x16xf32, #tpu.memory_space<vmem_shared>>) target_semaphore(%run_scoped3A : memref<!tpu.dma_semaphore, #tpu.memory_space<semaphore_mem>>)
      %dma_wait3A_67 = arith.constant 0 : i32
      %dma_wait3A_68 = tpu.memref_slice %arg18[%mul3A_2, %dma_wait3A_67] : memref<10112x16xf32, #tpu.memory_space<vmem_shared>> -> memref<632x16xf32, #tpu.memory_space<vmem_shared>>
      %dma_wait3A_69 = arith.constant 0 : i32
      %dma_wait3A_70 = tpu.memref_slice %arg3[%mul3A_2, %dma_wait3A_69] : memref<10112x16xf32, #tpu.memory_space<hbm>> -> memref<632x16xf32, #tpu.memory_space<hbm>>
      tpu.wait_dma2 semaphore(%run_scoped3A : memref<!tpu.dma_semaphore, #tpu.memory_space<semaphore_mem>>) src(%dma_wait3A_70 : memref<632x16xf32, #tpu.memory_space<hbm>>) dst(%dma_wait3A_68 : memref<632x16xf32, #tpu.memory_space<vmem_shared>>)
      tpu.yield
    }) : () -> ()
    %scan3A = arith.constant 0 : i32
    %scan3A_3 = arith.constant 0 : i32
    %scan3A_4 = arith.constant 128 : i32
    %scan3A_5 = arith.addi %scan3A_3, %scan3A_4 : i32
    %scan3A_6 = arith.constant 1 : i32
    scf.for %scan3A_63 = %scan3A_3 to %scan3A_5 step %scan3A_6  : i32 {
      %broadcast_in_dim3A = arith.constant 0.000000e+00 : f32
      %broadcast_in_dim3A_64 = vector.broadcast %broadcast_in_dim3A : f32 to vector<16xf32>
      %swap3A = arith.index_cast %scan3A_63 : i32 to index
      %swap3A_65 = arith.constant 0 : index
      %swap3A_66 = tpu.vector_load %arg12[%swap3A, %swap3A_65] {strides = array<i32>} : memref<128x80xf32, #tpu.memory_space<vmem>>, vector<1x16xf32>,
      %swap3A_67 = vector.shape_cast %swap3A_66 : vector<1x16xf32> to vector<16xf32>
      %swap3A_68 = vector.shape_cast %broadcast_in_dim3A_64 : vector<16xf32> to vector<1x16xf32>
      tpu.vector_store %arg12[%swap3A, %swap3A_65], %swap3A_68 {strides = array<i32>} : memref<128x80xf32, #tpu.memory_space<vmem>>, vector<1x16xf32>,
      %broadcast_in_dim3A_69 = arith.constant 0.000000e+00 : f32
      %broadcast_in_dim3A_70 = vector.broadcast %broadcast_in_dim3A_69 : f32 to vector<16xf32>
      %swap3A_71 = arith.index_cast %scan3A_63 : i32 to index
      %swap3A_72 = arith.constant 16 : index
      %swap3A_73 = tpu.vector_load %arg12[%swap3A_71, %swap3A_72] {strides = array<i32>} : memref<128x80xf32, #tpu.memory_space<vmem>>, vector<1x16xf32>,
      %swap3A_74 = vector.shape_cast %swap3A_73 : vector<1x16xf32> to vector<16xf32>
      %swap3A_75 = vector.shape_cast %broadcast_in_dim3A_70 : vector<16xf32> to vector<1x16xf32>
      tpu.vector_store %arg12[%swap3A_71, %swap3A_72], %swap3A_75 {strides = array<i32>} : memref<128x80xf32, #tpu.memory_space<vmem>>, vector<1x16xf32>,
      %broadcast_in_dim3A_76 = arith.constant 0.000000e+00 : f32
      %broadcast_in_dim3A_77 = vector.broadcast %broadcast_in_dim3A_76 : f32 to vector<16xf32>
      %swap3A_78 = arith.index_cast %scan3A_63 : i32 to index
      %swap3A_79 = arith.constant 32 : index
      %swap3A_80 = tpu.vector_load %arg12[%swap3A_78, %swap3A_79] {strides = array<i32>} : memref<128x80xf32, #tpu.memory_space<vmem>>, vector<1x16xf32>,
      %swap3A_81 = vector.shape_cast %swap3A_80 : vector<1x16xf32> to vector<16xf32>
      %swap3A_82 = vector.shape_cast %broadcast_in_dim3A_77 : vector<16xf32> to vector<1x16xf32>
      tpu.vector_store %arg12[%swap3A_78, %swap3A_79], %swap3A_82 {strides = array<i32>} : memref<128x80xf32, #tpu.memory_space<vmem>>, vector<1x16xf32>,
      %broadcast_in_dim3A_83 = arith.constant 0.000000e+00 : f32
      %broadcast_in_dim3A_84 = vector.broadcast %broadcast_in_dim3A_83 : f32 to vector<16xf32>
      %swap3A_85 = arith.index_cast %scan3A_63 : i32 to index
      %swap3A_86 = arith.constant 48 : index
      %swap3A_87 = tpu.vector_load %arg12[%swap3A_85, %swap3A_86] {strides = array<i32>} : memref<128x80xf32, #tpu.memory_space<vmem>>, vector<1x16xf32>,
      %swap3A_88 = vector.shape_cast %swap3A_87 : vector<1x16xf32> to vector<16xf32>
      %swap3A_89 = vector.shape_cast %broadcast_in_dim3A_84 : vector<16xf32> to vector<1x16xf32>
      tpu.vector_store %arg12[%swap3A_85, %swap3A_86], %swap3A_89 {strides = array<i32>} : memref<128x80xf32, #tpu.memory_space<vmem>>, vector<1x16xf32>,
      %broadcast_in_dim3A_90 = arith.constant 0.000000e+00 : f32
      %broadcast_in_dim3A_91 = vector.broadcast %broadcast_in_dim3A_90 : f32 to vector<16xf32>
      %swap3A_92 = arith.index_cast %scan3A_63 : i32 to index
      %swap3A_93 = arith.constant 64 : index
      %swap3A_94 = tpu.vector_load %arg12[%swap3A_92, %swap3A_93] {strides = array<i32>} : memref<128x80xf32, #tpu.memory_space<vmem>>, vector<1x16xf32>,
      %swap3A_95 = vector.shape_cast %swap3A_94 : vector<1x16xf32> to vector<16xf32>
      %swap3A_96 = vector.shape_cast %broadcast_in_dim3A_91 : vector<16xf32> to vector<1x16xf32>
      tpu.vector_store %arg12[%swap3A_92, %swap3A_93], %swap3A_96 {strides = array<i32>} : memref<128x80xf32, #tpu.memory_space<vmem>>, vector<1x16xf32>,
    }
    %scan3A_7 = arith.constant 128 : i32
    %mul3A_8 = arith.constant 632 : i32
    %mul3A_9 = arith.muli %arg1, %mul3A_8 : i32
    %add3A_10 = arith.constant 0 : i32
    %add3A_11 = arith.addi %mul3A_9, %add3A_10 : i32
    "tpu.region"() ({
      %run_scoped3A = tpu.sem_alloc : memref<!tpu.dma_semaphore, #tpu.memory_space<semaphore_mem>>
      %dma_start3A_63 = arith.constant 0 : i32
      %dma_start3A_64 = tpu.memref_slice %arg17[%add3A_11, %dma_start3A_63] : memref<10112x80xf32, #tpu.memory_space<vmem_shared>> -> memref<128x80xf32, #tpu.memory_space<vmem_shared>>
      %dma_start3A_65 = arith.constant 0 : i32
      %dma_start3A_66 = tpu.memref_slice %arg17[%add3A_11, %dma_start3A_65] : memref<10112x80xf32, #tpu.memory_space<vmem_shared>> -> memref<128x80xf32, #tpu.memory_space<vmem_shared>>
      tpu.enqueue_dma source(%arg12 : memref<128x80xf32, #tpu.memory_space<vmem>>) target(%dma_start3A_66 : memref<128x80xf32, #tpu.memory_space<vmem_shared>>) target_semaphore(%run_scoped3A : memref<!tpu.dma_semaphore, #tpu.memory_space<semaphore_mem>>)
      %dma_wait3A_67 = arith.constant 0 : i32
      %dma_wait3A_68 = tpu.memref_slice %arg17[%add3A_11, %dma_wait3A_67] : memref<10112x80xf32, #tpu.memory_space<vmem_shared>> -> memref<128x80xf32, #tpu.memory_space<vmem_shared>>
      %dma_wait3A_69 = arith.constant 0 : i32
      %dma_wait3A_70 = tpu.memref_slice %arg17[%add3A_11, %dma_wait3A_69] : memref<10112x80xf32, #tpu.memory_space<vmem_shared>> -> memref<128x80xf32, #tpu.memory_space<vmem_shared>>
      tpu.wait_dma2 semaphore(%run_scoped3A : memref<!tpu.dma_semaphore, #tpu.memory_space<semaphore_mem>>) src(%arg12 : memref<128x80xf32, #tpu.memory_space<vmem>>) dst(%dma_wait3A_70 : memref<128x80xf32, #tpu.memory_space<vmem_shared>>)
      tpu.yield
    }) : () -> ()
    %add3A_12 = arith.constant 128 : i32
    %add3A_13 = arith.addi %mul3A_9, %add3A_12 : i32
    "tpu.region"() ({
      %run_scoped3A = tpu.sem_alloc : memref<!tpu.dma_semaphore, #tpu.memory_space<semaphore_mem>>
      %dma_start3A_63 = arith.constant 0 : i32
      %dma_start3A_64 = tpu.memref_slice %arg17[%add3A_13, %dma_start3A_63] : memref<10112x80xf32, #tpu.memory_space<vmem_shared>> -> memref<128x80xf32, #tpu.memory_space<vmem_shared>>
      %dma_start3A_65 = arith.constant 0 : i32
      %dma_start3A_66 = tpu.memref_slice %arg17[%add3A_13, %dma_start3A_65] : memref<10112x80xf32, #tpu.memory_space<vmem_shared>> -> memref<128x80xf32, #tpu.memory_space<vmem_shared>>
      tpu.enqueue_dma source(%arg12 : memref<128x80xf32, #tpu.memory_space<vmem>>) target(%dma_start3A_66 : memref<128x80xf32, #tpu.memory_space<vmem_shared>>) target_semaphore(%run_scoped3A : memref<!tpu.dma_semaphore, #tpu.memory_space<semaphore_mem>>)
      %dma_wait3A_67 = arith.constant 0 : i32
      %dma_wait3A_68 = tpu.memref_slice %arg17[%add3A_13, %dma_wait3A_67] : memref<10112x80xf32, #tpu.memory_space<vmem_shared>> -> memref<128x80xf32, #tpu.memory_space<vmem_shared>>
      %dma_wait3A_69 = arith.constant 0 : i32
      %dma_wait3A_70 = tpu.memref_slice %arg17[%add3A_13, %dma_wait3A_69] : memref<10112x80xf32, #tpu.memory_space<vmem_shared>> -> memref<128x80xf32, #tpu.memory_space<vmem_shared>>
      tpu.wait_dma2 semaphore(%run_scoped3A : memref<!tpu.dma_semaphore, #tpu.memory_space<semaphore_mem>>) src(%arg12 : memref<128x80xf32, #tpu.memory_space<vmem>>) dst(%dma_wait3A_70 : memref<128x80xf32, #tpu.memory_space<vmem_shared>>)
      tpu.yield
    }) : () -> ()
    %add3A_14 = arith.constant 256 : i32
    %add3A_15 = arith.addi %mul3A_9, %add3A_14 : i32
    "tpu.region"() ({
      %run_scoped3A = tpu.sem_alloc : memref<!tpu.dma_semaphore, #tpu.memory_space<semaphore_mem>>
      %dma_start3A_63 = arith.constant 0 : i32
      %dma_start3A_64 = tpu.memref_slice %arg17[%add3A_15, %dma_start3A_63] : memref<10112x80xf32, #tpu.memory_space<vmem_shared>> -> memref<128x80xf32, #tpu.memory_space<vmem_shared>>
      %dma_start3A_65 = arith.constant 0 : i32
      %dma_start3A_66 = tpu.memref_slice %arg17[%add3A_15, %dma_start3A_65] : memref<10112x80xf32, #tpu.memory_space<vmem_shared>> -> memref<128x80xf32, #tpu.memory_space<vmem_shared>>
      tpu.enqueue_dma source(%arg12 : memref<128x80xf32, #tpu.memory_space<vmem>>) target(%dma_start3A_66 : memref<128x80xf32, #tpu.memory_space<vmem_shared>>) target_semaphore(%run_scoped3A : memref<!tpu.dma_semaphore, #tpu.memory_space<semaphore_mem>>)
      %dma_wait3A_67 = arith.constant 0 : i32
      %dma_wait3A_68 = tpu.memref_slice %arg17[%add3A_15, %dma_wait3A_67] : memref<10112x80xf32, #tpu.memory_space<vmem_shared>> -> memref<128x80xf32, #tpu.memory_space<vmem_shared>>
      %dma_wait3A_69 = arith.constant 0 : i32
      %dma_wait3A_70 = tpu.memref_slice %arg17[%add3A_15, %dma_wait3A_69] : memref<10112x80xf32, #tpu.memory_space<vmem_shared>> -> memref<128x80xf32, #tpu.memory_space<vmem_shared>>
      tpu.wait_dma2 semaphore(%run_scoped3A : memref<!tpu.dma_semaphore, #tpu.memory_space<semaphore_mem>>) src(%arg12 : memref<128x80xf32, #tpu.memory_space<vmem>>) dst(%dma_wait3A_70 : memref<128x80xf32, #tpu.memory_space<vmem_shared>>)
      tpu.yield
    }) : () -> ()
    %add3A_16 = arith.constant 384 : i32
    %add3A_17 = arith.addi %mul3A_9, %add3A_16 : i32
    "tpu.region"() ({
      %run_scoped3A = tpu.sem_alloc : memref<!tpu.dma_semaphore, #tpu.memory_space<semaphore_mem>>
      %dma_start3A_63 = arith.constant 0 : i32
      %dma_start3A_64 = tpu.memref_slice %arg17[%add3A_17, %dma_start3A_63] : memref<10112x80xf32, #tpu.memory_space<vmem_shared>> -> memref<128x80xf32, #tpu.memory_space<vmem_shared>>
      %dma_start3A_65 = arith.constant 0 : i32
      %dma_start3A_66 = tpu.memref_slice %arg17[%add3A_17, %dma_start3A_65] : memref<10112x80xf32, #tpu.memory_space<vmem_shared>> -> memref<128x80xf32, #tpu.memory_space<vmem_shared>>
      tpu.enqueue_dma source(%arg12 : memref<128x80xf32, #tpu.memory_space<vmem>>) target(%dma_start3A_66 : memref<128x80xf32, #tpu.memory_space<vmem_shared>>) target_semaphore(%run_scoped3A : memref<!tpu.dma_semaphore, #tpu.memory_space<semaphore_mem>>)
      %dma_wait3A_67 = arith.constant 0 : i32
      %dma_wait3A_68 = tpu.memref_slice %arg17[%add3A_17, %dma_wait3A_67] : memref<10112x80xf32, #tpu.memory_space<vmem_shared>> -> memref<128x80xf32, #tpu.memory_space<vmem_shared>>
      %dma_wait3A_69 = arith.constant 0 : i32
      %dma_wait3A_70 = tpu.memref_slice %arg17[%add3A_17, %dma_wait3A_69] : memref<10112x80xf32, #tpu.memory_space<vmem_shared>> -> memref<128x80xf32, #tpu.memory_space<vmem_shared>>
      tpu.wait_dma2 semaphore(%run_scoped3A : memref<!tpu.dma_semaphore, #tpu.memory_space<semaphore_mem>>) src(%arg12 : memref<128x80xf32, #tpu.memory_space<vmem>>) dst(%dma_wait3A_70 : memref<128x80xf32, #tpu.memory_space<vmem_shared>>)
      tpu.yield
    }) : () -> ()
    %add3A_18 = arith.constant 512 : i32
    %add3A_19 = arith.addi %mul3A_9, %add3A_18 : i32
    "tpu.region"() ({
      %run_scoped3A = tpu.sem_alloc : memref<!tpu.dma_semaphore, #tpu.memory_space<semaphore_mem>>
      %dma_start3A_63 = arith.constant 0 : i32
      %dma_start3A_64 = arith.constant 0 : i32
      %dma_start3A_65 = tpu.memref_slice %arg12[%dma_start3A_63, %dma_start3A_64] : memref<128x80xf32, #tpu.memory_space<vmem>> -> memref<120x80xf32, #tpu.memory_space<vmem>>
      %dma_start3A_66 = arith.constant 0 : i32
      %dma_start3A_67 = tpu.memref_slice %arg17[%add3A_19, %dma_start3A_66] : memref<10112x80xf32, #tpu.memory_space<vmem_shared>> -> memref<120x80xf32, #tpu.memory_space<vmem_shared>>
      %dma_start3A_68 = arith.constant 0 : i32
      %dma_start3A_69 = tpu.memref_slice %arg17[%add3A_19, %dma_start3A_68] : memref<10112x80xf32, #tpu.memory_space<vmem_shared>> -> memref<120x80xf32, #tpu.memory_space<vmem_shared>>
      %dma_start3A_70 = arith.constant 0 : i32
      %dma_start3A_71 = arith.constant 0 : i32
      %dma_start3A_72 = tpu.memref_slice %arg12[%dma_start3A_70, %dma_start3A_71] : memref<128x80xf32, #tpu.memory_space<vmem>> -> memref<120x80xf32, #tpu.memory_space<vmem>>
      tpu.enqueue_dma source(%dma_start3A_72 : memref<120x80xf32, #tpu.memory_space<vmem>>) target(%dma_start3A_69 : memref<120x80xf32, #tpu.memory_space<vmem_shared>>) target_semaphore(%run_scoped3A : memref<!tpu.dma_semaphore, #tpu.memory_space<semaphore_mem>>)
      %dma_wait3A_73 = arith.constant 0 : i32
      %dma_wait3A_74 = arith.constant 0 : i32
      %dma_wait3A_75 = tpu.memref_slice %arg12[%dma_wait3A_73, %dma_wait3A_74] : memref<128x80xf32, #tpu.memory_space<vmem>> -> memref<120x80xf32, #tpu.memory_space<vmem>>
      %dma_wait3A_76 = arith.constant 0 : i32
      %dma_wait3A_77 = tpu.memref_slice %arg17[%add3A_19, %dma_wait3A_76] : memref<10112x80xf32, #tpu.memory_space<vmem_shared>> -> memref<120x80xf32, #tpu.memory_space<vmem_shared>>
      %dma_wait3A_78 = arith.constant 0 : i32
      %dma_wait3A_79 = tpu.memref_slice %arg17[%add3A_19, %dma_wait3A_78] : memref<10112x80xf32, #tpu.memory_space<vmem_shared>> -> memref<120x80xf32, #tpu.memory_space<vmem_shared>>
      %dma_wait3A_80 = arith.constant 0 : i32
      %dma_wait3A_81 = arith.constant 0 : i32
      %dma_wait3A_82 = tpu.memref_slice %arg12[%dma_wait3A_80, %dma_wait3A_81] : memref<128x80xf32, #tpu.memory_space<vmem>> -> memref<120x80xf32, #tpu.memory_space<vmem>>
      tpu.wait_dma2 semaphore(%run_scoped3A : memref<!tpu.dma_semaphore, #tpu.memory_space<semaphore_mem>>) src(%dma_wait3A_82 : memref<120x80xf32, #tpu.memory_space<vmem>>) dst(%dma_wait3A_79 : memref<120x80xf32, #tpu.memory_space<vmem_shared>>)
      tpu.yield
    }) : () -> ()
    %barrier3A = arith.constant 0 : index
    tpu.barrier barrier_id(%barrier3A)
    %dma_start3A = arith.constant 0 : i32
    %dma_start3A_20 = arith.constant 0 : i32
    %dma_start3A_21 = tpu.memref_slice %arg14[%dma_start3A, %dma_start3A_20] : memref<82x128xi32, #tpu.memory_space<vmem>> -> memref<1x128xi32, #tpu.memory_space<vmem>>
    %dma_start3A_22 = tpu.memref_squeeze %dma_start3A_21 : memref<1x128xi32, #tpu.memory_space<vmem>> -> memref<128xi32, #tpu.memory_space<vmem>>
    %dma_start3A_23 = arith.constant 0 : i32
    %dma_start3A_24 = arith.constant 0 : i32
    %dma_start3A_25 = tpu.memref_slice %arg2[%dma_start3A_23, %dma_start3A_24] : memref<10112x80xf32, #tpu.memory_space<hbm>> -> memref<10112x80xf32, #tpu.memory_space<hbm>>
    tpu.enqueue_indirect_dma source(%dma_start3A_25 : memref<10112x80xf32, #tpu.memory_space<hbm>>) target(%arg8 : memref<128x80xf32, #tpu.memory_space<vmem>>) offsets(%dma_start3A_22 : memref<128xi32, #tpu.memory_space<vmem>>) semaphore(%arg19 : memref<!tpu.dma_semaphore, #tpu.memory_space<semaphore_mem>>)
    %dma_start3A_26 = arith.constant 0 : i32
    %dma_start3A_27 = arith.constant 0 : i32
    %dma_start3A_28 = tpu.memref_slice %arg15[%dma_start3A_26, %dma_start3A_27] : memref<82x128xi32, #tpu.memory_space<vmem>> -> memref<1x128xi32, #tpu.memory_space<vmem>>
    %dma_start3A_29 = tpu.memref_squeeze %dma_start3A_28 : memref<1x128xi32, #tpu.memory_space<vmem>> -> memref<128xi32, #tpu.memory_space<vmem>>
    %dma_start3A_30 = arith.constant 0 : i32
    %dma_start3A_31 = arith.constant 0 : i32
    %dma_start3A_32 = tpu.memref_slice %arg18[%dma_start3A_30, %dma_start3A_31] : memref<10112x16xf32, #tpu.memory_space<vmem_shared>> -> memref<10112x16xf32, #tpu.memory_space<vmem_shared>>
    tpu.enqueue_indirect_dma source(%dma_start3A_32 : memref<10112x16xf32, #tpu.memory_space<vmem_shared>>) target(%arg10 : memref<128x16xf32, #tpu.memory_space<vmem>>) offsets(%dma_start3A_29 : memref<128xi32, #tpu.memory_space<vmem>>) semaphore(%arg21 : memref<!tpu.dma_semaphore, #tpu.memory_space<semaphore_mem>>)
    %scan3A_33 = arith.constant 0 : i32
    %scan3A_34 = arith.constant 0 : i32
    %scan3A_35 = arith.constant 41 : i32
    %scan3A_36 = arith.addi %scan3A_34, %scan3A_35 : i32
    %scan3A_37 = arith.constant 1 : i32
    scf.for %scan3A_63 = %scan3A_34 to %scan3A_36 step %scan3A_37  : i32 {
      %mul3A_64 = arith.constant 2 : i32
      %mul3A_65 = arith.muli %mul3A_64, %scan3A_63 : i32
      %add3A_66 = arith.constant 0 : i32
      %add3A_67 = arith.addi %mul3A_65, %add3A_66 : i32
      %dma_wait3A_68 = arith.constant 0 : i32
      %dma_wait3A_69 = tpu.memref_slice %arg14[%add3A_67, %dma_wait3A_68] : memref<82x128xi32, #tpu.memory_space<vmem>> -> memref<1x128xi32, #tpu.memory_space<vmem>>
      %dma_wait3A_70 = tpu.memref_squeeze %dma_wait3A_69 : memref<1x128xi32, #tpu.memory_space<vmem>> -> memref<128xi32, #tpu.memory_space<vmem>>
      %dma_wait3A_71 = arith.constant 0 : i32
      %dma_wait3A_72 = arith.constant 0 : i32
      %dma_wait3A_73 = tpu.memref_slice %arg2[%dma_wait3A_71, %dma_wait3A_72] : memref<10112x80xf32, #tpu.memory_space<hbm>> -> memref<10112x80xf32, #tpu.memory_space<hbm>>
      tpu.wait_indirect_dma semaphore(%arg19 : memref<!tpu.dma_semaphore, #tpu.memory_space<semaphore_mem>>) src(%dma_wait3A_73 : memref<10112x80xf32, #tpu.memory_space<hbm>>) dst(%arg8 : memref<128x80xf32, #tpu.memory_space<vmem>>)
      %dma_wait3A_74 = arith.constant 0 : i32
      %dma_wait3A_75 = tpu.memref_slice %arg15[%add3A_67, %dma_wait3A_74] : memref<82x128xi32, #tpu.memory_space<vmem>> -> memref<1x128xi32, #tpu.memory_space<vmem>>
      %dma_wait3A_76 = tpu.memref_squeeze %dma_wait3A_75 : memref<1x128xi32, #tpu.memory_space<vmem>> -> memref<128xi32, #tpu.memory_space<vmem>>
      %dma_wait3A_77 = arith.constant 0 : i32
      %dma_wait3A_78 = arith.constant 0 : i32
      %dma_wait3A_79 = tpu.memref_slice %arg18[%dma_wait3A_77, %dma_wait3A_78] : memref<10112x16xf32, #tpu.memory_space<vmem_shared>> -> memref<10112x16xf32, #tpu.memory_space<vmem_shared>>
      tpu.wait_indirect_dma semaphore(%arg21 : memref<!tpu.dma_semaphore, #tpu.memory_space<semaphore_mem>>) src(%dma_wait3A_79 : memref<10112x16xf32, #tpu.memory_space<vmem_shared>>) dst(%arg10 : memref<128x16xf32, #tpu.memory_space<vmem>>)
      %add3A_80 = arith.constant 1 : i32
      %add3A_81 = arith.addi %add3A_67, %add3A_80 : i32
      %dma_start3A_82 = arith.constant 0 : i32
      %dma_start3A_83 = tpu.memref_slice %arg14[%add3A_81, %dma_start3A_82] : memref<82x128xi32, #tpu.memory_space<vmem>> -> memref<1x128xi32, #tpu.memory_space<vmem>>
      %dma_start3A_84 = tpu.memref_squeeze %dma_start3A_83 : memref<1x128xi32, #tpu.memory_space<vmem>> -> memref<128xi32, #tpu.memory_space<vmem>>
      %dma_start3A_85 = arith.constant 0 : i32
      %dma_start3A_86 = arith.constant 0 : i32
      %dma_start3A_87 = tpu.memref_slice %arg2[%dma_start3A_85, %dma_start3A_86] : memref<10112x80xf32, #tpu.memory_space<hbm>> -> memref<10112x80xf32, #tpu.memory_space<hbm>>
      tpu.enqueue_indirect_dma source(%dma_start3A_87 : memref<10112x80xf32, #tpu.memory_space<hbm>>) target(%arg9 : memref<128x80xf32, #tpu.memory_space<vmem>>) offsets(%dma_start3A_84 : memref<128xi32, #tpu.memory_space<vmem>>) semaphore(%arg20 : memref<!tpu.dma_semaphore, #tpu.memory_space<semaphore_mem>>)
      %dma_start3A_88 = arith.constant 0 : i32
      %dma_start3A_89 = tpu.memref_slice %arg15[%add3A_81, %dma_start3A_88] : memref<82x128xi32, #tpu.memory_space<vmem>> -> memref<1x128xi32, #tpu.memory_space<vmem>>
      %dma_start3A_90 = tpu.memref_squeeze %dma_start3A_89 : memref<1x128xi32, #tpu.memory_space<vmem>> -> memref<128xi32, #tpu.memory_space<vmem>>
      %dma_start3A_91 = arith.constant 0 : i32
      %dma_start3A_92 = arith.constant 0 : i32
      %dma_start3A_93 = tpu.memref_slice %arg18[%dma_start3A_91, %dma_start3A_92] : memref<10112x16xf32, #tpu.memory_space<vmem_shared>> -> memref<10112x16xf32, #tpu.memory_space<vmem_shared>>
      tpu.enqueue_indirect_dma source(%dma_start3A_93 : memref<10112x16xf32, #tpu.memory_space<vmem_shared>>) target(%arg11 : memref<128x16xf32, #tpu.memory_space<vmem>>) offsets(%dma_start3A_90 : memref<128xi32, #tpu.memory_space<vmem>>) semaphore(%arg22 : memref<!tpu.dma_semaphore, #tpu.memory_space<semaphore_mem>>)
      %gt3A = arith.constant 0 : i32
      %gt3A_94 = arith.cmpi sgt, %scan3A_63, %gt3A : i32
      %convert_element_type3A = arith.extui %gt3A_94 : i1 to i32
      %cond3A = arith.constant 0 : i32
      %cond3A_95 = arith.cmpi ne, %convert_element_type3A, %cond3A : i32
      scf.if %cond3A_95 {
        %dma_wait3A_144 = arith.constant 0 : i32
        %dma_wait3A_145 = tpu.memref_slice %arg15[%add3A_67, %dma_wait3A_144] : memref<82x128xi32, #tpu.memory_space<vmem>> -> memref<1x128xi32, #tpu.memory_space<vmem>>
        %dma_wait3A_146 = tpu.memref_squeeze %dma_wait3A_145 : memref<1x128xi32, #tpu.memory_space<vmem>> -> memref<128xi32, #tpu.memory_space<vmem>>
        %dma_wait3A_147 = arith.constant 0 : i32
        %dma_wait3A_148 = arith.constant 0 : i32
        %dma_wait3A_149 = tpu.memref_slice %arg17[%dma_wait3A_147, %dma_wait3A_148] : memref<10112x80xf32, #tpu.memory_space<vmem_shared>> -> memref<10112x80xf32, #tpu.memory_space<vmem_shared>>
        tpu.wait_indirect_dma semaphore(%arg23 : memref<!tpu.dma_semaphore, #tpu.memory_space<semaphore_mem>>) src(%arg12 : memref<128x80xf32, #tpu.memory_space<vmem>>) dst(%dma_wait3A_149 : memref<10112x80xf32, #tpu.memory_space<vmem_shared>>)
      } else {
      }
      %get3A = arith.constant 0 : index
      %get3A_96 = tpu.vector_load %arg16[%get3A] {strides = array<i32>} : memref<16xf32, #tpu.memory_space<vmem>>, vector<16xf32>,
      %get3A_97 = vector.shape_cast %get3A_96 : vector<16xf32> to vector<16xf32>
      %iota3A = tpu.iota {dimensions = array<i32: 0>} : vector<16xi32>
      %parallel_loop3A = arith.constant 0 : i32
      %parallel_loop3A_98 = arith.constant 128 : i32
      %parallel_loop3A_99 = arith.constant 1 : i32
      scf.for %parallel_loop3A_144 = %parallel_loop3A to %parallel_loop3A_98 step %parallel_loop3A_99  : i32 {
        %parallel_loop3A_145 = arith.index_cast %parallel_loop3A_144 : i32 to index
        %parallel_loop3A_146 = arith.constant 64 : index
        %parallel_loop3A_147 = tpu.vector_load %arg8[%parallel_loop3A_145, %parallel_loop3A_146] {strides = array<i32>} : memref<128x80xf32, #tpu.memory_space<vmem>>, vector<1x16xf32>,
        %parallel_loop3A_148 = vector.shape_cast %parallel_loop3A_147 : vector<1x16xf32> to vector<16xf32>
        %parallel_loop3A_149 = arith.index_cast %parallel_loop3A_144 : i32 to index
        %parallel_loop3A_150 = arith.constant 0 : index
        %parallel_loop3A_151 = tpu.vector_load %arg10[%parallel_loop3A_149, %parallel_loop3A_150] {strides = array<i32>} : memref<128x16xf32, #tpu.memory_space<vmem>>, vector<1x16xf32>,
        %parallel_loop3A_152 = vector.shape_cast %parallel_loop3A_151 : vector<1x16xf32> to vector<16xf32>
        %parallel_loop3A_153 = arith.addf %parallel_loop3A_148, %parallel_loop3A_152 : vector<16xf32>
        %parallel_loop3A_154 = arith.constant 2.000000e-01 : f32
        %parallel_loop3A_155 = vector.broadcast %parallel_loop3A_154 : f32 to vector<16xf32>
        %parallel_loop3A_156 = arith.mulf %parallel_loop3A_155, %parallel_loop3A_153 : vector<16xf32>
        %parallel_loop3A_157 = arith.maximumf %parallel_loop3A_153, %parallel_loop3A_156 : vector<16xf32>
        %parallel_loop3A_158 = arith.subf %parallel_loop3A_157, %get3A_97 : vector<16xf32>
        %parallel_loop3A_159 = math.exp %parallel_loop3A_158 : vector<16xf32>
        %parallel_loop3A_160 = arith.index_cast %parallel_loop3A_144 : i32 to index
        %parallel_loop3A_161 = arith.constant 64 : index
        %parallel_loop3A_162 = tpu.vector_load %arg12[%parallel_loop3A_160, %parallel_loop3A_161] {strides = array<i32>} : memref<128x80xf32, #tpu.memory_space<vmem>>, vector<1x16xf32>,
        %parallel_loop3A_163 = vector.shape_cast %parallel_loop3A_162 : vector<1x16xf32> to vector<16xf32>
        %parallel_loop3A_164 = vector.shape_cast %parallel_loop3A_159 : vector<16xf32> to vector<1x16xf32>
        tpu.vector_store %arg12[%parallel_loop3A_160, %parallel_loop3A_161], %parallel_loop3A_164 {strides = array<i32>} : memref<128x80xf32, #tpu.memory_space<vmem>>, vector<1x16xf32>,
        %parallel_loop3A_165 = arith.constant 8 : i32
        %parallel_loop3A_166 = vector.broadcast %parallel_loop3A_165 : i32 to vector<16xi32>
        %parallel_loop3A_167 = arith.cmpi slt, %iota3A, %parallel_loop3A_166 : vector<16xi32>
        %parallel_loop3A_168 = vector.extract_strided_slice %parallel_loop3A_159 {offsets = [0], sizes = [1], strides = [1]} : vector<16xf32> to vector<1xf32>
        %parallel_loop3A_169 = vector.extract %parallel_loop3A_168[0] : f32 from vector<1xf32>
        %parallel_loop3A_170 = vector.extract_strided_slice %parallel_loop3A_159 {offsets = [1], sizes = [1], strides = [1]} : vector<16xf32> to vector<1xf32>
        %parallel_loop3A_171 = vector.extract %parallel_loop3A_170[0] : f32 from vector<1xf32>
        %parallel_loop3A_172 = vector.broadcast %parallel_loop3A_169 : f32 to vector<16xf32>
        %parallel_loop3A_173 = vector.broadcast %parallel_loop3A_171 : f32 to vector<16xf32>
        %parallel_loop3A_174 = arith.select %parallel_loop3A_167, %parallel_loop3A_172, %parallel_loop3A_173 : vector<16xi1>, vector<16xf32>
        %parallel_loop3A_175 = arith.index_cast %parallel_loop3A_144 : i32 to index
        %parallel_loop3A_176 = arith.constant 0 : index
        %parallel_loop3A_177 = tpu.vector_load %arg8[%parallel_loop3A_175, %parallel_loop3A_176] {strides = array<i32>} : memref<128x80xf32, #tpu.memory_space<vmem>>, vector<1x16xf32>,
        %parallel_loop3A_178 = vector.shape_cast %parallel_loop3A_177 : vector<1x16xf32> to vector<16xf32>
        %parallel_loop3A_179 = arith.mulf %parallel_loop3A_178, %parallel_loop3A_174 : vector<16xf32>
        %parallel_loop3A_180 = arith.index_cast %parallel_loop3A_144 : i32 to index
        %parallel_loop3A_181 = arith.constant 0 : index
        %parallel_loop3A_182 = tpu.vector_load %arg12[%parallel_loop3A_180, %parallel_loop3A_181] {strides = array<i32>} : memref<128x80xf32, #tpu.memory_space<vmem>>, vector<1x16xf32>,
        %parallel_loop3A_183 = vector.shape_cast %parallel_loop3A_182 : vector<1x16xf32> to vector<16xf32>
        %parallel_loop3A_184 = vector.shape_cast %parallel_loop3A_179 : vector<16xf32> to vector<1x16xf32>
        tpu.vector_store %arg12[%parallel_loop3A_180, %parallel_loop3A_181], %parallel_loop3A_184 {strides = array<i32>} : memref<128x80xf32, #tpu.memory_space<vmem>>, vector<1x16xf32>,
        %parallel_loop3A_185 = arith.constant 8 : i32
        %parallel_loop3A_186 = vector.broadcast %parallel_loop3A_185 : i32 to vector<16xi32>
        %parallel_loop3A_187 = arith.cmpi slt, %iota3A, %parallel_loop3A_186 : vector<16xi32>
        %parallel_loop3A_188 = vector.extract_strided_slice %parallel_loop3A_159 {offsets = [2], sizes = [1], strides = [1]} : vector<16xf32> to vector<1xf32>
        %parallel_loop3A_189 = vector.extract %parallel_loop3A_188[0] : f32 from vector<1xf32>
        %parallel_loop3A_190 = vector.extract_strided_slice %parallel_loop3A_159 {offsets = [3], sizes = [1], strides = [1]} : vector<16xf32> to vector<1xf32>
        %parallel_loop3A_191 = vector.extract %parallel_loop3A_190[0] : f32 from vector<1xf32>
        %parallel_loop3A_192 = vector.broadcast %parallel_loop3A_189 : f32 to vector<16xf32>
        %parallel_loop3A_193 = vector.broadcast %parallel_loop3A_191 : f32 to vector<16xf32>
        %parallel_loop3A_194 = arith.select %parallel_loop3A_187, %parallel_loop3A_192, %parallel_loop3A_193 : vector<16xi1>, vector<16xf32>
        %parallel_loop3A_195 = arith.index_cast %parallel_loop3A_144 : i32 to index
        %parallel_loop3A_196 = arith.constant 16 : index
        %parallel_loop3A_197 = tpu.vector_load %arg8[%parallel_loop3A_195, %parallel_loop3A_196] {strides = array<i32>} : memref<128x80xf32, #tpu.memory_space<vmem>>, vector<1x16xf32>,
        %parallel_loop3A_198 = vector.shape_cast %parallel_loop3A_197 : vector<1x16xf32> to vector<16xf32>
        %parallel_loop3A_199 = arith.mulf %parallel_loop3A_198, %parallel_loop3A_194 : vector<16xf32>
        %parallel_loop3A_200 = arith.index_cast %parallel_loop3A_144 : i32 to index
        %parallel_loop3A_201 = arith.constant 16 : index
        %parallel_loop3A_202 = tpu.vector_load %arg12[%parallel_loop3A_200, %parallel_loop3A_201] {strides = array<i32>} : memref<128x80xf32, #tpu.memory_space<vmem>>, vector<1x16xf32>,
        %parallel_loop3A_203 = vector.shape_cast %parallel_loop3A_202 : vector<1x16xf32> to vector<16xf32>
        %parallel_loop3A_204 = vector.shape_cast %parallel_loop3A_199 : vector<16xf32> to vector<1x16xf32>
        tpu.vector_store %arg12[%parallel_loop3A_200, %parallel_loop3A_201], %parallel_loop3A_204 {strides = array<i32>} : memref<128x80xf32, #tpu.memory_space<vmem>>, vector<1x16xf32>,
        %parallel_loop3A_205 = arith.constant 8 : i32
        %parallel_loop3A_206 = vector.broadcast %parallel_loop3A_205 : i32 to vector<16xi32>
        %parallel_loop3A_207 = arith.cmpi slt, %iota3A, %parallel_loop3A_206 : vector<16xi32>
        %parallel_loop3A_208 = vector.extract_strided_slice %parallel_loop3A_159 {offsets = [4], sizes = [1], strides = [1]} : vector<16xf32> to vector<1xf32>
        %parallel_loop3A_209 = vector.extract %parallel_loop3A_208[0] : f32 from vector<1xf32>
        %parallel_loop3A_210 = vector.extract_strided_slice %parallel_loop3A_159 {offsets = [5], sizes = [1], strides = [1]} : vector<16xf32> to vector<1xf32>
        %parallel_loop3A_211 = vector.extract %parallel_loop3A_210[0] : f32 from vector<1xf32>
        %parallel_loop3A_212 = vector.broadcast %parallel_loop3A_209 : f32 to vector<16xf32>
        %parallel_loop3A_213 = vector.broadcast %parallel_loop3A_211 : f32 to vector<16xf32>
        %parallel_loop3A_214 = arith.select %parallel_loop3A_207, %parallel_loop3A_212, %parallel_loop3A_213 : vector<16xi1>, vector<16xf32>
        %parallel_loop3A_215 = arith.index_cast %parallel_loop3A_144 : i32 to index
        %parallel_loop3A_216 = arith.constant 32 : index
        %parallel_loop3A_217 = tpu.vector_load %arg8[%parallel_loop3A_215, %parallel_loop3A_216] {strides = array<i32>} : memref<128x80xf32, #tpu.memory_space<vmem>>, vector<1x16xf32>,
        %parallel_loop3A_218 = vector.shape_cast %parallel_loop3A_217 : vector<1x16xf32> to vector<16xf32>
        %parallel_loop3A_219 = arith.mulf %parallel_loop3A_218, %parallel_loop3A_214 : vector<16xf32>
        %parallel_loop3A_220 = arith.index_cast %parallel_loop3A_144 : i32 to index
        %parallel_loop3A_221 = arith.constant 32 : index
        %parallel_loop3A_222 = tpu.vector_load %arg12[%parallel_loop3A_220, %parallel_loop3A_221] {strides = array<i32>} : memref<128x80xf32, #tpu.memory_space<vmem>>, vector<1x16xf32>,
        %parallel_loop3A_223 = vector.shape_cast %parallel_loop3A_222 : vector<1x16xf32> to vector<16xf32>
        %parallel_loop3A_224 = vector.shape_cast %parallel_loop3A_219 : vector<16xf32> to vector<1x16xf32>
        tpu.vector_store %arg12[%parallel_loop3A_220, %parallel_loop3A_221], %parallel_loop3A_224 {strides = array<i32>} : memref<128x80xf32, #tpu.memory_space<vmem>>, vector<1x16xf32>,
        %parallel_loop3A_225 = arith.constant 8 : i32
        %parallel_loop3A_226 = vector.broadcast %parallel_loop3A_225 : i32 to vector<16xi32>
        %parallel_loop3A_227 = arith.cmpi slt, %iota3A, %parallel_loop3A_226 : vector<16xi32>
        %parallel_loop3A_228 = vector.extract_strided_slice %parallel_loop3A_159 {offsets = [6], sizes = [1], strides = [1]} : vector<16xf32> to vector<1xf32>
        %parallel_loop3A_229 = vector.extract %parallel_loop3A_228[0] : f32 from vector<1xf32>
        %parallel_loop3A_230 = vector.extract_strided_slice %parallel_loop3A_159 {offsets = [7], sizes = [1], strides = [1]} : vector<16xf32> to vector<1xf32>
        %parallel_loop3A_231 = vector.extract %parallel_loop3A_230[0] : f32 from vector<1xf32>
        %parallel_loop3A_232 = vector.broadcast %parallel_loop3A_229 : f32 to vector<16xf32>
        %parallel_loop3A_233 = vector.broadcast %parallel_loop3A_231 : f32 to vector<16xf32>
        %parallel_loop3A_234 = arith.select %parallel_loop3A_227, %parallel_loop3A_232, %parallel_loop3A_233 : vector<16xi1>, vector<16xf32>
        %parallel_loop3A_235 = arith.index_cast %parallel_loop3A_144 : i32 to index
        %parallel_loop3A_236 = arith.constant 48 : index
        %parallel_loop3A_237 = tpu.vector_load %arg8[%parallel_loop3A_235, %parallel_loop3A_236] {strides = array<i32>} : memref<128x80xf32, #tpu.memory_space<vmem>>, vector<1x16xf32>,
        %parallel_loop3A_238 = vector.shape_cast %parallel_loop3A_237 : vector<1x16xf32> to vector<16xf32>
        %parallel_loop3A_239 = arith.mulf %parallel_loop3A_238, %parallel_loop3A_234 : vector<16xf32>
        %parallel_loop3A_240 = arith.index_cast %parallel_loop3A_144 : i32 to index
        %parallel_loop3A_241 = arith.constant 48 : index
        %parallel_loop3A_242 = tpu.vector_load %arg12[%parallel_loop3A_240, %parallel_loop3A_241] {strides = array<i32>} : memref<128x80xf32, #tpu.memory_space<vmem>>, vector<1x16xf32>,
        %parallel_loop3A_243 = vector.shape_cast %parallel_loop3A_242 : vector<1x16xf32> to vector<16xf32>
        %parallel_loop3A_244 = vector.shape_cast %parallel_loop3A_239 : vector<16xf32> to vector<1x16xf32>
        tpu.vector_store %arg12[%parallel_loop3A_240, %parallel_loop3A_241], %parallel_loop3A_244 {strides = array<i32>} : memref<128x80xf32, #tpu.memory_space<vmem>>, vector<1x16xf32>,
      } {sc.loop_unroll_factor = 4 : i64, sc.parallel_access}
      %dma_start3A_100 = arith.constant 0 : i32
      %dma_start3A_101 = tpu.memref_slice %arg15[%add3A_67, %dma_start3A_100] : memref<82x128xi32, #tpu.memory_space<vmem>> -> memref<1x128xi32, #tpu.memory_space<vmem>>
      %dma_start3A_102 = tpu.memref_squeeze %dma_start3A_101 : memref<1x128xi32, #tpu.memory_space<vmem>> -> memref<128xi32, #tpu.memory_space<vmem>>
      %dma_start3A_103 = arith.constant 0 : i32
      %dma_start3A_104 = arith.constant 0 : i32
      %dma_start3A_105 = tpu.memref_slice %arg17[%dma_start3A_103, %dma_start3A_104] : memref<10112x80xf32, #tpu.memory_space<vmem_shared>> -> memref<10112x80xf32, #tpu.memory_space<vmem_shared>>
      tpu.enqueue_indirect_dma source(%arg12 : memref<128x80xf32, #tpu.memory_space<vmem>>) target(%dma_start3A_105 : memref<10112x80xf32, #tpu.memory_space<vmem_shared>>) offsets(%dma_start3A_102 : memref<128xi32, #tpu.memory_space<vmem>>) semaphore(%arg23 : memref<!tpu.dma_semaphore, #tpu.memory_space<semaphore_mem>>) {add = true}
      %mul3A_106 = arith.constant 2 : i32
      %mul3A_107 = arith.muli %mul3A_106, %scan3A_63 : i32
      %add3A_108 = arith.constant 1 : i32
      %add3A_109 = arith.addi %mul3A_107, %add3A_108 : i32
      %dma_wait3A_110 = arith.constant 0 : i32
      %dma_wait3A_111 = tpu.memref_slice %arg14[%add3A_109, %dma_wait3A_110] : memref<82x128xi32, #tpu.memory_space<vmem>> -> memref<1x128xi32, #tpu.memory_space<vmem>>
      %dma_wait3A_112 = tpu.memref_squeeze %dma_wait3A_111 : memref<1x128xi32, #tpu.memory_space<vmem>> -> memref<128xi32, #tpu.memory_space<vmem>>
      %dma_wait3A_113 = arith.constant 0 : i32
      %dma_wait3A_114 = arith.constant 0 : i32
      %dma_wait3A_115 = tpu.memref_slice %arg2[%dma_wait3A_113, %dma_wait3A_114] : memref<10112x80xf32, #tpu.memory_space<hbm>> -> memref<10112x80xf32, #tpu.memory_space<hbm>>
      tpu.wait_indirect_dma semaphore(%arg20 : memref<!tpu.dma_semaphore, #tpu.memory_space<semaphore_mem>>) src(%dma_wait3A_115 : memref<10112x80xf32, #tpu.memory_space<hbm>>) dst(%arg9 : memref<128x80xf32, #tpu.memory_space<vmem>>)
      %dma_wait3A_116 = arith.constant 0 : i32
      %dma_wait3A_117 = tpu.memref_slice %arg15[%add3A_109, %dma_wait3A_116] : memref<82x128xi32, #tpu.memory_space<vmem>> -> memref<1x128xi32, #tpu.memory_space<vmem>>
      %dma_wait3A_118 = tpu.memref_squeeze %dma_wait3A_117 : memref<1x128xi32, #tpu.memory_space<vmem>> -> memref<128xi32, #tpu.memory_space<vmem>>
      %dma_wait3A_119 = arith.constant 0 : i32
      %dma_wait3A_120 = arith.constant 0 : i32
      %dma_wait3A_121 = tpu.memref_slice %arg18[%dma_wait3A_119, %dma_wait3A_120] : memref<10112x16xf32, #tpu.memory_space<vmem_shared>> -> memref<10112x16xf32, #tpu.memory_space<vmem_shared>>
      tpu.wait_indirect_dma semaphore(%arg22 : memref<!tpu.dma_semaphore, #tpu.memory_space<semaphore_mem>>) src(%dma_wait3A_121 : memref<10112x16xf32, #tpu.memory_space<vmem_shared>>) dst(%arg11 : memref<128x16xf32, #tpu.memory_space<vmem>>)
      %lt3A = arith.constant 40 : i32
      %lt3A_122 = arith.cmpi slt, %scan3A_63, %lt3A : i32
      %convert_element_type3A_123 = arith.extui %lt3A_122 : i1 to i32
      %cond3A_124 = arith.constant 0 : i32
      %cond3A_125 = arith.cmpi ne, %convert_element_type3A_123, %cond3A_124 : i32
      scf.if %cond3A_125 {
        %add3A_144 = arith.constant 1 : i32
        %add3A_145 = arith.addi %add3A_109, %add3A_144 : i32
        %dma_start3A_146 = arith.constant 0 : i32
        %dma_start3A_147 = tpu.memref_slice %arg14[%add3A_145, %dma_start3A_146] : memref<82x128xi32, #tpu.memory_space<vmem>> -> memref<1x128xi32, #tpu.memory_space<vmem>>
        %dma_start3A_148 = tpu.memref_squeeze %dma_start3A_147 : memref<1x128xi32, #tpu.memory_space<vmem>> -> memref<128xi32, #tpu.memory_space<vmem>>
        %dma_start3A_149 = arith.constant 0 : i32
        %dma_start3A_150 = arith.constant 0 : i32
        %dma_start3A_151 = tpu.memref_slice %arg2[%dma_start3A_149, %dma_start3A_150] : memref<10112x80xf32, #tpu.memory_space<hbm>> -> memref<10112x80xf32, #tpu.memory_space<hbm>>
        tpu.enqueue_indirect_dma source(%dma_start3A_151 : memref<10112x80xf32, #tpu.memory_space<hbm>>) target(%arg8 : memref<128x80xf32, #tpu.memory_space<vmem>>) offsets(%dma_start3A_148 : memref<128xi32, #tpu.memory_space<vmem>>) semaphore(%arg19 : memref<!tpu.dma_semaphore, #tpu.memory_space<semaphore_mem>>)
        %dma_start3A_152 = arith.constant 0 : i32
        %dma_start3A_153 = tpu.memref_slice %arg15[%add3A_145, %dma_start3A_152] : memref<82x128xi32, #tpu.memory_space<vmem>> -> memref<1x128xi32, #tpu.memory_space<vmem>>
        %dma_start3A_154 = tpu.memref_squeeze %dma_start3A_153 : memref<1x128xi32, #tpu.memory_space<vmem>> -> memref<128xi32, #tpu.memory_space<vmem>>
        %dma_start3A_155 = arith.constant 0 : i32
        %dma_start3A_156 = arith.constant 0 : i32
        %dma_start3A_157 = tpu.memref_slice %arg18[%dma_start3A_155, %dma_start3A_156] : memref<10112x16xf32, #tpu.memory_space<vmem_shared>> -> memref<10112x16xf32, #tpu.memory_space<vmem_shared>>
        tpu.enqueue_indirect_dma source(%dma_start3A_157 : memref<10112x16xf32, #tpu.memory_space<vmem_shared>>) target(%arg10 : memref<128x16xf32, #tpu.memory_space<vmem>>) offsets(%dma_start3A_154 : memref<128xi32, #tpu.memory_space<vmem>>) semaphore(%arg21 : memref<!tpu.dma_semaphore, #tpu.memory_space<semaphore_mem>>)
      } else {
      }
      %gt3A_126 = arith.constant 0 : i32
      %gt3A_127 = arith.cmpi sgt, %scan3A_63, %gt3A_126 : i32
      %convert_element_type3A_128 = arith.extui %gt3A_127 : i1 to i32
      %cond3A_129 = arith.constant 0 : i32
      %cond3A_130 = arith.cmpi ne, %convert_element_type3A_128, %cond3A_129 : i32
      scf.if %cond3A_130 {
        %dma_wait3A_144 = arith.constant 0 : i32
        %dma_wait3A_145 = tpu.memref_slice %arg15[%add3A_109, %dma_wait3A_144] : memref<82x128xi32, #tpu.memory_space<vmem>> -> memref<1x128xi32, #tpu.memory_space<vmem>>
        %dma_wait3A_146 = tpu.memref_squeeze %dma_wait3A_145 : memref<1x128xi32, #tpu.memory_space<vmem>> -> memref<128xi32, #tpu.memory_space<vmem>>
        %dma_wait3A_147 = arith.constant 0 : i32
        %dma_wait3A_148 = arith.constant 0 : i32
        %dma_wait3A_149 = tpu.memref_slice %arg17[%dma_wait3A_147, %dma_wait3A_148] : memref<10112x80xf32, #tpu.memory_space<vmem_shared>> -> memref<10112x80xf32, #tpu.memory_space<vmem_shared>>
        tpu.wait_indirect_dma semaphore(%arg24 : memref<!tpu.dma_semaphore, #tpu.memory_space<semaphore_mem>>) src(%arg13 : memref<128x80xf32, #tpu.memory_space<vmem>>) dst(%dma_wait3A_149 : memref<10112x80xf32, #tpu.memory_space<vmem_shared>>)
      } else {
      }
      %get3A_131 = arith.constant 0 : index
      %get3A_132 = tpu.vector_load %arg16[%get3A_131] {strides = array<i32>} : memref<16xf32, #tpu.memory_space<vmem>>, vector<16xf32>,
      %get3A_133 = vector.shape_cast %get3A_132 : vector<16xf32> to vector<16xf32>
      %iota3A_134 = tpu.iota {dimensions = array<i32: 0>} : vector<16xi32>
      %parallel_loop3A_135 = arith.constant 0 : i32
      %parallel_loop3A_136 = arith.constant 128 : i32
      %parallel_loop3A_137 = arith.constant 1 : i32
      scf.for %parallel_loop3A_144 = %parallel_loop3A_135 to %parallel_loop3A_136 step %parallel_loop3A_137  : i32 {
        %parallel_loop3A_145 = arith.index_cast %parallel_loop3A_144 : i32 to index
        %parallel_loop3A_146 = arith.constant 64 : index
        %parallel_loop3A_147 = tpu.vector_load %arg9[%parallel_loop3A_145, %parallel_loop3A_146] {strides = array<i32>} : memref<128x80xf32, #tpu.memory_space<vmem>>, vector<1x16xf32>,
        %parallel_loop3A_148 = vector.shape_cast %parallel_loop3A_147 : vector<1x16xf32> to vector<16xf32>
        %parallel_loop3A_149 = arith.index_cast %parallel_loop3A_144 : i32 to index
        %parallel_loop3A_150 = arith.constant 0 : index
        %parallel_loop3A_151 = tpu.vector_load %arg11[%parallel_loop3A_149, %parallel_loop3A_150] {strides = array<i32>} : memref<128x16xf32, #tpu.memory_space<vmem>>, vector<1x16xf32>,
        %parallel_loop3A_152 = vector.shape_cast %parallel_loop3A_151 : vector<1x16xf32> to vector<16xf32>
        %parallel_loop3A_153 = arith.addf %parallel_loop3A_148, %parallel_loop3A_152 : vector<16xf32>
        %parallel_loop3A_154 = arith.constant 2.000000e-01 : f32
        %parallel_loop3A_155 = vector.broadcast %parallel_loop3A_154 : f32 to vector<16xf32>
        %parallel_loop3A_156 = arith.mulf %parallel_loop3A_155, %parallel_loop3A_153 : vector<16xf32>
        %parallel_loop3A_157 = arith.maximumf %parallel_loop3A_153, %parallel_loop3A_156 : vector<16xf32>
        %parallel_loop3A_158 = arith.subf %parallel_loop3A_157, %get3A_133 : vector<16xf32>
        %parallel_loop3A_159 = math.exp %parallel_loop3A_158 : vector<16xf32>
        %parallel_loop3A_160 = arith.index_cast %parallel_loop3A_144 : i32 to index
        %parallel_loop3A_161 = arith.constant 64 : index
        %parallel_loop3A_162 = tpu.vector_load %arg13[%parallel_loop3A_160, %parallel_loop3A_161] {strides = array<i32>} : memref<128x80xf32, #tpu.memory_space<vmem>>, vector<1x16xf32>,
        %parallel_loop3A_163 = vector.shape_cast %parallel_loop3A_162 : vector<1x16xf32> to vector<16xf32>
        %parallel_loop3A_164 = vector.shape_cast %parallel_loop3A_159 : vector<16xf32> to vector<1x16xf32>
        tpu.vector_store %arg13[%parallel_loop3A_160, %parallel_loop3A_161], %parallel_loop3A_164 {strides = array<i32>} : memref<128x80xf32, #tpu.memory_space<vmem>>, vector<1x16xf32>,
        %parallel_loop3A_165 = arith.constant 8 : i32
        %parallel_loop3A_166 = vector.broadcast %parallel_loop3A_165 : i32 to vector<16xi32>
        %parallel_loop3A_167 = arith.cmpi slt, %iota3A_134, %parallel_loop3A_166 : vector<16xi32>
        %parallel_loop3A_168 = vector.extract_strided_slice %parallel_loop3A_159 {offsets = [0], sizes = [1], strides = [1]} : vector<16xf32> to vector<1xf32>
        %parallel_loop3A_169 = vector.extract %parallel_loop3A_168[0] : f32 from vector<1xf32>
        %parallel_loop3A_170 = vector.extract_strided_slice %parallel_loop3A_159 {offsets = [1], sizes = [1], strides = [1]} : vector<16xf32> to vector<1xf32>
        %parallel_loop3A_171 = vector.extract %parallel_loop3A_170[0] : f32 from vector<1xf32>
        %parallel_loop3A_172 = vector.broadcast %parallel_loop3A_169 : f32 to vector<16xf32>
        %parallel_loop3A_173 = vector.broadcast %parallel_loop3A_171 : f32 to vector<16xf32>
        %parallel_loop3A_174 = arith.select %parallel_loop3A_167, %parallel_loop3A_172, %parallel_loop3A_173 : vector<16xi1>, vector<16xf32>
        %parallel_loop3A_175 = arith.index_cast %parallel_loop3A_144 : i32 to index
        %parallel_loop3A_176 = arith.constant 0 : index
        %parallel_loop3A_177 = tpu.vector_load %arg9[%parallel_loop3A_175, %parallel_loop3A_176] {strides = array<i32>} : memref<128x80xf32, #tpu.memory_space<vmem>>, vector<1x16xf32>,
        %parallel_loop3A_178 = vector.shape_cast %parallel_loop3A_177 : vector<1x16xf32> to vector<16xf32>
        %parallel_loop3A_179 = arith.mulf %parallel_loop3A_178, %parallel_loop3A_174 : vector<16xf32>
        %parallel_loop3A_180 = arith.index_cast %parallel_loop3A_144 : i32 to index
        %parallel_loop3A_181 = arith.constant 0 : index
        %parallel_loop3A_182 = tpu.vector_load %arg13[%parallel_loop3A_180, %parallel_loop3A_181] {strides = array<i32>} : memref<128x80xf32, #tpu.memory_space<vmem>>, vector<1x16xf32>,
        %parallel_loop3A_183 = vector.shape_cast %parallel_loop3A_182 : vector<1x16xf32> to vector<16xf32>
        %parallel_loop3A_184 = vector.shape_cast %parallel_loop3A_179 : vector<16xf32> to vector<1x16xf32>
        tpu.vector_store %arg13[%parallel_loop3A_180, %parallel_loop3A_181], %parallel_loop3A_184 {strides = array<i32>} : memref<128x80xf32, #tpu.memory_space<vmem>>, vector<1x16xf32>,
        %parallel_loop3A_185 = arith.constant 8 : i32
        %parallel_loop3A_186 = vector.broadcast %parallel_loop3A_185 : i32 to vector<16xi32>
        %parallel_loop3A_187 = arith.cmpi slt, %iota3A_134, %parallel_loop3A_186 : vector<16xi32>
        %parallel_loop3A_188 = vector.extract_strided_slice %parallel_loop3A_159 {offsets = [2], sizes = [1], strides = [1]} : vector<16xf32> to vector<1xf32>
        %parallel_loop3A_189 = vector.extract %parallel_loop3A_188[0] : f32 from vector<1xf32>
        %parallel_loop3A_190 = vector.extract_strided_slice %parallel_loop3A_159 {offsets = [3], sizes = [1], strides = [1]} : vector<16xf32> to vector<1xf32>
        %parallel_loop3A_191 = vector.extract %parallel_loop3A_190[0] : f32 from vector<1xf32>
        %parallel_loop3A_192 = vector.broadcast %parallel_loop3A_189 : f32 to vector<16xf32>
        %parallel_loop3A_193 = vector.broadcast %parallel_loop3A_191 : f32 to vector<16xf32>
        %parallel_loop3A_194 = arith.select %parallel_loop3A_187, %parallel_loop3A_192, %parallel_loop3A_193 : vector<16xi1>, vector<16xf32>
        %parallel_loop3A_195 = arith.index_cast %parallel_loop3A_144 : i32 to index
        %parallel_loop3A_196 = arith.constant 16 : index
        %parallel_loop3A_197 = tpu.vector_load %arg9[%parallel_loop3A_195, %parallel_loop3A_196] {strides = array<i32>} : memref<128x80xf32, #tpu.memory_space<vmem>>, vector<1x16xf32>,
        %parallel_loop3A_198 = vector.shape_cast %parallel_loop3A_197 : vector<1x16xf32> to vector<16xf32>
        %parallel_loop3A_199 = arith.mulf %parallel_loop3A_198, %parallel_loop3A_194 : vector<16xf32>
        %parallel_loop3A_200 = arith.index_cast %parallel_loop3A_144 : i32 to index
        %parallel_loop3A_201 = arith.constant 16 : index
        %parallel_loop3A_202 = tpu.vector_load %arg13[%parallel_loop3A_200, %parallel_loop3A_201] {strides = array<i32>} : memref<128x80xf32, #tpu.memory_space<vmem>>, vector<1x16xf32>,
        %parallel_loop3A_203 = vector.shape_cast %parallel_loop3A_202 : vector<1x16xf32> to vector<16xf32>
        %parallel_loop3A_204 = vector.shape_cast %parallel_loop3A_199 : vector<16xf32> to vector<1x16xf32>
        tpu.vector_store %arg13[%parallel_loop3A_200, %parallel_loop3A_201], %parallel_loop3A_204 {strides = array<i32>} : memref<128x80xf32, #tpu.memory_space<vmem>>, vector<1x16xf32>,
        %parallel_loop3A_205 = arith.constant 8 : i32
        %parallel_loop3A_206 = vector.broadcast %parallel_loop3A_205 : i32 to vector<16xi32>
        %parallel_loop3A_207 = arith.cmpi slt, %iota3A_134, %parallel_loop3A_206 : vector<16xi32>
        %parallel_loop3A_208 = vector.extract_strided_slice %parallel_loop3A_159 {offsets = [4], sizes = [1], strides = [1]} : vector<16xf32> to vector<1xf32>
        %parallel_loop3A_209 = vector.extract %parallel_loop3A_208[0] : f32 from vector<1xf32>
        %parallel_loop3A_210 = vector.extract_strided_slice %parallel_loop3A_159 {offsets = [5], sizes = [1], strides = [1]} : vector<16xf32> to vector<1xf32>
        %parallel_loop3A_211 = vector.extract %parallel_loop3A_210[0] : f32 from vector<1xf32>
        %parallel_loop3A_212 = vector.broadcast %parallel_loop3A_209 : f32 to vector<16xf32>
        %parallel_loop3A_213 = vector.broadcast %parallel_loop3A_211 : f32 to vector<16xf32>
        %parallel_loop3A_214 = arith.select %parallel_loop3A_207, %parallel_loop3A_212, %parallel_loop3A_213 : vector<16xi1>, vector<16xf32>
        %parallel_loop3A_215 = arith.index_cast %parallel_loop3A_144 : i32 to index
        %parallel_loop3A_216 = arith.constant 32 : index
        %parallel_loop3A_217 = tpu.vector_load %arg9[%parallel_loop3A_215, %parallel_loop3A_216] {strides = array<i32>} : memref<128x80xf32, #tpu.memory_space<vmem>>, vector<1x16xf32>,
        %parallel_loop3A_218 = vector.shape_cast %parallel_loop3A_217 : vector<1x16xf32> to vector<16xf32>
        %parallel_loop3A_219 = arith.mulf %parallel_loop3A_218, %parallel_loop3A_214 : vector<16xf32>
        %parallel_loop3A_220 = arith.index_cast %parallel_loop3A_144 : i32 to index
        %parallel_loop3A_221 = arith.constant 32 : index
        %parallel_loop3A_222 = tpu.vector_load %arg13[%parallel_loop3A_220, %parallel_loop3A_221] {strides = array<i32>} : memref<128x80xf32, #tpu.memory_space<vmem>>, vector<1x16xf32>,
        %parallel_loop3A_223 = vector.shape_cast %parallel_loop3A_222 : vector<1x16xf32> to vector<16xf32>
        %parallel_loop3A_224 = vector.shape_cast %parallel_loop3A_219 : vector<16xf32> to vector<1x16xf32>
        tpu.vector_store %arg13[%parallel_loop3A_220, %parallel_loop3A_221], %parallel_loop3A_224 {strides = array<i32>} : memref<128x80xf32, #tpu.memory_space<vmem>>, vector<1x16xf32>,
        %parallel_loop3A_225 = arith.constant 8 : i32
        %parallel_loop3A_226 = vector.broadcast %parallel_loop3A_225 : i32 to vector<16xi32>
        %parallel_loop3A_227 = arith.cmpi slt, %iota3A_134, %parallel_loop3A_226 : vector<16xi32>
        %parallel_loop3A_228 = vector.extract_strided_slice %parallel_loop3A_159 {offsets = [6], sizes = [1], strides = [1]} : vector<16xf32> to vector<1xf32>
        %parallel_loop3A_229 = vector.extract %parallel_loop3A_228[0] : f32 from vector<1xf32>
        %parallel_loop3A_230 = vector.extract_strided_slice %parallel_loop3A_159 {offsets = [7], sizes = [1], strides = [1]} : vector<16xf32> to vector<1xf32>
        %parallel_loop3A_231 = vector.extract %parallel_loop3A_230[0] : f32 from vector<1xf32>
        %parallel_loop3A_232 = vector.broadcast %parallel_loop3A_229 : f32 to vector<16xf32>
        %parallel_loop3A_233 = vector.broadcast %parallel_loop3A_231 : f32 to vector<16xf32>
        %parallel_loop3A_234 = arith.select %parallel_loop3A_227, %parallel_loop3A_232, %parallel_loop3A_233 : vector<16xi1>, vector<16xf32>
        %parallel_loop3A_235 = arith.index_cast %parallel_loop3A_144 : i32 to index
        %parallel_loop3A_236 = arith.constant 48 : index
        %parallel_loop3A_237 = tpu.vector_load %arg9[%parallel_loop3A_235, %parallel_loop3A_236] {strides = array<i32>} : memref<128x80xf32, #tpu.memory_space<vmem>>, vector<1x16xf32>,
        %parallel_loop3A_238 = vector.shape_cast %parallel_loop3A_237 : vector<1x16xf32> to vector<16xf32>
        %parallel_loop3A_239 = arith.mulf %parallel_loop3A_238, %parallel_loop3A_234 : vector<16xf32>
        %parallel_loop3A_240 = arith.index_cast %parallel_loop3A_144 : i32 to index
        %parallel_loop3A_241 = arith.constant 48 : index
        %parallel_loop3A_242 = tpu.vector_load %arg13[%parallel_loop3A_240, %parallel_loop3A_241] {strides = array<i32>} : memref<128x80xf32, #tpu.memory_space<vmem>>, vector<1x16xf32>,
        %parallel_loop3A_243 = vector.shape_cast %parallel_loop3A_242 : vector<1x16xf32> to vector<16xf32>
        %parallel_loop3A_244 = vector.shape_cast %parallel_loop3A_239 : vector<16xf32> to vector<1x16xf32>
        tpu.vector_store %arg13[%parallel_loop3A_240, %parallel_loop3A_241], %parallel_loop3A_244 {strides = array<i32>} : memref<128x80xf32, #tpu.memory_space<vmem>>, vector<1x16xf32>,
      } {sc.loop_unroll_factor = 4 : i64, sc.parallel_access}
      %dma_start3A_138 = arith.constant 0 : i32
      %dma_start3A_139 = tpu.memref_slice %arg15[%add3A_109, %dma_start3A_138] : memref<82x128xi32, #tpu.memory_space<vmem>> -> memref<1x128xi32, #tpu.memory_space<vmem>>
      %dma_start3A_140 = tpu.memref_squeeze %dma_start3A_139 : memref<1x128xi32, #tpu.memory_space<vmem>> -> memref<128xi32, #tpu.memory_space<vmem>>
      %dma_start3A_141 = arith.constant 0 : i32
      %dma_start3A_142 = arith.constant 0 : i32
      %dma_start3A_143 = tpu.memref_slice %arg17[%dma_start3A_141, %dma_start3A_142] : memref<10112x80xf32, #tpu.memory_space<vmem_shared>> -> memref<10112x80xf32, #tpu.memory_space<vmem_shared>>
      tpu.enqueue_indirect_dma source(%arg13 : memref<128x80xf32, #tpu.memory_space<vmem>>) target(%dma_start3A_143 : memref<10112x80xf32, #tpu.memory_space<vmem_shared>>) offsets(%dma_start3A_140 : memref<128xi32, #tpu.memory_space<vmem>>) semaphore(%arg24 : memref<!tpu.dma_semaphore, #tpu.memory_space<semaphore_mem>>) {add = true}
    }
    %scan3A_38 = arith.constant 41 : i32
    %dma_wait3A = arith.constant 80 : i32
    %dma_wait3A_39 = arith.constant 0 : i32
    %dma_wait3A_40 = tpu.memref_slice %arg15[%dma_wait3A, %dma_wait3A_39] : memref<82x128xi32, #tpu.memory_space<vmem>> -> memref<1x128xi32, #tpu.memory_space<vmem>>
    %dma_wait3A_41 = tpu.memref_squeeze %dma_wait3A_40 : memref<1x128xi32, #tpu.memory_space<vmem>> -> memref<128xi32, #tpu.memory_space<vmem>>
    %dma_wait3A_42 = arith.constant 0 : i32
    %dma_wait3A_43 = arith.constant 0 : i32
    %dma_wait3A_44 = tpu.memref_slice %arg17[%dma_wait3A_42, %dma_wait3A_43] : memref<10112x80xf32, #tpu.memory_space<vmem_shared>> -> memref<10112x80xf32, #tpu.memory_space<vmem_shared>>
    tpu.wait_indirect_dma semaphore(%arg23 : memref<!tpu.dma_semaphore, #tpu.memory_space<semaphore_mem>>) src(%arg12 : memref<128x80xf32, #tpu.memory_space<vmem>>) dst(%dma_wait3A_44 : memref<10112x80xf32, #tpu.memory_space<vmem_shared>>)
    %dma_wait3A_45 = arith.constant 81 : i32
    %dma_wait3A_46 = arith.constant 0 : i32
    %dma_wait3A_47 = tpu.memref_slice %arg15[%dma_wait3A_45, %dma_wait3A_46] : memref<82x128xi32, #tpu.memory_space<vmem>> -> memref<1x128xi32, #tpu.memory_space<vmem>>
    %dma_wait3A_48 = tpu.memref_squeeze %dma_wait3A_47 : memref<1x128xi32, #tpu.memory_space<vmem>> -> memref<128xi32, #tpu.memory_space<vmem>>
    %dma_wait3A_49 = arith.constant 0 : i32
    %dma_wait3A_50 = arith.constant 0 : i32
    %dma_wait3A_51 = tpu.memref_slice %arg17[%dma_wait3A_49, %dma_wait3A_50] : memref<10112x80xf32, #tpu.memory_space<vmem_shared>> -> memref<10112x80xf32, #tpu.memory_space<vmem_shared>>
    tpu.wait_indirect_dma semaphore(%arg24 : memref<!tpu.dma_semaphore, #tpu.memory_space<semaphore_mem>>) src(%arg13 : memref<128x80xf32, #tpu.memory_space<vmem>>) dst(%dma_wait3A_51 : memref<10112x80xf32, #tpu.memory_space<vmem_shared>>)
    %barrier3A_52 = arith.constant 0 : index
    tpu.barrier barrier_id(%barrier3A_52)
    %add3A_53 = arith.constant 0 : i32
    %add3A_54 = arith.addi %mul3A_9, %add3A_53 : i32
    "tpu.region"() ({
      %run_scoped3A = tpu.sem_alloc : memref<!tpu.dma_semaphore, #tpu.memory_space<semaphore_mem>>
      %dma_start3A_63 = arith.constant 0 : i32
      %dma_start3A_64 = tpu.memref_slice %arg17[%add3A_54, %dma_start3A_63] : memref<10112x80xf32, #tpu.memory_space<vmem_shared>> -> memref<128x80xf32, #tpu.memory_space<vmem_shared>>
      %dma_start3A_65 = arith.constant 0 : i32
      %dma_start3A_66 = tpu.memref_slice %arg17[%add3A_54, %dma_start3A_65] : memref<10112x80xf32, #tpu.memory_space<vmem_shared>> -> memref<128x80xf32, #tpu.memory_space<vmem_shared>>
      tpu.enqueue_dma source(%dma_start3A_66 : memref<128x80xf32, #tpu.memory_space<vmem_shared>>) target(%arg8 : memref<128x80xf32, #tpu.memory_space<vmem>>) target_semaphore(%run_scoped3A : memref<!tpu.dma_semaphore, #tpu.memory_space<semaphore_mem>>)
      %dma_wait3A_67 = arith.constant 0 : i32
      %dma_wait3A_68 = tpu.memref_slice %arg17[%add3A_54, %dma_wait3A_67] : memref<10112x80xf32, #tpu.memory_space<vmem_shared>> -> memref<128x80xf32, #tpu.memory_space<vmem_shared>>
      %dma_wait3A_69 = arith.constant 0 : i32
      %dma_wait3A_70 = tpu.memref_slice %arg17[%add3A_54, %dma_wait3A_69] : memref<10112x80xf32, #tpu.memory_space<vmem_shared>> -> memref<128x80xf32, #tpu.memory_space<vmem_shared>>
      tpu.wait_dma2 semaphore(%run_scoped3A : memref<!tpu.dma_semaphore, #tpu.memory_space<semaphore_mem>>) src(%dma_wait3A_70 : memref<128x80xf32, #tpu.memory_space<vmem_shared>>) dst(%arg8 : memref<128x80xf32, #tpu.memory_space<vmem>>)
      tpu.yield
    }) : () -> ()
    "tpu.region"() ({
      %run_scoped3A = tpu.sem_alloc : memref<!tpu.dma_semaphore, #tpu.memory_space<semaphore_mem>>
      %dma_start3A_63 = arith.constant 0 : i32
      %dma_start3A_64 = tpu.memref_slice %arg7[%arg0, %add3A_54, %dma_start3A_63] : memref<2x10112x80xf32, #tpu.memory_space<hbm>> -> memref<1x128x80xf32, #tpu.memory_space<hbm>>
      %dma_start3A_65 = tpu.memref_squeeze %dma_start3A_64 : memref<1x128x80xf32, #tpu.memory_space<hbm>> -> memref<128x80xf32, #tpu.memory_space<hbm>>
      %dma_start3A_66 = arith.constant 0 : i32
      %dma_start3A_67 = tpu.memref_slice %arg7[%arg0, %add3A_54, %dma_start3A_66] : memref<2x10112x80xf32, #tpu.memory_space<hbm>> -> memref<1x128x80xf32, #tpu.memory_space<hbm>>
      %dma_start3A_68 = tpu.memref_squeeze %dma_start3A_67 : memref<1x128x80xf32, #tpu.memory_space<hbm>> -> memref<128x80xf32, #tpu.memory_space<hbm>>
      tpu.enqueue_dma source(%arg8 : memref<128x80xf32, #tpu.memory_space<vmem>>) target(%dma_start3A_68 : memref<128x80xf32, #tpu.memory_space<hbm>>) target_semaphore(%run_scoped3A : memref<!tpu.dma_semaphore, #tpu.memory_space<semaphore_mem>>)
      %dma_wait3A_69 = arith.constant 0 : i32
      %dma_wait3A_70 = tpu.memref_slice %arg7[%arg0, %add3A_54, %dma_wait3A_69] : memref<2x10112x80xf32, #tpu.memory_space<hbm>> -> memref<1x128x80xf32, #tpu.memory_space<hbm>>
      %dma_wait3A_71 = tpu.memref_squeeze %dma_wait3A_70 : memref<1x128x80xf32, #tpu.memory_space<hbm>> -> memref<128x80xf32, #tpu.memory_space<hbm>>
      %dma_wait3A_72 = arith.constant 0 : i32
      %dma_wait3A_73 = tpu.memref_slice %arg7[%arg0, %add3A_54, %dma_wait3A_72] : memref<2x10112x80xf32, #tpu.memory_space<hbm>> -> memref<1x128x80xf32, #tpu.memory_space<hbm>>
      %dma_wait3A_74 = tpu.memref_squeeze %dma_wait3A_73 : memref<1x128x80xf32, #tpu.memory_space<hbm>> -> memref<128x80xf32, #tpu.memory_space<hbm>>
      tpu.wait_dma2 semaphore(%run_scoped3A : memref<!tpu.dma_semaphore, #tpu.memory_space<semaphore_mem>>) src(%arg8 : memref<128x80xf32, #tpu.memory_space<vmem>>) dst(%dma_wait3A_74 : memref<128x80xf32, #tpu.memory_space<hbm>>)
      tpu.yield
    }) : () -> ()
    %add3A_55 = arith.constant 128 : i32
    %add3A_56 = arith.addi %mul3A_9, %add3A_55 : i32
    "tpu.region"() ({
      %run_scoped3A = tpu.sem_alloc : memref<!tpu.dma_semaphore, #tpu.memory_space<semaphore_mem>>
      %dma_start3A_63 = arith.constant 0 : i32
      %dma_start3A_64 = tpu.memref_slice %arg17[%add3A_56, %dma_start3A_63] : memref<10112x80xf32, #tpu.memory_space<vmem_shared>> -> memref<128x80xf32, #tpu.memory_space<vmem_shared>>
      %dma_start3A_65 = arith.constant 0 : i32
      %dma_start3A_66 = tpu.memref_slice %arg17[%add3A_56, %dma_start3A_65] : memref<10112x80xf32, #tpu.memory_space<vmem_shared>> -> memref<128x80xf32, #tpu.memory_space<vmem_shared>>
      tpu.enqueue_dma source(%dma_start3A_66 : memref<128x80xf32, #tpu.memory_space<vmem_shared>>) target(%arg8 : memref<128x80xf32, #tpu.memory_space<vmem>>) target_semaphore(%run_scoped3A : memref<!tpu.dma_semaphore, #tpu.memory_space<semaphore_mem>>)
      %dma_wait3A_67 = arith.constant 0 : i32
      %dma_wait3A_68 = tpu.memref_slice %arg17[%add3A_56, %dma_wait3A_67] : memref<10112x80xf32, #tpu.memory_space<vmem_shared>> -> memref<128x80xf32, #tpu.memory_space<vmem_shared>>
      %dma_wait3A_69 = arith.constant 0 : i32
      %dma_wait3A_70 = tpu.memref_slice %arg17[%add3A_56, %dma_wait3A_69] : memref<10112x80xf32, #tpu.memory_space<vmem_shared>> -> memref<128x80xf32, #tpu.memory_space<vmem_shared>>
      tpu.wait_dma2 semaphore(%run_scoped3A : memref<!tpu.dma_semaphore, #tpu.memory_space<semaphore_mem>>) src(%dma_wait3A_70 : memref<128x80xf32, #tpu.memory_space<vmem_shared>>) dst(%arg8 : memref<128x80xf32, #tpu.memory_space<vmem>>)
      tpu.yield
    }) : () -> ()
    "tpu.region"() ({
      %run_scoped3A = tpu.sem_alloc : memref<!tpu.dma_semaphore, #tpu.memory_space<semaphore_mem>>
      %dma_start3A_63 = arith.constant 0 : i32
      %dma_start3A_64 = tpu.memref_slice %arg7[%arg0, %add3A_56, %dma_start3A_63] : memref<2x10112x80xf32, #tpu.memory_space<hbm>> -> memref<1x128x80xf32, #tpu.memory_space<hbm>>
      %dma_start3A_65 = tpu.memref_squeeze %dma_start3A_64 : memref<1x128x80xf32, #tpu.memory_space<hbm>> -> memref<128x80xf32, #tpu.memory_space<hbm>>
      %dma_start3A_66 = arith.constant 0 : i32
      %dma_start3A_67 = tpu.memref_slice %arg7[%arg0, %add3A_56, %dma_start3A_66] : memref<2x10112x80xf32, #tpu.memory_space<hbm>> -> memref<1x128x80xf32, #tpu.memory_space<hbm>>
      %dma_start3A_68 = tpu.memref_squeeze %dma_start3A_67 : memref<1x128x80xf32, #tpu.memory_space<hbm>> -> memref<128x80xf32, #tpu.memory_space<hbm>>
      tpu.enqueue_dma source(%arg8 : memref<128x80xf32, #tpu.memory_space<vmem>>) target(%dma_start3A_68 : memref<128x80xf32, #tpu.memory_space<hbm>>) target_semaphore(%run_scoped3A : memref<!tpu.dma_semaphore, #tpu.memory_space<semaphore_mem>>)
      %dma_wait3A_69 = arith.constant 0 : i32
      %dma_wait3A_70 = tpu.memref_slice %arg7[%arg0, %add3A_56, %dma_wait3A_69] : memref<2x10112x80xf32, #tpu.memory_space<hbm>> -> memref<1x128x80xf32, #tpu.memory_space<hbm>>
      %dma_wait3A_71 = tpu.memref_squeeze %dma_wait3A_70 : memref<1x128x80xf32, #tpu.memory_space<hbm>> -> memref<128x80xf32, #tpu.memory_space<hbm>>
      %dma_wait3A_72 = arith.constant 0 : i32
      %dma_wait3A_73 = tpu.memref_slice %arg7[%arg0, %add3A_56, %dma_wait3A_72] : memref<2x10112x80xf32, #tpu.memory_space<hbm>> -> memref<1x128x80xf32, #tpu.memory_space<hbm>>
      %dma_wait3A_74 = tpu.memref_squeeze %dma_wait3A_73 : memref<1x128x80xf32, #tpu.memory_space<hbm>> -> memref<128x80xf32, #tpu.memory_space<hbm>>
      tpu.wait_dma2 semaphore(%run_scoped3A : memref<!tpu.dma_semaphore, #tpu.memory_space<semaphore_mem>>) src(%arg8 : memref<128x80xf32, #tpu.memory_space<vmem>>) dst(%dma_wait3A_74 : memref<128x80xf32, #tpu.memory_space<hbm>>)
      tpu.yield
    }) : () -> ()
    %add3A_57 = arith.constant 256 : i32
    %add3A_58 = arith.addi %mul3A_9, %add3A_57 : i32
    "tpu.region"() ({
      %run_scoped3A = tpu.sem_alloc : memref<!tpu.dma_semaphore, #tpu.memory_space<semaphore_mem>>
      %dma_start3A_63 = arith.constant 0 : i32
      %dma_start3A_64 = tpu.memref_slice %arg17[%add3A_58, %dma_start3A_63] : memref<10112x80xf32, #tpu.memory_space<vmem_shared>> -> memref<128x80xf32, #tpu.memory_space<vmem_shared>>
      %dma_start3A_65 = arith.constant 0 : i32
      %dma_start3A_66 = tpu.memref_slice %arg17[%add3A_58, %dma_start3A_65] : memref<10112x80xf32, #tpu.memory_space<vmem_shared>> -> memref<128x80xf32, #tpu.memory_space<vmem_shared>>
      tpu.enqueue_dma source(%dma_start3A_66 : memref<128x80xf32, #tpu.memory_space<vmem_shared>>) target(%arg8 : memref<128x80xf32, #tpu.memory_space<vmem>>) target_semaphore(%run_scoped3A : memref<!tpu.dma_semaphore, #tpu.memory_space<semaphore_mem>>)
      %dma_wait3A_67 = arith.constant 0 : i32
      %dma_wait3A_68 = tpu.memref_slice %arg17[%add3A_58, %dma_wait3A_67] : memref<10112x80xf32, #tpu.memory_space<vmem_shared>> -> memref<128x80xf32, #tpu.memory_space<vmem_shared>>
      %dma_wait3A_69 = arith.constant 0 : i32
      %dma_wait3A_70 = tpu.memref_slice %arg17[%add3A_58, %dma_wait3A_69] : memref<10112x80xf32, #tpu.memory_space<vmem_shared>> -> memref<128x80xf32, #tpu.memory_space<vmem_shared>>
      tpu.wait_dma2 semaphore(%run_scoped3A : memref<!tpu.dma_semaphore, #tpu.memory_space<semaphore_mem>>) src(%dma_wait3A_70 : memref<128x80xf32, #tpu.memory_space<vmem_shared>>) dst(%arg8 : memref<128x80xf32, #tpu.memory_space<vmem>>)
      tpu.yield
    }) : () -> ()
    "tpu.region"() ({
      %run_scoped3A = tpu.sem_alloc : memref<!tpu.dma_semaphore, #tpu.memory_space<semaphore_mem>>
      %dma_start3A_63 = arith.constant 0 : i32
      %dma_start3A_64 = tpu.memref_slice %arg7[%arg0, %add3A_58, %dma_start3A_63] : memref<2x10112x80xf32, #tpu.memory_space<hbm>> -> memref<1x128x80xf32, #tpu.memory_space<hbm>>
      %dma_start3A_65 = tpu.memref_squeeze %dma_start3A_64 : memref<1x128x80xf32, #tpu.memory_space<hbm>> -> memref<128x80xf32, #tpu.memory_space<hbm>>
      %dma_start3A_66 = arith.constant 0 : i32
      %dma_start3A_67 = tpu.memref_slice %arg7[%arg0, %add3A_58, %dma_start3A_66] : memref<2x10112x80xf32, #tpu.memory_space<hbm>> -> memref<1x128x80xf32, #tpu.memory_space<hbm>>
      %dma_start3A_68 = tpu.memref_squeeze %dma_start3A_67 : memref<1x128x80xf32, #tpu.memory_space<hbm>> -> memref<128x80xf32, #tpu.memory_space<hbm>>
      tpu.enqueue_dma source(%arg8 : memref<128x80xf32, #tpu.memory_space<vmem>>) target(%dma_start3A_68 : memref<128x80xf32, #tpu.memory_space<hbm>>) target_semaphore(%run_scoped3A : memref<!tpu.dma_semaphore, #tpu.memory_space<semaphore_mem>>)
      %dma_wait3A_69 = arith.constant 0 : i32
      %dma_wait3A_70 = tpu.memref_slice %arg7[%arg0, %add3A_58, %dma_wait3A_69] : memref<2x10112x80xf32, #tpu.memory_space<hbm>> -> memref<1x128x80xf32, #tpu.memory_space<hbm>>
      %dma_wait3A_71 = tpu.memref_squeeze %dma_wait3A_70 : memref<1x128x80xf32, #tpu.memory_space<hbm>> -> memref<128x80xf32, #tpu.memory_space<hbm>>
      %dma_wait3A_72 = arith.constant 0 : i32
      %dma_wait3A_73 = tpu.memref_slice %arg7[%arg0, %add3A_58, %dma_wait3A_72] : memref<2x10112x80xf32, #tpu.memory_space<hbm>> -> memref<1x128x80xf32, #tpu.memory_space<hbm>>
      %dma_wait3A_74 = tpu.memref_squeeze %dma_wait3A_73 : memref<1x128x80xf32, #tpu.memory_space<hbm>> -> memref<128x80xf32, #tpu.memory_space<hbm>>
      tpu.wait_dma2 semaphore(%run_scoped3A : memref<!tpu.dma_semaphore, #tpu.memory_space<semaphore_mem>>) src(%arg8 : memref<128x80xf32, #tpu.memory_space<vmem>>) dst(%dma_wait3A_74 : memref<128x80xf32, #tpu.memory_space<hbm>>)
      tpu.yield
    }) : () -> ()
    %add3A_59 = arith.constant 384 : i32
    %add3A_60 = arith.addi %mul3A_9, %add3A_59 : i32
    "tpu.region"() ({
      %run_scoped3A = tpu.sem_alloc : memref<!tpu.dma_semaphore, #tpu.memory_space<semaphore_mem>>
      %dma_start3A_63 = arith.constant 0 : i32
      %dma_start3A_64 = tpu.memref_slice %arg17[%add3A_60, %dma_start3A_63] : memref<10112x80xf32, #tpu.memory_space<vmem_shared>> -> memref<128x80xf32, #tpu.memory_space<vmem_shared>>
      %dma_start3A_65 = arith.constant 0 : i32
      %dma_start3A_66 = tpu.memref_slice %arg17[%add3A_60, %dma_start3A_65] : memref<10112x80xf32, #tpu.memory_space<vmem_shared>> -> memref<128x80xf32, #tpu.memory_space<vmem_shared>>
      tpu.enqueue_dma source(%dma_start3A_66 : memref<128x80xf32, #tpu.memory_space<vmem_shared>>) target(%arg8 : memref<128x80xf32, #tpu.memory_space<vmem>>) target_semaphore(%run_scoped3A : memref<!tpu.dma_semaphore, #tpu.memory_space<semaphore_mem>>)
      %dma_wait3A_67 = arith.constant 0 : i32
      %dma_wait3A_68 = tpu.memref_slice %arg17[%add3A_60, %dma_wait3A_67] : memref<10112x80xf32, #tpu.memory_space<vmem_shared>> -> memref<128x80xf32, #tpu.memory_space<vmem_shared>>
      %dma_wait3A_69 = arith.constant 0 : i32
      %dma_wait3A_70 = tpu.memref_slice %arg17[%add3A_60, %dma_wait3A_69] : memref<10112x80xf32, #tpu.memory_space<vmem_shared>> -> memref<128x80xf32, #tpu.memory_space<vmem_shared>>
      tpu.wait_dma2 semaphore(%run_scoped3A : memref<!tpu.dma_semaphore, #tpu.memory_space<semaphore_mem>>) src(%dma_wait3A_70 : memref<128x80xf32, #tpu.memory_space<vmem_shared>>) dst(%arg8 : memref<128x80xf32, #tpu.memory_space<vmem>>)
      tpu.yield
    }) : () -> ()
    "tpu.region"() ({
      %run_scoped3A = tpu.sem_alloc : memref<!tpu.dma_semaphore, #tpu.memory_space<semaphore_mem>>
      %dma_start3A_63 = arith.constant 0 : i32
      %dma_start3A_64 = tpu.memref_slice %arg7[%arg0, %add3A_60, %dma_start3A_63] : memref<2x10112x80xf32, #tpu.memory_space<hbm>> -> memref<1x128x80xf32, #tpu.memory_space<hbm>>
      %dma_start3A_65 = tpu.memref_squeeze %dma_start3A_64 : memref<1x128x80xf32, #tpu.memory_space<hbm>> -> memref<128x80xf32, #tpu.memory_space<hbm>>
      %dma_start3A_66 = arith.constant 0 : i32
      %dma_start3A_67 = tpu.memref_slice %arg7[%arg0, %add3A_60, %dma_start3A_66] : memref<2x10112x80xf32, #tpu.memory_space<hbm>> -> memref<1x128x80xf32, #tpu.memory_space<hbm>>
      %dma_start3A_68 = tpu.memref_squeeze %dma_start3A_67 : memref<1x128x80xf32, #tpu.memory_space<hbm>> -> memref<128x80xf32, #tpu.memory_space<hbm>>
      tpu.enqueue_dma source(%arg8 : memref<128x80xf32, #tpu.memory_space<vmem>>) target(%dma_start3A_68 : memref<128x80xf32, #tpu.memory_space<hbm>>) target_semaphore(%run_scoped3A : memref<!tpu.dma_semaphore, #tpu.memory_space<semaphore_mem>>)
      %dma_wait3A_69 = arith.constant 0 : i32
      %dma_wait3A_70 = tpu.memref_slice %arg7[%arg0, %add3A_60, %dma_wait3A_69] : memref<2x10112x80xf32, #tpu.memory_space<hbm>> -> memref<1x128x80xf32, #tpu.memory_space<hbm>>
      %dma_wait3A_71 = tpu.memref_squeeze %dma_wait3A_70 : memref<1x128x80xf32, #tpu.memory_space<hbm>> -> memref<128x80xf32, #tpu.memory_space<hbm>>
      %dma_wait3A_72 = arith.constant 0 : i32
      %dma_wait3A_73 = tpu.memref_slice %arg7[%arg0, %add3A_60, %dma_wait3A_72] : memref<2x10112x80xf32, #tpu.memory_space<hbm>> -> memref<1x128x80xf32, #tpu.memory_space<hbm>>
      %dma_wait3A_74 = tpu.memref_squeeze %dma_wait3A_73 : memref<1x128x80xf32, #tpu.memory_space<hbm>> -> memref<128x80xf32, #tpu.memory_space<hbm>>
      tpu.wait_dma2 semaphore(%run_scoped3A : memref<!tpu.dma_semaphore, #tpu.memory_space<semaphore_mem>>) src(%arg8 : memref<128x80xf32, #tpu.memory_space<vmem>>) dst(%dma_wait3A_74 : memref<128x80xf32, #tpu.memory_space<hbm>>)
      tpu.yield
    }) : () -> ()
    %add3A_61 = arith.constant 512 : i32
    %add3A_62 = arith.addi %mul3A_9, %add3A_61 : i32
    "tpu.region"() ({
      %run_scoped3A = tpu.sem_alloc : memref<!tpu.dma_semaphore, #tpu.memory_space<semaphore_mem>>
      %dma_start3A_63 = arith.constant 0 : i32
      %dma_start3A_64 = arith.constant 0 : i32
      %dma_start3A_65 = tpu.memref_slice %arg8[%dma_start3A_63, %dma_start3A_64] : memref<128x80xf32, #tpu.memory_space<vmem>> -> memref<120x80xf32, #tpu.memory_space<vmem>>
      %dma_start3A_66 = arith.constant 0 : i32
      %dma_start3A_67 = tpu.memref_slice %arg17[%add3A_62, %dma_start3A_66] : memref<10112x80xf32, #tpu.memory_space<vmem_shared>> -> memref<120x80xf32, #tpu.memory_space<vmem_shared>>
      %dma_start3A_68 = arith.constant 0 : i32
      %dma_start3A_69 = arith.constant 0 : i32
      %dma_start3A_70 = tpu.memref_slice %arg8[%dma_start3A_68, %dma_start3A_69] : memref<128x80xf32, #tpu.memory_space<vmem>> -> memref<120x80xf32, #tpu.memory_space<vmem>>
      %dma_start3A_71 = arith.constant 0 : i32
      %dma_start3A_72 = tpu.memref_slice %arg17[%add3A_62, %dma_start3A_71] : memref<10112x80xf32, #tpu.memory_space<vmem_shared>> -> memref<120x80xf32, #tpu.memory_space<vmem_shared>>
      tpu.enqueue_dma source(%dma_start3A_72 : memref<120x80xf32, #tpu.memory_space<vmem_shared>>) target(%dma_start3A_70 : memref<120x80xf32, #tpu.memory_space<vmem>>) target_semaphore(%run_scoped3A : memref<!tpu.dma_semaphore, #tpu.memory_space<semaphore_mem>>)
      %dma_wait3A_73 = arith.constant 0 : i32
      %dma_wait3A_74 = arith.constant 0 : i32
      %dma_wait3A_75 = tpu.memref_slice %arg8[%dma_wait3A_73, %dma_wait3A_74] : memref<128x80xf32, #tpu.memory_space<vmem>> -> memref<120x80xf32, #tpu.memory_space<vmem>>
      %dma_wait3A_76 = arith.constant 0 : i32
      %dma_wait3A_77 = tpu.memref_slice %arg17[%add3A_62, %dma_wait3A_76] : memref<10112x80xf32, #tpu.memory_space<vmem_shared>> -> memref<120x80xf32, #tpu.memory_space<vmem_shared>>
      %dma_wait3A_78 = arith.constant 0 : i32
      %dma_wait3A_79 = arith.constant 0 : i32
      %dma_wait3A_80 = tpu.memref_slice %arg8[%dma_wait3A_78, %dma_wait3A_79] : memref<128x80xf32, #tpu.memory_space<vmem>> -> memref<120x80xf32, #tpu.memory_space<vmem>>
      %dma_wait3A_81 = arith.constant 0 : i32
      %dma_wait3A_82 = tpu.memref_slice %arg17[%add3A_62, %dma_wait3A_81] : memref<10112x80xf32, #tpu.memory_space<vmem_shared>> -> memref<120x80xf32, #tpu.memory_space<vmem_shared>>
      tpu.wait_dma2 semaphore(%run_scoped3A : memref<!tpu.dma_semaphore, #tpu.memory_space<semaphore_mem>>) src(%dma_wait3A_82 : memref<120x80xf32, #tpu.memory_space<vmem_shared>>) dst(%dma_wait3A_80 : memref<120x80xf32, #tpu.memory_space<vmem>>)
      tpu.yield
    }) : () -> ()
    "tpu.region"() ({
      %run_scoped3A = tpu.sem_alloc : memref<!tpu.dma_semaphore, #tpu.memory_space<semaphore_mem>>
      %dma_start3A_63 = arith.constant 0 : i32
      %dma_start3A_64 = arith.constant 0 : i32
      %dma_start3A_65 = tpu.memref_slice %arg8[%dma_start3A_63, %dma_start3A_64] : memref<128x80xf32, #tpu.memory_space<vmem>> -> memref<120x80xf32, #tpu.memory_space<vmem>>
      %dma_start3A_66 = arith.constant 0 : i32
      %dma_start3A_67 = tpu.memref_slice %arg7[%arg0, %add3A_62, %dma_start3A_66] : memref<2x10112x80xf32, #tpu.memory_space<hbm>> -> memref<1x120x80xf32, #tpu.memory_space<hbm>>
      %dma_start3A_68 = tpu.memref_squeeze %dma_start3A_67 : memref<1x120x80xf32, #tpu.memory_space<hbm>> -> memref<120x80xf32, #tpu.memory_space<hbm>>
      %dma_start3A_69 = arith.constant 0 : i32
      %dma_start3A_70 = tpu.memref_slice %arg7[%arg0, %add3A_62, %dma_start3A_69] : memref<2x10112x80xf32, #tpu.memory_space<hbm>> -> memref<1x120x80xf32, #tpu.memory_space<hbm>>
      %dma_start3A_71 = tpu.memref_squeeze %dma_start3A_70 : memref<1x120x80xf32, #tpu.memory_space<hbm>> -> memref<120x80xf32, #tpu.memory_space<hbm>>
      %dma_start3A_72 = arith.constant 0 : i32
      %dma_start3A_73 = arith.constant 0 : i32
      %dma_start3A_74 = tpu.memref_slice %arg8[%dma_start3A_72, %dma_start3A_73] : memref<128x80xf32, #tpu.memory_space<vmem>> -> memref<120x80xf32, #tpu.memory_space<vmem>>
      tpu.enqueue_dma source(%dma_start3A_74 : memref<120x80xf32, #tpu.memory_space<vmem>>) target(%dma_start3A_71 : memref<120x80xf32, #tpu.memory_space<hbm>>) target_semaphore(%run_scoped3A : memref<!tpu.dma_semaphore, #tpu.memory_space<semaphore_mem>>)
      %dma_wait3A_75 = arith.constant 0 : i32
      %dma_wait3A_76 = arith.constant 0 : i32
      %dma_wait3A_77 = tpu.memref_slice %arg8[%dma_wait3A_75, %dma_wait3A_76] : memref<128x80xf32, #tpu.memory_space<vmem>> -> memref<120x80xf32, #tpu.memory_space<vmem>>
      %dma_wait3A_78 = arith.constant 0 : i32
      %dma_wait3A_79 = tpu.memref_slice %arg7[%arg0, %add3A_62, %dma_wait3A_78] : memref<2x10112x80xf32, #tpu.memory_space<hbm>> -> memref<1x120x80xf32, #tpu.memory_space<hbm>>
      %dma_wait3A_80 = tpu.memref_squeeze %dma_wait3A_79 : memref<1x120x80xf32, #tpu.memory_space<hbm>> -> memref<120x80xf32, #tpu.memory_space<hbm>>
      %dma_wait3A_81 = arith.constant 0 : i32
      %dma_wait3A_82 = tpu.memref_slice %arg7[%arg0, %add3A_62, %dma_wait3A_81] : memref<2x10112x80xf32, #tpu.memory_space<hbm>> -> memref<1x120x80xf32, #tpu.memory_space<hbm>>
      %dma_wait3A_83 = tpu.memref_squeeze %dma_wait3A_82 : memref<1x120x80xf32, #tpu.memory_space<hbm>> -> memref<120x80xf32, #tpu.memory_space<hbm>>
      %dma_wait3A_84 = arith.constant 0 : i32
      %dma_wait3A_85 = arith.constant 0 : i32
      %dma_wait3A_86 = tpu.memref_slice %arg8[%dma_wait3A_84, %dma_wait3A_85] : memref<128x80xf32, #tpu.memory_space<vmem>> -> memref<120x80xf32, #tpu.memory_space<vmem>>
      tpu.wait_dma2 semaphore(%run_scoped3A : memref<!tpu.dma_semaphore, #tpu.memory_space<semaphore_mem>>) src(%dma_wait3A_86 : memref<120x80xf32, #tpu.memory_space<vmem>>) dst(%dma_wait3A_83 : memref<120x80xf32, #tpu.memory_space<hbm>>)
      tpu.yield
    }) : () -> ()
    return
  }
}

#map = affine_map<(d0, d1) -> (0, 0)>
#map1 = affine_map<(d0, d1) -> (0)>
#map2 = affine_map<(d0, d1) -> (0, 0, 0)>
module attributes {stable_mosaic.version = 14 : i64} {
  func.func @edge_kernel(%arg0: i32, %arg1: i32, %arg2: memref<10112x80xf32, #tpu.memory_space<hbm>>, %arg3: memref<10112x16xf32, #tpu.memory_space<hbm>>, %arg4: memref<16xf32, #tpu.memory_space<hbm>>, %arg5: memref<32x82x128xi32, #tpu.memory_space<hbm>>, %arg6: memref<32x82x128xi32, #tpu.memory_space<hbm>>, %arg7: memref<2x10112x80xf32, #tpu.memory_space<hbm>>, %arg8: memref<128x80xf32, #tpu.memory_space<vmem>>, %arg9: memref<128x80xf32, #tpu.memory_space<vmem>>, %arg10: memref<128x16xf32, #tpu.memory_space<vmem>>, %arg11: memref<128x16xf32, #tpu.memory_space<vmem>>, %arg12: memref<128x80xf32, #tpu.memory_space<vmem>>, %arg13: memref<128x80xf32, #tpu.memory_space<vmem>>, %arg14: memref<82x128xi32, #tpu.memory_space<vmem>>, %arg15: memref<82x128xi32, #tpu.memory_space<vmem>>, %arg16: memref<16xf32, #tpu.memory_space<vmem>>, %arg17: memref<10112x80xf32, #tpu.memory_space<vmem_shared>>, %arg18: memref<10112x16xf32, #tpu.memory_space<vmem_shared>>, %arg19: memref<!tpu.dma_semaphore, #tpu.memory_space<semaphore_mem>>, %arg20: memref<!tpu.dma_semaphore, #tpu.memory_space<semaphore_mem>>, %arg21: memref<!tpu.dma_semaphore, #tpu.memory_space<semaphore_mem>>, %arg22: memref<!tpu.dma_semaphore, #tpu.memory_space<semaphore_mem>>, %arg23: memref<!tpu.dma_semaphore, #tpu.memory_space<semaphore_mem>>, %arg24: memref<!tpu.dma_semaphore, #tpu.memory_space<semaphore_mem>>) attributes {dimension_semantics = [#tpu.dimension_semantics<core_parallel>, #tpu.dimension_semantics<subcore_parallel>], iteration_bounds = array<i64: 2, 16>, scalar_prefetch = 0 : i64, scratch_operands = 17 : i64, tpu.core_type = #tpu.core_type<sc_vector_subcore>, window_params = [{transform_indices = #map}, {transform_indices = #map}, {transform_indices = #map1}, {transform_indices = #map2}, {transform_indices = #map2}, {transform_indices = #map2}]} {
    %mul3A = arith.constant 2 : i32
    %mul3A_0 = arith.muli %arg1, %mul3A : i32
    %add3A = arith.addi %mul3A_0, %arg0 : i32
    "tpu.region"() ({
      %run_scoped3A = tpu.sem_alloc : memref<!tpu.dma_semaphore, #tpu.memory_space<semaphore_mem>>
      %dma_start3A_63 = arith.constant 0 : i32
      %dma_start3A_64 = arith.constant 0 : i32
      %dma_start3A_65 = tpu.memref_slice %arg5[%add3A, %dma_start3A_63, %dma_start3A_64] : memref<32x82x128xi32, #tpu.memory_space<hbm>> -> memref<1x82x128xi32, #tpu.memory_space<hbm>>
      %dma_start3A_66 = tpu.memref_squeeze %dma_start3A_65 : memref<1x82x128xi32, #tpu.memory_space<hbm>> -> memref<82x128xi32, #tpu.memory_space<hbm>>
      %dma_start3A_67 = arith.constant 0 : i32
      %dma_start3A_68 = arith.constant 0 : i32
      %dma_start3A_69 = tpu.memref_slice %arg5[%add3A, %dma_start3A_67, %dma_start3A_68] : memref<32x82x128xi32, #tpu.memory_space<hbm>> -> memref<1x82x128xi32, #tpu.memory_space<hbm>>
      %dma_start3A_70 = tpu.memref_squeeze %dma_start3A_69 : memref<1x82x128xi32, #tpu.memory_space<hbm>> -> memref<82x128xi32, #tpu.memory_space<hbm>>
      tpu.enqueue_dma source(%dma_start3A_70 : memref<82x128xi32, #tpu.memory_space<hbm>>) target(%arg14 : memref<82x128xi32, #tpu.memory_space<vmem>>) target_semaphore(%run_scoped3A : memref<!tpu.dma_semaphore, #tpu.memory_space<semaphore_mem>>)
      %dma_wait3A_71 = arith.constant 0 : i32
      %dma_wait3A_72 = arith.constant 0 : i32
      %dma_wait3A_73 = tpu.memref_slice %arg5[%add3A, %dma_wait3A_71, %dma_wait3A_72] : memref<32x82x128xi32, #tpu.memory_space<hbm>> -> memref<1x82x128xi32, #tpu.memory_space<hbm>>
      %dma_wait3A_74 = tpu.memref_squeeze %dma_wait3A_73 : memref<1x82x128xi32, #tpu.memory_space<hbm>> -> memref<82x128xi32, #tpu.memory_space<hbm>>
      %dma_wait3A_75 = arith.constant 0 : i32
      %dma_wait3A_76 = arith.constant 0 : i32
      %dma_wait3A_77 = tpu.memref_slice %arg5[%add3A, %dma_wait3A_75, %dma_wait3A_76] : memref<32x82x128xi32, #tpu.memory_space<hbm>> -> memref<1x82x128xi32, #tpu.memory_space<hbm>>
      %dma_wait3A_78 = tpu.memref_squeeze %dma_wait3A_77 : memref<1x82x128xi32, #tpu.memory_space<hbm>> -> memref<82x128xi32, #tpu.memory_space<hbm>>
      tpu.wait_dma2 semaphore(%run_scoped3A : memref<!tpu.dma_semaphore, #tpu.memory_space<semaphore_mem>>) src(%dma_wait3A_78 : memref<82x128xi32, #tpu.memory_space<hbm>>) dst(%arg14 : memref<82x128xi32, #tpu.memory_space<vmem>>)
      tpu.yield
    }) : () -> ()
    "tpu.region"() ({
      %run_scoped3A = tpu.sem_alloc : memref<!tpu.dma_semaphore, #tpu.memory_space<semaphore_mem>>
      %dma_start3A_63 = arith.constant 0 : i32
      %dma_start3A_64 = arith.constant 0 : i32
      %dma_start3A_65 = tpu.memref_slice %arg6[%add3A, %dma_start3A_63, %dma_start3A_64] : memref<32x82x128xi32, #tpu.memory_space<hbm>> -> memref<1x82x128xi32, #tpu.memory_space<hbm>>
      %dma_start3A_66 = tpu.memref_squeeze %dma_start3A_65 : memref<1x82x128xi32, #tpu.memory_space<hbm>> -> memref<82x128xi32, #tpu.memory_space<hbm>>
      %dma_start3A_67 = arith.constant 0 : i32
      %dma_start3A_68 = arith.constant 0 : i32
      %dma_start3A_69 = tpu.memref_slice %arg6[%add3A, %dma_start3A_67, %dma_start3A_68] : memref<32x82x128xi32, #tpu.memory_space<hbm>> -> memref<1x82x128xi32, #tpu.memory_space<hbm>>
      %dma_start3A_70 = tpu.memref_squeeze %dma_start3A_69 : memref<1x82x128xi32, #tpu.memory_space<hbm>> -> memref<82x128xi32, #tpu.memory_space<hbm>>
      tpu.enqueue_dma source(%dma_start3A_70 : memref<82x128xi32, #tpu.memory_space<hbm>>) target(%arg15 : memref<82x128xi32, #tpu.memory_space<vmem>>) target_semaphore(%run_scoped3A : memref<!tpu.dma_semaphore, #tpu.memory_space<semaphore_mem>>)
      %dma_wait3A_71 = arith.constant 0 : i32
      %dma_wait3A_72 = arith.constant 0 : i32
      %dma_wait3A_73 = tpu.memref_slice %arg6[%add3A, %dma_wait3A_71, %dma_wait3A_72] : memref<32x82x128xi32, #tpu.memory_space<hbm>> -> memref<1x82x128xi32, #tpu.memory_space<hbm>>
      %dma_wait3A_74 = tpu.memref_squeeze %dma_wait3A_73 : memref<1x82x128xi32, #tpu.memory_space<hbm>> -> memref<82x128xi32, #tpu.memory_space<hbm>>
      %dma_wait3A_75 = arith.constant 0 : i32
      %dma_wait3A_76 = arith.constant 0 : i32
      %dma_wait3A_77 = tpu.memref_slice %arg6[%add3A, %dma_wait3A_75, %dma_wait3A_76] : memref<32x82x128xi32, #tpu.memory_space<hbm>> -> memref<1x82x128xi32, #tpu.memory_space<hbm>>
      %dma_wait3A_78 = tpu.memref_squeeze %dma_wait3A_77 : memref<1x82x128xi32, #tpu.memory_space<hbm>> -> memref<82x128xi32, #tpu.memory_space<hbm>>
      tpu.wait_dma2 semaphore(%run_scoped3A : memref<!tpu.dma_semaphore, #tpu.memory_space<semaphore_mem>>) src(%dma_wait3A_78 : memref<82x128xi32, #tpu.memory_space<hbm>>) dst(%arg15 : memref<82x128xi32, #tpu.memory_space<vmem>>)
      tpu.yield
    }) : () -> ()
    "tpu.region"() ({
      %run_scoped3A = tpu.sem_alloc : memref<!tpu.dma_semaphore, #tpu.memory_space<semaphore_mem>>
      tpu.enqueue_dma source(%arg4 : memref<16xf32, #tpu.memory_space<hbm>>) target(%arg16 : memref<16xf32, #tpu.memory_space<vmem>>) target_semaphore(%run_scoped3A : memref<!tpu.dma_semaphore, #tpu.memory_space<semaphore_mem>>)
      tpu.wait_dma2 semaphore(%run_scoped3A : memref<!tpu.dma_semaphore, #tpu.memory_space<semaphore_mem>>) src(%arg4 : memref<16xf32, #tpu.memory_space<hbm>>) dst(%arg16 : memref<16xf32, #tpu.memory_space<vmem>>)
      tpu.yield
    }) : () -> ()
    %mul3A_1 = arith.constant 632 : i32
    %mul3A_2 = arith.muli %arg1, %mul3A_1 : i32
    "tpu.region"() ({
      %run_scoped3A = tpu.sem_alloc : memref<!tpu.dma_semaphore, #tpu.memory_space<semaphore_mem>>
      %dma_start3A_63 = arith.constant 0 : i32
      %dma_start3A_64 = tpu.memref_slice %arg18[%mul3A_2, %dma_start3A_63] : memref<10112x16xf32, #tpu.memory_space<vmem_shared>> -> memref<632x16xf32, #tpu.memory_space<vmem_shared>>
      %dma_start3A_65 = arith.constant 0 : i32
      %dma_start3A_66 = tpu.memref_slice %arg3[%mul3A_2, %dma_start3A_65] : memref<10112x16xf32, #tpu.memory_space<hbm>> -> memref<632x16xf32, #tpu.memory_space<hbm>>
      tpu.enqueue_dma source(%dma_start3A_66 : memref<632x16xf32, #tpu.memory_space<hbm>>) target(%dma_start3A_64 : memref<632x16xf32, #tpu.memory_space<vmem_shared>>) target_semaphore(%run_scoped3A : memref<!tpu.dma_semaphore, #tpu.memory_space<semaphore_mem>>)
      %dma_wait3A_67 = arith.constant 0 : i32
      %dma_wait3A_68 = tpu.memref_slice %arg18[%mul3A_2, %dma_wait3A_67] : memref<10112x16xf32, #tpu.memory_space<vmem_shared>> -> memref<632x16xf32, #tpu.memory_space<vmem_shared>>
      %dma_wait3A_69 = arith.constant 0 : i32
      %dma_wait3A_70 = tpu.memref_slice %arg3[%mul3A_2, %dma_wait3A_69] : memref<10112x16xf32, #tpu.memory_space<hbm>> -> memref<632x16xf32, #tpu.memory_space<hbm>>
      tpu.wait_dma2 semaphore(%run_scoped3A : memref<!tpu.dma_semaphore, #tpu.memory_space<semaphore_mem>>) src(%dma_wait3A_70 : memref<632x16xf32, #tpu.memory_space<hbm>>) dst(%dma_wait3A_68 : memref<632x16xf32, #tpu.memory_space<vmem_shared>>)
      tpu.yield
    }) : () -> ()
    %scan3A = arith.constant 0 : i32
    %scan3A_3 = arith.constant 0 : i32
    %scan3A_4 = arith.constant 128 : i32
    %scan3A_5 = arith.addi %scan3A_3, %scan3A_4 : i32
    %scan3A_6 = arith.constant 1 : i32
    scf.for %scan3A_63 = %scan3A_3 to %scan3A_5 step %scan3A_6  : i32 {
      %broadcast_in_dim3A = arith.constant 0.000000e+00 : f32
      %broadcast_in_dim3A_64 = vector.broadcast %broadcast_in_dim3A : f32 to vector<16xf32>
      %swap3A = arith.index_cast %scan3A_63 : i32 to index
      %swap3A_65 = arith.constant 0 : index
      %swap3A_66 = tpu.vector_load %arg12[%swap3A, %swap3A_65] {strides = array<i32>} : memref<128x80xf32, #tpu.memory_space<vmem>>, vector<1x16xf32>,
      %swap3A_67 = vector.shape_cast %swap3A_66 : vector<1x16xf32> to vector<16xf32>
      %swap3A_68 = vector.shape_cast %broadcast_in_dim3A_64 : vector<16xf32> to vector<1x16xf32>
      tpu.vector_store %arg12[%swap3A, %swap3A_65], %swap3A_68 {strides = array<i32>} : memref<128x80xf32, #tpu.memory_space<vmem>>, vector<1x16xf32>,
      %broadcast_in_dim3A_69 = arith.constant 0.000000e+00 : f32
      %broadcast_in_dim3A_70 = vector.broadcast %broadcast_in_dim3A_69 : f32 to vector<16xf32>
      %swap3A_71 = arith.index_cast %scan3A_63 : i32 to index
      %swap3A_72 = arith.constant 16 : index
      %swap3A_73 = tpu.vector_load %arg12[%swap3A_71, %swap3A_72] {strides = array<i32>} : memref<128x80xf32, #tpu.memory_space<vmem>>, vector<1x16xf32>,
      %swap3A_74 = vector.shape_cast %swap3A_73 : vector<1x16xf32> to vector<16xf32>
      %swap3A_75 = vector.shape_cast %broadcast_in_dim3A_70 : vector<16xf32> to vector<1x16xf32>
      tpu.vector_store %arg12[%swap3A_71, %swap3A_72], %swap3A_75 {strides = array<i32>} : memref<128x80xf32, #tpu.memory_space<vmem>>, vector<1x16xf32>,
      %broadcast_in_dim3A_76 = arith.constant 0.000000e+00 : f32
      %broadcast_in_dim3A_77 = vector.broadcast %broadcast_in_dim3A_76 : f32 to vector<16xf32>
      %swap3A_78 = arith.index_cast %scan3A_63 : i32 to index
      %swap3A_79 = arith.constant 32 : index
      %swap3A_80 = tpu.vector_load %arg12[%swap3A_78, %swap3A_79] {strides = array<i32>} : memref<128x80xf32, #tpu.memory_space<vmem>>, vector<1x16xf32>,
      %swap3A_81 = vector.shape_cast %swap3A_80 : vector<1x16xf32> to vector<16xf32>
      %swap3A_82 = vector.shape_cast %broadcast_in_dim3A_77 : vector<16xf32> to vector<1x16xf32>
      tpu.vector_store %arg12[%swap3A_78, %swap3A_79], %swap3A_82 {strides = array<i32>} : memref<128x80xf32, #tpu.memory_space<vmem>>, vector<1x16xf32>,
      %broadcast_in_dim3A_83 = arith.constant 0.000000e+00 : f32
      %broadcast_in_dim3A_84 = vector.broadcast %broadcast_in_dim3A_83 : f32 to vector<16xf32>
      %swap3A_85 = arith.index_cast %scan3A_63 : i32 to index
      %swap3A_86 = arith.constant 48 : index
      %swap3A_87 = tpu.vector_load %arg12[%swap3A_85, %swap3A_86] {strides = array<i32>} : memref<128x80xf32, #tpu.memory_space<vmem>>, vector<1x16xf32>,
      %swap3A_88 = vector.shape_cast %swap3A_87 : vector<1x16xf32> to vector<16xf32>
      %swap3A_89 = vector.shape_cast %broadcast_in_dim3A_84 : vector<16xf32> to vector<1x16xf32>
      tpu.vector_store %arg12[%swap3A_85, %swap3A_86], %swap3A_89 {strides = array<i32>} : memref<128x80xf32, #tpu.memory_space<vmem>>, vector<1x16xf32>,
      %broadcast_in_dim3A_90 = arith.constant 0.000000e+00 : f32
      %broadcast_in_dim3A_91 = vector.broadcast %broadcast_in_dim3A_90 : f32 to vector<16xf32>
      %swap3A_92 = arith.index_cast %scan3A_63 : i32 to index
      %swap3A_93 = arith.constant 64 : index
      %swap3A_94 = tpu.vector_load %arg12[%swap3A_92, %swap3A_93] {strides = array<i32>} : memref<128x80xf32, #tpu.memory_space<vmem>>, vector<1x16xf32>,
      %swap3A_95 = vector.shape_cast %swap3A_94 : vector<1x16xf32> to vector<16xf32>
      %swap3A_96 = vector.shape_cast %broadcast_in_dim3A_91 : vector<16xf32> to vector<1x16xf32>
      tpu.vector_store %arg12[%swap3A_92, %swap3A_93], %swap3A_96 {strides = array<i32>} : memref<128x80xf32, #tpu.memory_space<vmem>>, vector<1x16xf32>,
    }
    %scan3A_7 = arith.constant 128 : i32
    %mul3A_8 = arith.constant 632 : i32
    %mul3A_9 = arith.muli %arg1, %mul3A_8 : i32
    %add3A_10 = arith.constant 0 : i32
    %add3A_11 = arith.addi %mul3A_9, %add3A_10 : i32
    "tpu.region"() ({
      %run_scoped3A = tpu.sem_alloc : memref<!tpu.dma_semaphore, #tpu.memory_space<semaphore_mem>>
      %dma_start3A_63 = arith.constant 0 : i32
      %dma_start3A_64 = tpu.memref_slice %arg17[%add3A_11, %dma_start3A_63] : memref<10112x80xf32, #tpu.memory_space<vmem_shared>> -> memref<128x80xf32, #tpu.memory_space<vmem_shared>>
      %dma_start3A_65 = arith.constant 0 : i32
      %dma_start3A_66 = tpu.memref_slice %arg17[%add3A_11, %dma_start3A_65] : memref<10112x80xf32, #tpu.memory_space<vmem_shared>> -> memref<128x80xf32, #tpu.memory_space<vmem_shared>>
      tpu.enqueue_dma source(%arg12 : memref<128x80xf32, #tpu.memory_space<vmem>>) target(%dma_start3A_66 : memref<128x80xf32, #tpu.memory_space<vmem_shared>>) target_semaphore(%run_scoped3A : memref<!tpu.dma_semaphore, #tpu.memory_space<semaphore_mem>>)
      %dma_wait3A_67 = arith.constant 0 : i32
      %dma_wait3A_68 = tpu.memref_slice %arg17[%add3A_11, %dma_wait3A_67] : memref<10112x80xf32, #tpu.memory_space<vmem_shared>> -> memref<128x80xf32, #tpu.memory_space<vmem_shared>>
      %dma_wait3A_69 = arith.constant 0 : i32
      %dma_wait3A_70 = tpu.memref_slice %arg17[%add3A_11, %dma_wait3A_69] : memref<10112x80xf32, #tpu.memory_space<vmem_shared>> -> memref<128x80xf32, #tpu.memory_space<vmem_shared>>
      tpu.wait_dma2 semaphore(%run_scoped3A : memref<!tpu.dma_semaphore, #tpu.memory_space<semaphore_mem>>) src(%arg12 : memref<128x80xf32, #tpu.memory_space<vmem>>) dst(%dma_wait3A_70 : memref<128x80xf32, #tpu.memory_space<vmem_shared>>)
      tpu.yield
    }) : () -> ()
    %add3A_12 = arith.constant 128 : i32
    %add3A_13 = arith.addi %mul3A_9, %add3A_12 : i32
    "tpu.region"() ({
      %run_scoped3A = tpu.sem_alloc : memref<!tpu.dma_semaphore, #tpu.memory_space<semaphore_mem>>
      %dma_start3A_63 = arith.constant 0 : i32
      %dma_start3A_64 = tpu.memref_slice %arg17[%add3A_13, %dma_start3A_63] : memref<10112x80xf32, #tpu.memory_space<vmem_shared>> -> memref<128x80xf32, #tpu.memory_space<vmem_shared>>
      %dma_start3A_65 = arith.constant 0 : i32
      %dma_start3A_66 = tpu.memref_slice %arg17[%add3A_13, %dma_start3A_65] : memref<10112x80xf32, #tpu.memory_space<vmem_shared>> -> memref<128x80xf32, #tpu.memory_space<vmem_shared>>
      tpu.enqueue_dma source(%arg12 : memref<128x80xf32, #tpu.memory_space<vmem>>) target(%dma_start3A_66 : memref<128x80xf32, #tpu.memory_space<vmem_shared>>) target_semaphore(%run_scoped3A : memref<!tpu.dma_semaphore, #tpu.memory_space<semaphore_mem>>)
      %dma_wait3A_67 = arith.constant 0 : i32
      %dma_wait3A_68 = tpu.memref_slice %arg17[%add3A_13, %dma_wait3A_67] : memref<10112x80xf32, #tpu.memory_space<vmem_shared>> -> memref<128x80xf32, #tpu.memory_space<vmem_shared>>
      %dma_wait3A_69 = arith.constant 0 : i32
      %dma_wait3A_70 = tpu.memref_slice %arg17[%add3A_13, %dma_wait3A_69] : memref<10112x80xf32, #tpu.memory_space<vmem_shared>> -> memref<128x80xf32, #tpu.memory_space<vmem_shared>>
      tpu.wait_dma2 semaphore(%run_scoped3A : memref<!tpu.dma_semaphore, #tpu.memory_space<semaphore_mem>>) src(%arg12 : memref<128x80xf32, #tpu.memory_space<vmem>>) dst(%dma_wait3A_70 : memref<128x80xf32, #tpu.memory_space<vmem_shared>>)
      tpu.yield
    }) : () -> ()
    %add3A_14 = arith.constant 256 : i32
    %add3A_15 = arith.addi %mul3A_9, %add3A_14 : i32
    "tpu.region"() ({
      %run_scoped3A = tpu.sem_alloc : memref<!tpu.dma_semaphore, #tpu.memory_space<semaphore_mem>>
      %dma_start3A_63 = arith.constant 0 : i32
      %dma_start3A_64 = tpu.memref_slice %arg17[%add3A_15, %dma_start3A_63] : memref<10112x80xf32, #tpu.memory_space<vmem_shared>> -> memref<128x80xf32, #tpu.memory_space<vmem_shared>>
      %dma_start3A_65 = arith.constant 0 : i32
      %dma_start3A_66 = tpu.memref_slice %arg17[%add3A_15, %dma_start3A_65] : memref<10112x80xf32, #tpu.memory_space<vmem_shared>> -> memref<128x80xf32, #tpu.memory_space<vmem_shared>>
      tpu.enqueue_dma source(%arg12 : memref<128x80xf32, #tpu.memory_space<vmem>>) target(%dma_start3A_66 : memref<128x80xf32, #tpu.memory_space<vmem_shared>>) target_semaphore(%run_scoped3A : memref<!tpu.dma_semaphore, #tpu.memory_space<semaphore_mem>>)
      %dma_wait3A_67 = arith.constant 0 : i32
      %dma_wait3A_68 = tpu.memref_slice %arg17[%add3A_15, %dma_wait3A_67] : memref<10112x80xf32, #tpu.memory_space<vmem_shared>> -> memref<128x80xf32, #tpu.memory_space<vmem_shared>>
      %dma_wait3A_69 = arith.constant 0 : i32
      %dma_wait3A_70 = tpu.memref_slice %arg17[%add3A_15, %dma_wait3A_69] : memref<10112x80xf32, #tpu.memory_space<vmem_shared>> -> memref<128x80xf32, #tpu.memory_space<vmem_shared>>
      tpu.wait_dma2 semaphore(%run_scoped3A : memref<!tpu.dma_semaphore, #tpu.memory_space<semaphore_mem>>) src(%arg12 : memref<128x80xf32, #tpu.memory_space<vmem>>) dst(%dma_wait3A_70 : memref<128x80xf32, #tpu.memory_space<vmem_shared>>)
      tpu.yield
    }) : () -> ()
    %add3A_16 = arith.constant 384 : i32
    %add3A_17 = arith.addi %mul3A_9, %add3A_16 : i32
    "tpu.region"() ({
      %run_scoped3A = tpu.sem_alloc : memref<!tpu.dma_semaphore, #tpu.memory_space<semaphore_mem>>
      %dma_start3A_63 = arith.constant 0 : i32
      %dma_start3A_64 = tpu.memref_slice %arg17[%add3A_17, %dma_start3A_63] : memref<10112x80xf32, #tpu.memory_space<vmem_shared>> -> memref<128x80xf32, #tpu.memory_space<vmem_shared>>
      %dma_start3A_65 = arith.constant 0 : i32
      %dma_start3A_66 = tpu.memref_slice %arg17[%add3A_17, %dma_start3A_65] : memref<10112x80xf32, #tpu.memory_space<vmem_shared>> -> memref<128x80xf32, #tpu.memory_space<vmem_shared>>
      tpu.enqueue_dma source(%arg12 : memref<128x80xf32, #tpu.memory_space<vmem>>) target(%dma_start3A_66 : memref<128x80xf32, #tpu.memory_space<vmem_shared>>) target_semaphore(%run_scoped3A : memref<!tpu.dma_semaphore, #tpu.memory_space<semaphore_mem>>)
      %dma_wait3A_67 = arith.constant 0 : i32
      %dma_wait3A_68 = tpu.memref_slice %arg17[%add3A_17, %dma_wait3A_67] : memref<10112x80xf32, #tpu.memory_space<vmem_shared>> -> memref<128x80xf32, #tpu.memory_space<vmem_shared>>
      %dma_wait3A_69 = arith.constant 0 : i32
      %dma_wait3A_70 = tpu.memref_slice %arg17[%add3A_17, %dma_wait3A_69] : memref<10112x80xf32, #tpu.memory_space<vmem_shared>> -> memref<128x80xf32, #tpu.memory_space<vmem_shared>>
      tpu.wait_dma2 semaphore(%run_scoped3A : memref<!tpu.dma_semaphore, #tpu.memory_space<semaphore_mem>>) src(%arg12 : memref<128x80xf32, #tpu.memory_space<vmem>>) dst(%dma_wait3A_70 : memref<128x80xf32, #tpu.memory_space<vmem_shared>>)
      tpu.yield
    }) : () -> ()
    %add3A_18 = arith.constant 512 : i32
    %add3A_19 = arith.addi %mul3A_9, %add3A_18 : i32
    "tpu.region"() ({
      %run_scoped3A = tpu.sem_alloc : memref<!tpu.dma_semaphore, #tpu.memory_space<semaphore_mem>>
      %dma_start3A_63 = arith.constant 0 : i32
      %dma_start3A_64 = arith.constant 0 : i32
      %dma_start3A_65 = tpu.memref_slice %arg12[%dma_start3A_63, %dma_start3A_64] : memref<128x80xf32, #tpu.memory_space<vmem>> -> memref<120x80xf32, #tpu.memory_space<vmem>>
      %dma_start3A_66 = arith.constant 0 : i32
      %dma_start3A_67 = tpu.memref_slice %arg17[%add3A_19, %dma_start3A_66] : memref<10112x80xf32, #tpu.memory_space<vmem_shared>> -> memref<120x80xf32, #tpu.memory_space<vmem_shared>>
      %dma_start3A_68 = arith.constant 0 : i32
      %dma_start3A_69 = tpu.memref_slice %arg17[%add3A_19, %dma_start3A_68] : memref<10112x80xf32, #tpu.memory_space<vmem_shared>> -> memref<120x80xf32, #tpu.memory_space<vmem_shared>>
      %dma_start3A_70 = arith.constant 0 : i32
      %dma_start3A_71 = arith.constant 0 : i32
      %dma_start3A_72 = tpu.memref_slice %arg12[%dma_start3A_70, %dma_start3A_71] : memref<128x80xf32, #tpu.memory_space<vmem>> -> memref<120x80xf32, #tpu.memory_space<vmem>>
      tpu.enqueue_dma source(%dma_start3A_72 : memref<120x80xf32, #tpu.memory_space<vmem>>) target(%dma_start3A_69 : memref<120x80xf32, #tpu.memory_space<vmem_shared>>) target_semaphore(%run_scoped3A : memref<!tpu.dma_semaphore, #tpu.memory_space<semaphore_mem>>)
      %dma_wait3A_73 = arith.constant 0 : i32
      %dma_wait3A_74 = arith.constant 0 : i32
      %dma_wait3A_75 = tpu.memref_slice %arg12[%dma_wait3A_73, %dma_wait3A_74] : memref<128x80xf32, #tpu.memory_space<vmem>> -> memref<120x80xf32, #tpu.memory_space<vmem>>
      %dma_wait3A_76 = arith.constant 0 : i32
      %dma_wait3A_77 = tpu.memref_slice %arg17[%add3A_19, %dma_wait3A_76] : memref<10112x80xf32, #tpu.memory_space<vmem_shared>> -> memref<120x80xf32, #tpu.memory_space<vmem_shared>>
      %dma_wait3A_78 = arith.constant 0 : i32
      %dma_wait3A_79 = tpu.memref_slice %arg17[%add3A_19, %dma_wait3A_78] : memref<10112x80xf32, #tpu.memory_space<vmem_shared>> -> memref<120x80xf32, #tpu.memory_space<vmem_shared>>
      %dma_wait3A_80 = arith.constant 0 : i32
      %dma_wait3A_81 = arith.constant 0 : i32
      %dma_wait3A_82 = tpu.memref_slice %arg12[%dma_wait3A_80, %dma_wait3A_81] : memref<128x80xf32, #tpu.memory_space<vmem>> -> memref<120x80xf32, #tpu.memory_space<vmem>>
      tpu.wait_dma2 semaphore(%run_scoped3A : memref<!tpu.dma_semaphore, #tpu.memory_space<semaphore_mem>>) src(%dma_wait3A_82 : memref<120x80xf32, #tpu.memory_space<vmem>>) dst(%dma_wait3A_79 : memref<120x80xf32, #tpu.memory_space<vmem_shared>>)
      tpu.yield
    }) : () -> ()
    %barrier3A = arith.constant 0 : index
    tpu.barrier barrier_id(%barrier3A)
    %dma_start3A = arith.constant 0 : i32
    %dma_start3A_20 = arith.constant 0 : i32
    %dma_start3A_21 = tpu.memref_slice %arg14[%dma_start3A, %dma_start3A_20] : memref<82x128xi32, #tpu.memory_space<vmem>> -> memref<1x128xi32, #tpu.memory_space<vmem>>
    %dma_start3A_22 = tpu.memref_squeeze %dma_start3A_21 : memref<1x128xi32, #tpu.memory_space<vmem>> -> memref<128xi32, #tpu.memory_space<vmem>>
    %dma_start3A_23 = arith.constant 0 : i32
    %dma_start3A_24 = arith.constant 0 : i32
    %dma_start3A_25 = tpu.memref_slice %arg2[%dma_start3A_23, %dma_start3A_24] : memref<10112x80xf32, #tpu.memory_space<hbm>> -> memref<10112x80xf32, #tpu.memory_space<hbm>>
    tpu.enqueue_indirect_dma source(%dma_start3A_25 : memref<10112x80xf32, #tpu.memory_space<hbm>>) target(%arg8 : memref<128x80xf32, #tpu.memory_space<vmem>>) offsets(%dma_start3A_22 : memref<128xi32, #tpu.memory_space<vmem>>) semaphore(%arg19 : memref<!tpu.dma_semaphore, #tpu.memory_space<semaphore_mem>>)
    %dma_start3A_26 = arith.constant 0 : i32
    %dma_start3A_27 = arith.constant 0 : i32
    %dma_start3A_28 = tpu.memref_slice %arg15[%dma_start3A_26, %dma_start3A_27] : memref<82x128xi32, #tpu.memory_space<vmem>> -> memref<1x128xi32, #tpu.memory_space<vmem>>
    %dma_start3A_29 = tpu.memref_squeeze %dma_start3A_28 : memref<1x128xi32, #tpu.memory_space<vmem>> -> memref<128xi32, #tpu.memory_space<vmem>>
    %dma_start3A_30 = arith.constant 0 : i32
    %dma_start3A_31 = arith.constant 0 : i32
    %dma_start3A_32 = tpu.memref_slice %arg18[%dma_start3A_30, %dma_start3A_31] : memref<10112x16xf32, #tpu.memory_space<vmem_shared>> -> memref<10112x16xf32, #tpu.memory_space<vmem_shared>>
    tpu.enqueue_indirect_dma source(%dma_start3A_32 : memref<10112x16xf32, #tpu.memory_space<vmem_shared>>) target(%arg10 : memref<128x16xf32, #tpu.memory_space<vmem>>) offsets(%dma_start3A_29 : memref<128xi32, #tpu.memory_space<vmem>>) semaphore(%arg21 : memref<!tpu.dma_semaphore, #tpu.memory_space<semaphore_mem>>)
    %scan3A_33 = arith.constant 0 : i32
    %scan3A_34 = arith.constant 0 : i32
    %scan3A_35 = arith.constant 41 : i32
    %scan3A_36 = arith.addi %scan3A_34, %scan3A_35 : i32
    %scan3A_37 = arith.constant 1 : i32
    scf.for %scan3A_63 = %scan3A_34 to %scan3A_36 step %scan3A_37  : i32 {
      %mul3A_64 = arith.constant 2 : i32
      %mul3A_65 = arith.muli %mul3A_64, %scan3A_63 : i32
      %add3A_66 = arith.constant 0 : i32
      %add3A_67 = arith.addi %mul3A_65, %add3A_66 : i32
      %dma_wait3A_68 = arith.constant 0 : i32
      %dma_wait3A_69 = tpu.memref_slice %arg14[%add3A_67, %dma_wait3A_68] : memref<82x128xi32, #tpu.memory_space<vmem>> -> memref<1x128xi32, #tpu.memory_space<vmem>>
      %dma_wait3A_70 = tpu.memref_squeeze %dma_wait3A_69 : memref<1x128xi32, #tpu.memory_space<vmem>> -> memref<128xi32, #tpu.memory_space<vmem>>
      %dma_wait3A_71 = arith.constant 0 : i32
      %dma_wait3A_72 = arith.constant 0 : i32
      %dma_wait3A_73 = tpu.memref_slice %arg2[%dma_wait3A_71, %dma_wait3A_72] : memref<10112x80xf32, #tpu.memory_space<hbm>> -> memref<10112x80xf32, #tpu.memory_space<hbm>>
      tpu.wait_indirect_dma semaphore(%arg19 : memref<!tpu.dma_semaphore, #tpu.memory_space<semaphore_mem>>) src(%dma_wait3A_73 : memref<10112x80xf32, #tpu.memory_space<hbm>>) dst(%arg8 : memref<128x80xf32, #tpu.memory_space<vmem>>)
      %dma_wait3A_74 = arith.constant 0 : i32
      %dma_wait3A_75 = tpu.memref_slice %arg15[%add3A_67, %dma_wait3A_74] : memref<82x128xi32, #tpu.memory_space<vmem>> -> memref<1x128xi32, #tpu.memory_space<vmem>>
      %dma_wait3A_76 = tpu.memref_squeeze %dma_wait3A_75 : memref<1x128xi32, #tpu.memory_space<vmem>> -> memref<128xi32, #tpu.memory_space<vmem>>
      %dma_wait3A_77 = arith.constant 0 : i32
      %dma_wait3A_78 = arith.constant 0 : i32
      %dma_wait3A_79 = tpu.memref_slice %arg18[%dma_wait3A_77, %dma_wait3A_78] : memref<10112x16xf32, #tpu.memory_space<vmem_shared>> -> memref<10112x16xf32, #tpu.memory_space<vmem_shared>>
      tpu.wait_indirect_dma semaphore(%arg21 : memref<!tpu.dma_semaphore, #tpu.memory_space<semaphore_mem>>) src(%dma_wait3A_79 : memref<10112x16xf32, #tpu.memory_space<vmem_shared>>) dst(%arg10 : memref<128x16xf32, #tpu.memory_space<vmem>>)
      %add3A_80 = arith.constant 1 : i32
      %add3A_81 = arith.addi %add3A_67, %add3A_80 : i32
      %dma_start3A_82 = arith.constant 0 : i32
      %dma_start3A_83 = tpu.memref_slice %arg14[%add3A_81, %dma_start3A_82] : memref<82x128xi32, #tpu.memory_space<vmem>> -> memref<1x128xi32, #tpu.memory_space<vmem>>
      %dma_start3A_84 = tpu.memref_squeeze %dma_start3A_83 : memref<1x128xi32, #tpu.memory_space<vmem>> -> memref<128xi32, #tpu.memory_space<vmem>>
      %dma_start3A_85 = arith.constant 0 : i32
      %dma_start3A_86 = arith.constant 0 : i32
      %dma_start3A_87 = tpu.memref_slice %arg2[%dma_start3A_85, %dma_start3A_86] : memref<10112x80xf32, #tpu.memory_space<hbm>> -> memref<10112x80xf32, #tpu.memory_space<hbm>>
      tpu.enqueue_indirect_dma source(%dma_start3A_87 : memref<10112x80xf32, #tpu.memory_space<hbm>>) target(%arg9 : memref<128x80xf32, #tpu.memory_space<vmem>>) offsets(%dma_start3A_84 : memref<128xi32, #tpu.memory_space<vmem>>) semaphore(%arg20 : memref<!tpu.dma_semaphore, #tpu.memory_space<semaphore_mem>>)
      %dma_start3A_88 = arith.constant 0 : i32
      %dma_start3A_89 = tpu.memref_slice %arg15[%add3A_81, %dma_start3A_88] : memref<82x128xi32, #tpu.memory_space<vmem>> -> memref<1x128xi32, #tpu.memory_space<vmem>>
      %dma_start3A_90 = tpu.memref_squeeze %dma_start3A_89 : memref<1x128xi32, #tpu.memory_space<vmem>> -> memref<128xi32, #tpu.memory_space<vmem>>
      %dma_start3A_91 = arith.constant 0 : i32
      %dma_start3A_92 = arith.constant 0 : i32
      %dma_start3A_93 = tpu.memref_slice %arg18[%dma_start3A_91, %dma_start3A_92] : memref<10112x16xf32, #tpu.memory_space<vmem_shared>> -> memref<10112x16xf32, #tpu.memory_space<vmem_shared>>
      tpu.enqueue_indirect_dma source(%dma_start3A_93 : memref<10112x16xf32, #tpu.memory_space<vmem_shared>>) target(%arg11 : memref<128x16xf32, #tpu.memory_space<vmem>>) offsets(%dma_start3A_90 : memref<128xi32, #tpu.memory_space<vmem>>) semaphore(%arg22 : memref<!tpu.dma_semaphore, #tpu.memory_space<semaphore_mem>>)
      %gt3A = arith.constant 0 : i32
      %gt3A_94 = arith.cmpi sgt, %scan3A_63, %gt3A : i32
      %convert_element_type3A = arith.extui %gt3A_94 : i1 to i32
      %cond3A = arith.constant 0 : i32
      %cond3A_95 = arith.cmpi ne, %convert_element_type3A, %cond3A : i32
      scf.if %cond3A_95 {
        %dma_wait3A_144 = arith.constant 0 : i32
        %dma_wait3A_145 = tpu.memref_slice %arg15[%add3A_67, %dma_wait3A_144] : memref<82x128xi32, #tpu.memory_space<vmem>> -> memref<1x128xi32, #tpu.memory_space<vmem>>
        %dma_wait3A_146 = tpu.memref_squeeze %dma_wait3A_145 : memref<1x128xi32, #tpu.memory_space<vmem>> -> memref<128xi32, #tpu.memory_space<vmem>>
        %dma_wait3A_147 = arith.constant 0 : i32
        %dma_wait3A_148 = arith.constant 0 : i32
        %dma_wait3A_149 = tpu.memref_slice %arg17[%dma_wait3A_147, %dma_wait3A_148] : memref<10112x80xf32, #tpu.memory_space<vmem_shared>> -> memref<10112x80xf32, #tpu.memory_space<vmem_shared>>
        tpu.wait_indirect_dma semaphore(%arg23 : memref<!tpu.dma_semaphore, #tpu.memory_space<semaphore_mem>>) src(%arg12 : memref<128x80xf32, #tpu.memory_space<vmem>>) dst(%dma_wait3A_149 : memref<10112x80xf32, #tpu.memory_space<vmem_shared>>)
      } else {
      }
      %get3A = arith.constant 0 : index
      %get3A_96 = tpu.vector_load %arg16[%get3A] {strides = array<i32>} : memref<16xf32, #tpu.memory_space<vmem>>, vector<16xf32>,
      %get3A_97 = vector.shape_cast %get3A_96 : vector<16xf32> to vector<16xf32>
      %iota3A = tpu.iota {dimensions = array<i32: 0>} : vector<16xi32>
      %parallel_loop3A = arith.constant 0 : i32
      %parallel_loop3A_98 = arith.constant 128 : i32
      %parallel_loop3A_99 = arith.constant 1 : i32
      scf.for %parallel_loop3A_144 = %parallel_loop3A to %parallel_loop3A_98 step %parallel_loop3A_99  : i32 {
        %parallel_loop3A_145 = arith.index_cast %parallel_loop3A_144 : i32 to index
        %parallel_loop3A_146 = arith.constant 64 : index
        %parallel_loop3A_147 = tpu.vector_load %arg8[%parallel_loop3A_145, %parallel_loop3A_146] {strides = array<i32>} : memref<128x80xf32, #tpu.memory_space<vmem>>, vector<1x16xf32>,
        %parallel_loop3A_148 = vector.shape_cast %parallel_loop3A_147 : vector<1x16xf32> to vector<16xf32>
        %parallel_loop3A_149 = arith.index_cast %parallel_loop3A_144 : i32 to index
        %parallel_loop3A_150 = arith.constant 0 : index
        %parallel_loop3A_151 = tpu.vector_load %arg10[%parallel_loop3A_149, %parallel_loop3A_150] {strides = array<i32>} : memref<128x16xf32, #tpu.memory_space<vmem>>, vector<1x16xf32>,
        %parallel_loop3A_152 = vector.shape_cast %parallel_loop3A_151 : vector<1x16xf32> to vector<16xf32>
        %parallel_loop3A_153 = arith.addf %parallel_loop3A_148, %parallel_loop3A_152 : vector<16xf32>
        %parallel_loop3A_154 = arith.constant 2.000000e-01 : f32
        %parallel_loop3A_155 = vector.broadcast %parallel_loop3A_154 : f32 to vector<16xf32>
        %parallel_loop3A_156 = arith.mulf %parallel_loop3A_155, %parallel_loop3A_153 : vector<16xf32>
        %parallel_loop3A_157 = arith.maximumf %parallel_loop3A_153, %parallel_loop3A_156 : vector<16xf32>
        %parallel_loop3A_158 = arith.subf %parallel_loop3A_157, %get3A_97 : vector<16xf32>
        %parallel_loop3A_159 = math.exp %parallel_loop3A_158 : vector<16xf32>
        %parallel_loop3A_160 = arith.index_cast %parallel_loop3A_144 : i32 to index
        %parallel_loop3A_161 = arith.constant 64 : index
        %parallel_loop3A_162 = tpu.vector_load %arg12[%parallel_loop3A_160, %parallel_loop3A_161] {strides = array<i32>} : memref<128x80xf32, #tpu.memory_space<vmem>>, vector<1x16xf32>,
        %parallel_loop3A_163 = vector.shape_cast %parallel_loop3A_162 : vector<1x16xf32> to vector<16xf32>
        %parallel_loop3A_164 = vector.shape_cast %parallel_loop3A_159 : vector<16xf32> to vector<1x16xf32>
        tpu.vector_store %arg12[%parallel_loop3A_160, %parallel_loop3A_161], %parallel_loop3A_164 {strides = array<i32>} : memref<128x80xf32, #tpu.memory_space<vmem>>, vector<1x16xf32>,
        %parallel_loop3A_165 = vector.extract_strided_slice %parallel_loop3A_159 {offsets = [0], sizes = [1], strides = [1]} : vector<16xf32> to vector<1xf32>
        %parallel_loop3A_166 = vector.extract %parallel_loop3A_165[0] : f32 from vector<1xf32>
        %parallel_loop3A_167 = vector.broadcast %parallel_loop3A_166 : f32 to vector<16xf32>
        %parallel_loop3A_168 = arith.index_cast %parallel_loop3A_144 : i32 to index
        %parallel_loop3A_169 = arith.constant 0 : index
        %parallel_loop3A_170 = tpu.vector_load %arg8[%parallel_loop3A_168, %parallel_loop3A_169] {strides = array<i32>} : memref<128x80xf32, #tpu.memory_space<vmem>>, vector<1x16xf32>,
        %parallel_loop3A_171 = vector.shape_cast %parallel_loop3A_170 : vector<1x16xf32> to vector<16xf32>
        %parallel_loop3A_172 = arith.mulf %parallel_loop3A_171, %parallel_loop3A_167 : vector<16xf32>
        %parallel_loop3A_173 = arith.index_cast %parallel_loop3A_144 : i32 to index
        %parallel_loop3A_174 = arith.constant 0 : index
        %parallel_loop3A_175 = tpu.vector_load %arg12[%parallel_loop3A_173, %parallel_loop3A_174] {strides = array<i32>} : memref<128x80xf32, #tpu.memory_space<vmem>>, vector<1x16xf32>,
        %parallel_loop3A_176 = vector.shape_cast %parallel_loop3A_175 : vector<1x16xf32> to vector<16xf32>
        %parallel_loop3A_177 = vector.shape_cast %parallel_loop3A_172 : vector<16xf32> to vector<1x16xf32>
        tpu.vector_store %arg12[%parallel_loop3A_173, %parallel_loop3A_174], %parallel_loop3A_177 {strides = array<i32>} : memref<128x80xf32, #tpu.memory_space<vmem>>, vector<1x16xf32>,
        %parallel_loop3A_178 = vector.extract_strided_slice %parallel_loop3A_159 {offsets = [0], sizes = [1], strides = [1]} : vector<16xf32> to vector<1xf32>
        %parallel_loop3A_179 = vector.extract %parallel_loop3A_178[0] : f32 from vector<1xf32>
        %parallel_loop3A_180 = vector.broadcast %parallel_loop3A_179 : f32 to vector<16xf32>
        %parallel_loop3A_181 = arith.index_cast %parallel_loop3A_144 : i32 to index
        %parallel_loop3A_182 = arith.constant 16 : index
        %parallel_loop3A_183 = tpu.vector_load %arg8[%parallel_loop3A_181, %parallel_loop3A_182] {strides = array<i32>} : memref<128x80xf32, #tpu.memory_space<vmem>>, vector<1x16xf32>,
        %parallel_loop3A_184 = vector.shape_cast %parallel_loop3A_183 : vector<1x16xf32> to vector<16xf32>
        %parallel_loop3A_185 = arith.mulf %parallel_loop3A_184, %parallel_loop3A_180 : vector<16xf32>
        %parallel_loop3A_186 = arith.index_cast %parallel_loop3A_144 : i32 to index
        %parallel_loop3A_187 = arith.constant 16 : index
        %parallel_loop3A_188 = tpu.vector_load %arg12[%parallel_loop3A_186, %parallel_loop3A_187] {strides = array<i32>} : memref<128x80xf32, #tpu.memory_space<vmem>>, vector<1x16xf32>,
        %parallel_loop3A_189 = vector.shape_cast %parallel_loop3A_188 : vector<1x16xf32> to vector<16xf32>
        %parallel_loop3A_190 = vector.shape_cast %parallel_loop3A_185 : vector<16xf32> to vector<1x16xf32>
        tpu.vector_store %arg12[%parallel_loop3A_186, %parallel_loop3A_187], %parallel_loop3A_190 {strides = array<i32>} : memref<128x80xf32, #tpu.memory_space<vmem>>, vector<1x16xf32>,
        %parallel_loop3A_191 = vector.extract_strided_slice %parallel_loop3A_159 {offsets = [0], sizes = [1], strides = [1]} : vector<16xf32> to vector<1xf32>
        %parallel_loop3A_192 = vector.extract %parallel_loop3A_191[0] : f32 from vector<1xf32>
        %parallel_loop3A_193 = vector.broadcast %parallel_loop3A_192 : f32 to vector<16xf32>
        %parallel_loop3A_194 = arith.index_cast %parallel_loop3A_144 : i32 to index
        %parallel_loop3A_195 = arith.constant 32 : index
        %parallel_loop3A_196 = tpu.vector_load %arg8[%parallel_loop3A_194, %parallel_loop3A_195] {strides = array<i32>} : memref<128x80xf32, #tpu.memory_space<vmem>>, vector<1x16xf32>,
        %parallel_loop3A_197 = vector.shape_cast %parallel_loop3A_196 : vector<1x16xf32> to vector<16xf32>
        %parallel_loop3A_198 = arith.mulf %parallel_loop3A_197, %parallel_loop3A_193 : vector<16xf32>
        %parallel_loop3A_199 = arith.index_cast %parallel_loop3A_144 : i32 to index
        %parallel_loop3A_200 = arith.constant 32 : index
        %parallel_loop3A_201 = tpu.vector_load %arg12[%parallel_loop3A_199, %parallel_loop3A_200] {strides = array<i32>} : memref<128x80xf32, #tpu.memory_space<vmem>>, vector<1x16xf32>,
        %parallel_loop3A_202 = vector.shape_cast %parallel_loop3A_201 : vector<1x16xf32> to vector<16xf32>
        %parallel_loop3A_203 = vector.shape_cast %parallel_loop3A_198 : vector<16xf32> to vector<1x16xf32>
        tpu.vector_store %arg12[%parallel_loop3A_199, %parallel_loop3A_200], %parallel_loop3A_203 {strides = array<i32>} : memref<128x80xf32, #tpu.memory_space<vmem>>, vector<1x16xf32>,
        %parallel_loop3A_204 = vector.extract_strided_slice %parallel_loop3A_159 {offsets = [0], sizes = [1], strides = [1]} : vector<16xf32> to vector<1xf32>
        %parallel_loop3A_205 = vector.extract %parallel_loop3A_204[0] : f32 from vector<1xf32>
        %parallel_loop3A_206 = vector.broadcast %parallel_loop3A_205 : f32 to vector<16xf32>
        %parallel_loop3A_207 = arith.index_cast %parallel_loop3A_144 : i32 to index
        %parallel_loop3A_208 = arith.constant 48 : index
        %parallel_loop3A_209 = tpu.vector_load %arg8[%parallel_loop3A_207, %parallel_loop3A_208] {strides = array<i32>} : memref<128x80xf32, #tpu.memory_space<vmem>>, vector<1x16xf32>,
        %parallel_loop3A_210 = vector.shape_cast %parallel_loop3A_209 : vector<1x16xf32> to vector<16xf32>
        %parallel_loop3A_211 = arith.mulf %parallel_loop3A_210, %parallel_loop3A_206 : vector<16xf32>
        %parallel_loop3A_212 = arith.index_cast %parallel_loop3A_144 : i32 to index
        %parallel_loop3A_213 = arith.constant 48 : index
        %parallel_loop3A_214 = tpu.vector_load %arg12[%parallel_loop3A_212, %parallel_loop3A_213] {strides = array<i32>} : memref<128x80xf32, #tpu.memory_space<vmem>>, vector<1x16xf32>,
        %parallel_loop3A_215 = vector.shape_cast %parallel_loop3A_214 : vector<1x16xf32> to vector<16xf32>
        %parallel_loop3A_216 = vector.shape_cast %parallel_loop3A_211 : vector<16xf32> to vector<1x16xf32>
        tpu.vector_store %arg12[%parallel_loop3A_212, %parallel_loop3A_213], %parallel_loop3A_216 {strides = array<i32>} : memref<128x80xf32, #tpu.memory_space<vmem>>, vector<1x16xf32>,
      } {sc.loop_unroll_factor = 4 : i64, sc.parallel_access}
      %dma_start3A_100 = arith.constant 0 : i32
      %dma_start3A_101 = tpu.memref_slice %arg15[%add3A_67, %dma_start3A_100] : memref<82x128xi32, #tpu.memory_space<vmem>> -> memref<1x128xi32, #tpu.memory_space<vmem>>
      %dma_start3A_102 = tpu.memref_squeeze %dma_start3A_101 : memref<1x128xi32, #tpu.memory_space<vmem>> -> memref<128xi32, #tpu.memory_space<vmem>>
      %dma_start3A_103 = arith.constant 0 : i32
      %dma_start3A_104 = arith.constant 0 : i32
      %dma_start3A_105 = tpu.memref_slice %arg17[%dma_start3A_103, %dma_start3A_104] : memref<10112x80xf32, #tpu.memory_space<vmem_shared>> -> memref<10112x80xf32, #tpu.memory_space<vmem_shared>>
      tpu.enqueue_indirect_dma source(%arg12 : memref<128x80xf32, #tpu.memory_space<vmem>>) target(%dma_start3A_105 : memref<10112x80xf32, #tpu.memory_space<vmem_shared>>) offsets(%dma_start3A_102 : memref<128xi32, #tpu.memory_space<vmem>>) semaphore(%arg23 : memref<!tpu.dma_semaphore, #tpu.memory_space<semaphore_mem>>) {add = true}
      %mul3A_106 = arith.constant 2 : i32
      %mul3A_107 = arith.muli %mul3A_106, %scan3A_63 : i32
      %add3A_108 = arith.constant 1 : i32
      %add3A_109 = arith.addi %mul3A_107, %add3A_108 : i32
      %dma_wait3A_110 = arith.constant 0 : i32
      %dma_wait3A_111 = tpu.memref_slice %arg14[%add3A_109, %dma_wait3A_110] : memref<82x128xi32, #tpu.memory_space<vmem>> -> memref<1x128xi32, #tpu.memory_space<vmem>>
      %dma_wait3A_112 = tpu.memref_squeeze %dma_wait3A_111 : memref<1x128xi32, #tpu.memory_space<vmem>> -> memref<128xi32, #tpu.memory_space<vmem>>
      %dma_wait3A_113 = arith.constant 0 : i32
      %dma_wait3A_114 = arith.constant 0 : i32
      %dma_wait3A_115 = tpu.memref_slice %arg2[%dma_wait3A_113, %dma_wait3A_114] : memref<10112x80xf32, #tpu.memory_space<hbm>> -> memref<10112x80xf32, #tpu.memory_space<hbm>>
      tpu.wait_indirect_dma semaphore(%arg20 : memref<!tpu.dma_semaphore, #tpu.memory_space<semaphore_mem>>) src(%dma_wait3A_115 : memref<10112x80xf32, #tpu.memory_space<hbm>>) dst(%arg9 : memref<128x80xf32, #tpu.memory_space<vmem>>)
      %dma_wait3A_116 = arith.constant 0 : i32
      %dma_wait3A_117 = tpu.memref_slice %arg15[%add3A_109, %dma_wait3A_116] : memref<82x128xi32, #tpu.memory_space<vmem>> -> memref<1x128xi32, #tpu.memory_space<vmem>>
      %dma_wait3A_118 = tpu.memref_squeeze %dma_wait3A_117 : memref<1x128xi32, #tpu.memory_space<vmem>> -> memref<128xi32, #tpu.memory_space<vmem>>
      %dma_wait3A_119 = arith.constant 0 : i32
      %dma_wait3A_120 = arith.constant 0 : i32
      %dma_wait3A_121 = tpu.memref_slice %arg18[%dma_wait3A_119, %dma_wait3A_120] : memref<10112x16xf32, #tpu.memory_space<vmem_shared>> -> memref<10112x16xf32, #tpu.memory_space<vmem_shared>>
      tpu.wait_indirect_dma semaphore(%arg22 : memref<!tpu.dma_semaphore, #tpu.memory_space<semaphore_mem>>) src(%dma_wait3A_121 : memref<10112x16xf32, #tpu.memory_space<vmem_shared>>) dst(%arg11 : memref<128x16xf32, #tpu.memory_space<vmem>>)
      %lt3A = arith.constant 40 : i32
      %lt3A_122 = arith.cmpi slt, %scan3A_63, %lt3A : i32
      %convert_element_type3A_123 = arith.extui %lt3A_122 : i1 to i32
      %cond3A_124 = arith.constant 0 : i32
      %cond3A_125 = arith.cmpi ne, %convert_element_type3A_123, %cond3A_124 : i32
      scf.if %cond3A_125 {
        %add3A_144 = arith.constant 1 : i32
        %add3A_145 = arith.addi %add3A_109, %add3A_144 : i32
        %dma_start3A_146 = arith.constant 0 : i32
        %dma_start3A_147 = tpu.memref_slice %arg14[%add3A_145, %dma_start3A_146] : memref<82x128xi32, #tpu.memory_space<vmem>> -> memref<1x128xi32, #tpu.memory_space<vmem>>
        %dma_start3A_148 = tpu.memref_squeeze %dma_start3A_147 : memref<1x128xi32, #tpu.memory_space<vmem>> -> memref<128xi32, #tpu.memory_space<vmem>>
        %dma_start3A_149 = arith.constant 0 : i32
        %dma_start3A_150 = arith.constant 0 : i32
        %dma_start3A_151 = tpu.memref_slice %arg2[%dma_start3A_149, %dma_start3A_150] : memref<10112x80xf32, #tpu.memory_space<hbm>> -> memref<10112x80xf32, #tpu.memory_space<hbm>>
        tpu.enqueue_indirect_dma source(%dma_start3A_151 : memref<10112x80xf32, #tpu.memory_space<hbm>>) target(%arg8 : memref<128x80xf32, #tpu.memory_space<vmem>>) offsets(%dma_start3A_148 : memref<128xi32, #tpu.memory_space<vmem>>) semaphore(%arg19 : memref<!tpu.dma_semaphore, #tpu.memory_space<semaphore_mem>>)
        %dma_start3A_152 = arith.constant 0 : i32
        %dma_start3A_153 = tpu.memref_slice %arg15[%add3A_145, %dma_start3A_152] : memref<82x128xi32, #tpu.memory_space<vmem>> -> memref<1x128xi32, #tpu.memory_space<vmem>>
        %dma_start3A_154 = tpu.memref_squeeze %dma_start3A_153 : memref<1x128xi32, #tpu.memory_space<vmem>> -> memref<128xi32, #tpu.memory_space<vmem>>
        %dma_start3A_155 = arith.constant 0 : i32
        %dma_start3A_156 = arith.constant 0 : i32
        %dma_start3A_157 = tpu.memref_slice %arg18[%dma_start3A_155, %dma_start3A_156] : memref<10112x16xf32, #tpu.memory_space<vmem_shared>> -> memref<10112x16xf32, #tpu.memory_space<vmem_shared>>
        tpu.enqueue_indirect_dma source(%dma_start3A_157 : memref<10112x16xf32, #tpu.memory_space<vmem_shared>>) target(%arg10 : memref<128x16xf32, #tpu.memory_space<vmem>>) offsets(%dma_start3A_154 : memref<128xi32, #tpu.memory_space<vmem>>) semaphore(%arg21 : memref<!tpu.dma_semaphore, #tpu.memory_space<semaphore_mem>>)
      } else {
      }
      %gt3A_126 = arith.constant 0 : i32
      %gt3A_127 = arith.cmpi sgt, %scan3A_63, %gt3A_126 : i32
      %convert_element_type3A_128 = arith.extui %gt3A_127 : i1 to i32
      %cond3A_129 = arith.constant 0 : i32
      %cond3A_130 = arith.cmpi ne, %convert_element_type3A_128, %cond3A_129 : i32
      scf.if %cond3A_130 {
        %dma_wait3A_144 = arith.constant 0 : i32
        %dma_wait3A_145 = tpu.memref_slice %arg15[%add3A_109, %dma_wait3A_144] : memref<82x128xi32, #tpu.memory_space<vmem>> -> memref<1x128xi32, #tpu.memory_space<vmem>>
        %dma_wait3A_146 = tpu.memref_squeeze %dma_wait3A_145 : memref<1x128xi32, #tpu.memory_space<vmem>> -> memref<128xi32, #tpu.memory_space<vmem>>
        %dma_wait3A_147 = arith.constant 0 : i32
        %dma_wait3A_148 = arith.constant 0 : i32
        %dma_wait3A_149 = tpu.memref_slice %arg17[%dma_wait3A_147, %dma_wait3A_148] : memref<10112x80xf32, #tpu.memory_space<vmem_shared>> -> memref<10112x80xf32, #tpu.memory_space<vmem_shared>>
        tpu.wait_indirect_dma semaphore(%arg24 : memref<!tpu.dma_semaphore, #tpu.memory_space<semaphore_mem>>) src(%arg13 : memref<128x80xf32, #tpu.memory_space<vmem>>) dst(%dma_wait3A_149 : memref<10112x80xf32, #tpu.memory_space<vmem_shared>>)
      } else {
      }
      %get3A_131 = arith.constant 0 : index
      %get3A_132 = tpu.vector_load %arg16[%get3A_131] {strides = array<i32>} : memref<16xf32, #tpu.memory_space<vmem>>, vector<16xf32>,
      %get3A_133 = vector.shape_cast %get3A_132 : vector<16xf32> to vector<16xf32>
      %iota3A_134 = tpu.iota {dimensions = array<i32: 0>} : vector<16xi32>
      %parallel_loop3A_135 = arith.constant 0 : i32
      %parallel_loop3A_136 = arith.constant 128 : i32
      %parallel_loop3A_137 = arith.constant 1 : i32
      scf.for %parallel_loop3A_144 = %parallel_loop3A_135 to %parallel_loop3A_136 step %parallel_loop3A_137  : i32 {
        %parallel_loop3A_145 = arith.index_cast %parallel_loop3A_144 : i32 to index
        %parallel_loop3A_146 = arith.constant 64 : index
        %parallel_loop3A_147 = tpu.vector_load %arg9[%parallel_loop3A_145, %parallel_loop3A_146] {strides = array<i32>} : memref<128x80xf32, #tpu.memory_space<vmem>>, vector<1x16xf32>,
        %parallel_loop3A_148 = vector.shape_cast %parallel_loop3A_147 : vector<1x16xf32> to vector<16xf32>
        %parallel_loop3A_149 = arith.index_cast %parallel_loop3A_144 : i32 to index
        %parallel_loop3A_150 = arith.constant 0 : index
        %parallel_loop3A_151 = tpu.vector_load %arg11[%parallel_loop3A_149, %parallel_loop3A_150] {strides = array<i32>} : memref<128x16xf32, #tpu.memory_space<vmem>>, vector<1x16xf32>,
        %parallel_loop3A_152 = vector.shape_cast %parallel_loop3A_151 : vector<1x16xf32> to vector<16xf32>
        %parallel_loop3A_153 = arith.addf %parallel_loop3A_148, %parallel_loop3A_152 : vector<16xf32>
        %parallel_loop3A_154 = arith.constant 2.000000e-01 : f32
        %parallel_loop3A_155 = vector.broadcast %parallel_loop3A_154 : f32 to vector<16xf32>
        %parallel_loop3A_156 = arith.mulf %parallel_loop3A_155, %parallel_loop3A_153 : vector<16xf32>
        %parallel_loop3A_157 = arith.maximumf %parallel_loop3A_153, %parallel_loop3A_156 : vector<16xf32>
        %parallel_loop3A_158 = arith.subf %parallel_loop3A_157, %get3A_133 : vector<16xf32>
        %parallel_loop3A_159 = math.exp %parallel_loop3A_158 : vector<16xf32>
        %parallel_loop3A_160 = arith.index_cast %parallel_loop3A_144 : i32 to index
        %parallel_loop3A_161 = arith.constant 64 : index
        %parallel_loop3A_162 = tpu.vector_load %arg13[%parallel_loop3A_160, %parallel_loop3A_161] {strides = array<i32>} : memref<128x80xf32, #tpu.memory_space<vmem>>, vector<1x16xf32>,
        %parallel_loop3A_163 = vector.shape_cast %parallel_loop3A_162 : vector<1x16xf32> to vector<16xf32>
        %parallel_loop3A_164 = vector.shape_cast %parallel_loop3A_159 : vector<16xf32> to vector<1x16xf32>
        tpu.vector_store %arg13[%parallel_loop3A_160, %parallel_loop3A_161], %parallel_loop3A_164 {strides = array<i32>} : memref<128x80xf32, #tpu.memory_space<vmem>>, vector<1x16xf32>,
        %parallel_loop3A_165 = vector.extract_strided_slice %parallel_loop3A_159 {offsets = [0], sizes = [1], strides = [1]} : vector<16xf32> to vector<1xf32>
        %parallel_loop3A_166 = vector.extract %parallel_loop3A_165[0] : f32 from vector<1xf32>
        %parallel_loop3A_167 = vector.broadcast %parallel_loop3A_166 : f32 to vector<16xf32>
        %parallel_loop3A_168 = arith.index_cast %parallel_loop3A_144 : i32 to index
        %parallel_loop3A_169 = arith.constant 0 : index
        %parallel_loop3A_170 = tpu.vector_load %arg9[%parallel_loop3A_168, %parallel_loop3A_169] {strides = array<i32>} : memref<128x80xf32, #tpu.memory_space<vmem>>, vector<1x16xf32>,
        %parallel_loop3A_171 = vector.shape_cast %parallel_loop3A_170 : vector<1x16xf32> to vector<16xf32>
        %parallel_loop3A_172 = arith.mulf %parallel_loop3A_171, %parallel_loop3A_167 : vector<16xf32>
        %parallel_loop3A_173 = arith.index_cast %parallel_loop3A_144 : i32 to index
        %parallel_loop3A_174 = arith.constant 0 : index
        %parallel_loop3A_175 = tpu.vector_load %arg13[%parallel_loop3A_173, %parallel_loop3A_174] {strides = array<i32>} : memref<128x80xf32, #tpu.memory_space<vmem>>, vector<1x16xf32>,
        %parallel_loop3A_176 = vector.shape_cast %parallel_loop3A_175 : vector<1x16xf32> to vector<16xf32>
        %parallel_loop3A_177 = vector.shape_cast %parallel_loop3A_172 : vector<16xf32> to vector<1x16xf32>
        tpu.vector_store %arg13[%parallel_loop3A_173, %parallel_loop3A_174], %parallel_loop3A_177 {strides = array<i32>} : memref<128x80xf32, #tpu.memory_space<vmem>>, vector<1x16xf32>,
        %parallel_loop3A_178 = vector.extract_strided_slice %parallel_loop3A_159 {offsets = [0], sizes = [1], strides = [1]} : vector<16xf32> to vector<1xf32>
        %parallel_loop3A_179 = vector.extract %parallel_loop3A_178[0] : f32 from vector<1xf32>
        %parallel_loop3A_180 = vector.broadcast %parallel_loop3A_179 : f32 to vector<16xf32>
        %parallel_loop3A_181 = arith.index_cast %parallel_loop3A_144 : i32 to index
        %parallel_loop3A_182 = arith.constant 16 : index
        %parallel_loop3A_183 = tpu.vector_load %arg9[%parallel_loop3A_181, %parallel_loop3A_182] {strides = array<i32>} : memref<128x80xf32, #tpu.memory_space<vmem>>, vector<1x16xf32>,
        %parallel_loop3A_184 = vector.shape_cast %parallel_loop3A_183 : vector<1x16xf32> to vector<16xf32>
        %parallel_loop3A_185 = arith.mulf %parallel_loop3A_184, %parallel_loop3A_180 : vector<16xf32>
        %parallel_loop3A_186 = arith.index_cast %parallel_loop3A_144 : i32 to index
        %parallel_loop3A_187 = arith.constant 16 : index
        %parallel_loop3A_188 = tpu.vector_load %arg13[%parallel_loop3A_186, %parallel_loop3A_187] {strides = array<i32>} : memref<128x80xf32, #tpu.memory_space<vmem>>, vector<1x16xf32>,
        %parallel_loop3A_189 = vector.shape_cast %parallel_loop3A_188 : vector<1x16xf32> to vector<16xf32>
        %parallel_loop3A_190 = vector.shape_cast %parallel_loop3A_185 : vector<16xf32> to vector<1x16xf32>
        tpu.vector_store %arg13[%parallel_loop3A_186, %parallel_loop3A_187], %parallel_loop3A_190 {strides = array<i32>} : memref<128x80xf32, #tpu.memory_space<vmem>>, vector<1x16xf32>,
        %parallel_loop3A_191 = vector.extract_strided_slice %parallel_loop3A_159 {offsets = [0], sizes = [1], strides = [1]} : vector<16xf32> to vector<1xf32>
        %parallel_loop3A_192 = vector.extract %parallel_loop3A_191[0] : f32 from vector<1xf32>
        %parallel_loop3A_193 = vector.broadcast %parallel_loop3A_192 : f32 to vector<16xf32>
        %parallel_loop3A_194 = arith.index_cast %parallel_loop3A_144 : i32 to index
        %parallel_loop3A_195 = arith.constant 32 : index
        %parallel_loop3A_196 = tpu.vector_load %arg9[%parallel_loop3A_194, %parallel_loop3A_195] {strides = array<i32>} : memref<128x80xf32, #tpu.memory_space<vmem>>, vector<1x16xf32>,
        %parallel_loop3A_197 = vector.shape_cast %parallel_loop3A_196 : vector<1x16xf32> to vector<16xf32>
        %parallel_loop3A_198 = arith.mulf %parallel_loop3A_197, %parallel_loop3A_193 : vector<16xf32>
        %parallel_loop3A_199 = arith.index_cast %parallel_loop3A_144 : i32 to index
        %parallel_loop3A_200 = arith.constant 32 : index
        %parallel_loop3A_201 = tpu.vector_load %arg13[%parallel_loop3A_199, %parallel_loop3A_200] {strides = array<i32>} : memref<128x80xf32, #tpu.memory_space<vmem>>, vector<1x16xf32>,
        %parallel_loop3A_202 = vector.shape_cast %parallel_loop3A_201 : vector<1x16xf32> to vector<16xf32>
        %parallel_loop3A_203 = vector.shape_cast %parallel_loop3A_198 : vector<16xf32> to vector<1x16xf32>
        tpu.vector_store %arg13[%parallel_loop3A_199, %parallel_loop3A_200], %parallel_loop3A_203 {strides = array<i32>} : memref<128x80xf32, #tpu.memory_space<vmem>>, vector<1x16xf32>,
        %parallel_loop3A_204 = vector.extract_strided_slice %parallel_loop3A_159 {offsets = [0], sizes = [1], strides = [1]} : vector<16xf32> to vector<1xf32>
        %parallel_loop3A_205 = vector.extract %parallel_loop3A_204[0] : f32 from vector<1xf32>
        %parallel_loop3A_206 = vector.broadcast %parallel_loop3A_205 : f32 to vector<16xf32>
        %parallel_loop3A_207 = arith.index_cast %parallel_loop3A_144 : i32 to index
        %parallel_loop3A_208 = arith.constant 48 : index
        %parallel_loop3A_209 = tpu.vector_load %arg9[%parallel_loop3A_207, %parallel_loop3A_208] {strides = array<i32>} : memref<128x80xf32, #tpu.memory_space<vmem>>, vector<1x16xf32>,
        %parallel_loop3A_210 = vector.shape_cast %parallel_loop3A_209 : vector<1x16xf32> to vector<16xf32>
        %parallel_loop3A_211 = arith.mulf %parallel_loop3A_210, %parallel_loop3A_206 : vector<16xf32>
        %parallel_loop3A_212 = arith.index_cast %parallel_loop3A_144 : i32 to index
        %parallel_loop3A_213 = arith.constant 48 : index
        %parallel_loop3A_214 = tpu.vector_load %arg13[%parallel_loop3A_212, %parallel_loop3A_213] {strides = array<i32>} : memref<128x80xf32, #tpu.memory_space<vmem>>, vector<1x16xf32>,
        %parallel_loop3A_215 = vector.shape_cast %parallel_loop3A_214 : vector<1x16xf32> to vector<16xf32>
        %parallel_loop3A_216 = vector.shape_cast %parallel_loop3A_211 : vector<16xf32> to vector<1x16xf32>
        tpu.vector_store %arg13[%parallel_loop3A_212, %parallel_loop3A_213], %parallel_loop3A_216 {strides = array<i32>} : memref<128x80xf32, #tpu.memory_space<vmem>>, vector<1x16xf32>,
      } {sc.loop_unroll_factor = 4 : i64, sc.parallel_access}
      %dma_start3A_138 = arith.constant 0 : i32
      %dma_start3A_139 = tpu.memref_slice %arg15[%add3A_109, %dma_start3A_138] : memref<82x128xi32, #tpu.memory_space<vmem>> -> memref<1x128xi32, #tpu.memory_space<vmem>>
      %dma_start3A_140 = tpu.memref_squeeze %dma_start3A_139 : memref<1x128xi32, #tpu.memory_space<vmem>> -> memref<128xi32, #tpu.memory_space<vmem>>
      %dma_start3A_141 = arith.constant 0 : i32
      %dma_start3A_142 = arith.constant 0 : i32
      %dma_start3A_143 = tpu.memref_slice %arg17[%dma_start3A_141, %dma_start3A_142] : memref<10112x80xf32, #tpu.memory_space<vmem_shared>> -> memref<10112x80xf32, #tpu.memory_space<vmem_shared>>
      tpu.enqueue_indirect_dma source(%arg13 : memref<128x80xf32, #tpu.memory_space<vmem>>) target(%dma_start3A_143 : memref<10112x80xf32, #tpu.memory_space<vmem_shared>>) offsets(%dma_start3A_140 : memref<128xi32, #tpu.memory_space<vmem>>) semaphore(%arg24 : memref<!tpu.dma_semaphore, #tpu.memory_space<semaphore_mem>>) {add = true}
    }
    %scan3A_38 = arith.constant 41 : i32
    %dma_wait3A = arith.constant 80 : i32
    %dma_wait3A_39 = arith.constant 0 : i32
    %dma_wait3A_40 = tpu.memref_slice %arg15[%dma_wait3A, %dma_wait3A_39] : memref<82x128xi32, #tpu.memory_space<vmem>> -> memref<1x128xi32, #tpu.memory_space<vmem>>
    %dma_wait3A_41 = tpu.memref_squeeze %dma_wait3A_40 : memref<1x128xi32, #tpu.memory_space<vmem>> -> memref<128xi32, #tpu.memory_space<vmem>>
    %dma_wait3A_42 = arith.constant 0 : i32
    %dma_wait3A_43 = arith.constant 0 : i32
    %dma_wait3A_44 = tpu.memref_slice %arg17[%dma_wait3A_42, %dma_wait3A_43] : memref<10112x80xf32, #tpu.memory_space<vmem_shared>> -> memref<10112x80xf32, #tpu.memory_space<vmem_shared>>
    tpu.wait_indirect_dma semaphore(%arg23 : memref<!tpu.dma_semaphore, #tpu.memory_space<semaphore_mem>>) src(%arg12 : memref<128x80xf32, #tpu.memory_space<vmem>>) dst(%dma_wait3A_44 : memref<10112x80xf32, #tpu.memory_space<vmem_shared>>)
    %dma_wait3A_45 = arith.constant 81 : i32
    %dma_wait3A_46 = arith.constant 0 : i32
    %dma_wait3A_47 = tpu.memref_slice %arg15[%dma_wait3A_45, %dma_wait3A_46] : memref<82x128xi32, #tpu.memory_space<vmem>> -> memref<1x128xi32, #tpu.memory_space<vmem>>
    %dma_wait3A_48 = tpu.memref_squeeze %dma_wait3A_47 : memref<1x128xi32, #tpu.memory_space<vmem>> -> memref<128xi32, #tpu.memory_space<vmem>>
    %dma_wait3A_49 = arith.constant 0 : i32
    %dma_wait3A_50 = arith.constant 0 : i32
    %dma_wait3A_51 = tpu.memref_slice %arg17[%dma_wait3A_49, %dma_wait3A_50] : memref<10112x80xf32, #tpu.memory_space<vmem_shared>> -> memref<10112x80xf32, #tpu.memory_space<vmem_shared>>
    tpu.wait_indirect_dma semaphore(%arg24 : memref<!tpu.dma_semaphore, #tpu.memory_space<semaphore_mem>>) src(%arg13 : memref<128x80xf32, #tpu.memory_space<vmem>>) dst(%dma_wait3A_51 : memref<10112x80xf32, #tpu.memory_space<vmem_shared>>)
    %barrier3A_52 = arith.constant 0 : index
    tpu.barrier barrier_id(%barrier3A_52)
    %add3A_53 = arith.constant 0 : i32
    %add3A_54 = arith.addi %mul3A_9, %add3A_53 : i32
    "tpu.region"() ({
      %run_scoped3A = tpu.sem_alloc : memref<!tpu.dma_semaphore, #tpu.memory_space<semaphore_mem>>
      %dma_start3A_63 = arith.constant 0 : i32
      %dma_start3A_64 = tpu.memref_slice %arg17[%add3A_54, %dma_start3A_63] : memref<10112x80xf32, #tpu.memory_space<vmem_shared>> -> memref<128x80xf32, #tpu.memory_space<vmem_shared>>
      %dma_start3A_65 = arith.constant 0 : i32
      %dma_start3A_66 = tpu.memref_slice %arg17[%add3A_54, %dma_start3A_65] : memref<10112x80xf32, #tpu.memory_space<vmem_shared>> -> memref<128x80xf32, #tpu.memory_space<vmem_shared>>
      tpu.enqueue_dma source(%dma_start3A_66 : memref<128x80xf32, #tpu.memory_space<vmem_shared>>) target(%arg8 : memref<128x80xf32, #tpu.memory_space<vmem>>) target_semaphore(%run_scoped3A : memref<!tpu.dma_semaphore, #tpu.memory_space<semaphore_mem>>)
      %dma_wait3A_67 = arith.constant 0 : i32
      %dma_wait3A_68 = tpu.memref_slice %arg17[%add3A_54, %dma_wait3A_67] : memref<10112x80xf32, #tpu.memory_space<vmem_shared>> -> memref<128x80xf32, #tpu.memory_space<vmem_shared>>
      %dma_wait3A_69 = arith.constant 0 : i32
      %dma_wait3A_70 = tpu.memref_slice %arg17[%add3A_54, %dma_wait3A_69] : memref<10112x80xf32, #tpu.memory_space<vmem_shared>> -> memref<128x80xf32, #tpu.memory_space<vmem_shared>>
      tpu.wait_dma2 semaphore(%run_scoped3A : memref<!tpu.dma_semaphore, #tpu.memory_space<semaphore_mem>>) src(%dma_wait3A_70 : memref<128x80xf32, #tpu.memory_space<vmem_shared>>) dst(%arg8 : memref<128x80xf32, #tpu.memory_space<vmem>>)
      tpu.yield
    }) : () -> ()
    "tpu.region"() ({
      %run_scoped3A = tpu.sem_alloc : memref<!tpu.dma_semaphore, #tpu.memory_space<semaphore_mem>>
      %dma_start3A_63 = arith.constant 0 : i32
      %dma_start3A_64 = tpu.memref_slice %arg7[%arg0, %add3A_54, %dma_start3A_63] : memref<2x10112x80xf32, #tpu.memory_space<hbm>> -> memref<1x128x80xf32, #tpu.memory_space<hbm>>
      %dma_start3A_65 = tpu.memref_squeeze %dma_start3A_64 : memref<1x128x80xf32, #tpu.memory_space<hbm>> -> memref<128x80xf32, #tpu.memory_space<hbm>>
      %dma_start3A_66 = arith.constant 0 : i32
      %dma_start3A_67 = tpu.memref_slice %arg7[%arg0, %add3A_54, %dma_start3A_66] : memref<2x10112x80xf32, #tpu.memory_space<hbm>> -> memref<1x128x80xf32, #tpu.memory_space<hbm>>
      %dma_start3A_68 = tpu.memref_squeeze %dma_start3A_67 : memref<1x128x80xf32, #tpu.memory_space<hbm>> -> memref<128x80xf32, #tpu.memory_space<hbm>>
      tpu.enqueue_dma source(%arg8 : memref<128x80xf32, #tpu.memory_space<vmem>>) target(%dma_start3A_68 : memref<128x80xf32, #tpu.memory_space<hbm>>) target_semaphore(%run_scoped3A : memref<!tpu.dma_semaphore, #tpu.memory_space<semaphore_mem>>)
      %dma_wait3A_69 = arith.constant 0 : i32
      %dma_wait3A_70 = tpu.memref_slice %arg7[%arg0, %add3A_54, %dma_wait3A_69] : memref<2x10112x80xf32, #tpu.memory_space<hbm>> -> memref<1x128x80xf32, #tpu.memory_space<hbm>>
      %dma_wait3A_71 = tpu.memref_squeeze %dma_wait3A_70 : memref<1x128x80xf32, #tpu.memory_space<hbm>> -> memref<128x80xf32, #tpu.memory_space<hbm>>
      %dma_wait3A_72 = arith.constant 0 : i32
      %dma_wait3A_73 = tpu.memref_slice %arg7[%arg0, %add3A_54, %dma_wait3A_72] : memref<2x10112x80xf32, #tpu.memory_space<hbm>> -> memref<1x128x80xf32, #tpu.memory_space<hbm>>
      %dma_wait3A_74 = tpu.memref_squeeze %dma_wait3A_73 : memref<1x128x80xf32, #tpu.memory_space<hbm>> -> memref<128x80xf32, #tpu.memory_space<hbm>>
      tpu.wait_dma2 semaphore(%run_scoped3A : memref<!tpu.dma_semaphore, #tpu.memory_space<semaphore_mem>>) src(%arg8 : memref<128x80xf32, #tpu.memory_space<vmem>>) dst(%dma_wait3A_74 : memref<128x80xf32, #tpu.memory_space<hbm>>)
      tpu.yield
    }) : () -> ()
    %add3A_55 = arith.constant 128 : i32
    %add3A_56 = arith.addi %mul3A_9, %add3A_55 : i32
    "tpu.region"() ({
      %run_scoped3A = tpu.sem_alloc : memref<!tpu.dma_semaphore, #tpu.memory_space<semaphore_mem>>
      %dma_start3A_63 = arith.constant 0 : i32
      %dma_start3A_64 = tpu.memref_slice %arg17[%add3A_56, %dma_start3A_63] : memref<10112x80xf32, #tpu.memory_space<vmem_shared>> -> memref<128x80xf32, #tpu.memory_space<vmem_shared>>
      %dma_start3A_65 = arith.constant 0 : i32
      %dma_start3A_66 = tpu.memref_slice %arg17[%add3A_56, %dma_start3A_65] : memref<10112x80xf32, #tpu.memory_space<vmem_shared>> -> memref<128x80xf32, #tpu.memory_space<vmem_shared>>
      tpu.enqueue_dma source(%dma_start3A_66 : memref<128x80xf32, #tpu.memory_space<vmem_shared>>) target(%arg8 : memref<128x80xf32, #tpu.memory_space<vmem>>) target_semaphore(%run_scoped3A : memref<!tpu.dma_semaphore, #tpu.memory_space<semaphore_mem>>)
      %dma_wait3A_67 = arith.constant 0 : i32
      %dma_wait3A_68 = tpu.memref_slice %arg17[%add3A_56, %dma_wait3A_67] : memref<10112x80xf32, #tpu.memory_space<vmem_shared>> -> memref<128x80xf32, #tpu.memory_space<vmem_shared>>
      %dma_wait3A_69 = arith.constant 0 : i32
      %dma_wait3A_70 = tpu.memref_slice %arg17[%add3A_56, %dma_wait3A_69] : memref<10112x80xf32, #tpu.memory_space<vmem_shared>> -> memref<128x80xf32, #tpu.memory_space<vmem_shared>>
      tpu.wait_dma2 semaphore(%run_scoped3A : memref<!tpu.dma_semaphore, #tpu.memory_space<semaphore_mem>>) src(%dma_wait3A_70 : memref<128x80xf32, #tpu.memory_space<vmem_shared>>) dst(%arg8 : memref<128x80xf32, #tpu.memory_space<vmem>>)
      tpu.yield
    }) : () -> ()
    "tpu.region"() ({
      %run_scoped3A = tpu.sem_alloc : memref<!tpu.dma_semaphore, #tpu.memory_space<semaphore_mem>>
      %dma_start3A_63 = arith.constant 0 : i32
      %dma_start3A_64 = tpu.memref_slice %arg7[%arg0, %add3A_56, %dma_start3A_63] : memref<2x10112x80xf32, #tpu.memory_space<hbm>> -> memref<1x128x80xf32, #tpu.memory_space<hbm>>
      %dma_start3A_65 = tpu.memref_squeeze %dma_start3A_64 : memref<1x128x80xf32, #tpu.memory_space<hbm>> -> memref<128x80xf32, #tpu.memory_space<hbm>>
      %dma_start3A_66 = arith.constant 0 : i32
      %dma_start3A_67 = tpu.memref_slice %arg7[%arg0, %add3A_56, %dma_start3A_66] : memref<2x10112x80xf32, #tpu.memory_space<hbm>> -> memref<1x128x80xf32, #tpu.memory_space<hbm>>
      %dma_start3A_68 = tpu.memref_squeeze %dma_start3A_67 : memref<1x128x80xf32, #tpu.memory_space<hbm>> -> memref<128x80xf32, #tpu.memory_space<hbm>>
      tpu.enqueue_dma source(%arg8 : memref<128x80xf32, #tpu.memory_space<vmem>>) target(%dma_start3A_68 : memref<128x80xf32, #tpu.memory_space<hbm>>) target_semaphore(%run_scoped3A : memref<!tpu.dma_semaphore, #tpu.memory_space<semaphore_mem>>)
      %dma_wait3A_69 = arith.constant 0 : i32
      %dma_wait3A_70 = tpu.memref_slice %arg7[%arg0, %add3A_56, %dma_wait3A_69] : memref<2x10112x80xf32, #tpu.memory_space<hbm>> -> memref<1x128x80xf32, #tpu.memory_space<hbm>>
      %dma_wait3A_71 = tpu.memref_squeeze %dma_wait3A_70 : memref<1x128x80xf32, #tpu.memory_space<hbm>> -> memref<128x80xf32, #tpu.memory_space<hbm>>
      %dma_wait3A_72 = arith.constant 0 : i32
      %dma_wait3A_73 = tpu.memref_slice %arg7[%arg0, %add3A_56, %dma_wait3A_72] : memref<2x10112x80xf32, #tpu.memory_space<hbm>> -> memref<1x128x80xf32, #tpu.memory_space<hbm>>
      %dma_wait3A_74 = tpu.memref_squeeze %dma_wait3A_73 : memref<1x128x80xf32, #tpu.memory_space<hbm>> -> memref<128x80xf32, #tpu.memory_space<hbm>>
      tpu.wait_dma2 semaphore(%run_scoped3A : memref<!tpu.dma_semaphore, #tpu.memory_space<semaphore_mem>>) src(%arg8 : memref<128x80xf32, #tpu.memory_space<vmem>>) dst(%dma_wait3A_74 : memref<128x80xf32, #tpu.memory_space<hbm>>)
      tpu.yield
    }) : () -> ()
    %add3A_57 = arith.constant 256 : i32
    %add3A_58 = arith.addi %mul3A_9, %add3A_57 : i32
    "tpu.region"() ({
      %run_scoped3A = tpu.sem_alloc : memref<!tpu.dma_semaphore, #tpu.memory_space<semaphore_mem>>
      %dma_start3A_63 = arith.constant 0 : i32
      %dma_start3A_64 = tpu.memref_slice %arg17[%add3A_58, %dma_start3A_63] : memref<10112x80xf32, #tpu.memory_space<vmem_shared>> -> memref<128x80xf32, #tpu.memory_space<vmem_shared>>
      %dma_start3A_65 = arith.constant 0 : i32
      %dma_start3A_66 = tpu.memref_slice %arg17[%add3A_58, %dma_start3A_65] : memref<10112x80xf32, #tpu.memory_space<vmem_shared>> -> memref<128x80xf32, #tpu.memory_space<vmem_shared>>
      tpu.enqueue_dma source(%dma_start3A_66 : memref<128x80xf32, #tpu.memory_space<vmem_shared>>) target(%arg8 : memref<128x80xf32, #tpu.memory_space<vmem>>) target_semaphore(%run_scoped3A : memref<!tpu.dma_semaphore, #tpu.memory_space<semaphore_mem>>)
      %dma_wait3A_67 = arith.constant 0 : i32
      %dma_wait3A_68 = tpu.memref_slice %arg17[%add3A_58, %dma_wait3A_67] : memref<10112x80xf32, #tpu.memory_space<vmem_shared>> -> memref<128x80xf32, #tpu.memory_space<vmem_shared>>
      %dma_wait3A_69 = arith.constant 0 : i32
      %dma_wait3A_70 = tpu.memref_slice %arg17[%add3A_58, %dma_wait3A_69] : memref<10112x80xf32, #tpu.memory_space<vmem_shared>> -> memref<128x80xf32, #tpu.memory_space<vmem_shared>>
      tpu.wait_dma2 semaphore(%run_scoped3A : memref<!tpu.dma_semaphore, #tpu.memory_space<semaphore_mem>>) src(%dma_wait3A_70 : memref<128x80xf32, #tpu.memory_space<vmem_shared>>) dst(%arg8 : memref<128x80xf32, #tpu.memory_space<vmem>>)
      tpu.yield
    }) : () -> ()
    "tpu.region"() ({
      %run_scoped3A = tpu.sem_alloc : memref<!tpu.dma_semaphore, #tpu.memory_space<semaphore_mem>>
      %dma_start3A_63 = arith.constant 0 : i32
      %dma_start3A_64 = tpu.memref_slice %arg7[%arg0, %add3A_58, %dma_start3A_63] : memref<2x10112x80xf32, #tpu.memory_space<hbm>> -> memref<1x128x80xf32, #tpu.memory_space<hbm>>
      %dma_start3A_65 = tpu.memref_squeeze %dma_start3A_64 : memref<1x128x80xf32, #tpu.memory_space<hbm>> -> memref<128x80xf32, #tpu.memory_space<hbm>>
      %dma_start3A_66 = arith.constant 0 : i32
      %dma_start3A_67 = tpu.memref_slice %arg7[%arg0, %add3A_58, %dma_start3A_66] : memref<2x10112x80xf32, #tpu.memory_space<hbm>> -> memref<1x128x80xf32, #tpu.memory_space<hbm>>
      %dma_start3A_68 = tpu.memref_squeeze %dma_start3A_67 : memref<1x128x80xf32, #tpu.memory_space<hbm>> -> memref<128x80xf32, #tpu.memory_space<hbm>>
      tpu.enqueue_dma source(%arg8 : memref<128x80xf32, #tpu.memory_space<vmem>>) target(%dma_start3A_68 : memref<128x80xf32, #tpu.memory_space<hbm>>) target_semaphore(%run_scoped3A : memref<!tpu.dma_semaphore, #tpu.memory_space<semaphore_mem>>)
      %dma_wait3A_69 = arith.constant 0 : i32
      %dma_wait3A_70 = tpu.memref_slice %arg7[%arg0, %add3A_58, %dma_wait3A_69] : memref<2x10112x80xf32, #tpu.memory_space<hbm>> -> memref<1x128x80xf32, #tpu.memory_space<hbm>>
      %dma_wait3A_71 = tpu.memref_squeeze %dma_wait3A_70 : memref<1x128x80xf32, #tpu.memory_space<hbm>> -> memref<128x80xf32, #tpu.memory_space<hbm>>
      %dma_wait3A_72 = arith.constant 0 : i32
      %dma_wait3A_73 = tpu.memref_slice %arg7[%arg0, %add3A_58, %dma_wait3A_72] : memref<2x10112x80xf32, #tpu.memory_space<hbm>> -> memref<1x128x80xf32, #tpu.memory_space<hbm>>
      %dma_wait3A_74 = tpu.memref_squeeze %dma_wait3A_73 : memref<1x128x80xf32, #tpu.memory_space<hbm>> -> memref<128x80xf32, #tpu.memory_space<hbm>>
      tpu.wait_dma2 semaphore(%run_scoped3A : memref<!tpu.dma_semaphore, #tpu.memory_space<semaphore_mem>>) src(%arg8 : memref<128x80xf32, #tpu.memory_space<vmem>>) dst(%dma_wait3A_74 : memref<128x80xf32, #tpu.memory_space<hbm>>)
      tpu.yield
    }) : () -> ()
    %add3A_59 = arith.constant 384 : i32
    %add3A_60 = arith.addi %mul3A_9, %add3A_59 : i32
    "tpu.region"() ({
      %run_scoped3A = tpu.sem_alloc : memref<!tpu.dma_semaphore, #tpu.memory_space<semaphore_mem>>
      %dma_start3A_63 = arith.constant 0 : i32
      %dma_start3A_64 = tpu.memref_slice %arg17[%add3A_60, %dma_start3A_63] : memref<10112x80xf32, #tpu.memory_space<vmem_shared>> -> memref<128x80xf32, #tpu.memory_space<vmem_shared>>
      %dma_start3A_65 = arith.constant 0 : i32
      %dma_start3A_66 = tpu.memref_slice %arg17[%add3A_60, %dma_start3A_65] : memref<10112x80xf32, #tpu.memory_space<vmem_shared>> -> memref<128x80xf32, #tpu.memory_space<vmem_shared>>
      tpu.enqueue_dma source(%dma_start3A_66 : memref<128x80xf32, #tpu.memory_space<vmem_shared>>) target(%arg8 : memref<128x80xf32, #tpu.memory_space<vmem>>) target_semaphore(%run_scoped3A : memref<!tpu.dma_semaphore, #tpu.memory_space<semaphore_mem>>)
      %dma_wait3A_67 = arith.constant 0 : i32
      %dma_wait3A_68 = tpu.memref_slice %arg17[%add3A_60, %dma_wait3A_67] : memref<10112x80xf32, #tpu.memory_space<vmem_shared>> -> memref<128x80xf32, #tpu.memory_space<vmem_shared>>
      %dma_wait3A_69 = arith.constant 0 : i32
      %dma_wait3A_70 = tpu.memref_slice %arg17[%add3A_60, %dma_wait3A_69] : memref<10112x80xf32, #tpu.memory_space<vmem_shared>> -> memref<128x80xf32, #tpu.memory_space<vmem_shared>>
      tpu.wait_dma2 semaphore(%run_scoped3A : memref<!tpu.dma_semaphore, #tpu.memory_space<semaphore_mem>>) src(%dma_wait3A_70 : memref<128x80xf32, #tpu.memory_space<vmem_shared>>) dst(%arg8 : memref<128x80xf32, #tpu.memory_space<vmem>>)
      tpu.yield
    }) : () -> ()
    "tpu.region"() ({
      %run_scoped3A = tpu.sem_alloc : memref<!tpu.dma_semaphore, #tpu.memory_space<semaphore_mem>>
      %dma_start3A_63 = arith.constant 0 : i32
      %dma_start3A_64 = tpu.memref_slice %arg7[%arg0, %add3A_60, %dma_start3A_63] : memref<2x10112x80xf32, #tpu.memory_space<hbm>> -> memref<1x128x80xf32, #tpu.memory_space<hbm>>
      %dma_start3A_65 = tpu.memref_squeeze %dma_start3A_64 : memref<1x128x80xf32, #tpu.memory_space<hbm>> -> memref<128x80xf32, #tpu.memory_space<hbm>>
      %dma_start3A_66 = arith.constant 0 : i32
      %dma_start3A_67 = tpu.memref_slice %arg7[%arg0, %add3A_60, %dma_start3A_66] : memref<2x10112x80xf32, #tpu.memory_space<hbm>> -> memref<1x128x80xf32, #tpu.memory_space<hbm>>
      %dma_start3A_68 = tpu.memref_squeeze %dma_start3A_67 : memref<1x128x80xf32, #tpu.memory_space<hbm>> -> memref<128x80xf32, #tpu.memory_space<hbm>>
      tpu.enqueue_dma source(%arg8 : memref<128x80xf32, #tpu.memory_space<vmem>>) target(%dma_start3A_68 : memref<128x80xf32, #tpu.memory_space<hbm>>) target_semaphore(%run_scoped3A : memref<!tpu.dma_semaphore, #tpu.memory_space<semaphore_mem>>)
      %dma_wait3A_69 = arith.constant 0 : i32
      %dma_wait3A_70 = tpu.memref_slice %arg7[%arg0, %add3A_60, %dma_wait3A_69] : memref<2x10112x80xf32, #tpu.memory_space<hbm>> -> memref<1x128x80xf32, #tpu.memory_space<hbm>>
      %dma_wait3A_71 = tpu.memref_squeeze %dma_wait3A_70 : memref<1x128x80xf32, #tpu.memory_space<hbm>> -> memref<128x80xf32, #tpu.memory_space<hbm>>
      %dma_wait3A_72 = arith.constant 0 : i32
      %dma_wait3A_73 = tpu.memref_slice %arg7[%arg0, %add3A_60, %dma_wait3A_72] : memref<2x10112x80xf32, #tpu.memory_space<hbm>> -> memref<1x128x80xf32, #tpu.memory_space<hbm>>
      %dma_wait3A_74 = tpu.memref_squeeze %dma_wait3A_73 : memref<1x128x80xf32, #tpu.memory_space<hbm>> -> memref<128x80xf32, #tpu.memory_space<hbm>>
      tpu.wait_dma2 semaphore(%run_scoped3A : memref<!tpu.dma_semaphore, #tpu.memory_space<semaphore_mem>>) src(%arg8 : memref<128x80xf32, #tpu.memory_space<vmem>>) dst(%dma_wait3A_74 : memref<128x80xf32, #tpu.memory_space<hbm>>)
      tpu.yield
    }) : () -> ()
    %add3A_61 = arith.constant 512 : i32
    %add3A_62 = arith.addi %mul3A_9, %add3A_61 : i32
    "tpu.region"() ({
      %run_scoped3A = tpu.sem_alloc : memref<!tpu.dma_semaphore, #tpu.memory_space<semaphore_mem>>
      %dma_start3A_63 = arith.constant 0 : i32
      %dma_start3A_64 = arith.constant 0 : i32
      %dma_start3A_65 = tpu.memref_slice %arg8[%dma_start3A_63, %dma_start3A_64] : memref<128x80xf32, #tpu.memory_space<vmem>> -> memref<120x80xf32, #tpu.memory_space<vmem>>
      %dma_start3A_66 = arith.constant 0 : i32
      %dma_start3A_67 = tpu.memref_slice %arg17[%add3A_62, %dma_start3A_66] : memref<10112x80xf32, #tpu.memory_space<vmem_shared>> -> memref<120x80xf32, #tpu.memory_space<vmem_shared>>
      %dma_start3A_68 = arith.constant 0 : i32
      %dma_start3A_69 = arith.constant 0 : i32
      %dma_start3A_70 = tpu.memref_slice %arg8[%dma_start3A_68, %dma_start3A_69] : memref<128x80xf32, #tpu.memory_space<vmem>> -> memref<120x80xf32, #tpu.memory_space<vmem>>
      %dma_start3A_71 = arith.constant 0 : i32
      %dma_start3A_72 = tpu.memref_slice %arg17[%add3A_62, %dma_start3A_71] : memref<10112x80xf32, #tpu.memory_space<vmem_shared>> -> memref<120x80xf32, #tpu.memory_space<vmem_shared>>
      tpu.enqueue_dma source(%dma_start3A_72 : memref<120x80xf32, #tpu.memory_space<vmem_shared>>) target(%dma_start3A_70 : memref<120x80xf32, #tpu.memory_space<vmem>>) target_semaphore(%run_scoped3A : memref<!tpu.dma_semaphore, #tpu.memory_space<semaphore_mem>>)
      %dma_wait3A_73 = arith.constant 0 : i32
      %dma_wait3A_74 = arith.constant 0 : i32
      %dma_wait3A_75 = tpu.memref_slice %arg8[%dma_wait3A_73, %dma_wait3A_74] : memref<128x80xf32, #tpu.memory_space<vmem>> -> memref<120x80xf32, #tpu.memory_space<vmem>>
      %dma_wait3A_76 = arith.constant 0 : i32
      %dma_wait3A_77 = tpu.memref_slice %arg17[%add3A_62, %dma_wait3A_76] : memref<10112x80xf32, #tpu.memory_space<vmem_shared>> -> memref<120x80xf32, #tpu.memory_space<vmem_shared>>
      %dma_wait3A_78 = arith.constant 0 : i32
      %dma_wait3A_79 = arith.constant 0 : i32
      %dma_wait3A_80 = tpu.memref_slice %arg8[%dma_wait3A_78, %dma_wait3A_79] : memref<128x80xf32, #tpu.memory_space<vmem>> -> memref<120x80xf32, #tpu.memory_space<vmem>>
      %dma_wait3A_81 = arith.constant 0 : i32
      %dma_wait3A_82 = tpu.memref_slice %arg17[%add3A_62, %dma_wait3A_81] : memref<10112x80xf32, #tpu.memory_space<vmem_shared>> -> memref<120x80xf32, #tpu.memory_space<vmem_shared>>
      tpu.wait_dma2 semaphore(%run_scoped3A : memref<!tpu.dma_semaphore, #tpu.memory_space<semaphore_mem>>) src(%dma_wait3A_82 : memref<120x80xf32, #tpu.memory_space<vmem_shared>>) dst(%dma_wait3A_80 : memref<120x80xf32, #tpu.memory_space<vmem>>)
      tpu.yield
    }) : () -> ()
    "tpu.region"() ({
      %run_scoped3A = tpu.sem_alloc : memref<!tpu.dma_semaphore, #tpu.memory_space<semaphore_mem>>
      %dma_start3A_63 = arith.constant 0 : i32
      %dma_start3A_64 = arith.constant 0 : i32
      %dma_start3A_65 = tpu.memref_slice %arg8[%dma_start3A_63, %dma_start3A_64] : memref<128x80xf32, #tpu.memory_space<vmem>> -> memref<120x80xf32, #tpu.memory_space<vmem>>
      %dma_start3A_66 = arith.constant 0 : i32
      %dma_start3A_67 = tpu.memref_slice %arg7[%arg0, %add3A_62, %dma_start3A_66] : memref<2x10112x80xf32, #tpu.memory_space<hbm>> -> memref<1x120x80xf32, #tpu.memory_space<hbm>>
      %dma_start3A_68 = tpu.memref_squeeze %dma_start3A_67 : memref<1x120x80xf32, #tpu.memory_space<hbm>> -> memref<120x80xf32, #tpu.memory_space<hbm>>
      %dma_start3A_69 = arith.constant 0 : i32
      %dma_start3A_70 = tpu.memref_slice %arg7[%arg0, %add3A_62, %dma_start3A_69] : memref<2x10112x80xf32, #tpu.memory_space<hbm>> -> memref<1x120x80xf32, #tpu.memory_space<hbm>>
      %dma_start3A_71 = tpu.memref_squeeze %dma_start3A_70 : memref<1x120x80xf32, #tpu.memory_space<hbm>> -> memref<120x80xf32, #tpu.memory_space<hbm>>
      %dma_start3A_72 = arith.constant 0 : i32
      %dma_start3A_73 = arith.constant 0 : i32
      %dma_start3A_74 = tpu.memref_slice %arg8[%dma_start3A_72, %dma_start3A_73] : memref<128x80xf32, #tpu.memory_space<vmem>> -> memref<120x80xf32, #tpu.memory_space<vmem>>
      tpu.enqueue_dma source(%dma_start3A_74 : memref<120x80xf32, #tpu.memory_space<vmem>>) target(%dma_start3A_71 : memref<120x80xf32, #tpu.memory_space<hbm>>) target_semaphore(%run_scoped3A : memref<!tpu.dma_semaphore, #tpu.memory_space<semaphore_mem>>)
      %dma_wait3A_75 = arith.constant 0 : i32
      %dma_wait3A_76 = arith.constant 0 : i32
      %dma_wait3A_77 = tpu.memref_slice %arg8[%dma_wait3A_75, %dma_wait3A_76] : memref<128x80xf32, #tpu.memory_space<vmem>> -> memref<120x80xf32, #tpu.memory_space<vmem>>
      %dma_wait3A_78 = arith.constant 0 : i32
      %dma_wait3A_79 = tpu.memref_slice %arg7[%arg0, %add3A_62, %dma_wait3A_78] : memref<2x10112x80xf32, #tpu.memory_space<hbm>> -> memref<1x120x80xf32, #tpu.memory_space<hbm>>
      %dma_wait3A_80 = tpu.memref_squeeze %dma_wait3A_79 : memref<1x120x80xf32, #tpu.memory_space<hbm>> -> memref<120x80xf32, #tpu.memory_space<hbm>>
      %dma_wait3A_81 = arith.constant 0 : i32
      %dma_wait3A_82 = tpu.memref_slice %arg7[%arg0, %add3A_62, %dma_wait3A_81] : memref<2x10112x80xf32, #tpu.memory_space<hbm>> -> memref<1x120x80xf32, #tpu.memory_space<hbm>>
      %dma_wait3A_83 = tpu.memref_squeeze %dma_wait3A_82 : memref<1x120x80xf32, #tpu.memory_space<hbm>> -> memref<120x80xf32, #tpu.memory_space<hbm>>
      %dma_wait3A_84 = arith.constant 0 : i32
      %dma_wait3A_85 = arith.constant 0 : i32
      %dma_wait3A_86 = tpu.memref_slice %arg8[%dma_wait3A_84, %dma_wait3A_85] : memref<128x80xf32, #tpu.memory_space<vmem>> -> memref<120x80xf32, #tpu.memory_space<vmem>>
      tpu.wait_dma2 semaphore(%run_scoped3A : memref<!tpu.dma_semaphore, #tpu.memory_space<semaphore_mem>>) src(%dma_wait3A_86 : memref<120x80xf32, #tpu.memory_space<vmem>>) dst(%dma_wait3A_83 : memref<120x80xf32, #tpu.memory_space<hbm>>)
      tpu.yield
    }) : () -> ()
    return
  }
}

module attributes {stable_mosaic.version = 14 : i64} {
  func.func @_stage_a_body(%arg0: memref<10000x128xf32, #tpu.memory_space<vmem>>, %arg1: memref<128x64xf32, #tpu.memory_space<vmem>>, %arg2: memref<64x8xf32, #tpu.memory_space<vmem>>, %arg3: memref<64x8xf32, #tpu.memory_space<vmem>>, %arg4: memref<10112x80xf32, #tpu.memory_space<vmem>>, %arg5: memref<10112x16xf32, #tpu.memory_space<vmem>>, %arg6: memref<1x16xf32, #tpu.memory_space<vmem>>) attributes {dimension_semantics = [], scalar_prefetch = 0 : i64, scratch_operands = 0 : i64, tpu.core_type = #tpu.core_type<tc>} {
    %get3A = arith.constant 0 : index
    %get3A_0 = arith.constant 0 : index
    %get3A_1 = vector.load %arg0[%get3A, %get3A_0] : memref<10000x128xf32, #tpu.memory_space<vmem>>, vector<10000x128xf32>
    %get3A_2 = arith.constant 0 : index
    %get3A_3 = arith.constant 0 : index
    %get3A_4 = vector.load %arg1[%get3A_2, %get3A_3] : memref<128x64xf32, #tpu.memory_space<vmem>>, vector<128x64xf32>
    %dot_general3A = arith.constant dense<0.000000e+00> : vector<10000x64xf32>
    %dot_general3A_5 = tpu.matmul %get3A_1, %get3A_4, %dot_general3A {dimension_numbers = #tpu.dot_dimension_numbers<[1], [0], [0], [1], [0, 0, 1, 1], [], []>, transpose_lhs_hint = false} : vector<10000x128xf32>, vector<128x64xf32>, vector<10000x64xf32> -> vector<10000x64xf32>
    %get3A_6 = arith.constant 0 : index
    %get3A_7 = arith.constant 0 : index
    %get3A_8 = vector.load %arg2[%get3A_6, %get3A_7] : memref<64x8xf32, #tpu.memory_space<vmem>>, vector<64x8xf32>
    %dot_general3A_9 = arith.constant dense<0.000000e+00> : vector<10000x8xf32>
    %dot_general3A_10 = tpu.matmul %dot_general3A_5, %get3A_8, %dot_general3A_9 {dimension_numbers = #tpu.dot_dimension_numbers<[1], [0], [0], [1], [0, 0, 1, 1], [], []>, transpose_lhs_hint = false} : vector<10000x64xf32>, vector<64x8xf32>, vector<10000x8xf32> -> vector<10000x8xf32>
    %get3A_11 = arith.constant 0 : index
    %get3A_12 = arith.constant 0 : index
    %get3A_13 = vector.load %arg3[%get3A_11, %get3A_12] : memref<64x8xf32, #tpu.memory_space<vmem>>, vector<64x8xf32>
    %dot_general3A_14 = arith.constant dense<0.000000e+00> : vector<10000x8xf32>
    %dot_general3A_15 = tpu.matmul %dot_general3A_5, %get3A_13, %dot_general3A_14 {dimension_numbers = #tpu.dot_dimension_numbers<[1], [0], [0], [1], [0, 0, 1, 1], [], []>, transpose_lhs_hint = false} : vector<10000x64xf32>, vector<64x8xf32>, vector<10000x8xf32> -> vector<10000x8xf32>
    %reduce_max3A = arith.constant dense<0xFF800000> : vector<8xf32>
    %reduce_max3A_16 = vector.multi_reduction <maximumf>, %dot_general3A_10, %reduce_max3A [0] : vector<10000x8xf32> to vector<8xf32>
    %reduce_max3A_17 = arith.constant dense<0xFF800000> : vector<8xf32>
    %reduce_max3A_18 = vector.multi_reduction <maximumf>, %dot_general3A_15, %reduce_max3A_17 [0] : vector<10000x8xf32> to vector<8xf32>
    %add3A = arith.addf %reduce_max3A_16, %reduce_max3A_18 : vector<8xf32>
    %mul3A = arith.constant 2.000000e-01 : f32
    %mul3A_19 = vector.broadcast %mul3A : f32 to vector<8xf32>
    %mul3A_20 = arith.mulf %mul3A_19, %add3A : vector<8xf32>
    %max3A = arith.maximumf %add3A, %mul3A_20 : vector<8xf32>
    %broadcast_in_dim3A = arith.constant 0.000000e+00 : f32
    %broadcast_in_dim3A_21 = vector.broadcast %broadcast_in_dim3A : f32 to vector<10000x8xf32>
    %concatenate3A = tpu.concatenate %dot_general3A_5, %dot_general3A_10, %broadcast_in_dim3A_21 in 1 : vector<10000x64xf32>, vector<10000x8xf32>, vector<10000x8xf32> -> vector<10000x80xf32>
    %broadcast_in_dim3A_22 = arith.constant 0.000000e+00 : f32
    %broadcast_in_dim3A_23 = vector.broadcast %broadcast_in_dim3A_22 : f32 to vector<112x64xf32>
    %broadcast_in_dim3A_24 = arith.constant -1.000000e+03 : f32
    %broadcast_in_dim3A_25 = vector.broadcast %broadcast_in_dim3A_24 : f32 to vector<112x16xf32>
    %concatenate3A_26 = tpu.concatenate %broadcast_in_dim3A_23, %broadcast_in_dim3A_25 in 1 : vector<112x64xf32>, vector<112x16xf32> -> vector<112x80xf32>
    %concatenate3A_27 = tpu.concatenate %concatenate3A, %concatenate3A_26 in 0 : vector<10000x80xf32>, vector<112x80xf32> -> vector<10112x80xf32>
    %swap3A = arith.constant 0 : index
    %swap3A_28 = arith.constant 0 : index
    %swap3A_29 = vector.load %arg4[%swap3A, %swap3A_28] : memref<10112x80xf32, #tpu.memory_space<vmem>>, vector<10112x80xf32>
    tpu.vector_store %arg4[%swap3A, %swap3A_28], %concatenate3A_27 {strides = array<i32>} : memref<10112x80xf32, #tpu.memory_space<vmem>>, vector<10112x80xf32>,
    %broadcast_in_dim3A_30 = arith.constant 0.000000e+00 : f32
    %broadcast_in_dim3A_31 = vector.broadcast %broadcast_in_dim3A_30 : f32 to vector<10000x8xf32>
    %concatenate3A_32 = tpu.concatenate %dot_general3A_15, %broadcast_in_dim3A_31 in 1 : vector<10000x8xf32>, vector<10000x8xf32> -> vector<10000x16xf32>
    %broadcast_in_dim3A_33 = arith.constant 0.000000e+00 : f32
    %broadcast_in_dim3A_34 = vector.broadcast %broadcast_in_dim3A_33 : f32 to vector<112x16xf32>
    %concatenate3A_35 = tpu.concatenate %concatenate3A_32, %broadcast_in_dim3A_34 in 0 : vector<10000x16xf32>, vector<112x16xf32> -> vector<10112x16xf32>
    %swap3A_36 = arith.constant 0 : index
    %swap3A_37 = arith.constant 0 : index
    %swap3A_38 = vector.load %arg5[%swap3A_36, %swap3A_37] : memref<10112x16xf32, #tpu.memory_space<vmem>>, vector<10112x16xf32>
    tpu.vector_store %arg5[%swap3A_36, %swap3A_37], %concatenate3A_35 {strides = array<i32>} : memref<10112x16xf32, #tpu.memory_space<vmem>>, vector<10112x16xf32>,
    %broadcast_in_dim3A_39 = arith.constant 1.000000e+09 : f32
    %broadcast_in_dim3A_40 = vector.broadcast %broadcast_in_dim3A_39 : f32 to vector<8xf32>
    %concatenate3A_41 = tpu.concatenate %max3A, %broadcast_in_dim3A_40 in 0 : vector<8xf32>, vector<8xf32> -> vector<16xf32>
    %reshape3A = vector.shape_cast %concatenate3A_41 : vector<16xf32> to vector<1x16xf32>
    %swap3A_42 = arith.constant 0 : index
    %swap3A_43 = arith.constant 0 : index
    %swap3A_44 = vector.load %arg6[%swap3A_42, %swap3A_43] : memref<1x16xf32, #tpu.memory_space<vmem>>, vector<1x16xf32>
    tpu.vector_store %arg6[%swap3A_42, %swap3A_43], %reshape3A {strides = array<i32>} : memref<1x16xf32, #tpu.memory_space<vmem>>, vector<1x16xf32>,
    return
  }
}

module attributes {stable_mosaic.version = 14 : i64} {
  func.func @_stage_c_body(%arg0: memref<10112x80xf32, #tpu.memory_space<vmem>>, %arg1: memref<10112x80xf32, #tpu.memory_space<vmem>>, %arg2: memref<64xf32, #tpu.memory_space<vmem>>, %arg3: memref<64x64xf32, #tpu.memory_space<vmem>>, %arg4: memref<1x64xf32, #tpu.memory_space<vmem>>, %arg5: memref<1x64xf32, #tpu.memory_space<vmem>>, %arg6: memref<10112x80xf32, #tpu.memory_space<vmem>>, %arg7: memref<10112x16xf32, #tpu.memory_space<vmem>>, %arg8: memref<1x16xf32, #tpu.memory_space<vmem>>) attributes {dimension_semantics = [], scalar_prefetch = 0 : i64, scratch_operands = 0 : i64, tpu.core_type = #tpu.core_type<tc>} {
    %get3A = arith.constant 0 : index
    %get3A_0 = arith.constant 0 : index
    %get3A_1 = vector.load %arg0[%get3A, %get3A_0] : memref<10112x80xf32, #tpu.memory_space<vmem>>, vector<10112x80xf32>
    %get3A_2 = arith.constant 0 : index
    %get3A_3 = arith.constant 0 : index
    %get3A_4 = vector.load %arg1[%get3A_2, %get3A_3] : memref<10112x80xf32, #tpu.memory_space<vmem>>, vector<10112x80xf32>
    %add3A = arith.addf %get3A_1, %get3A_4 : vector<10112x80xf32>
    %slice3A = vector.extract_strided_slice %add3A {offsets = [0, 0], sizes = [10112, 64], strides = [1, 1]} : vector<10112x80xf32> to vector<10112x64xf32>
    %slice3A_5 = vector.extract_strided_slice %add3A {offsets = [0, 64], sizes = [10112, 8], strides = [1, 1]} : vector<10112x80xf32> to vector<10112x8xf32>
    %iota3A = tpu.iota {dimensions = array<i32: 0>} : vector<8x64xi32>
    %iota3A_6 = tpu.iota {dimensions = array<i32: 1>} : vector<8x64xi32>
    %jit3A = arith.constant 8 : i32
    %div3A = vector.broadcast %jit3A : i32 to vector<8x64xi32>
    %div3A_7 = arith.divsi %iota3A_6, %div3A : vector<8x64xi32>
    %sign3A = arith.constant 0 : i32
    %sign3A_8 = vector.broadcast %sign3A : i32 to vector<8x64xi32>
    %sign3A_9 = arith.cmpi sgt, %iota3A_6, %sign3A_8 : vector<8x64xi32>
    %sign3A_10 = arith.extui %sign3A_9 : vector<8x64xi1> to vector<8x64xi32>
    %sign3A_11 = arith.constant 0 : i32
    %sign3A_12 = vector.broadcast %sign3A_11 : i32 to vector<8x64xi32>
    %sign3A_13 = arith.cmpi slt, %iota3A_6, %sign3A_12 : vector<8x64xi32>
    %sign3A_14 = arith.extui %sign3A_13 : vector<8x64xi1> to vector<8x64xi32>
    %sign3A_15 = arith.subi %sign3A_10, %sign3A_14 : vector<8x64xi32>
    %sign3A_16 = arith.constant 0 : i32
    %sign3A_17 = arith.cmpi sgt, %jit3A, %sign3A_16 : i32
    %sign3A_18 = arith.extui %sign3A_17 : i1 to i32
    %sign3A_19 = arith.constant 0 : i32
    %sign3A_20 = arith.cmpi slt, %jit3A, %sign3A_19 : i32
    %sign3A_21 = arith.extui %sign3A_20 : i1 to i32
    %sign3A_22 = arith.subi %sign3A_18, %sign3A_21 : i32
    %ne3A = vector.broadcast %sign3A_22 : i32 to vector<8x64xi32>
    %ne3A_23 = arith.cmpi ne, %sign3A_15, %ne3A : vector<8x64xi32>
    %rem3A = vector.broadcast %jit3A : i32 to vector<8x64xi32>
    %rem3A_24 = arith.remsi %iota3A_6, %rem3A : vector<8x64xi32>
    %ne3A_25 = arith.constant 0 : i32
    %ne3A_26 = vector.broadcast %ne3A_25 : i32 to vector<8x64xi32>
    %ne3A_27 = arith.cmpi ne, %rem3A_24, %ne3A_26 : vector<8x64xi32>
    %and3A = arith.andi %ne3A_23, %ne3A_27 : vector<8x64xi1>
    %sub3A = arith.constant 1 : i32
    %sub3A_28 = vector.broadcast %sub3A : i32 to vector<8x64xi32>
    %sub3A_29 = arith.subi %div3A_7, %sub3A_28 : vector<8x64xi32>
    %select_n3A = arith.select %and3A, %sub3A_29, %div3A_7 : vector<8x64xi1>, vector<8x64xi32>
    %eq3A = arith.cmpi eq, %iota3A, %select_n3A : vector<8x64xi32>
    %convert_element_type3A = arith.extui %eq3A : vector<8x64xi1> to vector<8x64xi32>
    %convert_element_type3A_30 = arith.sitofp %convert_element_type3A : vector<8x64xi32> to vector<8x64xf32>
    %max3A = arith.constant 1.000000e-30 : f32
    %max3A_31 = vector.broadcast %max3A : f32 to vector<10112x8xf32>
    %max3A_32 = arith.maximumf %slice3A_5, %max3A_31 : vector<10112x8xf32>
    %div3A_33 = arith.constant 1.000000e+00 : f32
    %div3A_34 = vector.broadcast %div3A_33 : f32 to vector<10112x8xf32>
    %div3A_35 = arith.divf %div3A_34, %max3A_32 : vector<10112x8xf32>
    %dot_general3A = arith.constant dense<0.000000e+00> : vector<10112x64xf32>
    %dot_general3A_36 = tpu.matmul %div3A_35, %convert_element_type3A_30, %dot_general3A {dimension_numbers = #tpu.dot_dimension_numbers<[1], [0], [0], [1], [0, 0, 1, 1], [], []>, transpose_lhs_hint = false} : vector<10112x8xf32>, vector<8x64xf32>, vector<10112x64xf32> -> vector<10112x64xf32>
    %mul3A = arith.mulf %slice3A, %dot_general3A_36 : vector<10112x64xf32>
    %get3A_37 = arith.constant 0 : index
    %get3A_38 = vector.load %arg2[%get3A_37] : memref<64xf32, #tpu.memory_space<vmem>>, vector<64xf32>
    %broadcast_in_dim3A = vector.shape_cast %get3A_38 : vector<64xf32> to vector<1x64xf32>
    %add3A_39 = vector.broadcast %broadcast_in_dim3A : vector<1x64xf32> to vector<10112x64xf32>
    %add3A_40 = arith.addf %mul3A, %add3A_39 : vector<10112x64xf32>
    %max3A_41 = arith.constant 0.000000e+00 : f32
    %max3A_42 = vector.broadcast %max3A_41 : f32 to vector<10112x64xf32>
    %max3A_43 = arith.maximumf %add3A_40, %max3A_42 : vector<10112x64xf32>
    %get3A_44 = arith.constant 0 : index
    %get3A_45 = arith.constant 0 : index
    %get3A_46 = vector.load %arg3[%get3A_44, %get3A_45] : memref<64x64xf32, #tpu.memory_space<vmem>>, vector<64x64xf32>
    %dot_general3A_47 = arith.constant dense<0.000000e+00> : vector<10112x64xf32>
    %dot_general3A_48 = tpu.matmul %max3A_43, %get3A_46, %dot_general3A_47 {dimension_numbers = #tpu.dot_dimension_numbers<[1], [0], [0], [1], [0, 0, 1, 1], [], []>, transpose_lhs_hint = false} : vector<10112x64xf32>, vector<64x64xf32>, vector<10112x64xf32> -> vector<10112x64xf32>
    %get3A_49 = arith.constant 0 : index
    %get3A_50 = arith.constant 0 : index
    %get3A_51 = vector.load %arg4[%get3A_49, %get3A_50] : memref<1x64xf32, #tpu.memory_space<vmem>>, vector<1x64xf32>
    %dot_general3A_52 = arith.constant dense<0.000000e+00> : vector<10112x1xf32>
    %dot_general3A_53 = tpu.matmul %dot_general3A_48, %get3A_51, %dot_general3A_52 {dimension_numbers = #tpu.dot_dimension_numbers<[1], [1], [0], [0], [0, 0, 1, 0], [], []>, transpose_lhs_hint = false} : vector<10112x64xf32>, vector<1x64xf32>, vector<10112x1xf32> -> vector<10112x1xf32>
    %get3A_54 = arith.constant 0 : index
    %get3A_55 = arith.constant 0 : index
    %get3A_56 = vector.load %arg5[%get3A_54, %get3A_55] : memref<1x64xf32, #tpu.memory_space<vmem>>, vector<1x64xf32>
    %dot_general3A_57 = arith.constant dense<0.000000e+00> : vector<10112x1xf32>
    %dot_general3A_58 = tpu.matmul %dot_general3A_48, %get3A_56, %dot_general3A_57 {dimension_numbers = #tpu.dot_dimension_numbers<[1], [1], [0], [0], [0, 0, 1, 0], [], []>, transpose_lhs_hint = false} : vector<10112x64xf32>, vector<1x64xf32>, vector<10112x1xf32> -> vector<10112x1xf32>
    %slice3A_59 = vector.extract_strided_slice %dot_general3A_53 {offsets = [0, 0], sizes = [10000, 1], strides = [1, 1]} : vector<10112x1xf32> to vector<10000x1xf32>
    %reduce_max3A = vector.shape_cast %slice3A_59 : vector<10000x1xf32> to vector<1x10000x1xf32>
    %reduce_max3A_60 = arith.constant dense<0xFF800000> : vector<1xf32>
    %reduce_max3A_61 = vector.multi_reduction <maximumf>, %reduce_max3A, %reduce_max3A_60 [1, 2] : vector<1x10000x1xf32> to vector<1xf32>
    %reduce_max3A_62 = vector.shape_cast %reduce_max3A_61 : vector<1xf32> to vector<1x1x1xf32>
    %reduce_max3A_63 = vector.extract %reduce_max3A_62[0, 0, 0] : f32 from vector<1x1x1xf32>
    %slice3A_64 = vector.extract_strided_slice %dot_general3A_58 {offsets = [0, 0], sizes = [10000, 1], strides = [1, 1]} : vector<10112x1xf32> to vector<10000x1xf32>
    %reduce_max3A_65 = vector.shape_cast %slice3A_64 : vector<10000x1xf32> to vector<1x10000x1xf32>
    %reduce_max3A_66 = arith.constant dense<0xFF800000> : vector<1xf32>
    %reduce_max3A_67 = vector.multi_reduction <maximumf>, %reduce_max3A_65, %reduce_max3A_66 [1, 2] : vector<1x10000x1xf32> to vector<1xf32>
    %reduce_max3A_68 = vector.shape_cast %reduce_max3A_67 : vector<1xf32> to vector<1x1x1xf32>
    %reduce_max3A_69 = vector.extract %reduce_max3A_68[0, 0, 0] : f32 from vector<1x1x1xf32>
    %add3A_70 = arith.addf %reduce_max3A_63, %reduce_max3A_69 : f32
    %mul3A_71 = arith.constant 2.000000e-01 : f32
    %mul3A_72 = arith.mulf %mul3A_71, %add3A_70 : f32
    %max3A_73 = arith.maximumf %add3A_70, %mul3A_72 : f32
    %iota3A_74 = tpu.iota {dimensions = array<i32: 0>} : vector<10112x1xi32>
    %lt3A = arith.constant 10000 : i32
    %lt3A_75 = vector.broadcast %lt3A : i32 to vector<10112x1xi32>
    %lt3A_76 = arith.cmpi slt, %iota3A_74, %lt3A_75 : vector<10112x1xi32>
    %jit3A_77 = arith.constant -1.000000e+03 : f32
    %broadcast_in_dim3A_78 = vector.broadcast %jit3A_77 : f32 to vector<10112x1xf32>
    %select_n3A_79 = arith.select %lt3A_76, %dot_general3A_53, %broadcast_in_dim3A_78 : vector<10112x1xi1>, vector<10112x1xf32>
    %broadcast_in_dim3A_80 = arith.constant 0.000000e+00 : f32
    %broadcast_in_dim3A_81 = vector.broadcast %broadcast_in_dim3A_80 : f32 to vector<10112x15xf32>
    %concatenate3A = tpu.concatenate %dot_general3A_48, %select_n3A_79, %broadcast_in_dim3A_81 in 1 : vector<10112x64xf32>, vector<10112x1xf32>, vector<10112x15xf32> -> vector<10112x80xf32>
    %swap3A = arith.constant 0 : index
    %swap3A_82 = arith.constant 0 : index
    %swap3A_83 = vector.load %arg6[%swap3A, %swap3A_82] : memref<10112x80xf32, #tpu.memory_space<vmem>>, vector<10112x80xf32>
    tpu.vector_store %arg6[%swap3A, %swap3A_82], %concatenate3A {strides = array<i32>} : memref<10112x80xf32, #tpu.memory_space<vmem>>, vector<10112x80xf32>,
    %broadcast_in_dim3A_84 = arith.constant 0.000000e+00 : f32
    %broadcast_in_dim3A_85 = vector.broadcast %broadcast_in_dim3A_84 : f32 to vector<10112x15xf32>
    %concatenate3A_86 = tpu.concatenate %dot_general3A_58, %broadcast_in_dim3A_85 in 1 : vector<10112x1xf32>, vector<10112x15xf32> -> vector<10112x16xf32>
    %swap3A_87 = arith.constant 0 : index
    %swap3A_88 = arith.constant 0 : index
    %swap3A_89 = vector.load %arg7[%swap3A_87, %swap3A_88] : memref<10112x16xf32, #tpu.memory_space<vmem>>, vector<10112x16xf32>
    tpu.vector_store %arg7[%swap3A_87, %swap3A_88], %concatenate3A_86 {strides = array<i32>} : memref<10112x16xf32, #tpu.memory_space<vmem>>, vector<10112x16xf32>,
    %reshape3A = vector.broadcast %max3A_73 : f32 to vector<1xf32>
    %broadcast_in_dim3A_90 = arith.constant 1.000000e+09 : f32
    %broadcast_in_dim3A_91 = vector.broadcast %broadcast_in_dim3A_90 : f32 to vector<15xf32>
    %concatenate3A_92 = tpu.concatenate %reshape3A, %broadcast_in_dim3A_91 in 0 : vector<1xf32>, vector<15xf32> -> vector<16xf32>
    %reshape3A_93 = vector.shape_cast %concatenate3A_92 : vector<16xf32> to vector<1x16xf32>
    %swap3A_94 = arith.constant 0 : index
    %swap3A_95 = arith.constant 0 : index
    %swap3A_96 = vector.load %arg8[%swap3A_94, %swap3A_95] : memref<1x16xf32, #tpu.memory_space<vmem>>, vector<1x16xf32>
    tpu.vector_store %arg8[%swap3A_94, %swap3A_95], %reshape3A_93 {strides = array<i32>} : memref<1x16xf32, #tpu.memory_space<vmem>>, vector<1x16xf32>,
    return
  }
}

module attributes {stable_mosaic.version = 14 : i64} {
  func.func @_stage_d_body(%arg0: memref<10112x80xf32, #tpu.memory_space<vmem>>, %arg1: memref<10112x80xf32, #tpu.memory_space<vmem>>, %arg2: memref<64xf32, #tpu.memory_space<vmem>>, %arg3: memref<64x2xf32, #tpu.memory_space<vmem>>, %arg4: memref<2xf32, #tpu.memory_space<vmem>>, %arg5: memref<10000x2xf32, #tpu.memory_space<vmem>>) attributes {dimension_semantics = [], scalar_prefetch = 0 : i64, scratch_operands = 0 : i64, tpu.core_type = #tpu.core_type<tc>} {
    %get3A = arith.constant 0 : index
    %get3A_0 = arith.constant 0 : index
    %get3A_1 = vector.load %arg0[%get3A, %get3A_0] : memref<10112x80xf32, #tpu.memory_space<vmem>>, vector<10112x80xf32>
    %get3A_2 = arith.constant 0 : index
    %get3A_3 = arith.constant 0 : index
    %get3A_4 = vector.load %arg1[%get3A_2, %get3A_3] : memref<10112x80xf32, #tpu.memory_space<vmem>>, vector<10112x80xf32>
    %add3A = arith.addf %get3A_1, %get3A_4 : vector<10112x80xf32>
    %slice3A = vector.extract_strided_slice %add3A {offsets = [0, 0], sizes = [10000, 64], strides = [1, 1]} : vector<10112x80xf32> to vector<10000x64xf32>
    %slice3A_5 = vector.extract_strided_slice %add3A {offsets = [0, 64], sizes = [10000, 1], strides = [1, 1]} : vector<10112x80xf32> to vector<10000x1xf32>
    %max3A = arith.constant 1.000000e-30 : f32
    %max3A_6 = vector.broadcast %max3A : f32 to vector<10000x1xf32>
    %max3A_7 = arith.maximumf %slice3A_5, %max3A_6 : vector<10000x1xf32>
    %div3A = arith.constant 1.000000e+00 : f32
    %div3A_8 = vector.broadcast %div3A : f32 to vector<10000x1xf32>
    %div3A_9 = arith.divf %div3A_8, %max3A_7 : vector<10000x1xf32>
    %mul3A = vector.broadcast %div3A_9 : vector<10000x1xf32> to vector<10000x64xf32>
    %mul3A_10 = arith.mulf %slice3A, %mul3A : vector<10000x64xf32>
    %get3A_11 = arith.constant 0 : index
    %get3A_12 = vector.load %arg2[%get3A_11] : memref<64xf32, #tpu.memory_space<vmem>>, vector<64xf32>
    %broadcast_in_dim3A = vector.shape_cast %get3A_12 : vector<64xf32> to vector<1x64xf32>
    %add3A_13 = vector.broadcast %broadcast_in_dim3A : vector<1x64xf32> to vector<10000x64xf32>
    %add3A_14 = arith.addf %mul3A_10, %add3A_13 : vector<10000x64xf32>
    %get3A_15 = arith.constant 0 : index
    %get3A_16 = arith.constant 0 : index
    %get3A_17 = vector.load %arg3[%get3A_15, %get3A_16] : memref<64x2xf32, #tpu.memory_space<vmem>>, vector<64x2xf32>
    %dot_general3A = arith.constant dense<0.000000e+00> : vector<10000x2xf32>
    %dot_general3A_18 = tpu.matmul %add3A_14, %get3A_17, %dot_general3A {dimension_numbers = #tpu.dot_dimension_numbers<[1], [0], [0], [1], [0, 0, 1, 1], [], []>, transpose_lhs_hint = false} : vector<10000x64xf32>, vector<64x2xf32>, vector<10000x2xf32> -> vector<10000x2xf32>
    %get3A_19 = arith.constant 0 : index
    %get3A_20 = vector.load %arg4[%get3A_19] : memref<2xf32, #tpu.memory_space<vmem>>, vector<2xf32>
    %broadcast_in_dim3A_21 = vector.shape_cast %get3A_20 : vector<2xf32> to vector<1x2xf32>
    %add3A_22 = vector.broadcast %broadcast_in_dim3A_21 : vector<1x2xf32> to vector<10000x2xf32>
    %add3A_23 = arith.addf %dot_general3A_18, %add3A_22 : vector<10000x2xf32>
    %swap3A = arith.constant 0 : index
    %swap3A_24 = arith.constant 0 : index
    %swap3A_25 = vector.load %arg5[%swap3A, %swap3A_24] : memref<10000x2xf32, #tpu.memory_space<vmem>>, vector<10000x2xf32>
    tpu.vector_store %arg5[%swap3A, %swap3A_24], %add3A_23 {strides = array<i32>} : memref<10000x2xf32, #tpu.memory_space<vmem>>, vector<10000x2xf32>,
    return
  }
}

</mosaic_0001>

<sc_bundles>
// kernel: kernel.10.cloned.1.call-start
scs
__scs_entry_jumppad:
0x0: {  	(pc) =	sbr.rel $0x88, $3  }
0x1: {  	(tag) =	ssettag $0x0;
	lr =	simm.s32 $0x1  }
0x2: {  	[smem:$0x3F95] =	sst lr;
	_ =	strace $0xD0000000  }
0x3: {  	_ = 	snop  }
0x4: {  	_ = 	snop  }
0x5: {  	_ = 	snop  }
0x6: {  	_ = 	snop  }
0x7: {  	_ = 	snop  }
__scs_overlays_trampoline_lowered:
0x8: {  	[smem:$0x3FA4] =	sst s0  }
0x9: {  	[smem:$0x3FA5] =	sst s1  }
0xa: {  	[smem:$0x3FA6] =	sst s2  }
0xb: {  	[smem:$0x3FA7] =	sst s3  }
0xc: {  	[smem:$0x3FA8] =	sst s4  }
0xd: {  	[smem:$0x3FA9] =	sst s5  }
0xe: {  	[smem:$0x3FAA] =	sst s6  }
0xf: {  	[smem:$0x3FAB] =	sst s7  }
0x10: {  	[smem:$0x3FAC] =	sst s8  }
0x11: {  	[smem:$0x3FAD] =	sst s9;
	s0 =	simm.s32 @!p0 $0x0  }
0x12: {  	s1 =	sld [smem:$0x3F93];
	s0 =	simm.s32 @p0 $0x1  }
0x13: {  	[smem:$0x3FAE] =	sst s0;
	s0 =	simm.s32 @!p1 $0x0  }
0x14: {  	s2 =	sld [smem:$0x3F92];
	s0 =	simm.s32 @p1 $0x1  }
0x15: {  	[smem:$0x3FAF] =	sst s0;
	s0 =	simm.s32 @!p2 $0x0  }
0x16: {  	s3 =	sld [smem:$0x3FDB];
	s0 =	simm.s32 @p2 $0x1  }
0x17: {  	s4 =	simm.s32 $0x1BF5;
	[smem:$0x3FB1] =	sst s0  }
0x18: {  	s0 =	sld [smem:$0x3F94];
	_ =	swait.ge [sflag:s4], $0x0  }
0x19: {  	s7 =	sld [smem:$0x3F95]  }
0x1a: {  	s8 =	sadd.s32 $0xFFFFE003, lr  }
0x1b: {  	s9 =	sadd.s32 $0xFFFFFEF7, lr;
	s5 =	simm.s32 $0xFFFFFFFF;
	p2 =	slt.u32 s8, $0xFFFFF086  }
0x1c: {  	p1 =	slt.u32 s9, $0xF7A;
	s5 =	simm.s32 @!p2 $0x0  }
0x1d: {  	s5 =	simm.s32 @p1 $0x1;
	p0 =	seq.s32 s7, s2  }
0x1e: {  	s7 =	smul.u32 @!p0 $0xF7A, s2;
	p2 =	seq.s32 @!p0 s5, $0x0  }
0x1f: {  	s9 =	smul.u32 $0xF7A, s1;
	s8 =	simm.s32 @!p0 $0x1BF5;
	p2 =	por !p2, p0  }
0x20: {  	[sflag:s8] =	ssyncset.s32 @!p0 $0xFFFFF086;
	s6 =	sadd.s32 @!p0 s3, s7;
	s7 =	simm.s32 @!p0 $0x108  }
0x21: {  	s3 =	sadd.s32 s3, s9;
	s6 =	sadd.s32 @!p0 $0x88, s6;
	s7 =	simm.s32 @p2 $0x1082  }
0x22: {  	[simem:s7], [sflag:s8] =	dma.local @!p0 [hbm:s6], $0xF7A  }
0x23: {  	s9 =	sor.u32 $0xD0000000, s2;
	s6 =	simm.s32 $0x108;
	_ =	swait.ge @!p0 [sflag:s8], $0x0  }
0x24: {  	s3 =	sadd.s32 $0x88, s3;
	s6 =	simm.s32 @!p1 $0x1082;
	[sflag:s4] =	ssyncset.s32 $0xFFFFF086  }
0x25: {  	[simem:s6], [sflag:s4] =	dma.local [hbm:s3], $0xF7A  }
0x26: {  	[smem:$0x3F95] =	sst s1;
	(tag) =	ssettag s2;
	_ =	strace s9  }
0x27: {  	s1 =	sld [smem:$0x3FA5]  }
0x28: {  	s2 =	sld [smem:$0x3FA6]  }
0x29: {  	s4 =	sld [smem:$0x3FA8]  }
0x2a: {  	p0 =	seq.s32 s5, $0x0;
	s5 =	sld [smem:$0x3FA9]  }
0x2b: {  	s6 =	sld [smem:$0x3FAA]  }
0x2c: {  	s7 =	sld [smem:$0x3FAB]  }
0x2d: {  	s3 =	simm.s32 $0x108;
	s8 =	sld [smem:$0x3FAC]  }
0x2e: {  	s3 =	simm.s32 @!p0 $0x1082;
	s9 =	sld [smem:$0x3FAD]  }
0x2f: {  	lr =	sadd.s32 s0, s3;
	s0 =	sld [smem:$0x3FA4]  }
0x30: {  	s3 =	sld [smem:$0x3FA7]  }
0x31: {  	[smem:$0x3FB0] =	sst s10  }
0x32: {  	s10 =	sld [smem:$0x3FAE];
	_ =	sdelay $0x3  }
0x33: {  	p0 =	seq.s32 s10, $0x1;
	s10 =	sld [smem:$0x3FB0];
	_ =	sdelay $0x3  }
0x34: {  	[smem:$0x3FB0] =	sst s10  }
0x35: {  	s10 =	sld [smem:$0x3FAF];
	_ =	sdelay $0x3  }
0x36: {  	p1 =	seq.s32 s10, $0x1;
	s10 =	sld [smem:$0x3FB0];
	_ =	sdelay $0x3  }
0x37: {  	[smem:$0x3FB0] =	sst s10  }
0x38: {  	s10 =	sld [smem:$0x3FB1]  }
0x39: {  	_ = 	snop;
	(pc) =	sbr.ind lr, $3  }
0x3a: {  	_ = 	snop  }
0x3b: {  	_ = 	snop  }
0x3c: {  	p2 =	seq.s32 s10, $0x1;
	s10 =	sld [smem:$0x3FB0]  }
0x3d: {  	_ =	shalt  }
0x3e: {  	_ =	shalt  }
0x3f: {  	_ =	shalt  }
0x40: {  	_ =	shalt  }
0x41: {  	_ =	shalt  }
0x42: {  	_ =	shalt  }
0x43: {  	_ =	shalt  }
0x44: {  	_ =	shalt  }
0x45: {  	_ =	shalt  }
0x46: {  	_ =	shalt  }
0x47: {  	_ =	shalt  }
0x48: {  	_ =	shalt  }
0x49: {  	_ =	shalt  }
0x4a: {  	_ =	shalt  }
0x4b: {  	_ =	shalt  }
0x4c: {  	_ =	shalt  }
0x4d: {  	_ =	shalt  }
0x4e: {  	_ =	shalt  }
0x4f: {  	_ =	shalt  }
0x50: {  	_ =	shalt  }
0x51: {  	_ =	shalt  }
0x52: {  	_ =	shalt  }
0x53: {  	_ =	shalt  }
0x54: {  	_ =	shalt  }
0x55: {  	_ =	shalt  }
0x56: {  	_ =	shalt  }
0x57: {  	_ =	shalt  }
0x58: {  	_ =	shalt  }
0x59: {  	_ =	shalt  }
0x5a: {  	_ =	shalt  }
0x5b: {  	_ =	shalt  }
0x5c: {  	_ =	shalt  }
0x5d: {  	_ =	shalt  }
0x5e: {  	_ =	shalt  }
0x5f: {  	_ =	shalt  }
0x60: {  	_ =	shalt  }
0x61: {  	_ =	shalt  }
0x62: {  	_ =	shalt  }
0x63: {  	_ =	shalt  }
0x64: {  	_ =	shalt  }
0x65: {  	_ =	shalt  }
0x66: {  	_ =	shalt  }
0x67: {  	_ =	shalt  }
0x68: {  	_ =	shalt  }
0x69: {  	_ =	shalt  }
0x6a: {  	_ =	shalt  }
0x6b: {  	_ =	shalt  }
0x6c: {  	_ =	shalt  }
0x6d: {  	_ =	shalt  }
0x6e: {  	_ =	shalt  }
0x6f: {  	_ =	shalt  }
0x70: {  	_ =	shalt  }
0x71: {  	_ =	shalt  }
0x72: {  	_ =	shalt  }
0x73: {  	_ =	shalt  }
0x74: {  	_ =	shalt  }
0x75: {  	_ =	shalt  }
0x76: {  	_ =	shalt  }
0x77: {  	_ =	shalt  }
0x78: {  	_ =	shalt  }
0x79: {  	_ =	shalt  }
0x7a: {  	_ =	shalt  }
0x7b: {  	_ =	shalt  }
0x7c: {  	_ =	shalt  }
0x7d: {  	_ =	shalt  }
0x7e: {  	_ =	shalt  }
0x7f: {  	_ =	shalt  }
0x80: {  	_ =	shalt  }
0x81: {  	_ =	shalt  }
0x82: {  	_ =	shalt  }
0x83: {  	_ =	shalt  }
0x84: {  	_ =	shalt  }
0x85: {  	_ =	shalt  }
0x86: {  	_ =	shalt  }
0x87: {  	_ =	shalt  }
.Lfunc_end0:
.L_simem_size_0:
called_computation.1_lowered:
.L_overlay_start_0:
0x88: {  	s2 =	sld [smem:$0x3FD9]  }
0x89: {  	s3 =	sld [smem:$0x3FFE];
	_ =	sdelay $0x1  }
0x8a: {  	s1 =	srdreg.scid  }
0x8b: {  	s0 =	sand.u32 $0x1, s1  }
0x8c: {  	s17 =	sshll.u32 s0, $0xA;
	s2 =	sadd.s32 s3, s2  }
0x8d: {  	s2 =	sadd.s32 s2, s17  }
0x8e: {  	[smem:$0x3FBC] =	sst s2  }
0x8f: {  	_ = 	snop  }
0x90: {  	s2 =	sld [smem:$0x3FD0];
	(tm) =	ssettm $0x1  }
0x91: {  	s18 =	sld [smem:$0x3FFB];
	_ =	sdelay $0x3  }
0x92: {  	_ =	strace s18  }
0x93: {  	s3 =	sld [smem:$0x3FFC];
	_ =	sdelay $0x3  }
0x94: {  	_ =	strace s3  }
0x95: {  	s3 =	sld [smem:$0x3FFD];
	_ =	sdelay $0x3  }
0x96: {  	_ =	strace s3  }
0x97: {  	_ =	strace $0x8FFFFFFF  }
0x98: {  	s19 =	sld [smem:$0x3FDB];
	_ =	sdelay $0x1  }
0x99: {  	s4 =	simm.s32 $_scs_section_size  }
0x9a: {  	s5 =	simm.s32 $_size__tile_overlayer_lowered;
	s6 =	simm.s32 $_tile_overlayer_lowered  }
0x9b: {  	s22 =	simm.s32 $0x1BFF;
	s21 =	sshll.u32 s6, $0x1;
	s3 =	sadd.s32 s4, s19  }
0x9c: {  	s7 =	simm.s32 $0x0;
	s20 =	sshll.u32 s5, $0x1;
	s5 =	sadd.s32 s21, s3  }
0x9d: {  	[timem:s7], [sflag:s22] =	dma.local [hbm:s5], s20  }
0x9e: {  	_ =	swait.ge [sflag:s22], s20  }
0x9f: {  	s4 =	ssub.s32 $0x0, s20;
	[sflag:s22] =	ssyncset.done $0x0  }
0xa0: {  	[sflag:s22] =	ssyncadd.s32 s4;
	_ =	sdelay $0x1  }
0xa1: {  	s23 =	simm.s32 $0x1B8B  }
0xa2: {  	_ =	swait.ge [sflag:s23], $0x1  }
0xa3: {  	[sflag:s23] =	ssyncset.done $0x0  }
0xa4: {  	s25 =	simm.s32 $0x1B8E;
	s24 =	sld [smem:$0x3FFE];
	[sflag:s23] =	ssyncadd.s32 $0xFFFFFFFF  }
0xa5: {  	s26 =	simm.s32 $execute0_lowered;
	[smem:$0x3FD2] =	sst s25  }
0xa6: {  	s5 =	sshll.u32 s26, $0x1;
	_ =	strace $0x80000049;
	[dreg:$0x1] =	wrdreg $0xFFFFFFFF  }
0xa7: {  	s28 =	simm.s32 $_size_execute0_lowered;
	s3 =	sadd.s32 s3, s5;
	[dreg:$0x0] =	wrdreg $0x0  }
0xa8: {  	s5 =	sshll.u32 s28, $0x1;
	[dreg:$0x2] =	wrdreg s3  }
0xa9: {  	[dreg:$0x3] =	wrdreg s5  }
0xaa: {  	[dreg:$0x4] =	wrdreg $0xC0  }
0xab: {  	_ =	task [dreg:s7], $0x5FFFF  }
0xac: {  	[dreg:$0x1] =	wrdreg $0xFFFFFFFF  }
0xad: {  	[dreg:$0x0] =	wrdreg $0x60  }
0xae: {  	[dreg:$0x2] =	wrdreg s24  }
0xaf: {  	[dreg:$0x3] =	wrdreg s2  }
0xb0: {  	[dreg:$0x4] =	wrdreg $0x1C7900  }
0xb1: {  	[dreg:$0x5] =	wrdreg $0x102100  }
0xb2: {  	[dreg:$0x6] =	wrdreg $0x9  }
0xb3: {  	_ =	task.clear_ibuf [dreg:s7], $0x7FFFF;
	_ =	strace $0x90000049  }
0xb4: {  	s29 =	simm.s32 $0x9;
	_ =	strace $0x8000004B  }
0xb5: {  	_ =	swait.ge [sflag:s29], $0x1  }
0xb6: {  	[sflag:s29] =	ssyncadd.s32 $0xFFFFFFFF  }
0xb7: {  	_ =	strace $0x9000004B  }
0xb8: {  	_ =	sfence  }
0xb9: {  	s30 =	sld [smem:$0x0];
	_ =	sdelay $0x2  }
0xba: {  	s31 =	sshll.u32 s1, $0xD;
	s1 =	sshrl.u32 s1, $0x2  }
0xbb: {  	s3 =	sand.u32 $0x4000, s31;
	s1 =	sadd.s32 s1, s30  }
0xbc: {  	s0 =	sor.u32 s3, s0;
	s1 =	sshll.u32 s1, $0x11  }
0xbd: {  	s0 =	sor.u32 s1, s0  }
0xbe: {  	s0 =	sadd.s32 $0x8F2B, s0  }
0xbf: {  	[sflag:s0] =	ssyncadd.remote.s32 $0x1  }
0xc0: {  	_ =	sfence.sel $0xFFFF  }
0xc1: {  	[dreg:$0x0] =	wrdreg $0xFFFFFFFF;
	(pc) =	sbr.abs _section_cstart, $3  }
0xc2: {  	[dreg:$0x1] =	wrdreg $0xFFFFFFFF  }
0xc3: {  	_ =	task.clear_ibuf [dreg:s7], $0x2FFFF;
	_ =	strace $0x9FFFFFFF  }
0xc4: {  	(tm) =	ssettm $0x7FFFFFFF  }
0xc5: {  	_ =	shalt  }
tec
execute0_lowered:
.L_overlay_start_1:
0x0: {  	(tag) =	ssettag $0x1  }
0x1: {  	s0 =	rddreg [dreg:$0x0]  }
0x2: {  	s3 =	rddreg [dreg:$0x2]  }
0x3: {  	s4 =	rddreg [dreg:$0x3]  }
0x4: {  	s11 =	stileid.u32;
	s1 =	srdreg.scid  }
0x5: {  	s5 =	simm.s32 $0x0;
	s28 =	simm.s32 $0x80;
	s30 =	simm.s32 $0x1  }
0x6: {  	s31 =	simm.s32 $0x3;
	s29 =	simm.s32 $0x4;
	s1 =	sand.u32 $0x1, s1  }
0x7: {  	s2 =	sshll.u32 s11, $0x1;
	[smem:$0x7FF] =	sst s5;
	s7 =	smul.u32 $0x2780, s11  }
0x8: {  	s6 =	sadd.s32 $0x2000, s0;
	s26 =	smul.u32 $0xC580, s11;
	s2 =	sor.u32 s1, s2  }
0x9: {  	_ =	strace $0x8000004A;
	s9 =	ssub.s32 $0x2, s1;
	s1 =	smul.u32 $0xC5800, s1  }
0xa: {  	s2 =	smul.u32 $0x520, s2;
	s8 =	sshrl.u32 s7, $0x3;
	s10 =	sshrl.u32 s9, $0x1  }
0xb: {  	s14 =	sadd.s32 s7, s3;
	s15 =	sadd.s32 s26, s4;
	s19 =	sadd.s32 $0x2800, s26  }
0xc: {  	s20 =	sadd.s32 $0x5000, s26;
	s21 =	sadd.s32 $0x7800, s26;
	s12 =	sadd.s32 $0xA000, s26  }
0xd: {  	s8 =	sadd.s32 s8, s0;
	s9 =	ssub.s32 s9, s10;
	s16 =	sadd.s32 s19, s4  }
0xe: {  	s17 =	sadd.s32 s20, s4;
	s10 =	sadd.s32 s26, s1;
	s7 =	sadd.s32 s1, s19  }
0xf: {  	s19 =	sadd.s32 s12, s4;
	s22 =	sadd.s32 s1, s20;
	s23 =	sadd.s32 s1, s21  }
0x10: {  	s1 =	sadd.s32 s1, s12;
	s12 =	simm.s32 $0xB000;
	s26 =	sshrl.u32 s14, $0x3  }
0x11: {  	s20 =	simm.s32 $0xD900;
	s2 =	sadd.s32 s2, s0;
	[dreg:$0x11] =	wrdreg s26  }
0x12: {  	s0 =	sadd.s32 $0x34400, s0;
	s18 =	sadd.s32 $0x1AC00, s8;
	[dreg:$0x8] =	wrdreg s17  }
0x13: {  	s10 =	sshrl.u32 s10, $0x3;
	s7 =	sshrl.u32 s7, $0x3;
	[dreg:$0xa] =	wrdreg s19  }
0x14: {  	s24 =	sshrl.u32 s23, $0x3;
	s25 =	smax.u32 s9, $0x1;
	[dreg:$0x7] =	wrdreg s18  }
0x15: {  	s1 =	sshrl.u32 s1, $0x3;
	s13 =	sadd.s32 $0x1FC00, s2;
	[dreg:$0x10] =	wrdreg s25  }
0x16: {  	s26 =	simm.s32 $0x6000;
	s2 =	sadd.s32 $0x2A000, s2;
	[dreg:$0x5] =	wrdreg s13  }
0x17: {  	s8 =	simm.s32 $0x6;
	s10 =	sadd.s32 s0, s10;
	[dreg:$0x6] =	wrdreg s2  }
0x18: {  	s9 =	simm.s32 $0x0;
	s7 =	sadd.s32 s0, s7;
	[dreg:$0xb] =	wrdreg s10  }
0x19: {  	s18 =	sadd.s32 s21, s4;
	[dreg:$0xc] =	wrdreg s7;
	s7 =	sshrl.u32 s22, $0x3  }
0x1a: {  	s22 =	simm.s32 $0x7;
	[dreg:$0x9] =	wrdreg s18;
	s7 =	sadd.s32 s0, s7  }
0x1b: {  	s2 =	simm.s32 $0x5800;
	[dreg:$0xd] =	wrdreg s7;
	s7 =	sadd.s32 s0, s24  }
0x1c: {  	s0 =	sadd.s32 s0, s1;
	s24 =	simm.s32 $0x2;
	[dreg:$0xe] =	wrdreg s7  }
0x1d: {  	v0 =	vimm.f32 $0.0e+00;
	s1 =	simm.s32 $0x8800;
	[dreg:$0xf] =	wrdreg s0;
	s0 =	simm.s32 $0x2800  }
.LBB2_1:
0x1e: {  	s7 =	rddreg [dreg:$0x5]  }
0x1f: {  	[tilespmem:s12], [sflag:$0x7] =	stream.linear.gather [hbm4b:s7+s5], $0x2900, $0x38;
	[tilespmem:$0x1EF10] =	vst v63  }
0x20: {  	_ =	swait.ge [sflag:s22], $0x2900  }
0x21: {  	[sflag:s22] =	ssyncset.done $0x0  }
0x22: {  	s14 =	rddreg [dreg:$0x6];
	[sflag:s22] =	ssyncadd.s32 $0xFFFFD700  }
0x23: {  	[tilespmem:s20], [sflag:$0x7] =	stream.linear.gather [hbm4b:s14+s5], $0x2900, $0x38;
	[tilespmem:$0x1EF10] =	vst v63  }
0x24: {  	_ =	swait.ge [sflag:s22], $0x2900  }
0x25: {  	[sflag:s22] =	ssyncset.done $0x0  }
0x26: {  	[sflag:s22] =	ssyncadd.s32 $0xFFFFD700  }
0x27: {  	s10 =	simm.s32 $0x10200;
	s21 =	rddreg [dreg:$0x1]  }
0x28: {  	[tilespmem:s10], [sflag:$0x7] =	stream.linear.gather [hbm4b:s21+s5], $0x10, $0x38;
	[tilespmem:$0x1EF10] =	vst v63  }
0x29: {  	s23 =	stileid.u32;
	_ =	swait.ge [sflag:s22], $0x10  }
0x2a: {  	s7 =	sshll.u32 s23, $0x6;
	[sflag:s22] =	ssyncset.done $0x0;
	s25 =	rddreg [dreg:$0x7]  }
0x2b: {  	s7 =	sor.u32 $0x1C07, s7;
	s11 =	rddreg [dreg:$0x11];
	[sflag:s22] =	ssyncadd.s32 $0xFFFFFFF0  }
0x2c: {  	[spmem:s11], [sflag:s7] =	dma.local [hbm:s25], $0x4F0  }
0x2d: {  	_ =	swait.ge [sflag:s22], $0x4F0  }
0x2e: {  	[sflag:s22] =	ssyncset.done $0x0  }
0x2f: {  	s10 =	simm.s32 $0x140;
	s7 =	simm.s32 $0x0;
	[sflag:s22] =	ssyncadd.s32 $0xFFFFFB10  }
.LBB2_2:
0x30: {  	p0 =	sne.s32 s10, $0x9EC0;
	[tilespmem:s7+$0x6040] =	vst v0;
	s11 =	smov.u32 s10;
	s10 =	sadd.s32 $0x140, s10  }
.Ltmp0:
0x31: {  	[tilespmem:s7+$0x6030] =	vst v0;
	(pc) =	sbr.rel @p0 .LBB2_2-.Ltmp0, $4  }
0x32: {  	[tilespmem:s7+$0x6020] =	vst v0  }
0x33: {  	[tilespmem:s7+$0x6000] =	vst v0  }
0x34: {  	[tilespmem:s7+$0x6010] =	vst v0  }
0x35: {  	s7 =	sshra.s32 s11, $0x2  }
0x36: {  	[tilespmem:s7+$0x6040] =	vst v0  }
0x37: {  	[tilespmem:s7+$0x6030] =	vst v0  }
0x38: {  	[tilespmem:s7+$0x6020] =	vst v0  }
0x39: {  	[tilespmem:s7+$0x6000] =	vst v0  }
0x3a: {  	[tilespmem:s7+$0x6010] =	vst v0  }
0x3b: {  	[spmem:s15] =	stream.linear.scatter [tilespmem:s26], [sflag:$0x7], $0x2800, $0x38;
	[tilespmem:$0x1EF10] =	vst v63  }
0x3c: {  	_ =	swait.ge [sflag:s22], $0x2800  }
0x3d: {  	[sflag:s22] =	ssyncset.done $0x0  }
0x3e: {  	[sflag:s22] =	ssyncadd.s32 $0xFFFFD800  }
0x3f: {  	[spmem:s16] =	stream.linear.scatter [tilespmem:s26], [sflag:$0x7], $0x2800, $0x38;
	[tilespmem:$0x1EF10] =	vst v63  }
0x40: {  	_ =	swait.ge [sflag:s22], $0x2800  }
0x41: {  	[sflag:s22] =	ssyncset.done $0x0  }
0x42: {  	[sflag:s22] =	ssyncadd.s32 $0xFFFFD800  }
0x43: {  	[spmem:s17] =	stream.linear.scatter [tilespmem:s26], [sflag:$0x7], $0x2800, $0x38;
	[tilespmem:$0x1EF10] =	vst v63  }
0x44: {  	_ =	swait.ge [sflag:s22], $0x2800  }
0x45: {  	[sflag:s22] =	ssyncset.done $0x0  }
0x46: {  	[sflag:s22] =	ssyncadd.s32 $0xFFFFD800  }
0x47: {  	[spmem:s18] =	stream.linear.scatter [tilespmem:s26], [sflag:$0x7], $0x2800, $0x38;
	[tilespmem:$0x1EF10] =	vst v63  }
0x48: {  	_ =	swait.ge [sflag:s22], $0x2800  }
0x49: {  	[sflag:s22] =	ssyncset.done $0x0  }
0x4a: {  	[sflag:s22] =	ssyncadd.s32 $0xFFFFD800  }
0x4b: {  	[spmem:s19] =	stream.linear.scatter [tilespmem:s26], [sflag:$0x7], $0x2580, $0x38;
	[tilespmem:$0x1EF10] =	vst v63  }
0x4c: {  	_ =	swait.ge [sflag:s22], $0x2580  }
0x4d: {  	[sflag:s22] =	ssyncset.done $0x0  }
0x4e: {  	[sflag:s22] =	ssyncadd.s32 $0xFFFFDA80  }
0x4f: {  	s21 =	simm.s32 $0x0;
	[bflag:$0x0] =	sbarrier.arrive $0xFFFF  }
0x50: {  	[tilespmem:s21], [sflag:$0x1] =	stream.indirect.gather [hbm4b:s6+s28], $0x50, s12, s28, $0xb8;
	[tilespmem:$0x1EF10] =	vst v63  }
0x51: {  	s13 =	smov.u32 s15;
	s14 =	smov.u32 s16;
	s25 =	simm.s32 $0x5000  }
0x52: {  	[tilespmem:s25], [sflag:$0x3] =	stream.indirect.gather [spmem:s3], $0x10, s20, s28, $0xb8;
	[tilespmem:$0x1EF10] =	vst v63  }
.LBB2_4:
0x53: {  	_ =	swait.ge [sflag:s30], $0x2800  }
0x54: {  	[sflag:s30] =	ssyncset.done $0x0  }
0x55: {  	[sflag:s30] =	ssyncadd.s32 $0xFFFFD800  }
0x56: {  	_ =	swait.ge [sflag:s31], $0x800  }
0x57: {  	s15 =	sshll.u32 s21, $0x8;
	[sflag:s31] =	ssyncset.done $0x0  }
0x58: {  	p0 =	seq.s32 s21, $0x0;
	s7 =	sadd.s32 $0xB080, s15;
	[sflag:s31] =	ssyncadd.s32 $0xFFFFF800  }
0x59: {  	[tilespmem:s0], [sflag:$0x2] =	stream.indirect.gather [hbm4b:s6+s28], $0x50, s7, s28, $0xb8;
	[tilespmem:$0x1EF10] =	vst v63  }
0x5a: {  	s23 =	sadd.s32 $0xD980, s15;
	s7 =	simm.s32 @!p0 $0x5  }
0x5b: {  	[tilespmem:s2], [sflag:$0x4] =	stream.indirect.gather [spmem:s3], $0x10, s23, s28, $0xb8;
	[tilespmem:$0x1EF10] =	vst v63  }
0x5c: {  	_ =	swait.ge @!p0 [sflag:s7], $0x2800  }
0x5d: {  	[sflag:s7] =	ssyncset.done @!p0 $0x0  }
0x5e: {  	s25 =	simm.s32 $0xA0;
	[sflag:s7] =	ssyncadd.s32 @!p0 $0xFFFFD800  }
0x5f: {  	s18 =	simm.s32 $0x5020;
	v2 =	vld [tilespmem:s25+$0x90]  }
0x60: {  	v3 =	vld [tilespmem:s18+$0x10];
	_ =	sdelay $0x2  }
0x61: {  	v1 =	vld [tilespmem:$0x10200]  }
0x62: {  	v4 =	vld [tilespmem:s18+$0xFFFFFFE0]  }
0x63: {  	v5 =	vld [tilespmem:s18+$0xFFFFFFF0];
	v2 =	vadd.f32 v3, v2  }
0x64: {  	v7 =	vld [tilespmem:s25+$0x40]  }
0x65: {  	v3 =	vld [tilespmem:s25+$0xFFFFFFF0];
	v6 =	vmul.f32 $2.000000030e-01, v2  }
0x66: {  	v8 =	vld [tilespmem:s18+$0x0]  }
0x67: {  	v2 =	vmax.f32 v2, v6;
	v6 =	vld [tilespmem:s25+$0xFFFFFFA0]  }
0x68: {  	v2 =	vsub.f32 v2, v1;
	_ =	sdelay $0x1  }
0x69: {  	v3 =	vadd.f32 v5, v3;
	v2 =	vmul.f32 $1.442695020e+00, v2  }
0x6a: {  	v5 =	vadd.f32 v8, v7  }
0x6b: {  	(erf) = vpow2.f32 v2;
	v2 =	vmul.f32 $2.000000030e-01, v3;
	v4 =	vadd.f32 v4, v6  }
0x6c: {  	v6 =	vmul.f32 $2.000000030e-01, v5  }
0x6d: {  	v2 =	vmax.f32 v3, v2;
	v3 =	vmul.f32 $2.000000030e-01, v4  }
0x6e: {  	v5 =	vmax.f32 v5, v6;
	v2 =	vsub.f32 v2, v1  }
0x6f: {  	v3 =	vmax.f32 v4, v3;
	v4 =	vsub.f32 v5, v1  }
0x70: {  	s16 =	simm.s32 $0x1E0;
	v2 =	vmul.f32 $1.442695020e+00, v2;
	v3 =	vsub.f32 v3, v1  }
0x71: {  	s19 =	simm.s32 $0x5060;
	v5 =	vld [tilespmem:s16+$0x90];
	v4 =	vmul.f32 $1.442695020e+00, v4  }
0x72: {  	(erf) = vpow2.f32 v2;
	v2 =	vmul.f32 $1.442695020e+00, v3;
	v3 =	vld [tilespmem:s19+$0x10];
	_ =	sdelay $0x1  }
0x73: {  	(erf) = vpow2.f32 v4  }
0x74: {  	s17 =	simm.s32 $0x60A0;
	v10 =	vld [tilespmem:s19+$0x0];
	(erf) = vpow2.f32 v2;
	v4 =	vpop (erf)  }
0x75: {  	v12 =	vld [tilespmem:s16+$0xFFFFFFA0];
	[tilespmem:s17+$0x90] =	vst v4  }
0x76: {  	v2 =	vld [tilespmem:s25+$0x50];
	v3 =	vadd.f32 v3, v5  }
0x77: {  	v7 =	vld [tilespmem:s19+$0xFFFFFFE0]  }
0x78: {  	v8 =	vld [tilespmem:s16+$0xFFFFFFF0];
	v9 =	vmul.f32 $2.000000030e-01, v3  }
0x79: {  	v6 =	vbroadcast v4, $0x0;
	v5 =	vld [tilespmem:s19+$0xFFFFFFF0]  }
0x7a: {  	v4 =	vld [tilespmem:s16+$0x40]  }
0x7b: {  	v11 =	vpop (erf);
	v3 =	vmax.f32 v3, v9;
	v2 =	vmul.f32 v6, v2  }
0x7c: {  	v3 =	vsub.f32 v3, v1;
	v9 =	vpop (erf)  }
0x7d: {  	v7 =	vadd.f32 v7, v12;
	v13 =	vpop (erf);
	[tilespmem:s17+$0x50] =	vst v2  }
0x7e: {  	v2 =	vadd.f32 v5, v8;
	v3 =	vmul.f32 $1.442695020e+00, v3;
	[tilespmem:s17+$0xFFFFFFA0] =	vst v13;
	v5 =	vld [tilespmem:s25+$0x60]  }
0x7f: {  	v12 =	vmul.f32 $2.000000030e-01, v7;
	v4 =	vadd.f32 v10, v4;
	[tilespmem:s17+$0xFFFFFFF0] =	vst v11;
	v14 =	vld [tilespmem:s25+$0xFFFFFF60]  }
0x80: {  	v15 =	vmul.f32 $2.000000030e-01, v2;
	(erf) = vpow2.f32 v3;
	v3 =	vld [tilespmem:s25+$0xFFFFFFB0]  }
0x81: {  	v10 =	vbroadcast v11, $0x0;
	v11 =	vmul.f32 $2.000000030e-01, v4  }
0x82: {  	s20 =	simm.s32 $0x50A0;
	v7 =	vmax.f32 v7, v12;
	v8 =	vbroadcast v13, $0x0;
	v2 =	vmax.f32 v2, v15  }
0x83: {  	v20 =	vld [tilespmem:s20+$0x0];
	[tilespmem:s17+$0x40] =	vst v9;
	v13 =	vsub.f32 v2, v1;
	v2 =	vmax.f32 v4, v11;
	v5 =	vmul.f32 v6, v5  }
0x84: {  	s7 =	simm.s32 $0x50E0;
	v4 =	vld [tilespmem:s25+$0x0];
	v12 =	vsub.f32 v2, v1;
	v2 =	vbroadcast v9, $0x0;
	v11 =	vmul.f32 v8, v14  }
0x85: {  	v53 =	vld [tilespmem:s7+$0x0];
	s19 =	simm.s32 $0x320;
	v9 =	vmul.f32 $1.442695020e+00, v13;
	v3 =	vmul.f32 v10, v3;
	[tilespmem:s17+$0x60] =	vst v5;
	v5 =	vsub.f32 v7, v1  }
0x86: {  	v17 =	vld [tilespmem:s19+$0x40];
	[tilespmem:s17+$0xFFFFFF60] =	vst v11;
	v11 =	vmul.f32 $1.442695020e+00, v12  }
0x87: {  	v22 =	vld [tilespmem:s19+$0xFFFFFFA0];
	(erf) = vpow2.f32 v9;
	v5 =	vmul.f32 $1.442695020e+00, v5  }
0x88: {  	(erf) = vpow2.f32 v11;
	v11 =	vld [tilespmem:s19+$0x90]  }
0x89: {  	s18 =	simm.s32 $0x61E0;
	[tilespmem:s17+$0xFFFFFFB0] =	vst v3;
	v4 =	vmul.f32 v2, v4;
	v3 =	vpop (erf);
	(erf) = vpow2.f32 v5;
	v5 =	vld [tilespmem:s20+$0x10]  }
0x8a: {  	v12 =	vld [tilespmem:s25+$0xFFFFFFC0];
	[tilespmem:s18+$0x90] =	vst v3  }
0x8b: {  	[tilespmem:s17+$0x0] =	vst v4;
	v4 =	vld [tilespmem:s16+$0x50]  }
0x8c: {  	v9 =	vld [tilespmem:s25+$0xFFFFFF70]  }
0x8d: {  	v15 =	vld [tilespmem:s19+$0xFFFFFFF0]  }
0x8e: {  	v7 =	vld [tilespmem:s25+$0x70];
	v16 =	vbroadcast v3, $0x0;
	v3 =	vadd.f32 v5, v11  }
0x8f: {  	v13 =	vld [tilespmem:s25+$0x10];
	v12 =	vmul.f32 v10, v12  }
0x90: {  	v11 =	vld [tilespmem:s20+$0xFFFFFFF0];
	v4 =	vmul.f32 v16, v4;
	v18 =	vmul.f32 $2.000000030e-01, v3  }
0x91: {  	v14 =	vld [tilespmem:s20+$0xFFFFFFE0];
	v9 =	vmul.f32 v8, v9;
	[tilespmem:s17+$0xFFFFFFC0] =	vst v12  }
0x92: {  	v5 =	vpop (erf);
	v47 =	vld [tilespmem:s25+$0xFFFFFFD0];
	[tilespmem:s18+$0x50] =	vst v4;
	v3 =	vmax.f32 v3, v18  }
0x93: {  	[tilespmem:s17+$0xFFFFFF70] =	vst v9;
	s20 =	simm.s32 $0x460;
	v19 =	vpop (erf);
	v4 =	vmul.f32 v6, v7;
	v7 =	vld [tilespmem:s16+$0x60];
	v3 =	vsub.f32 v3, v1  }
0x94: {  	v51 =	vld [tilespmem:s20+$0xFFFFFFF0];
	[tilespmem:s18+$0xFFFFFFF0] =	vst v5;
	v21 =	vpop (erf)  }
0x95: {  	v13 =	vmul.f32 v2, v13;
	v23 =	vld [tilespmem:s16+$0xFFFFFFB0];
	[tilespmem:s18+$0xFFFFFFA0] =	vst v21;
	v9 =	vadd.f32 v11, v15;
	v24 =	vmul.f32 $1.442695020e+00, v3  }
0x96: {  	[tilespmem:s17+$0x70] =	vst v4;
	v4 =	vbroadcast v19, $0x0;
	v15 =	vadd.f32 v20, v17;
	v18 =	vld [tilespmem:s16+$0xFFFFFF60];
	v3 =	vbroadcast v5, $0x0  }
0x97: {  	v14 =	vadd.f32 v14, v22;
	v17 =	vld [tilespmem:s25+$0xFFFFFF80];
	v12 =	vmul.f32 $2.000000030e-01, v9;
	(erf) = vpow2.f32 v24  }
0x98: {  	v55 =	vld [tilespmem:s20+$0xFFFFFFA0];
	[tilespmem:s17+$0x10] =	vst v13;
	v13 =	vmul.f32 $2.000000030e-01, v15;
	v7 =	vmul.f32 v16, v7  }
0x99: {  	[tilespmem:s18+$0x40] =	vst v19;
	v48 =	vld [tilespmem:s25+$0x20];
	v5 =	vbroadcast v21, $0x0;
	v9 =	vmax.f32 v9, v12;
	v12 =	vmul.f32 $2.000000030e-01, v14  }
0x9a: {  	v11 =	vld [tilespmem:s16+$0x0];
	v49 =	vmul.f32 v3, v23;
	[tilespmem:s18+$0x60] =	vst v7;
	v7 =	vsub.f32 v9, v1;
	v9 =	vmax.f32 v15, v13  }
0x9b: {  	v19 =	vld [tilespmem:s25+$0x80];
	v18 =	vmul.f32 v5, v18;
	v12 =	vmax.f32 v14, v12;
	v9 =	vsub.f32 v9, v1  }
0x9c: {  	v14 =	vmul.f32 v8, v17;
	[tilespmem:s18+$0xFFFFFFB0] =	vst v49;
	v13 =	vld [tilespmem:s16+$0x70];
	v12 =	vsub.f32 v12, v1;
	v7 =	vmul.f32 $1.442695020e+00, v7  }
0x9d: {  	v17 =	vld [tilespmem:s16+$0xFFFFFFC0];
	v9 =	vmul.f32 $1.442695020e+00, v9  }
0x9e: {  	[tilespmem:s18+$0xFFFFFF60] =	vst v18;
	v18 =	vld [tilespmem:s7+$0x10];
	(erf) = vpow2.f32 v7;
	v7 =	vmul.f32 $1.442695020e+00, v12  }
0x9f: {  	v15 =	vld [tilespmem:s16+$0xFFFFFF70];
	(erf) = vpow2.f32 v9  }
0xa0: {  	s10 =	simm.s32 $0x6320;
	v6 =	vmul.f32 v19, v6;
	[tilespmem:s17+$0xFFFFFF80] =	vst v14;
	v9 =	vld [tilespmem:s20+$0x90];
	v14 =	vpop (erf);
	(erf) = vpow2.f32 v7  }
0xa1: {  	v11 =	vmul.f32 v4, v11;
	v12 =	vld [tilespmem:s25+$0xFFFFFF90];
	[tilespmem:s10+$0x90] =	vst v14  }
0xa2: {  	[tilespmem:s17+$0x80] =	vst v6;
	v6 =	vmul.f32 v2, v48;
	v50 =	vld [tilespmem:s19+$0x50]  }
0xa3: {  	v19 =	vld [tilespmem:s7+$0xFFFFFFE0];
	[tilespmem:s18+$0x0] =	vst v11;
	v13 =	vmul.f32 v16, v13  }
0xa4: {  	v11 =	vld [tilespmem:s16+$0x10];
	[tilespmem:s17+$0x20] =	vst v6;
	v17 =	vmul.f32 v3, v17  }
0xa5: {  	[tilespmem:s18+$0x70] =	vst v13;
	v7 =	vbroadcast v14, $0x0;
	v14 =	vld [tilespmem:s7+$0xFFFFFFF0];
	v15 =	vmul.f32 v5, v15;
	v9 =	vadd.f32 v18, v9  }
0xa6: {  	[tilespmem:s18+$0xFFFFFFC0] =	vst v17;
	v13 =	vld [tilespmem:s16+$0x80];
	v12 =	vmul.f32 v12, v8  }
0xa7: {  	v18 =	vld [tilespmem:s20+$0x40];
	[tilespmem:s18+$0xFFFFFF70] =	vst v15;
	v54 =	vmul.f32 $2.000000030e-01, v9;
	v6 =	vpop (erf);
	v52 =	vmul.f32 v7, v50  }
0xa8: {  	[tilespmem:s17+$0xFFFFFF90] =	vst v12;
	v8 =	vpop (erf)  }
0xa9: {  	v20 =	vmul.f32 v10, v47;
	v17 =	vadd.f32 v19, v55;
	v19 =	vld [tilespmem:s16+$0xFFFFFF80];
	v9 =	vmax.f32 v9, v54;
	[tilespmem:s10+$0x50] =	vst v52;
	v56 =	vpop (erf)  }
0xaa: {  	v11 =	vmul.f32 v4, v11;
	v14 =	vadd.f32 v14, v51;
	v9 =	vsub.f32 v9, v1;
	[tilespmem:s10+$0xFFFFFFA0] =	vst v56;
	v58 =	vld [tilespmem:s19+$0x60]  }
0xab: {  	v12 =	vmul.f32 $2.000000030e-01, v17;
	[tilespmem:s10+$0xFFFFFFF0] =	vst v6;
	v13 =	vmul.f32 v13, v16;
	v16 =	vld [tilespmem:s19+$0xFFFFFF60]  }
0xac: {  	v57 =	vld [tilespmem:s19+$0xFFFFFFB0];
	[tilespmem:s10+$0x40] =	vst v8;
	v15 =	vmul.f32 $2.000000030e-01, v14;
	v18 =	vadd.f32 v53, v18;
	v59 =	vmul.f32 $1.442695020e+00, v9  }
0xad: {  	[tilespmem:s17+$0xFFFFFFD0] =	vst v20;
	v12 =	vmax.f32 v17, v12;
	v25 =	vld [tilespmem:s19+$0x0];
	v9 =	vbroadcast v56, $0x0  }
0xae: {  	v62 =	vld [tilespmem:s25+$0xFFFFFFE0];
	[tilespmem:s18+$0x10] =	vst v11;
	v11 =	vmax.f32 v14, v15;
	v14 =	vmul.f32 $2.000000030e-01, v18;
	(erf) = vpow2.f32 v59  }
0xaf: {  	v60 =	vld [tilespmem:s16+$0xFFFFFFD0];
	v6 =	vbroadcast v6, $0x0;
	v11 =	vsub.f32 v11, v1;
	v15 =	vmul.f32 v7, v58  }
0xb0: {  	v61 =	vld [tilespmem:s16+$0x20];
	v8 =	vbroadcast v8, $0x0;
	[tilespmem:s18+$0x80] =	vst v13;
	v13 =	vmax.f32 v18, v14;
	v14 =	vmul.f32 v9, v16  }
0xb1: {  	v18 =	vmul.f32 v6, v57;
	v17 =	vmul.f32 $1.442695020e+00, v11;
	v13 =	vsub.f32 v13, v1;
	v11 =	vld [tilespmem:s25+$0x30];
	[tilespmem:s10+$0x60] =	vst v15  }
0xb2: {  	v12 =	vsub.f32 v12, v1;
	v19 =	vmul.f32 v5, v19;
	[tilespmem:s10+$0xFFFFFF60] =	vst v14;
	v14 =	vmul.f32 v8, v25;
	v16 =	vld [tilespmem:s19+$0x70]  }
0xb3: {  	v63 =	vmul.f32 $1.442695020e+00, v13;
	(erf) = vpow2.f32 v17;
	[tilespmem:s10+$0xFFFFFFB0] =	vst v18;
	v15 =	vld [tilespmem:s19+$0xFFFFFF70]  }
0xb4: {  	v12 =	vmul.f32 $1.442695020e+00, v12;
	v18 =	vmul.f32 v3, v60;
	v13 =	vld [tilespmem:s19+$0xFFFFFFC0];
	[tilespmem:s10+$0x0] =	vst v14  }
0xb5: {  	[tilespmem:s18+$0xFFFFFF80] =	vst v19;
	v17 =	vmul.f32 v4, v61;
	(erf) = vpow2.f32 v63;
	v14 =	vld [tilespmem:s19+$0x10]  }
0xb6: {  	s11 =	simm.s32 $0xC;
	s12 =	simm.s32 $0x5A0;
	v10 =	vmul.f32 v62, v10;
	s25 =	simm.s32 $0x6320;
	[tilespmem:s18+$0xFFFFFFD0] =	vst v18;
	(erf) = vpow2.f32 v12;
	v12 =	vld [tilespmem:s16+$0xFFFFFF90]  }
.LBB2_5:
0xb7: {  	v18 =	vld [tilespmem:s12+$0x90];
	s7 =	sadd.s32 $0x40, s7;
	v19 =	vpop (erf);
	v16 =	vmul.f32 v7, v16;
	s10 =	sadd.s32 $0x140, s10;
	[tilespmem:s18+$0x20] =	vst v17;
	v11 =	vmul.f32 v11, v2;
	v2 =	vmov v4  }
0xb8: {  	v4 =	vmov v8;
	v17 =	vld [tilespmem:s7+$0x10];
	[tilespmem:s10+$0x90] =	vst v19;
	v15 =	vmul.f32 v9, v15  }
0xb9: {  	s11 =	sadd.s32 $0x4, s11;
	v8 =	vld [tilespmem:s20+$0x50];
	v13 =	vmul.f32 v6, v13;
	[tilespmem:s25+$0x70] =	vst v16  }
0xba: {  	p0 =	slt.u32 s11, $0x7C;
	[tilespmem:s25+$0xFFFFFF70] =	vst v15;
	v14 =	vmul.f32 v4, v14;
	v15 =	vld [tilespmem:s19+$0x80]  }
0xbb: {  	v16 =	vld [tilespmem:s7+$0xFFFFFFE0];
	[tilespmem:s25+$0xFFFFFFC0] =	vst v13;
	v12 =	vmul.f32 v12, v5;
	v5 =	vmov v9  }
0xbc: {  	v9 =	vbroadcast v19, $0x0;
	v13 =	vld [tilespmem:s12+$0xFFFFFFF0];
	v19 =	vpop (erf);
	[tilespmem:s25+$0x10] =	vst v14  }
0xbd: {  	v14 =	vld [tilespmem:s7+$0xFFFFFFF0];
	v17 =	vadd.f32 v17, v18;
	[tilespmem:s10+$0xFFFFFFF0] =	vst v19;
	v18 =	vbroadcast v19, $0x0  }
0xbe: {  	v19 =	vld [tilespmem:s12+$0x40];
	v20 =	vmul.f32 v9, v8;
	v8 =	vpop (erf);
	[tilespmem:s18+$0xFFFFFF90] =	vst v12  }
0xbf: {  	v12 =	vld [tilespmem:s7+$0x0];
	v21 =	vmul.f32 $2.000000030e-01, v17;
	[tilespmem:s10+$0x40] =	vst v8;
	v22 =	vpop (erf);
	v15 =	vmul.f32 v15, v7;
	v7 =	vmov v9  }
0xc0: {  	v8 =	vbroadcast v8, $0x0;
	v23 =	vld [tilespmem:s12+$0xFFFFFFA0];
	v9 =	vbroadcast v22, $0x0;
	[tilespmem:s10+$0x50] =	vst v20  }
0xc1: {  	v17 =	vmax.f32 v17, v21;
	v20 =	vld [tilespmem:s20+$0xFFFFFFB0];
	[tilespmem:s25+$0x80] =	vst v15  }
0xc2: {  	v13 =	vadd.f32 v14, v13;
	v14 =	vsub.f32 v17, v1;
	[tilespmem:s10+$0xFFFFFFA0] =	vst v22;
	v15 =	vld [tilespmem:s20+$0x60]  }
0xc3: {  	v17 =	vld [tilespmem:s20+$0xFFFFFF60];
	[tilespmem:s17+$0xFFFFFFE0] =	vst v10  }
0xc4: {  	v10 =	vmul.f32 $2.000000030e-01, v13;
	v12 =	vadd.f32 v12, v19;
	v14 =	vmul.f32 $1.442695020e+00, v14;
	v19 =	vld [tilespmem:s20+$0x0];
	[tilespmem:s17+$0x30] =	vst v11;
	s17 =	smov.u32 s18;
	s18 =	smov.u32 s25;
	s25 =	smov.u32 s10  }
0xc5: {  	v11 =	vadd.f32 v16, v23;
	v21 =	vld [tilespmem:s19+$0xFFFFFF80]  }
0xc6: {  	v10 =	vmax.f32 v13, v10;
	v13 =	vmul.f32 $2.000000030e-01, v12;
	(erf) = vpow2.f32 v14;
	v14 =	vld [tilespmem:s19+$0xFFFFFFD0]  }
0xc7: {  	v16 =	vmul.f32 $2.000000030e-01, v11;
	v10 =	vsub.f32 v10, v1;
	v15 =	vmul.f32 v7, v15;
	v22 =	vld [tilespmem:s19+$0x20]  }
0xc8: {  	v12 =	vmax.f32 v12, v13;
	v13 =	vmul.f32 v9, v17;
	v17 =	vmul.f32 v18, v20;
	v20 =	vld [tilespmem:s16+$0xFFFFFFE0]  }
0xc9: {  	v16 =	vmax.f32 v11, v16;
	v10 =	vmul.f32 $1.442695020e+00, v10;
	v12 =	vsub.f32 v12, v1;
	[tilespmem:s10+$0x60] =	vst v15;
	v11 =	vld [tilespmem:s16+$0x30];
	s16 =	smov.u32 s19;
	s19 =	smov.u32 s20;
	s20 =	smov.u32 s12  }
.Ltmp1:
0xca: {  	v19 =	vmul.f32 v8, v19;
	v23 =	vsub.f32 v16, v1;
	[tilespmem:s10+$0xFFFFFF60] =	vst v13;
	v16 =	vld [tilespmem:s19+$0x70];
	v21 =	vmul.f32 v5, v21;
	(pc) =	sbr.rel @p0 .LBB2_5-.Ltmp1, $4  }
0xcb: {  	v12 =	vmul.f32 $1.442695020e+00, v12;
	(erf) = vpow2.f32 v10;
	v15 =	vld [tilespmem:s19+$0xFFFFFF70];
	[tilespmem:s10+$0xFFFFFFB0] =	vst v17  }
0xcc: {  	v10 =	vmul.f32 $1.442695020e+00, v23;
	v13 =	vld [tilespmem:s19+$0xFFFFFFC0];
	[tilespmem:s10+$0x0] =	vst v19;
	v19 =	vmul.f32 v6, v14  }
0xcd: {  	v17 =	vmul.f32 v4, v22;
	(erf) = vpow2.f32 v12;
	v14 =	vld [tilespmem:s19+$0x10];
	[tilespmem:s18+$0xFFFFFF80] =	vst v21  }
0xce: {  	s12 =	sadd.s32 $0x140, s12;
	(erf) = vpow2.f32 v10;
	v12 =	vld [tilespmem:s16+$0xFFFFFF90];
	[tilespmem:s18+$0xFFFFFFD0] =	vst v19;
	v10 =	vmul.f32 v20, v3;
	v3 =	vmovc v6;
	v6 =	vmov v18  }
0xcf: {  	_ = 	snop  }
0xd0: {  	v1 =	vpop (erf);
	s7 =	sadd.s32 $0x140, s10  }
0xd1: {  	[tilespmem:s7+$0x90] =	vst v1  }
0xd2: {  	v19 =	vld [tilespmem:s20+$0x50];
	_ =	sdelay $0x2  }
0xd3: {  	[tilespmem:s18+$0x20] =	vst v17;
	v1 =	vbroadcast v1, $0x0;
	v18 =	vpop (erf)  }
0xd4: {  	[tilespmem:s7+$0xFFFFFFF0] =	vst v18;
	v20 =	vpop (erf)  }
0xd5: {  	v17 =	vmul.f32 v1, v19;
	v21 =	vpop (erf);
	[tilespmem:s7+$0x40] =	vst v20  }
0xd6: {  	v42 =	vld [tilespmem:s20+$0xFFFFFFB0];
	[tilespmem:s7+$0xFFFFFFA0] =	vst v21  }
0xd7: {  	v15 =	vmul.f32 v9, v15;
	[tilespmem:s7+$0x50] =	vst v17;
	v17 =	vld [tilespmem:s20+$0x0]  }
0xd8: {  	v16 =	vmul.f32 v7, v16;
	v22 =	vld [tilespmem:s20+$0xFFFFFF60]  }
0xd9: {  	v13 =	vmul.f32 v6, v13;
	[tilespmem:s25+$0xFFFFFF70] =	vst v15;
	v15 =	vbroadcast v18, $0x0  }
0xda: {  	[tilespmem:s25+$0x70] =	vst v16;
	v14 =	vmul.f32 v8, v14;
	v20 =	vbroadcast v20, $0x0;
	v16 =	vld [tilespmem:s20+$0x60]  }
0xdb: {  	[tilespmem:s25+$0xFFFFFFC0] =	vst v13;
	v19 =	vbroadcast v21, $0x0;
	v13 =	vmul.f32 v15, v42  }
0xdc: {  	[tilespmem:s25+$0x10] =	vst v14;
	v18 =	vld [tilespmem:s19+$0x80];
	v14 =	vmul.f32 v20, v17  }
0xdd: {  	[tilespmem:s7+$0xFFFFFFB0] =	vst v13;
	v13 =	vld [tilespmem:s19+$0xFFFFFF80];
	v22 =	vmul.f32 v19, v22  }
0xde: {  	v5 =	vmul.f32 v12, v5;
	v12 =	vld [tilespmem:s20+$0xFFFFFFC0];
	[tilespmem:s7+$0x0] =	vst v14  }
0xdf: {  	v16 =	vmul.f32 v1, v16;
	[tilespmem:s7+$0xFFFFFF60] =	vst v22;
	v14 =	vld [tilespmem:s20+$0x10]  }
0xe0: {  	[tilespmem:s17+$0xFFFFFFE0] =	vst v10;
	v43 =	vld [tilespmem:s20+$0xFFFFFF70]  }
0xe1: {  	v7 =	vmul.f32 v18, v7;
	[tilespmem:s7+$0x60] =	vst v16  }
0xe2: {  	[tilespmem:s18+$0xFFFFFF90] =	vst v5;
	v5 =	vld [tilespmem:s20+$0x70];
	v13 =	vmul.f32 v9, v13  }
0xe3: {  	[tilespmem:s25+$0x80] =	vst v7;
	v10 =	vmul.f32 v15, v12  }
0xe4: {  	v7 =	vld [tilespmem:s19+$0xFFFFFFD0];
	[tilespmem:s25+$0xFFFFFF80] =	vst v13  }
0xe5: {  	v13 =	vmul.f32 v20, v14;
	v14 =	vld [tilespmem:s19+$0xFFFFFF90];
	[tilespmem:s7+$0xFFFFFFC0] =	vst v10;
	v16 =	vmul.f32 v19, v43  }
0xe6: {  	v10 =	vld [tilespmem:s20+$0xFFFFFFD0]  }
0xe7: {  	v5 =	vmul.f32 v1, v5;
	[tilespmem:s7+$0xFFFFFF70] =	vst v16;
	v16 =	vld [tilespmem:s19+$0x20]  }
0xe8: {  	v2 =	vmul.f32 v11, v2;
	[tilespmem:s7+$0x10] =	vst v13;
	v12 =	vld [tilespmem:s20+$0xFFFFFF80]  }
0xe9: {  	v7 =	vmul.f32 v6, v7;
	[tilespmem:s7+$0x70] =	vst v5;
	v5 =	vld [tilespmem:s20+$0x20]  }
0xea: {  	[tilespmem:s17+$0x30] =	vst v2;
	v2 =	vld [tilespmem:s20+$0x80];
	v9 =	vmul.f32 v14, v9  }
0xeb: {  	[tilespmem:s25+$0xFFFFFFD0] =	vst v7;
	v7 =	vld [tilespmem:s16+$0x30];
	v10 =	vmul.f32 v15, v10  }
0xec: {  	[tilespmem:s25+$0xFFFFFF90] =	vst v9;
	v13 =	vmul.f32 v8, v16  }
0xed: {  	v9 =	vld [tilespmem:s19+$0xFFFFFFE0];
	[tilespmem:s7+$0xFFFFFFD0] =	vst v10;
	v11 =	vmul.f32 v19, v12  }
0xee: {  	v5 =	vmul.f32 v20, v5;
	v12 =	vld [tilespmem:s16+$0xFFFFFFE0];
	[tilespmem:s25+$0x20] =	vst v13  }
0xef: {  	v1 =	vmul.f32 v2, v1;
	[tilespmem:s7+$0xFFFFFF80] =	vst v11;
	v2 =	vld [tilespmem:s19+$0x30]  }
0xf0: {  	v4 =	vmul.f32 v7, v4;
	[tilespmem:s7+$0x20] =	vst v5;
	v11 =	vld [tilespmem:s20+$0xFFFFFF90]  }
0xf1: {  	[tilespmem:s7+$0x80] =	vst v1;
	v1 =	vld [tilespmem:s20+$0x30]  }
0xf2: {  	[tilespmem:s18+$0x30] =	vst v4;
	v5 =	vld [tilespmem:s20+$0xFFFFFFE0];
	v4 =	vmul.f32 v9, v6  }
0xf3: {  	v3 =	vmul.f32 v12, v3  }
0xf4: {  	[tilespmem:s25+$0xFFFFFFE0] =	vst v4;
	v2 =	vmul.f32 v2, v8  }
0xf5: {  	[tilespmem:s18+$0xFFFFFFE0] =	vst v3;
	v3 =	vmul.f32 v11, v19  }
0xf6: {  	v1 =	vmul.f32 v1, v20;
	[tilespmem:s25+$0x30] =	vst v2  }
0xf7: {  	[tilespmem:s7+$0xFFFFFF90] =	vst v3;
	v3 =	vmul.f32 v5, v15  }
0xf8: {  	s25 =	sand.u32 $0x3FFFFF00, s15;
	[tilespmem:s7+$0x30] =	vst v1  }
0xf9: {  	s11 =	sadd.s32 $0xD900, s25;
	[tilespmem:s7+$0xFFFFFFE0] =	vst v3  }
0xfa: {  	[spmem:s4] =	stream.indirect.scatter.add.f32 [tilespmem:s26], [sflag:$0x5], $0x50, s11, s28, $0xb8;
	[tilespmem:$0x1EF10] =	vst v63  }
0xfb: {  	_ =	swait.ge [sflag:s24], $0x2800  }
0xfc: {  	[sflag:s24] =	ssyncset.done $0x0  }
0xfd: {  	[sflag:s24] =	ssyncadd.s32 $0xFFFFD800  }
0xfe: {  	p0 =	seq.s32 s21, $0x28;
	_ =	swait.ge [sflag:s29], $0x800  }
0xff: {  	s10 =	simm.s32 @!p0 $0x80;
	[sflag:s29] =	ssyncset.done $0x0  }
0x100: {  	s7 =	sadd.s32 @!p0 $0xB100, s15;
	s11 =	simm.s32 @!p0 $0x0;
	[sflag:s29] =	ssyncadd.s32 $0xFFFFF800  }
0x101: {  	[tilespmem:s11], [sflag:$0x1] =	stream.indirect.gather @!p0 [hbm4b:s6+s10], $0x50, s7, s10, $0xb8;
	[tilespmem:$0x1EF10] =	vst v63  }
0x102: {  	p1 =	seq.s32 @!p0 s21, $0x0;
	s7 =	sadd.s32 @!p0 $0xDA00, s15;
	s11 =	simm.s32 @!p0 $0x5000  }
0x103: {  	[tilespmem:s11], [sflag:$0x3] =	stream.indirect.gather @!p0 [spmem:s3], $0x10, s7, s10, $0xb8;
	[tilespmem:$0x1EF10] =	vst v63  }
0x104: {  	p0 =	por p0, !p1  }
0x105: {  	_ =	swait.ge @p0 [sflag:s8], $0x2800  }
0x106: {  	[sflag:s8] =	ssyncset.done @p0 $0x0  }
0x107: {  	s12 =	simm.s32 $0x28A0;
	[sflag:s8] =	ssyncadd.s32 @p0 $0xFFFFD800  }
0x108: {  	s18 =	simm.s32 $0x5820;
	v2 =	vld [tilespmem:s12+$0x90]  }
0x109: {  	v3 =	vld [tilespmem:s18+$0x10];
	_ =	sdelay $0x2  }
0x10a: {  	v1 =	vld [tilespmem:$0x10200]  }
0x10b: {  	v4 =	vld [tilespmem:s18+$0xFFFFFFE0]  }
0x10c: {  	v5 =	vld [tilespmem:s18+$0xFFFFFFF0];
	v2 =	vadd.f32 v3, v2  }
0x10d: {  	v7 =	vld [tilespmem:s12+$0x40]  }
0x10e: {  	v3 =	vld [tilespmem:s12+$0xFFFFFFF0];
	v6 =	vmul.f32 $2.000000030e-01, v2  }
0x10f: {  	v8 =	vld [tilespmem:s18+$0x0]  }
0x110: {  	v2 =	vmax.f32 v2, v6;
	v6 =	vld [tilespmem:s12+$0xFFFFFFA0]  }
0x111: {  	v2 =	vsub.f32 v2, v1;
	_ =	sdelay $0x1  }
0x112: {  	v3 =	vadd.f32 v5, v3;
	v2 =	vmul.f32 $1.442695020e+00, v2  }
0x113: {  	v5 =	vadd.f32 v8, v7  }
0x114: {  	(erf) = vpow2.f32 v2;
	v2 =	vmul.f32 $2.000000030e-01, v3;
	v4 =	vadd.f32 v4, v6  }
0x115: {  	v6 =	vmul.f32 $2.000000030e-01, v5  }
0x116: {  	v2 =	vmax.f32 v3, v2;
	v3 =	vmul.f32 $2.000000030e-01, v4  }
0x117: {  	v5 =	vmax.f32 v5, v6;
	v2 =	vsub.f32 v2, v1  }
0x118: {  	v3 =	vmax.f32 v4, v3;
	v4 =	vsub.f32 v5, v1  }
0x119: {  	s15 =	simm.s32 $0x29E0;
	v2 =	vmul.f32 $1.442695020e+00, v2;
	v3 =	vsub.f32 v3, v1  }
0x11a: {  	s19 =	simm.s32 $0x5860;
	v5 =	vld [tilespmem:s15+$0x90];
	v4 =	vmul.f32 $1.442695020e+00, v4  }
0x11b: {  	(erf) = vpow2.f32 v2;
	v2 =	vmul.f32 $1.442695020e+00, v3;
	v3 =	vld [tilespmem:s19+$0x10];
	_ =	sdelay $0x1  }
0x11c: {  	(erf) = vpow2.f32 v4  }
0x11d: {  	s16 =	simm.s32 $0x88A0;
	v10 =	vld [tilespmem:s19+$0x0];
	v4 =	vpop (erf);
	(erf) = vpow2.f32 v2  }
0x11e: {  	v12 =	vld [tilespmem:s15+$0xFFFFFFA0];
	[tilespmem:s16+$0x90] =	vst v4  }
0x11f: {  	v2 =	vld [tilespmem:s12+$0x50];
	v3 =	vadd.f32 v3, v5  }
0x120: {  	v7 =	vld [tilespmem:s19+$0xFFFFFFE0]  }
0x121: {  	v8 =	vld [tilespmem:s15+$0xFFFFFFF0];
	v9 =	vmul.f32 $2.000000030e-01, v3  }
0x122: {  	v6 =	vbroadcast v4, $0x0;
	v5 =	vld [tilespmem:s19+$0xFFFFFFF0]  }
0x123: {  	v4 =	vld [tilespmem:s15+$0x40]  }
0x124: {  	v11 =	vpop (erf);
	v3 =	vmax.f32 v3, v9;
	v2 =	vmul.f32 v6, v2  }
0x125: {  	v3 =	vsub.f32 v3, v1;
	v9 =	vpop (erf)  }
0x126: {  	v7 =	vadd.f32 v7, v12;
	v13 =	vpop (erf);
	[tilespmem:s16+$0x50] =	vst v2  }
0x127: {  	v2 =	vadd.f32 v5, v8;
	v3 =	vmul.f32 $1.442695020e+00, v3;
	[tilespmem:s16+$0xFFFFFFA0] =	vst v13;
	v5 =	vld [tilespmem:s12+$0x60]  }
0x128: {  	v12 =	vmul.f32 $2.000000030e-01, v7;
	v4 =	vadd.f32 v10, v4;
	[tilespmem:s16+$0xFFFFFFF0] =	vst v11;
	v14 =	vld [tilespmem:s12+$0xFFFFFF60]  }
0x129: {  	v15 =	vmul.f32 $2.000000030e-01, v2;
	(erf) = vpow2.f32 v3;
	v3 =	vld [tilespmem:s12+$0xFFFFFFB0]  }
0x12a: {  	v10 =	vbroadcast v11, $0x0;
	v11 =	vmul.f32 $2.000000030e-01, v4  }
0x12b: {  	s25 =	simm.s32 $0x58A0;
	v7 =	vmax.f32 v7, v12;
	v8 =	vbroadcast v13, $0x0;
	v2 =	vmax.f32 v2, v15  }
0x12c: {  	v44 =	vld [tilespmem:s25+$0x0];
	[tilespmem:s16+$0x40] =	vst v9;
	v13 =	vsub.f32 v2, v1;
	v2 =	vmax.f32 v4, v11;
	v5 =	vmul.f32 v6, v5  }
0x12d: {  	s7 =	simm.s32 $0x58E0;
	v4 =	vld [tilespmem:s12+$0x0];
	v12 =	vsub.f32 v2, v1;
	v2 =	vbroadcast v9, $0x0;
	v11 =	vmul.f32 v8, v14  }
0x12e: {  	s18 =	simm.s32 $0x2B20;
	v53 =	vld [tilespmem:s7+$0x0];
	v9 =	vmul.f32 $1.442695020e+00, v13;
	v3 =	vmul.f32 v10, v3;
	[tilespmem:s16+$0x60] =	vst v5;
	v5 =	vsub.f32 v7, v1  }
0x12f: {  	v17 =	vld [tilespmem:s18+$0x40];
	[tilespmem:s16+$0xFFFFFF60] =	vst v11;
	v11 =	vmul.f32 $1.442695020e+00, v12  }
0x130: {  	v46 =	vld [tilespmem:s18+$0xFFFFFFA0];
	(erf) = vpow2.f32 v9;
	v5 =	vmul.f32 $1.442695020e+00, v5  }
0x131: {  	(erf) = vpow2.f32 v11;
	v11 =	vld [tilespmem:s18+$0x90]  }
0x132: {  	s17 =	simm.s32 $0x89E0;
	[tilespmem:s16+$0xFFFFFFB0] =	vst v3;
	v4 =	vmul.f32 v2, v4;
	v3 =	vpop (erf);
	(erf) = vpow2.f32 v5;
	v5 =	vld [tilespmem:s25+$0x10]  }
0x133: {  	v15 =	vld [tilespmem:s18+$0xFFFFFFF0];
	[tilespmem:s17+$0x90] =	vst v3  }
0x134: {  	[tilespmem:s16+$0x0] =	vst v4;
	v4 =	vld [tilespmem:s15+$0x50]  }
0x135: {  	v9 =	vld [tilespmem:s12+$0xFFFFFF70]  }
0x136: {  	v7 =	vld [tilespmem:s12+$0x70]  }
0x137: {  	v12 =	vld [tilespmem:s12+$0xFFFFFFC0];
	v16 =	vbroadcast v3, $0x0;
	v3 =	vadd.f32 v5, v11  }
0x138: {  	v13 =	vld [tilespmem:s12+$0x10]  }
0x139: {  	s19 =	simm.s32 $0x2C60;
	v11 =	vld [tilespmem:s25+$0xFFFFFFF0];
	v4 =	vmul.f32 v16, v4;
	v18 =	vmul.f32 $2.000000030e-01, v3  }
0x13a: {  	v51 =	vld [tilespmem:s19+$0xFFFFFFF0];
	v9 =	vmul.f32 v8, v9  }
0x13b: {  	v14 =	vld [tilespmem:s25+$0xFFFFFFE0];
	v5 =	vpop (erf);
	[tilespmem:s17+$0x50] =	vst v4;
	v3 =	vmax.f32 v3, v18  }
0x13c: {  	[tilespmem:s16+$0xFFFFFF70] =	vst v9;
	v19 =	vpop (erf);
	v4 =	vmul.f32 v6, v7;
	v7 =	vld [tilespmem:s15+$0x60];
	v3 =	vsub.f32 v3, v1  }
0x13d: {  	v55 =	vld [tilespmem:s19+$0xFFFFFFA0];
	v12 =	vmul.f32 v10, v12;
	[tilespmem:s17+$0xFFFFFFF0] =	vst v5;
	v45 =	vpop (erf)  }
0x13e: {  	v13 =	vmul.f32 v2, v13;
	v23 =	vld [tilespmem:s15+$0xFFFFFFB0];
	[tilespmem:s17+$0xFFFFFFA0] =	vst v45;
	v9 =	vadd.f32 v11, v15;
	v24 =	vmul.f32 $1.442695020e+00, v3  }
0x13f: {  	[tilespmem:s16+$0x70] =	vst v4;
	v4 =	vbroadcast v19, $0x0;
	v15 =	vadd.f32 v44, v17;
	v18 =	vld [tilespmem:s15+$0xFFFFFF60];
	v3 =	vbroadcast v5, $0x0  }
0x140: {  	v14 =	vadd.f32 v14, v46;
	[tilespmem:s16+$0xFFFFFFC0] =	vst v12;
	v17 =	vld [tilespmem:s12+$0xFFFFFF80];
	v12 =	vmul.f32 $2.000000030e-01, v9;
	(erf) = vpow2.f32 v24  }
0x141: {  	v47 =	vld [tilespmem:s12+$0xFFFFFFD0];
	[tilespmem:s16+$0x10] =	vst v13;
	v13 =	vmul.f32 $2.000000030e-01, v15;
	v7 =	vmul.f32 v16, v7  }
0x142: {  	[tilespmem:s17+$0x40] =	vst v19;
	v48 =	vld [tilespmem:s12+$0x20];
	v5 =	vbroadcast v45, $0x0;
	v9 =	vmax.f32 v9, v12;
	v12 =	vmul.f32 $2.000000030e-01, v14  }
0x143: {  	v11 =	vld [tilespmem:s15+$0x0];
	v49 =	vmul.f32 v3, v23;
	[tilespmem:s17+$0x60] =	vst v7;
	v7 =	vsub.f32 v9, v1;
	v9 =	vmax.f32 v15, v13  }
0x144: {  	v19 =	vld [tilespmem:s12+$0x80];
	v18 =	vmul.f32 v5, v18;
	v12 =	vmax.f32 v14, v12;
	v9 =	vsub.f32 v9, v1  }
0x145: {  	v14 =	vmul.f32 v8, v17;
	[tilespmem:s17+$0xFFFFFFB0] =	vst v49;
	v13 =	vld [tilespmem:s15+$0x70];
	v12 =	vsub.f32 v12, v1;
	v7 =	vmul.f32 $1.442695020e+00, v7  }
0x146: {  	v17 =	vld [tilespmem:s15+$0xFFFFFFC0];
	v9 =	vmul.f32 $1.442695020e+00, v9  }
0x147: {  	[tilespmem:s17+$0xFFFFFF60] =	vst v18;
	v18 =	vld [tilespmem:s7+$0x10];
	(erf) = vpow2.f32 v7;
	v7 =	vmul.f32 $1.442695020e+00, v12  }
0x148: {  	v15 =	vld [tilespmem:s15+$0xFFFFFF70];
	(erf) = vpow2.f32 v9  }
0x149: {  	s10 =	simm.s32 $0x8B20;
	v6 =	vmul.f32 v19, v6;
	[tilespmem:s16+$0xFFFFFF80] =	vst v14;
	v9 =	vld [tilespmem:s19+$0x90];
	v14 =	vpop (erf);
	(erf) = vpow2.f32 v7  }
0x14a: {  	v11 =	vmul.f32 v4, v11;
	v12 =	vld [tilespmem:s12+$0xFFFFFF90];
	[tilespmem:s10+$0x90] =	vst v14  }
0x14b: {  	[tilespmem:s16+$0x80] =	vst v6;
	v6 =	vmul.f32 v2, v48;
	v50 =	vld [tilespmem:s18+$0x50]  }
0x14c: {  	v19 =	vld [tilespmem:s7+$0xFFFFFFE0];
	[tilespmem:s17+$0x0] =	vst v11;
	v13 =	vmul.f32 v16, v13  }
0x14d: {  	v11 =	vld [tilespmem:s15+$0x10];
	[tilespmem:s16+$0x20] =	vst v6;
	v17 =	vmul.f32 v3, v17  }
0x14e: {  	[tilespmem:s17+$0x70] =	vst v13;
	v7 =	vbroadcast v14, $0x0;
	v14 =	vld [tilespmem:s7+$0xFFFFFFF0];
	v15 =	vmul.f32 v5, v15;
	v9 =	vadd.f32 v18, v9  }
0x14f: {  	[tilespmem:s17+$0xFFFFFFC0] =	vst v17;
	v13 =	vld [tilespmem:s15+$0x80];
	v12 =	vmul.f32 v12, v8  }
0x150: {  	v18 =	vld [tilespmem:s19+$0x40];
	[tilespmem:s17+$0xFFFFFF70] =	vst v15;
	v54 =	vmul.f32 $2.000000030e-01, v9;
	v6 =	vpop (erf);
	v52 =	vmul.f32 v7, v50  }
0x151: {  	[tilespmem:s16+$0xFFFFFF90] =	vst v12;
	v8 =	vpop (erf)  }
0x152: {  	v20 =	vmul.f32 v10, v47;
	v17 =	vadd.f32 v19, v55;
	v19 =	vld [tilespmem:s15+$0xFFFFFF80];
	v9 =	vmax.f32 v9, v54;
	[tilespmem:s10+$0x50] =	vst v52;
	v56 =	vpop (erf)  }
0x153: {  	v11 =	vmul.f32 v4, v11;
	v14 =	vadd.f32 v14, v51;
	v9 =	vsub.f32 v9, v1;
	[tilespmem:s10+$0xFFFFFFA0] =	vst v56;
	v58 =	vld [tilespmem:s18+$0x60]  }
0x154: {  	v12 =	vmul.f32 $2.000000030e-01, v17;
	[tilespmem:s10+$0xFFFFFFF0] =	vst v6;
	v13 =	vmul.f32 v13, v16;
	v16 =	vld [tilespmem:s18+$0xFFFFFF60]  }
0x155: {  	v57 =	vld [tilespmem:s18+$0xFFFFFFB0];
	[tilespmem:s10+$0x40] =	vst v8;
	v15 =	vmul.f32 $2.000000030e-01, v14;
	v18 =	vadd.f32 v53, v18;
	v59 =	vmul.f32 $1.442695020e+00, v9  }
0x156: {  	[tilespmem:s16+$0xFFFFFFD0] =	vst v20;
	v12 =	vmax.f32 v17, v12;
	v25 =	vld [tilespmem:s18+$0x0];
	v9 =	vbroadcast v56, $0x0  }
0x157: {  	v62 =	vld [tilespmem:s12+$0xFFFFFFE0];
	[tilespmem:s17+$0x10] =	vst v11;
	v11 =	vmax.f32 v14, v15;
	v14 =	vmul.f32 $2.000000030e-01, v18;
	(erf) = vpow2.f32 v59  }
0x158: {  	v60 =	vld [tilespmem:s15+$0xFFFFFFD0];
	v6 =	vbroadcast v6, $0x0;
	v11 =	vsub.f32 v11, v1;
	v15 =	vmul.f32 v7, v58  }
0x159: {  	v61 =	vld [tilespmem:s15+$0x20];
	v8 =	vbroadcast v8, $0x0;
	[tilespmem:s17+$0x80] =	vst v13;
	v13 =	vmax.f32 v18, v14;
	v14 =	vmul.f32 v9, v16  }
0x15a: {  	v18 =	vmul.f32 v6, v57;
	v17 =	vmul.f32 $1.442695020e+00, v11;
	v13 =	vsub.f32 v13, v1;
	v11 =	vld [tilespmem:s12+$0x30];
	[tilespmem:s10+$0x60] =	vst v15  }
0x15b: {  	v12 =	vsub.f32 v12, v1;
	v19 =	vmul.f32 v5, v19;
	[tilespmem:s10+$0xFFFFFF60] =	vst v14;
	v14 =	vmul.f32 v8, v25;
	v16 =	vld [tilespmem:s18+$0x70]  }
0x15c: {  	v63 =	vmul.f32 $1.442695020e+00, v13;
	(erf) = vpow2.f32 v17;
	[tilespmem:s10+$0xFFFFFFB0] =	vst v18;
	v15 =	vld [tilespmem:s18+$0xFFFFFF70]  }
0x15d: {  	v12 =	vmul.f32 $1.442695020e+00, v12;
	v18 =	vmul.f32 v3, v60;
	v13 =	vld [tilespmem:s18+$0xFFFFFFC0];
	[tilespmem:s10+$0x0] =	vst v14  }
0x15e: {  	[tilespmem:s17+$0xFFFFFF80] =	vst v19;
	v17 =	vmul.f32 v4, v61;
	(erf) = vpow2.f32 v63;
	v14 =	vld [tilespmem:s18+$0x10]  }
0x15f: {  	s20 =	simm.s32 $0x8B20;
	s11 =	simm.s32 $0xC;
	v10 =	vmul.f32 v62, v10;
	s12 =	simm.s32 $0x2DA0;
	[tilespmem:s17+$0xFFFFFFD0] =	vst v18;
	(erf) = vpow2.f32 v12;
	v12 =	vld [tilespmem:s15+$0xFFFFFF90]  }
.LBB2_7:
0x160: {  	v18 =	vld [tilespmem:s12+$0x90];
	s7 =	sadd.s32 $0x40, s7;
	v19 =	vpop (erf);
	v16 =	vmul.f32 v7, v16;
	s10 =	sadd.s32 $0x140, s10;
	[tilespmem:s17+$0x20] =	vst v17;
	v11 =	vmul.f32 v11, v2;
	v2 =	vmov v4  }
0x161: {  	v4 =	vmov v8;
	v17 =	vld [tilespmem:s7+$0x10];
	[tilespmem:s10+$0x90] =	vst v19;
	v15 =	vmul.f32 v9, v15  }
0x162: {  	s11 =	sadd.s32 $0x4, s11;
	v8 =	vld [tilespmem:s19+$0x50];
	v13 =	vmul.f32 v6, v13;
	[tilespmem:s20+$0x70] =	vst v16  }
0x163: {  	p0 =	slt.u32 s11, $0x7C;
	[tilespmem:s20+$0xFFFFFF70] =	vst v15;
	v14 =	vmul.f32 v4, v14;
	v15 =	vld [tilespmem:s18+$0x80]  }
0x164: {  	v16 =	vld [tilespmem:s7+$0xFFFFFFE0];
	[tilespmem:s20+$0xFFFFFFC0] =	vst v13;
	v12 =	vmul.f32 v12, v5;
	v5 =	vmov v9  }
0x165: {  	v9 =	vbroadcast v19, $0x0;
	v13 =	vld [tilespmem:s12+$0xFFFFFFF0];
	v19 =	vpop (erf);
	[tilespmem:s20+$0x10] =	vst v14  }
0x166: {  	v14 =	vld [tilespmem:s7+$0xFFFFFFF0];
	v17 =	vadd.f32 v17, v18;
	[tilespmem:s10+$0xFFFFFFF0] =	vst v19;
	v18 =	vbroadcast v19, $0x0  }
0x167: {  	v19 =	vld [tilespmem:s12+$0x40];
	v20 =	vmul.f32 v9, v8;
	v8 =	vpop (erf);
	[tilespmem:s17+$0xFFFFFF90] =	vst v12  }
0x168: {  	v12 =	vld [tilespmem:s7+$0x0];
	v21 =	vmul.f32 $2.000000030e-01, v17;
	[tilespmem:s10+$0x40] =	vst v8;
	v22 =	vpop (erf);
	v15 =	vmul.f32 v15, v7;
	v7 =	vmov v9  }
0x169: {  	v8 =	vbroadcast v8, $0x0;
	v23 =	vld [tilespmem:s12+$0xFFFFFFA0];
	v9 =	vbroadcast v22, $0x0;
	[tilespmem:s10+$0x50] =	vst v20  }
0x16a: {  	v17 =	vmax.f32 v17, v21;
	v20 =	vld [tilespmem:s19+$0xFFFFFFB0];
	[tilespmem:s20+$0x80] =	vst v15  }
0x16b: {  	v13 =	vadd.f32 v14, v13;
	v14 =	vsub.f32 v17, v1;
	[tilespmem:s10+$0xFFFFFFA0] =	vst v22;
	v15 =	vld [tilespmem:s19+$0x60]  }
0x16c: {  	v17 =	vld [tilespmem:s19+$0xFFFFFF60];
	[tilespmem:s16+$0xFFFFFFE0] =	vst v10  }
0x16d: {  	v10 =	vmul.f32 $2.000000030e-01, v13;
	v12 =	vadd.f32 v12, v19;
	v14 =	vmul.f32 $1.442695020e+00, v14;
	v19 =	vld [tilespmem:s19+$0x0];
	[tilespmem:s16+$0x30] =	vst v11;
	s16 =	smov.u32 s17;
	s17 =	smov.u32 s20;
	s20 =	smov.u32 s10  }
0x16e: {  	v11 =	vadd.f32 v16, v23;
	v21 =	vld [tilespmem:s18+$0xFFFFFF80]  }
0x16f: {  	v10 =	vmax.f32 v13, v10;
	v13 =	vmul.f32 $2.000000030e-01, v12;
	(erf) = vpow2.f32 v14;
	v14 =	vld [tilespmem:s18+$0xFFFFFFD0]  }
0x170: {  	v16 =	vmul.f32 $2.000000030e-01, v11;
	v10 =	vsub.f32 v10, v1;
	v15 =	vmul.f32 v7, v15;
	v22 =	vld [tilespmem:s18+$0x20]  }
0x171: {  	v12 =	vmax.f32 v12, v13;
	v13 =	vmul.f32 v9, v17;
	v17 =	vmul.f32 v18, v20;
	v20 =	vld [tilespmem:s15+$0xFFFFFFE0]  }
0x172: {  	v16 =	vmax.f32 v11, v16;
	v10 =	vmul.f32 $1.442695020e+00, v10;
	v12 =	vsub.f32 v12, v1;
	[tilespmem:s10+$0x60] =	vst v15;
	v11 =	vld [tilespmem:s15+$0x30];
	s15 =	smov.u32 s18;
	s18 =	smov.u32 s19;
	s19 =	smov.u32 s12  }
.Ltmp2:
0x173: {  	v19 =	vmul.f32 v8, v19;
	v23 =	vsub.f32 v16, v1;
	[tilespmem:s10+$0xFFFFFF60] =	vst v13;
	v16 =	vld [tilespmem:s18+$0x70];
	v21 =	vmul.f32 v5, v21;
	(pc) =	sbr.rel @p0 .LBB2_7-.Ltmp2, $4  }
0x174: {  	v12 =	vmul.f32 $1.442695020e+00, v12;
	(erf) = vpow2.f32 v10;
	v15 =	vld [tilespmem:s18+$0xFFFFFF70];
	[tilespmem:s10+$0xFFFFFFB0] =	vst v17  }
0x175: {  	v10 =	vmul.f32 $1.442695020e+00, v23;
	v13 =	vld [tilespmem:s18+$0xFFFFFFC0];
	[tilespmem:s10+$0x0] =	vst v19;
	v19 =	vmul.f32 v6, v14  }
0x176: {  	v17 =	vmul.f32 v4, v22;
	(erf) = vpow2.f32 v12;
	v14 =	vld [tilespmem:s18+$0x10];
	[tilespmem:s17+$0xFFFFFF80] =	vst v21  }
0x177: {  	s12 =	sadd.s32 $0x140, s12;
	(erf) = vpow2.f32 v10;
	v12 =	vld [tilespmem:s15+$0xFFFFFF90];
	[tilespmem:s17+$0xFFFFFFD0] =	vst v19;
	v10 =	vmul.f32 v20, v3;
	v3 =	vmovc v6;
	v6 =	vmov v18  }
0x178: {  	_ =	sdelay $0x1  }
0x179: {  	v1 =	vpop (erf);
	s7 =	sadd.s32 $0x140, s10  }
0x17a: {  	[tilespmem:s7+$0x90] =	vst v1  }
0x17b: {  	v19 =	vld [tilespmem:s19+$0x50];
	_ =	sdelay $0x1  }
0x17c: {  	v18 =	vpop (erf)  }
0x17d: {  	v1 =	vbroadcast v1, $0x0;
	v20 =	vpop (erf)  }
0x17e: {  	[tilespmem:s7+$0xFFFFFFF0] =	vst v18;
	v21 =	vpop (erf)  }
0x17f: {  	v34 =	vmul.f32 v1, v19;
	v36 =	vld [tilespmem:s19+$0xFFFFFFB0];
	[tilespmem:s7+$0xFFFFFFA0] =	vst v21  }
0x180: {  	[tilespmem:s7+$0x40] =	vst v20;
	v22 =	vld [tilespmem:s19+$0xFFFFFF60]  }
0x181: {  	[tilespmem:s7+$0x50] =	vst v34;
	v37 =	vld [tilespmem:s19+$0x0]  }
0x182: {  	[tilespmem:s17+$0x20] =	vst v17;
	v16 =	vmul.f32 v7, v16;
	v39 =	vbroadcast v18, $0x0;
	v38 =	vld [tilespmem:s19+$0x60]  }
0x183: {  	[tilespmem:s16+$0xFFFFFFE0] =	vst v10;
	v14 =	vmul.f32 v8, v14;
	v35 =	vbroadcast v21, $0x0  }
0x184: {  	[tilespmem:s20+$0x70] =	vst v16;
	v20 =	vbroadcast v20, $0x0;
	v41 =	vmul.f32 v39, v36  }
0x185: {  	[tilespmem:s20+$0x10] =	vst v14;
	v22 =	vmul.f32 v35, v22  }
0x186: {  	v57 =	vld [tilespmem:s15+$0xFFFFFFE0];
	v43 =	vmul.f32 v20, v37;
	[tilespmem:s7+$0xFFFFFFB0] =	vst v41  }
0x187: {  	v16 =	vmul.f32 v1, v38;
	v45 =	vld [tilespmem:s19+$0xFFFFFFC0];
	[tilespmem:s7+$0xFFFFFF60] =	vst v22  }
0x188: {  	v2 =	vmul.f32 v11, v2;
	[tilespmem:s7+$0x0] =	vst v43;
	v42 =	vld [tilespmem:s19+$0xFFFFFF70]  }
0x189: {  	v15 =	vmul.f32 v9, v15;
	[tilespmem:s7+$0x60] =	vst v16;
	v14 =	vld [tilespmem:s19+$0x10]  }
0x18a: {  	v13 =	vmul.f32 v6, v13;
	[tilespmem:s16+$0x30] =	vst v2;
	v47 =	vld [tilespmem:s19+$0x70]  }
0x18b: {  	[tilespmem:s20+$0xFFFFFF70] =	vst v15;
	v40 =	vld [tilespmem:s18+$0x80];
	v5 =	vmul.f32 v12, v5  }
0x18c: {  	[tilespmem:s20+$0xFFFFFFC0] =	vst v13;
	v44 =	vld [tilespmem:s18+$0xFFFFFF80];
	v50 =	vmul.f32 v39, v45  }
0x18d: {  	v49 =	vld [tilespmem:s18+$0xFFFFFFD0];
	[tilespmem:s17+$0xFFFFFF90] =	vst v5;
	v48 =	vmul.f32 v35, v42  }
0x18e: {  	v52 =	vld [tilespmem:s18+$0x20];
	v53 =	vmul.f32 v20, v14;
	[tilespmem:s7+$0xFFFFFFC0] =	vst v50  }
0x18f: {  	v5 =	vmul.f32 v1, v47;
	v10 =	vld [tilespmem:s19+$0xFFFFFFD0];
	[tilespmem:s7+$0xFFFFFF70] =	vst v48  }
0x190: {  	v3 =	vmul.f32 v57, v3;
	[tilespmem:s7+$0x10] =	vst v53;
	v51 =	vld [tilespmem:s19+$0xFFFFFF80]  }
0x191: {  	v13 =	vmul.f32 v9, v44;
	[tilespmem:s7+$0x70] =	vst v5;
	v55 =	vld [tilespmem:s19+$0x20]  }
0x192: {  	[tilespmem:s17+$0xFFFFFFE0] =	vst v3;
	v46 =	vmul.f32 v40, v7;
	v7 =	vmul.f32 v6, v49;
	v2 =	vld [tilespmem:s19+$0x80]  }
0x193: {  	v59 =	vld [tilespmem:s15+$0x30];
	[tilespmem:s20+$0xFFFFFF80] =	vst v13;
	v58 =	vmul.f32 v8, v52  }
0x194: {  	[tilespmem:s20+$0xFFFFFFD0] =	vst v7;
	v10 =	vmul.f32 v39, v10  }
0x195: {  	v54 =	vld [tilespmem:s18+$0xFFFFFF90];
	[tilespmem:s20+$0x20] =	vst v58;
	v56 =	vmul.f32 v35, v51  }
0x196: {  	v61 =	vld [tilespmem:s18+$0xFFFFFFE0];
	v5 =	vmul.f32 v20, v55;
	[tilespmem:s7+$0xFFFFFFD0] =	vst v10  }
0x197: {  	v1 =	vmul.f32 v2, v1;
	v2 =	vld [tilespmem:s18+$0x30];
	[tilespmem:s7+$0xFFFFFF80] =	vst v56  }
0x198: {  	v4 =	vmul.f32 v59, v4;
	[tilespmem:s7+$0x20] =	vst v5;
	v11 =	vld [tilespmem:s19+$0xFFFFFF90]  }
0x199: {  	[tilespmem:s7+$0x80] =	vst v1;
	v1 =	vld [tilespmem:s19+$0x30]  }
0x19a: {  	[tilespmem:s17+$0x30] =	vst v4;
	v60 =	vmul.f32 v54, v9;
	v62 =	vld [tilespmem:s19+$0xFFFFFFE0]  }
0x19b: {  	[tilespmem:s20+$0x80] =	vst v46;
	v63 =	vmul.f32 v61, v6  }
0x19c: {  	s21 =	sadd.s32 $0x1, s21;
	[tilespmem:s20+$0xFFFFFF90] =	vst v60;
	v2 =	vmul.f32 v2, v8  }
0x19d: {  	p0 =	sne.s32 s21, $0x29;
	[tilespmem:s20+$0xFFFFFFE0] =	vst v63;
	v3 =	vmul.f32 v11, v35  }
.Ltmp3:
0x19e: {  	[tilespmem:s20+$0x30] =	vst v2;
	v1 =	vmul.f32 v1, v20;
	(pc) =	sbr.rel @p0 .LBB2_4-.Ltmp3, $4  }
0x19f: {  	[tilespmem:s7+$0xFFFFFF90] =	vst v3;
	v3 =	vmul.f32 v62, v39  }
0x1a0: {  	[tilespmem:s7+$0x30] =	vst v1  }
0x1a1: {  	[tilespmem:s7+$0xFFFFFFE0] =	vst v3  }
0x1a2: {  	[spmem:s4] =	stream.indirect.scatter.add.f32 [tilespmem:s1], [sflag:$0x6], $0x50, s23, s28, $0xb8;
	[tilespmem:$0x1EF10] =	vst v63  }
0x1a3: {  	s7 =	simm.s32 $0x5  }
0x1a4: {  	_ =	swait.ge [sflag:s7], $0x2800  }
0x1a5: {  	[sflag:s7] =	ssyncset.done $0x0  }
0x1a6: {  	[sflag:s7] =	ssyncadd.s32 $0xFFFFD800  }
0x1a7: {  	_ =	swait.ge [sflag:s8], $0x2800  }
0x1a8: {  	[sflag:s8] =	ssyncset.done $0x0  }
0x1a9: {  	[sflag:s8] =	ssyncadd.s32 $0xFFFFD800  }
0x1aa: {  	[bflag:$0x0] =	sbarrier.arrive $0xFFFF  }
0x1ab: {  	[tilespmem:s5], [sflag:$0x7] =	stream.linear.gather [spmem:s13], $0x2800, $0x38;
	[tilespmem:$0x1EF10] =	vst v63  }
0x1ac: {  	_ =	swait.ge [sflag:s22], $0x2800  }
0x1ad: {  	[sflag:s22] =	ssyncset.done $0x0  }
0x1ae: {  	s18 =	rddreg [dreg:$0xb];
	[sflag:s22] =	ssyncadd.s32 $0xFFFFD800  }
0x1af: {  	[hbm4b:s18+s5] =	stream.linear.scatter [tilespmem:s5], [sflag:$0x7], $0x2800, $0x38;
	[tilespmem:$0x1EF10] =	vst v63  }
0x1b0: {  	_ =	swait.ge [sflag:s22], $0x2800  }
0x1b1: {  	[sflag:s22] =	ssyncset.done $0x0  }
0x1b2: {  	[sflag:s22] =	ssyncadd.s32 $0xFFFFD800  }
0x1b3: {  	[tilespmem:s5], [sflag:$0x7] =	stream.linear.gather [spmem:s14], $0x2800, $0x38;
	[tilespmem:$0x1EF10] =	vst v63  }
0x1b4: {  	_ =	swait.ge [sflag:s22], $0x2800  }
0x1b5: {  	[sflag:s22] =	ssyncset.done $0x0  }
0x1b6: {  	s19 =	rddreg [dreg:$0xc];
	[sflag:s22] =	ssyncadd.s32 $0xFFFFD800  }
0x1b7: {  	[hbm4b:s19+s5] =	stream.linear.scatter [tilespmem:s5], [sflag:$0x7], $0x2800, $0x38;
	[tilespmem:$0x1EF10] =	vst v63  }
0x1b8: {  	_ =	swait.ge [sflag:s22], $0x2800  }
0x1b9: {  	[sflag:s22] =	ssyncset.done $0x0  }
0x1ba: {  	s17 =	rddreg [dreg:$0x8];
	[sflag:s22] =	ssyncadd.s32 $0xFFFFD800  }
0x1bb: {  	[tilespmem:s5], [sflag:$0x7] =	stream.linear.gather [spmem:s17], $0x2800, $0x38;
	[tilespmem:$0x1EF10] =	vst v63  }
0x1bc: {  	_ =	swait.ge [sflag:s22], $0x2800  }
0x1bd: {  	[sflag:s22] =	ssyncset.done $0x0  }
0x1be: {  	s20 =	rddreg [dreg:$0xd];
	[sflag:s22] =	ssyncadd.s32 $0xFFFFD800  }
0x1bf: {  	[hbm4b:s20+s5] =	stream.linear.scatter [tilespmem:s5], [sflag:$0x7], $0x2800, $0x38;
	[tilespmem:$0x1EF10] =	vst v63  }
0x1c0: {  	_ =	swait.ge [sflag:s22], $0x2800  }
0x1c1: {  	[sflag:s22] =	ssyncset.done $0x0  }
0x1c2: {  	s18 =	rddreg [dreg:$0x9];
	[sflag:s22] =	ssyncadd.s32 $0xFFFFD800  }
0x1c3: {  	[tilespmem:s5], [sflag:$0x7] =	stream.linear.gather [spmem:s18], $0x2800, $0x38;
	[tilespmem:$0x1EF10] =	vst v63  }
0x1c4: {  	_ =	swait.ge [sflag:s22], $0x2800  }
0x1c5: {  	[sflag:s22] =	ssyncset.done $0x0  }
0x1c6: {  	s21 =	rddreg [dreg:$0xe];
	[sflag:s22] =	ssyncadd.s32 $0xFFFFD800  }
0x1c7: {  	[hbm4b:s21+s5] =	stream.linear.scatter [tilespmem:s5], [sflag:$0x7], $0x2800, $0x38;
	[tilespmem:$0x1EF10] =	vst v63  }
0x1c8: {  	_ =	swait.ge [sflag:s22], $0x2800  }
0x1c9: {  	[sflag:s22] =	ssyncset.done $0x0  }
0x1ca: {  	s19 =	rddreg [dreg:$0xa];
	[sflag:s22] =	ssyncadd.s32 $0xFFFFD800  }
0x1cb: {  	[tilespmem:s5], [sflag:$0x7] =	stream.linear.gather [spmem:s19], $0x2580, $0x38;
	[tilespmem:$0x1EF10] =	vst v63  }
0x1cc: {  	_ =	swait.ge [sflag:s22], $0x2580  }
0x1cd: {  	[sflag:s22] =	ssyncset.done $0x0  }
0x1ce: {  	s23 =	rddreg [dreg:$0xf];
	[sflag:s22] =	ssyncadd.s32 $0xFFFFDA80  }
0x1cf: {  	[hbm4b:s23+s5] =	stream.linear.scatter [tilespmem:s5], [sflag:$0x7], $0x2580, $0x38;
	[tilespmem:$0x1EF10] =	vst v63  }
0x1d0: {  	_ =	swait.ge [sflag:s22], $0x2580  }
0x1d1: {  	s9 =	sadd.s32 $0x1, s9;
	s25 =	rddreg [dreg:$0x10]  }
0x1d2: {  	p0 =	sne.s32 s9, s25  }
.Ltmp4:
0x1d3: {  	_ = 	snop;
	(pc) =	sbr.rel @p0 .LBB2_1-.Ltmp4, $3  }
0x1d4: {  	_ =	sdelay $0x1  }
0x1d5: {  	s15 =	smov.u32 s13;
	s16 =	smov.u32 s14;
	[sflag:s22] =	ssyncset.done $0x0  }
0x1d6: {  	s12 =	simm.s32 $0xB000;
	s20 =	simm.s32 $0xD900;
	[sflag:s22] =	ssyncadd.s32 $0xFFFFDA80  }
0x1d7: {  	_ =	sfence.sel $0x180000  }
0x1d8: {  	[bflag:$0x0] =	sbarrier.arrive $0xFFFF  }
0x1d9: {  	_ =	strace $0x9000004A  }
0x1da: {  	s0 =	stileid.u32;
	[bflag:$0x2] =	sbarrier.arrive $0xFFFF  }
0x1db: {  	p0 =	sne.s32 s0, $0x0;
	s0 =	rddreg [dreg:$0x4]  }
0x1dc: {  	s0 =	sadd.s32 @!p0 $0x100000, s0  }
0x1dd: {  	[sflag:s0] =	ssyncadd.tile.s32 @!p0 $0x1;
	_ =	shalt  }
.Lfunc_end2:
_tile_overlayer_lowered:
.L_overlay_start_2:
0x1de: {  	(tag) =	ssettag $0x2  }
0x1df: {  	s0 =	rddreg [dreg:$0x0];
	s2 =	stileid.u32  }
0x1e0: {  	s1 =	rddreg [dreg:$0x1];
	p0 =	sne.s32 s2, $0x0  }
0x1e1: {  	s3 =	rddreg [dreg:$0x2];
	[bflag:$0x3] =	sbarrier.arrive $0xFFFF;
	s2 =	simm.s32 @!p0 $0x1C07  }
0x1e2: {  	[timem:s3], [sflag:s2] =	dma.local @!p0 [hbm:s0], s1  }
0x1e3: {  	s0 =	simm.s32 @!p0 $0x7  }
0x1e4: {  	_ =	swait.ge @!p0 [sflag:s0], s1  }
0x1e5: {  	s1 =	ssub.s32 @!p0 $0x0, s1;
	[sflag:s0] =	ssyncset.done @!p0 $0x0  }
0x1e6: {  	[sflag:s0] =	ssyncadd.s32 @!p0 s1  }
0x1e7: {  	[bflag:$0x3] =	sbarrier.arrive $0xFFFF  }
0x1e8: {  	_ =	shalt  }

// kernel: kernel.7.cloned.1.call-start
scs
__scs_entry_jumppad:
0x0: {  	(pc) =	sbr.rel $0x88, $3  }
0x1: {  	(tag) =	ssettag $0x0;
	lr =	simm.s32 $0x1  }
0x2: {  	[smem:$0x3F95] =	sst lr;
	_ =	strace $0xD0000000  }
0x3: {  	_ = 	snop  }
0x4: {  	_ = 	snop  }
0x5: {  	_ = 	snop  }
0x6: {  	_ = 	snop  }
0x7: {  	_ = 	snop  }
__scs_overlays_trampoline_lowered:
0x8: {  	[smem:$0x3FA4] =	sst s0  }
0x9: {  	[smem:$0x3FA5] =	sst s1  }
0xa: {  	[smem:$0x3FA6] =	sst s2  }
0xb: {  	[smem:$0x3FA7] =	sst s3  }
0xc: {  	[smem:$0x3FA8] =	sst s4  }
0xd: {  	[smem:$0x3FA9] =	sst s5  }
0xe: {  	[smem:$0x3FAA] =	sst s6  }
0xf: {  	[smem:$0x3FAB] =	sst s7  }
0x10: {  	[smem:$0x3FAC] =	sst s8  }
0x11: {  	[smem:$0x3FAD] =	sst s9;
	s0 =	simm.s32 @!p0 $0x0  }
0x12: {  	s1 =	sld [smem:$0x3F93];
	s0 =	simm.s32 @p0 $0x1  }
0x13: {  	[smem:$0x3FAE] =	sst s0;
	s0 =	simm.s32 @!p1 $0x0  }
0x14: {  	s2 =	sld [smem:$0x3F92];
	s0 =	simm.s32 @p1 $0x1  }
0x15: {  	[smem:$0x3FAF] =	sst s0;
	s0 =	simm.s32 @!p2 $0x0  }
0x16: {  	s3 =	sld [smem:$0x3FDB];
	s0 =	simm.s32 @p2 $0x1  }
0x17: {  	s4 =	simm.s32 $0x1BF5;
	[smem:$0x3FB1] =	sst s0  }
0x18: {  	s0 =	sld [smem:$0x3F94];
	_ =	swait.ge [sflag:s4], $0x0  }
0x19: {  	s7 =	sld [smem:$0x3F95]  }
0x1a: {  	s8 =	sadd.s32 $0xFFFFE003, lr  }
0x1b: {  	s9 =	sadd.s32 $0xFFFFFEF7, lr;
	s5 =	simm.s32 $0xFFFFFFFF;
	p2 =	slt.u32 s8, $0xFFFFF086  }
0x1c: {  	p1 =	slt.u32 s9, $0xF7A;
	s5 =	simm.s32 @!p2 $0x0  }
0x1d: {  	s5 =	simm.s32 @p1 $0x1;
	p0 =	seq.s32 s7, s2  }
0x1e: {  	s7 =	smul.u32 @!p0 $0xF7A, s2;
	p2 =	seq.s32 @!p0 s5, $0x0  }
0x1f: {  	s9 =	smul.u32 $0xF7A, s1;
	s8 =	simm.s32 @!p0 $0x1BF5;
	p2 =	por !p2, p0  }
0x20: {  	[sflag:s8] =	ssyncset.s32 @!p0 $0xFFFFF086;
	s6 =	sadd.s32 @!p0 s3, s7;
	s7 =	simm.s32 @!p0 $0x108  }
0x21: {  	s3 =	sadd.s32 s3, s9;
	s6 =	sadd.s32 @!p0 $0x88, s6;
	s7 =	simm.s32 @p2 $0x1082  }
0x22: {  	[simem:s7], [sflag:s8] =	dma.local @!p0 [hbm:s6], $0xF7A  }
0x23: {  	s9 =	sor.u32 $0xD0000000, s2;
	s6 =	simm.s32 $0x108;
	_ =	swait.ge @!p0 [sflag:s8], $0x0  }
0x24: {  	s3 =	sadd.s32 $0x88, s3;
	s6 =	simm.s32 @!p1 $0x1082;
	[sflag:s4] =	ssyncset.s32 $0xFFFFF086  }
0x25: {  	[simem:s6], [sflag:s4] =	dma.local [hbm:s3], $0xF7A  }
0x26: {  	[smem:$0x3F95] =	sst s1;
	(tag) =	ssettag s2;
	_ =	strace s9  }
0x27: {  	s1 =	sld [smem:$0x3FA5]  }
0x28: {  	s2 =	sld [smem:$0x3FA6]  }
0x29: {  	s4 =	sld [smem:$0x3FA8]  }
0x2a: {  	p0 =	seq.s32 s5, $0x0;
	s5 =	sld [smem:$0x3FA9]  }
0x2b: {  	s6 =	sld [smem:$0x3FAA]  }
0x2c: {  	s7 =	sld [smem:$0x3FAB]  }
0x2d: {  	s3 =	simm.s32 $0x108;
	s8 =	sld [smem:$0x3FAC]  }
0x2e: {  	s3 =	simm.s32 @!p0 $0x1082;
	s9 =	sld [smem:$0x3FAD]  }
0x2f: {  	lr =	sadd.s32 s0, s3;
	s0 =	sld [smem:$0x3FA4]  }
0x30: {  	s3 =	sld [smem:$0x3FA7]  }
0x31: {  	[smem:$0x3FB0] =	sst s10  }
0x32: {  	s10 =	sld [smem:$0x3FAE];
	_ =	sdelay $0x3  }
0x33: {  	p0 =	seq.s32 s10, $0x1;
	s10 =	sld [smem:$0x3FB0];
	_ =	sdelay $0x3  }
0x34: {  	[smem:$0x3FB0] =	sst s10  }
0x35: {  	s10 =	sld [smem:$0x3FAF];
	_ =	sdelay $0x3  }
0x36: {  	p1 =	seq.s32 s10, $0x1;
	s10 =	sld [smem:$0x3FB0];
	_ =	sdelay $0x3  }
0x37: {  	[smem:$0x3FB0] =	sst s10  }
0x38: {  	s10 =	sld [smem:$0x3FB1]  }
0x39: {  	_ = 	snop;
	(pc) =	sbr.ind lr, $3  }
0x3a: {  	_ = 	snop  }
0x3b: {  	_ = 	snop  }
0x3c: {  	p2 =	seq.s32 s10, $0x1;
	s10 =	sld [smem:$0x3FB0]  }
0x3d: {  	_ =	shalt  }
0x3e: {  	_ =	shalt  }
0x3f: {  	_ =	shalt  }
0x40: {  	_ =	shalt  }
0x41: {  	_ =	shalt  }
0x42: {  	_ =	shalt  }
0x43: {  	_ =	shalt  }
0x44: {  	_ =	shalt  }
0x45: {  	_ =	shalt  }
0x46: {  	_ =	shalt  }
0x47: {  	_ =	shalt  }
0x48: {  	_ =	shalt  }
0x49: {  	_ =	shalt  }
0x4a: {  	_ =	shalt  }
0x4b: {  	_ =	shalt  }
0x4c: {  	_ =	shalt  }
0x4d: {  	_ =	shalt  }
0x4e: {  	_ =	shalt  }
0x4f: {  	_ =	shalt  }
0x50: {  	_ =	shalt  }
0x51: {  	_ =	shalt  }
0x52: {  	_ =	shalt  }
0x53: {  	_ =	shalt  }
0x54: {  	_ =	shalt  }
0x55: {  	_ =	shalt  }
0x56: {  	_ =	shalt  }
0x57: {  	_ =	shalt  }
0x58: {  	_ =	shalt  }
0x59: {  	_ =	shalt  }
0x5a: {  	_ =	shalt  }
0x5b: {  	_ =	shalt  }
0x5c: {  	_ =	shalt  }
0x5d: {  	_ =	shalt  }
0x5e: {  	_ =	shalt  }
0x5f: {  	_ =	shalt  }
0x60: {  	_ =	shalt  }
0x61: {  	_ =	shalt  }
0x62: {  	_ =	shalt  }
0x63: {  	_ =	shalt  }
0x64: {  	_ =	shalt  }
0x65: {  	_ =	shalt  }
0x66: {  	_ =	shalt  }
0x67: {  	_ =	shalt  }
0x68: {  	_ =	shalt  }
0x69: {  	_ =	shalt  }
0x6a: {  	_ =	shalt  }
0x6b: {  	_ =	shalt  }
0x6c: {  	_ =	shalt  }
0x6d: {  	_ =	shalt  }
0x6e: {  	_ =	shalt  }
0x6f: {  	_ =	shalt  }
0x70: {  	_ =	shalt  }
0x71: {  	_ =	shalt  }
0x72: {  	_ =	shalt  }
0x73: {  	_ =	shalt  }
0x74: {  	_ =	shalt  }
0x75: {  	_ =	shalt  }
0x76: {  	_ =	shalt  }
0x77: {  	_ =	shalt  }
0x78: {  	_ =	shalt  }
0x79: {  	_ =	shalt  }
0x7a: {  	_ =	shalt  }
0x7b: {  	_ =	shalt  }
0x7c: {  	_ =	shalt  }
0x7d: {  	_ =	shalt  }
0x7e: {  	_ =	shalt  }
0x7f: {  	_ =	shalt  }
0x80: {  	_ =	shalt  }
0x81: {  	_ =	shalt  }
0x82: {  	_ =	shalt  }
0x83: {  	_ =	shalt  }
0x84: {  	_ =	shalt  }
0x85: {  	_ =	shalt  }
0x86: {  	_ =	shalt  }
0x87: {  	_ =	shalt  }
.Lfunc_end0:
.L_simem_size_0:
called_computation_lowered:
.L_overlay_start_0:
0x88: {  	s2 =	sld [smem:$0x3FD9]  }
0x89: {  	s3 =	sld [smem:$0x3FFE];
	_ =	sdelay $0x1  }
0x8a: {  	s1 =	srdreg.scid  }
0x8b: {  	s0 =	sand.u32 $0x1, s1  }
0x8c: {  	s17 =	sshll.u32 s0, $0xA;
	s2 =	sadd.s32 s3, s2  }
0x8d: {  	s2 =	sadd.s32 s2, s17  }
0x8e: {  	[smem:$0x3FBC] =	sst s2  }
0x8f: {  	_ = 	snop  }
0x90: {  	s2 =	sld [smem:$0x3FD0];
	(tm) =	ssettm $0x1  }
0x91: {  	s18 =	sld [smem:$0x3FFB];
	_ =	sdelay $0x3  }
0x92: {  	_ =	strace s18  }
0x93: {  	s3 =	sld [smem:$0x3FFC];
	_ =	sdelay $0x3  }
0x94: {  	_ =	strace s3  }
0x95: {  	s3 =	sld [smem:$0x3FFD];
	_ =	sdelay $0x3  }
0x96: {  	_ =	strace s3  }
0x97: {  	_ =	strace $0x8FFFFFFF  }
0x98: {  	s19 =	sld [smem:$0x3FDB];
	_ =	sdelay $0x1  }
0x99: {  	s4 =	simm.s32 $_scs_section_size  }
0x9a: {  	s5 =	simm.s32 $_size__tile_overlayer_lowered;
	s6 =	simm.s32 $_tile_overlayer_lowered  }
0x9b: {  	s22 =	simm.s32 $0x1BFF;
	s21 =	sshll.u32 s6, $0x1;
	s3 =	sadd.s32 s4, s19  }
0x9c: {  	s7 =	simm.s32 $0x0;
	s20 =	sshll.u32 s5, $0x1;
	s5 =	sadd.s32 s21, s3  }
0x9d: {  	[timem:s7], [sflag:s22] =	dma.local [hbm:s5], s20  }
0x9e: {  	_ =	swait.ge [sflag:s22], s20  }
0x9f: {  	s4 =	ssub.s32 $0x0, s20;
	[sflag:s22] =	ssyncset.done $0x0  }
0xa0: {  	[sflag:s22] =	ssyncadd.s32 s4;
	_ =	sdelay $0x1  }
0xa1: {  	s23 =	simm.s32 $0x1B8B  }
0xa2: {  	_ =	swait.ge [sflag:s23], $0x1  }
0xa3: {  	[sflag:s23] =	ssyncset.done $0x0  }
0xa4: {  	s25 =	simm.s32 $0x1B8E;
	s24 =	sld [smem:$0x3FFE];
	[sflag:s23] =	ssyncadd.s32 $0xFFFFFFFF  }
0xa5: {  	s26 =	simm.s32 $execute0_lowered;
	[smem:$0x3FD2] =	sst s25  }
0xa6: {  	s5 =	sshll.u32 s26, $0x1;
	_ =	strace $0x80000046;
	[dreg:$0x1] =	wrdreg $0xFFFFFFFF  }
0xa7: {  	s28 =	simm.s32 $_size_execute0_lowered;
	s3 =	sadd.s32 s3, s5;
	[dreg:$0x0] =	wrdreg $0x0  }
0xa8: {  	s5 =	sshll.u32 s28, $0x1;
	[dreg:$0x2] =	wrdreg s3  }
0xa9: {  	[dreg:$0x3] =	wrdreg s5  }
0xaa: {  	[dreg:$0x4] =	wrdreg $0xC0  }
0xab: {  	_ =	task [dreg:s7], $0x5FFFF  }
0xac: {  	[dreg:$0x1] =	wrdreg $0xFFFFFFFF  }
0xad: {  	[dreg:$0x0] =	wrdreg $0x60  }
0xae: {  	[dreg:$0x2] =	wrdreg s24  }
0xaf: {  	[dreg:$0x3] =	wrdreg s2  }
0xb0: {  	[dreg:$0x4] =	wrdreg $0x1C7900  }
0xb1: {  	[dreg:$0x5] =	wrdreg $0x102100  }
0xb2: {  	[dreg:$0x6] =	wrdreg $0x9  }
0xb3: {  	_ =	task.clear_ibuf [dreg:s7], $0x7FFFF;
	_ =	strace $0x90000046  }
0xb4: {  	s29 =	simm.s32 $0x9;
	_ =	strace $0x80000048  }
0xb5: {  	_ =	swait.ge [sflag:s29], $0x1  }
0xb6: {  	[sflag:s29] =	ssyncadd.s32 $0xFFFFFFFF  }
0xb7: {  	_ =	strace $0x90000048  }
0xb8: {  	_ =	sfence  }
0xb9: {  	s30 =	sld [smem:$0x0];
	_ =	sdelay $0x2  }
0xba: {  	s31 =	sshll.u32 s1, $0xD;
	s1 =	sshrl.u32 s1, $0x2  }
0xbb: {  	s3 =	sand.u32 $0x4000, s31;
	s1 =	sadd.s32 s1, s30  }
0xbc: {  	s0 =	sor.u32 s3, s0;
	s1 =	sshll.u32 s1, $0x11  }
0xbd: {  	s0 =	sor.u32 s1, s0  }
0xbe: {  	s0 =	sadd.s32 $0x8F2B, s0  }
0xbf: {  	[sflag:s0] =	ssyncadd.remote.s32 $0x1  }
0xc0: {  	_ =	sfence.sel $0xFFFF  }
0xc1: {  	[dreg:$0x0] =	wrdreg $0xFFFFFFFF;
	(pc) =	sbr.abs _section_cstart, $3  }
0xc2: {  	[dreg:$0x1] =	wrdreg $0xFFFFFFFF  }
0xc3: {  	_ =	task.clear_ibuf [dreg:s7], $0x2FFFF;
	_ =	strace $0x9FFFFFFF  }
0xc4: {  	(tm) =	ssettm $0x7FFFFFFF  }
0xc5: {  	_ =	shalt  }
tec
execute0_lowered:
.L_overlay_start_1:
0x0: {  	(tag) =	ssettag $0x1  }
0x1: {  	s0 =	rddreg [dreg:$0x0]  }
0x2: {  	s3 =	rddreg [dreg:$0x2]  }
0x3: {  	s4 =	rddreg [dreg:$0x3];
	s11 =	stileid.u32  }
0x4: {  	s1 =	srdreg.scid;
	s5 =	simm.s32 $0x0;
	s28 =	simm.s32 $0x80  }
0x5: {  	s30 =	simm.s32 $0x1;
	s31 =	simm.s32 $0x3;
	s29 =	simm.s32 $0x4  }
0x6: {  	s1 =	sand.u32 $0x1, s1;
	s2 =	sshll.u32 s11, $0x1;
	s7 =	smul.u32 $0x2780, s11  }
0x7: {  	[smem:$0x7FF] =	sst s5;
	s6 =	sadd.s32 $0x2000, s0;
	s24 =	smul.u32 $0xC580, s11  }
0x8: {  	s2 =	sor.u32 s1, s2;
	s9 =	ssub.s32 $0x2, s1;
	s1 =	smul.u32 $0xC5800, s1  }
0x9: {  	_ =	strace $0x80000047;
	s2 =	smul.u32 $0x520, s2;
	s8 =	sshrl.u32 s7, $0x3  }
0xa: {  	s10 =	sshrl.u32 s9, $0x1;
	s26 =	sadd.s32 s7, s3;
	s16 =	sadd.s32 s24, s4  }
0xb: {  	s13 =	sadd.s32 $0x2800, s24;
	s14 =	sadd.s32 $0x5000, s24;
	s21 =	sadd.s32 $0x7800, s24  }
0xc: {  	s15 =	sadd.s32 $0xA000, s24;
	s8 =	sadd.s32 s8, s0;
	s9 =	ssub.s32 s9, s10  }
0xd: {  	s17 =	sadd.s32 s13, s4;
	s18 =	sadd.s32 s14, s4;
	s19 =	sadd.s32 s21, s4  }
0xe: {  	s10 =	sadd.s32 s24, s1;
	s7 =	sadd.s32 s1, s13;
	s20 =	sadd.s32 s15, s4  }
0xf: {  	s22 =	sadd.s32 s1, s14;
	s23 =	sadd.s32 s1, s21;
	s26 =	sshrl.u32 s26, $0x3  }
0x10: {  	s1 =	sadd.s32 s1, s15;
	s15 =	simm.s32 $0xB000;
	[dreg:$0x10] =	wrdreg s26  }
0x11: {  	s2 =	sadd.s32 s2, s0;
	s0 =	sadd.s32 $0x34400, s0;
	[dreg:$0x8] =	wrdreg s19  }
0x12: {  	s12 =	sadd.s32 $0x1AC00, s8;
	s10 =	sshrl.u32 s10, $0x3;
	[dreg:$0x9] =	wrdreg s20  }
0x13: {  	s7 =	sshrl.u32 s7, $0x3;
	s25 =	sadd.s32 $0x1FC00, s2;
	[dreg:$0x7] =	wrdreg s12  }
0x14: {  	s24 =	sshrl.u32 s23, $0x3;
	s2 =	sadd.s32 $0x2A000, s2;
	[dreg:$0x5] =	wrdreg s25  }
0x15: {  	s1 =	sshrl.u32 s1, $0x3;
	s10 =	sadd.s32 s0, s10;
	[dreg:$0x6] =	wrdreg s2  }
0x16: {  	s23 =	simm.s32 $0xD900;
	s7 =	sadd.s32 s0, s7;
	[dreg:$0xa] =	wrdreg s10  }
0x17: {  	s26 =	simm.s32 $0x6000;
	s8 =	simm.s32 $0x6;
	[dreg:$0xb] =	wrdreg s7  }
0x18: {  	s7 =	sshrl.u32 s22, $0x3;
	s25 =	smax.u32 s9, $0x1;
	s22 =	simm.s32 $0x7  }
0x19: {  	s2 =	simm.s32 $0x5800;
	s7 =	sadd.s32 s0, s7;
	[dreg:$0xf] =	wrdreg s25  }
0x1a: {  	s9 =	simm.s32 $0x0;
	[dreg:$0xc] =	wrdreg s7;
	s7 =	sadd.s32 s0, s24  }
0x1b: {  	s0 =	sadd.s32 s0, s1;
	s24 =	simm.s32 $0x2;
	[dreg:$0xd] =	wrdreg s7  }
0x1c: {  	v0 =	vimm.f32 $0.0e+00;
	vm0 =	vmmov $0xff;
	s1 =	simm.s32 $0x8800;
	[dreg:$0xe] =	wrdreg s0;
	s0 =	simm.s32 $0x2800  }
.LBB2_1:
0x1d: {  	s7 =	rddreg [dreg:$0x5]  }
0x1e: {  	[tilespmem:s15], [sflag:$0x7] =	stream.linear.gather [hbm4b:s7+s5], $0x2900, $0x38;
	[tilespmem:$0x1EF10] =	vst v63  }
0x1f: {  	_ =	swait.ge [sflag:s22], $0x2900  }
0x20: {  	[sflag:s22] =	ssyncset.done $0x0  }
0x21: {  	s13 =	rddreg [dreg:$0x6];
	[sflag:s22] =	ssyncadd.s32 $0xFFFFD700  }
0x22: {  	[tilespmem:s23], [sflag:$0x7] =	stream.linear.gather [hbm4b:s13+s5], $0x2900, $0x38;
	[tilespmem:$0x1EF10] =	vst v63  }
0x23: {  	_ =	swait.ge [sflag:s22], $0x2900  }
0x24: {  	[sflag:s22] =	ssyncset.done $0x0  }
0x25: {  	[sflag:s22] =	ssyncadd.s32 $0xFFFFD700  }
0x26: {  	s10 =	simm.s32 $0x10200;
	s14 =	rddreg [dreg:$0x1]  }
0x27: {  	[tilespmem:s10], [sflag:$0x7] =	stream.linear.gather [hbm4b:s14+s5], $0x10, $0x38;
	[tilespmem:$0x1EF10] =	vst v63  }
0x28: {  	s21 =	stileid.u32;
	_ =	swait.ge [sflag:s22], $0x10  }
0x29: {  	s7 =	sshll.u32 s21, $0x6;
	[sflag:s22] =	ssyncset.done $0x0;
	s25 =	rddreg [dreg:$0x7]  }
0x2a: {  	s7 =	sor.u32 $0x1C07, s7;
	s11 =	rddreg [dreg:$0x10];
	[sflag:s22] =	ssyncadd.s32 $0xFFFFFFF0  }
0x2b: {  	[spmem:s11], [sflag:s7] =	dma.local [hbm:s25], $0x4F0  }
0x2c: {  	_ =	swait.ge [sflag:s22], $0x4F0  }
0x2d: {  	[sflag:s22] =	ssyncset.done $0x0  }
0x2e: {  	s10 =	simm.s32 $0x140;
	s7 =	simm.s32 $0x0;
	[sflag:s22] =	ssyncadd.s32 $0xFFFFFB10  }
.LBB2_2:
0x2f: {  	p0 =	sne.s32 s10, $0x9EC0;
	[tilespmem:s7+$0x6040] =	vst v0;
	s11 =	smov.u32 s10;
	s10 =	sadd.s32 $0x140, s10  }
.Ltmp0:
0x30: {  	[tilespmem:s7+$0x6030] =	vst v0;
	(pc) =	sbr.rel @p0 .LBB2_2-.Ltmp0, $4  }
0x31: {  	[tilespmem:s7+$0x6020] =	vst v0  }
0x32: {  	[tilespmem:s7+$0x6000] =	vst v0  }
0x33: {  	[tilespmem:s7+$0x6010] =	vst v0  }
0x34: {  	s7 =	sshra.s32 s11, $0x2  }
0x35: {  	[tilespmem:s7+$0x6040] =	vst v0  }
0x36: {  	[tilespmem:s7+$0x6030] =	vst v0  }
0x37: {  	[tilespmem:s7+$0x6020] =	vst v0  }
0x38: {  	[tilespmem:s7+$0x6000] =	vst v0  }
0x39: {  	[tilespmem:s7+$0x6010] =	vst v0  }
0x3a: {  	[spmem:s16] =	stream.linear.scatter [tilespmem:s26], [sflag:$0x7], $0x2800, $0x38;
	[tilespmem:$0x1EF10] =	vst v63  }
0x3b: {  	_ =	swait.ge [sflag:s22], $0x2800  }
0x3c: {  	[sflag:s22] =	ssyncset.done $0x0  }
0x3d: {  	[sflag:s22] =	ssyncadd.s32 $0xFFFFD800  }
0x3e: {  	[spmem:s17] =	stream.linear.scatter [tilespmem:s26], [sflag:$0x7], $0x2800, $0x38;
	[tilespmem:$0x1EF10] =	vst v63  }
0x3f: {  	_ =	swait.ge [sflag:s22], $0x2800  }
0x40: {  	[sflag:s22] =	ssyncset.done $0x0  }
0x41: {  	[sflag:s22] =	ssyncadd.s32 $0xFFFFD800  }
0x42: {  	[spmem:s18] =	stream.linear.scatter [tilespmem:s26], [sflag:$0x7], $0x2800, $0x38;
	[tilespmem:$0x1EF10] =	vst v63  }
0x43: {  	_ =	swait.ge [sflag:s22], $0x2800  }
0x44: {  	[sflag:s22] =	ssyncset.done $0x0  }
0x45: {  	[sflag:s22] =	ssyncadd.s32 $0xFFFFD800  }
0x46: {  	[spmem:s19] =	stream.linear.scatter [tilespmem:s26], [sflag:$0x7], $0x2800, $0x38;
	[tilespmem:$0x1EF10] =	vst v63  }
0x47: {  	_ =	swait.ge [sflag:s22], $0x2800  }
0x48: {  	[sflag:s22] =	ssyncset.done $0x0  }
0x49: {  	[sflag:s22] =	ssyncadd.s32 $0xFFFFD800  }
0x4a: {  	[spmem:s20] =	stream.linear.scatter [tilespmem:s26], [sflag:$0x7], $0x2580, $0x38;
	[tilespmem:$0x1EF10] =	vst v63  }
0x4b: {  	_ =	swait.ge [sflag:s22], $0x2580  }
0x4c: {  	[sflag:s22] =	ssyncset.done $0x0  }
0x4d: {  	[sflag:s22] =	ssyncadd.s32 $0xFFFFDA80  }
0x4e: {  	s12 =	smov.u32 s16;
	s21 =	simm.s32 $0x0;
	[bflag:$0x0] =	sbarrier.arrive $0xFFFF  }
0x4f: {  	[tilespmem:s21], [sflag:$0x1] =	stream.indirect.gather [hbm4b:s6+s28], $0x50, s15, s28, $0xb8;
	[tilespmem:$0x1EF10] =	vst v63  }
0x50: {  	s13 =	smov.u32 s17;
	s14 =	smov.u32 s18;
	s25 =	simm.s32 $0x5000  }
0x51: {  	[tilespmem:s25], [sflag:$0x3] =	stream.indirect.gather [spmem:s3], $0x10, s23, s28, $0xb8;
	[tilespmem:$0x1EF10] =	vst v63  }
.LBB2_4:
0x52: {  	_ =	swait.ge [sflag:s30], $0x2800  }
0x53: {  	[sflag:s30] =	ssyncset.done $0x0  }
0x54: {  	[sflag:s30] =	ssyncadd.s32 $0xFFFFD800  }
0x55: {  	_ =	swait.ge [sflag:s31], $0x800  }
0x56: {  	s15 =	sshll.u32 s21, $0x8;
	[sflag:s31] =	ssyncset.done $0x0  }
0x57: {  	p0 =	seq.s32 s21, $0x0;
	s7 =	sadd.s32 $0xB080, s15;
	[sflag:s31] =	ssyncadd.s32 $0xFFFFF800  }
0x58: {  	[tilespmem:s0], [sflag:$0x2] =	stream.indirect.gather [hbm4b:s6+s28], $0x50, s7, s28, $0xb8;
	[tilespmem:$0x1EF10] =	vst v63  }
0x59: {  	s23 =	sadd.s32 $0xD980, s15;
	s7 =	simm.s32 @!p0 $0x5  }
0x5a: {  	[tilespmem:s2], [sflag:$0x4] =	stream.indirect.gather [spmem:s3], $0x10, s23, s28, $0xb8;
	[tilespmem:$0x1EF10] =	vst v63  }
0x5b: {  	_ =	swait.ge @!p0 [sflag:s7], $0x2800  }
0x5c: {  	[sflag:s7] =	ssyncset.done @!p0 $0x0  }
0x5d: {  	s18 =	simm.s32 $0x5020;
	[sflag:s7] =	ssyncadd.s32 @!p0 $0xFFFFD800  }
0x5e: {  	s19 =	simm.s32 $0xA0;
	v2 =	vld [tilespmem:s18+$0x0]  }
0x5f: {  	v3 =	vld [tilespmem:s19+$0x40];
	_ =	sdelay $0x1  }
0x60: {  	v1 =	vld [tilespmem:$0x10200]  }
0x61: {  	v4 =	vld [tilespmem:s18+$0xFFFFFFE0]  }
0x62: {  	v5 =	vld [tilespmem:s19+$0xFFFFFFA0]  }
0x63: {  	v6 =	vld [tilespmem:s19+$0xFFFFFFF0];
	v2 =	vadd.f32 v2, v3  }
0x64: {  	v7 =	vld [tilespmem:s18+$0x10]  }
0x65: {  	v3 =	vld [tilespmem:s19+$0x90];
	v9 =	vmul.f32 $2.000000030e-01, v2  }
0x66: {  	v8 =	vld [tilespmem:s18+$0xFFFFFFF0]  }
0x67: {  	v4 =	vadd.f32 v4, v5;
	v2 =	vmax.f32 v2, v9  }
0x68: {  	v2 =	vsub.f32 v2, v1  }
0x69: {  	v5 =	vmul.f32 $2.000000030e-01, v4  }
0x6a: {  	v3 =	vadd.f32 v7, v3;
	v2 =	vmul.f32 $1.442695020e+00, v2  }
0x6b: {  	v6 =	vadd.f32 v8, v6;
	v4 =	vmax.f32 v4, v5  }
0x6c: {  	s20 =	simm.s32 $0x5060;
	v4 =	vsub.f32 v4, v1;
	v5 =	vmul.f32 $2.000000030e-01, v3;
	(erf) = vpow2.f32 v2  }
0x6d: {  	s16 =	simm.s32 $0x1E0;
	v15 =	vld [tilespmem:s20+$0xFFFFFFE0]  }
0x6e: {  	v23 =	vld [tilespmem:s16+$0xFFFFFFA0];
	v7 =	vmul.f32 $2.000000030e-01, v6;
	v2 =	vmax.f32 v3, v5;
	v3 =	vmul.f32 $1.442695020e+00, v4;
	_ =	sdelay $0x1  }
0x6f: {  	v4 =	vmax.f32 v6, v7;
	v2 =	vsub.f32 v2, v1;
	(erf) = vpow2.f32 v3  }
0x70: {  	v4 =	vsub.f32 v4, v1  }
0x71: {  	v2 =	vmul.f32 $1.442695020e+00, v2  }
0x72: {  	v11 =	vld [tilespmem:s16+$0x90];
	v15 =	vadd.f32 v15, v23;
	v3 =	vmul.f32 $1.442695020e+00, v4  }
0x73: {  	v19 =	vld [tilespmem:s20+$0xFFFFFFF0];
	(erf) = vpow2.f32 v2  }
0x74: {  	v32 =	vmul.f32 $2.000000030e-01, v15;
	v2 =	vld [tilespmem:s20+$0x0];
	(erf) = vpow2.f32 v3;
	v4 =	vpop (erf)  }
0x75: {  	v3 =	vld [tilespmem:s16+$0x40];
	v7 =	vbroadcast v4, $0x0;
	v9 =	vbroadcast v4, $0x2  }
0x76: {  	v6 =	vld [tilespmem:s16+$0xFFFFFFF0];
	v10 =	vbroadcast v4, $0x1;
	v12 =	vbroadcast v4, $0x7  }
0x77: {  	s17 =	simm.s32 $0x60A0;
	v8 =	vld [tilespmem:s20+$0x10];
	v13 =	vbroadcast v4, $0x3;
	v22 =	vbroadcast v4, $0x4  }
0x78: {  	v26 =	vbroadcast v4, $0x5;
	[tilespmem:s17+$0x40] =	vst v4;
	v4 =	vbroadcast v4, $0x6;
	v14 =	vpop (erf)  }
0x79: {  	v15 =	vmax.f32 v15, v32;
	v16 =	vbroadcast v14, $0x1;
	v17 =	vbroadcast v14, $0x6  }
0x7a: {  	v2 =	vadd.f32 v2, v3;
	v18 =	vbroadcast v14, $0x2;
	v20 =	vbroadcast v14, $0x4  }
0x7b: {  	v6 =	vadd.f32 v19, v6;
	v24 =	vbroadcast v14, $0x5;
	v27 =	vbroadcast v14, $0x3  }
0x7c: {  	v8 =	vadd.f32 v8, v11;
	v28 =	vbroadcast v14, $0x0;
	v11 =	vmul.f32 $2.000000030e-01, v2;
	v21 =	vpop (erf)  }
0x7d: {  	v9 =	vsel vm0, v9, v13;
	v13 =	vmul.f32 $2.000000030e-01, v6;
	v19 =	vbroadcast v21, $0x2  }
0x7e: {  	v29 =	vld [tilespmem:s19+$0x0];
	v2 =	vmax.f32 v2, v11;
	v11 =	vmul.f32 $2.000000030e-01, v8;
	v60 =	vbroadcast v21, $0x1  }
0x7f: {  	v25 =	vpop (erf);
	v34 =	vbroadcast v21, $0x6;
	v36 =	vbroadcast v21, $0x3;
	v2 =	vsub.f32 v2, v1  }
0x80: {  	v7 =	vsel vm0, v7, v10;
	v3 =	vbroadcast v25, $0x7;
	v5 =	vbroadcast v25, $0x6  }
0x81: {  	v6 =	vmax.f32 v6, v13;
	v30 =	vbroadcast v25, $0x3;
	v2 =	vmul.f32 $1.442695020e+00, v2  }
0x82: {  	v6 =	vsub.f32 v6, v1;
	v31 =	vbroadcast v25, $0x4;
	v23 =	vbroadcast v25, $0x5;
	[tilespmem:s17+$0xFFFFFFF0] =	vst v25  }
0x83: {  	[tilespmem:s17+$0xFFFFFFA0] =	vst v14;
	v7 =	vmul.f32 v7, v29;
	v29 =	vld [tilespmem:s19+$0xFFFFFFB0];
	(erf) = vpow2.f32 v2;
	v2 =	vsub.f32 v15, v1  }
0x84: {  	v10 =	vbroadcast v25, $0x2;
	v33 =	vbroadcast v25, $0x1;
	v8 =	vmax.f32 v8, v11;
	v11 =	vld [tilespmem:s19+$0xFFFFFF60]  }
0x85: {  	v6 =	vmul.f32 $1.442695020e+00, v6;
	v2 =	vmul.f32 $1.442695020e+00, v2  }
0x86: {  	s18 =	simm.s32 $0x320;
	v8 =	vsub.f32 v8, v1;
	[tilespmem:s17+$0x0] =	vst v7;
	v7 =	vbroadcast v25, $0x0;
	v25 =	vbroadcast v21, $0x0  }
0x87: {  	v50 =	vld [tilespmem:s18+$0x40];
	v22 =	vsel vm0, v22, v26;
	v15 =	vbroadcast v21, $0x7;
	(erf) = vpow2.f32 v2  }
0x88: {  	[tilespmem:s17+$0x90] =	vst v21;
	v13 =	vld [tilespmem:s19+$0x10];
	v2 =	vsel vm0, v7, v33;
	v7 =	vmul.f32 $1.442695020e+00, v8;
	v8 =	vsel vm0, v28, v16  }
0x89: {  	s25 =	simm.s32 $0x50A0;
	v35 =	vld [tilespmem:s19+$0x50];
	v10 =	vsel vm0, v10, v30;
	v2 =	vmul.f32 v2, v29;
	v8 =	vmul.f32 v8, v11  }
0x8a: {  	v16 =	vsel vm0, v18, v27;
	v28 =	vld [tilespmem:s25+$0x0];
	v29 =	vbroadcast v21, $0x5;
	v21 =	vbroadcast v21, $0x4  }
0x8b: {  	v30 =	vld [tilespmem:s25+$0x10];
	v27 =	vsel vm0, v19, v36;
	(erf) = vpow2.f32 v7;
	v7 =	vbroadcast v14, $0x7  }
0x8c: {  	[tilespmem:s17+$0xFFFFFFB0] =	vst v2;
	v2 =	vsel vm0, v25, v60;
	(erf) = vpow2.f32 v6;
	v39 =	vsel vm0, v21, v29;
	v29 =	vld [tilespmem:s25+$0xFFFFFFE0]  }
0x8d: {  	v25 =	vmul.f32 v9, v13;
	v13 =	vsel vm0, v34, v15;
	[tilespmem:s17+$0xFFFFFF60] =	vst v8;
	v15 =	vsel vm0, v4, v12;
	v6 =	vld [tilespmem:s19+$0xFFFFFFC0];
	v26 =	vpop (erf)  }
0x8e: {  	v21 =	vsel vm0, v20, v24;
	v8 =	vmul.f32 v2, v35;
	v9 =	vld [tilespmem:s19+$0xFFFFFF70];
	v2 =	vbroadcast v26, $0x0  }
0x8f: {  	v20 =	vld [tilespmem:s18+$0xFFFFFFA0];
	v28 =	vadd.f32 v28, v50;
	v14 =	vbroadcast v26, $0x2;
	v19 =	vbroadcast v26, $0x1  }
0x90: {  	v11 =	vsel vm0, v17, v7;
	v17 =	vld [tilespmem:s18+$0x90];
	v4 =	vbroadcast v26, $0x7;
	v38 =	vbroadcast v26, $0x4  }
0x91: {  	[tilespmem:s17+$0x10] =	vst v25;
	v41 =	vbroadcast v26, $0x5;
	v44 =	vmul.f32 $2.000000030e-01, v28  }
0x92: {  	s20 =	simm.s32 $0x61E0;
	[tilespmem:s17+$0x50] =	vst v8;
	v61 =	vmul.f32 v10, v6;
	v6 =	vbroadcast v26, $0x3  }
0x93: {  	[tilespmem:s20+$0x40] =	vst v26;
	v57 =	vld [tilespmem:s19+$0x20];
	v62 =	vsel vm0, v2, v19;
	v18 =	vpop (erf);
	v37 =	vmul.f32 v16, v9;
	v26 =	vbroadcast v26, $0x6  }
0x94: {  	v42 =	vld [tilespmem:s19+$0x60];
	v20 =	vadd.f32 v29, v20;
	v63 =	vbroadcast v18, $0x1;
	v2 =	vbroadcast v18, $0x6  }
0x95: {  	v52 =	vld [tilespmem:s16+$0x0];
	v30 =	vadd.f32 v30, v17;
	v51 =	vbroadcast v18, $0x2;
	v7 =	vbroadcast v18, $0x4  }
0x96: {  	v28 =	vmax.f32 v28, v44;
	v24 =	vbroadcast v18, $0x3;
	v43 =	vbroadcast v18, $0x0  }
0x97: {  	v58 =	vmul.f32 $2.000000030e-01, v20;
	v19 =	vsel vm0, v14, v6;
	v6 =	vbroadcast v18, $0x5  }
0x98: {  	v25 =	vsub.f32 v28, v1;
	v16 =	vpop (erf);
	v29 =	vmul.f32 $2.000000030e-01, v30;
	v22 =	vmul.f32 v22, v57  }
0x99: {  	v54 =	vbroadcast v16, $0x2;
	v27 =	vmul.f32 v27, v42  }
0x9a: {  	v12 =	vld [tilespmem:s18+$0xFFFFFFF0];
	v28 =	vmul.f32 v62, v52;
	v25 =	vmul.f32 $1.442695020e+00, v25  }
0x9b: {  	v14 =	vld [tilespmem:s25+$0xFFFFFFF0];
	v40 =	vpop (erf);
	v59 =	vbroadcast v16, $0x1;
	v60 =	vbroadcast v16, $0x0  }
0x9c: {  	v31 =	vsel vm0, v31, v23;
	v48 =	vbroadcast v16, $0x3;
	v9 =	vbroadcast v40, $0x7  }
0x9d: {  	v17 =	vsel vm0, v51, v24;
	v10 =	vbroadcast v40, $0x6;
	v23 =	vbroadcast v40, $0x3  }
0x9e: {  	v20 =	vmax.f32 v20, v58;
	v24 =	vbroadcast v40, $0x2;
	v56 =	vbroadcast v40, $0x1;
	[tilespmem:s17+$0x60] =	vst v27  }
0x9f: {  	[tilespmem:s20+$0xFFFFFFA0] =	vst v18;
	v29 =	vmax.f32 v30, v29;
	v30 =	vbroadcast v16, $0x7;
	v20 =	vsub.f32 v20, v1;
	v45 =	vld [tilespmem:s19+$0x70]  }
0xa0: {  	[tilespmem:s17+$0xFFFFFFC0] =	vst v61;
	v46 =	vld [tilespmem:s16+$0xFFFFFF60];
	(erf) = vpow2.f32 v25;
	v25 =	vbroadcast v16, $0x6;
	v53 =	vadd.f32 v14, v12  }
0xa1: {  	v61 =	vld [tilespmem:s19+$0xFFFFFFD0];
	[tilespmem:s20+$0xFFFFFFF0] =	vst v40;
	v29 =	vsub.f32 v29, v1;
	v62 =	vmul.f32 $1.442695020e+00, v20;
	v12 =	vbroadcast v40, $0x4  }
0xa2: {  	v8 =	vsel vm0, v38, v41;
	[tilespmem:s17+$0xFFFFFF70] =	vst v37;
	v47 =	vld [tilespmem:s16+$0xFFFFFFB0];
	v14 =	vbroadcast v40, $0x5;
	v55 =	vmul.f32 $2.000000030e-01, v53  }
0xa3: {  	v43 =	vsel vm0, v43, v63;
	v33 =	vld [tilespmem:s19+$0xFFFFFF80];
	[tilespmem:s20+$0x0] =	vst v28;
	v40 =	vbroadcast v40, $0x0;
	v32 =	vmul.f32 $1.442695020e+00, v29  }
0xa4: {  	[tilespmem:s20+$0x90] =	vst v16;
	v28 =	vld [tilespmem:s16+$0x10];
	v29 =	vsel vm0, v60, v59;
	v27 =	vmax.f32 v53, v55;
	v39 =	vmul.f32 v39, v45  }
0xa5: {  	[tilespmem:s17+$0x20] =	vst v22;
	v63 =	vmul.f32 v43, v46;
	v20 =	vsel vm0, v25, v30;
	v36 =	vsub.f32 v27, v1;
	v27 =	vld [tilespmem:s16+$0x50]  }
0xa6: {  	s10 =	simm.s32 $0x50E0;
	(erf) = vpow2.f32 v62;
	v35 =	vmul.f32 v31, v61;
	v31 =	vld [tilespmem:s19+$0x30];
	v22 =	vsel vm0, v40, v56;
	[tilespmem:s17+$0x70] =	vst v39  }
0xa7: {  	s11 =	simm.s32 $0x460;
	s7 =	simm.s32 $0x8;
	s25 =	simm.s32 $0x6320;
	[tilespmem:s20+$0xFFFFFF60] =	vst v63;
	v34 =	vmul.f32 $1.442695020e+00, v36;
	v36 =	vmul.f32 v22, v47;
	v22 =	vsel vm0, v54, v48;
	v30 =	vld [tilespmem:s19+$0x80]  }
.LBB2_5:
0xa8: {  	s7 =	sadd.s32 $0x4, s7;
	(erf) = vpow2.f32 v32;
	v32 =	vld [tilespmem:s16+$0xFFFFFF70];
	v23 =	vsel vm0, v24, v23;
	v21 =	vmul.f32 v21, v33;
	[tilespmem:s17+$0xFFFFFFD0] =	vst v35  }
0xa9: {  	v19 =	vmul.f32 v19, v28;
	p0 =	slt.u32 s7, $0x7C;
	(erf) = vpow2.f32 v34;
	[tilespmem:s20+$0xFFFFFFB0] =	vst v36;
	v24 =	vld [tilespmem:s19+$0xFFFFFFE0]  }
0xaa: {  	v28 =	vbroadcast v18, $0x7;
	v18 =	vmul.f32 v29, v27;
	v4 =	vsel vm0, v26, v4;
	v25 =	vpop (erf);
	v33 =	vld [tilespmem:s16+$0xFFFFFFC0];
	[tilespmem:s17+$0xFFFFFF80] =	vst v21  }
0xab: {  	v21 =	vbroadcast v25, $0x0;
	[tilespmem:s20+$0x10] =	vst v19;
	v19 =	vld [tilespmem:s19+$0xFFFFFF90];
	v26 =	vmul.f32 v15, v31;
	v15 =	vmov v4;
	s19 =	smov.u32 s16;
	s16 =	smov.u32 s18;
	s18 =	smov.u32 s11  }
0xac: {  	v29 =	vbroadcast v25, $0x2;
	v31 =	vbroadcast v16, $0x5;
	v27 =	vld [tilespmem:s10+$0x0];
	[tilespmem:s20+$0x50] =	vst v18  }
0xad: {  	v35 =	vbroadcast v25, $0x1;
	v4 =	vsel vm0, v5, v3;
	v3 =	vmovc v9;
	v34 =	vld [tilespmem:s11+$0xFFFFFFF0];
	[tilespmem:s17+$0x30] =	vst v26;
	v26 =	vmul.f32 v13, v30  }
0xae: {  	v9 =	vbroadcast v16, $0x4;
	v5 =	vmovc v10;
	v13 =	vmov v20;
	v30 =	vld [tilespmem:s10+$0x10];
	v36 =	vmul.f32 v4, v24  }
0xaf: {  	v2 =	vsel vm0, v2, v28;
	v4 =	vbroadcast v25, $0x7;
	v20 =	vld [tilespmem:s11+$0x90];
	v18 =	vpop (erf);
	v10 =	vmul.f32 v23, v33;
	[tilespmem:s17+$0x80] =	vst v26  }
0xb0: {  	v26 =	vsel vm0, v21, v35;
	v21 =	vbroadcast v25, $0x3;
	v23 =	vld [tilespmem:s11+$0x40];
	v24 =	vmul.f32 v11, v19;
	[tilespmem:s17+$0xFFFFFFE0] =	vst v36;
	v11 =	vmovc v2  }
0xb1: {  	v35 =	vbroadcast v18, $0x1;
	v2 =	vbroadcast v18, $0x6;
	v28 =	vld [tilespmem:s10+$0xFFFFFFE0];
	v16 =	vpop (erf);
	[tilespmem:s20+$0xFFFFFFC0] =	vst v10  }
0xb2: {  	v33 =	vbroadcast v18, $0x2;
	v19 =	vsel vm0, v29, v21;
	v10 =	vmul.f32 v17, v32;
	v29 =	vpop (erf);
	v32 =	vld [tilespmem:s19+$0x60];
	[tilespmem:s17+$0xFFFFFF90] =	vst v24;
	s17 =	smov.u32 s20;
	s20 =	smov.u32 s25  }
0xb3: {  	v31 =	vsel vm0, v9, v31;
	v36 =	vbroadcast v25, $0x4;
	v24 =	vbroadcast v18, $0x4;
	v17 =	vld [tilespmem:s10+$0xFFFFFFF0]  }
0xb4: {  	v38 =	vbroadcast v25, $0x5;
	v21 =	vsel vm0, v7, v6;
	v6 =	vbroadcast v18, $0x5;
	v37 =	vld [tilespmem:s11+$0xFFFFFFA0];
	[tilespmem:s17+$0xFFFFFF70] =	vst v10  }
0xb5: {  	v40 =	vsel vm0, v12, v14;
	v39 =	vbroadcast v18, $0x3;
	v9 =	vbroadcast v29, $0x7;
	v7 =	vmovc v24;
	[tilespmem:s25+$0x40] =	vst v25  }
0xb6: {  	v41 =	vbroadcast v18, $0x0;
	v36 =	vsel vm0, v36, v38;
	v10 =	vbroadcast v29, $0x6;
	[tilespmem:s25+$0xFFFFFFF0] =	vst v29;
	v42 =	vld [tilespmem:s16+$0x0]  }
0xb7: {  	v20 =	vadd.f32 v30, v20;
	v38 =	vadd.f32 v27, v23;
	v23 =	vbroadcast v29, $0x3;
	v30 =	vld [tilespmem:s16+$0xFFFFFFB0];
	[tilespmem:s25+$0x90] =	vst v16  }
0xb8: {  	v43 =	vbroadcast v16, $0x2;
	v12 =	vbroadcast v29, $0x4;
	v34 =	vadd.f32 v17, v34;
	[tilespmem:s25+$0xFFFFFFA0] =	vst v18;
	v44 =	vld [tilespmem:s19+$0x20]  }
0xb9: {  	v14 =	vbroadcast v29, $0x5;
	v45 =	vmul.f32 $2.000000030e-01, v38;
	v17 =	vsel vm0, v33, v39;
	v46 =	vld [tilespmem:s16+$0xFFFFFF60]  }
0xba: {  	v24 =	vbroadcast v29, $0x2;
	v33 =	vmul.f32 $2.000000030e-01, v20;
	v28 =	vadd.f32 v28, v37;
	v27 =	vld [tilespmem:s16+$0x50]  }
0xbb: {  	v22 =	vmul.f32 v22, v32;
	v38 =	vmax.f32 v38, v45;
	v37 =	vmul.f32 $2.000000030e-01, v34  }
0xbc: {  	v32 =	vsub.f32 v38, v1;
	v38 =	vbroadcast v29, $0x1;
	v26 =	vmul.f32 v26, v42  }
0xbd: {  	v20 =	vmax.f32 v20, v33;
	v39 =	vmul.f32 $2.000000030e-01, v28;
	v42 =	vbroadcast v16, $0x7;
	[tilespmem:s17+$0x60] =	vst v22  }
0xbe: {  	v20 =	vsub.f32 v20, v1;
	v22 =	vmul.f32 $1.442695020e+00, v32;
	[tilespmem:s25+$0x0] =	vst v26;
	v26 =	vbroadcast v16, $0x1;
	v45 =	vld [tilespmem:s19+$0x70]  }
0xbf: {  	v33 =	vmax.f32 v34, v37;
	v34 =	vbroadcast v16, $0x0;
	v32 =	vmax.f32 v28, v39;
	s25 =	sadd.s32 $0x140, s25;
	v28 =	vld [tilespmem:s16+$0x10]  }
0xc0: {  	v37 =	vsub.f32 v33, v1;
	(erf) = vpow2.f32 v22;
	v22 =	vbroadcast v16, $0x6;
	v39 =	vld [tilespmem:s19+$0xFFFFFFD0]  }
0xc1: {  	v49 =	vbroadcast v16, $0x3;
	v48 =	vbroadcast v29, $0x0;
	v47 =	vsub.f32 v32, v1;
	v33 =	vld [tilespmem:s19+$0xFFFFFF80]  }
.Ltmp1:
0xc2: {  	v32 =	vmul.f32 $1.442695020e+00, v20;
	v20 =	vsel vm0, v41, v35;
	v35 =	vmul.f32 v8, v44;
	v8 =	vmovc v36;
	(pc) =	sbr.rel @p0 .LBB2_5-.Ltmp1, $4  }
0xc3: {  	v36 =	vmul.f32 $1.442695020e+00, v47;
	v29 =	vsel vm0, v34, v26;
	v26 =	vmul.f32 v31, v45  }
0xc4: {  	v34 =	vmul.f32 $1.442695020e+00, v37;
	v37 =	vmul.f32 v20, v46;
	v20 =	vsel vm0, v22, v42;
	[tilespmem:s17+$0x20] =	vst v35  }
0xc5: {  	v22 =	vsel vm0, v48, v38;
	(erf) = vpow2.f32 v36;
	v35 =	vmul.f32 v40, v39;
	v31 =	vld [tilespmem:s19+$0x30];
	[tilespmem:s17+$0x70] =	vst v26  }
0xc6: {  	s10 =	sadd.s32 $0x40, s10;
	s11 =	sadd.s32 $0x140, s11;
	v36 =	vmul.f32 v22, v30;
	v26 =	vbroadcast v25, $0x6;
	v22 =	vsel vm0, v43, v49;
	[tilespmem:s20+$0xFFFFFF60] =	vst v37;
	v30 =	vld [tilespmem:s19+$0x80]  }
0xc7: {  	(erf) = vpow2.f32 v32  }
0xc8: {  	(erf) = vpow2.f32 v34;
	_ =	sdelay $0x1  }
0xc9: {  	v1 =	vmul.f32 v21, v33;
	[tilespmem:s17+$0xFFFFFFD0] =	vst v35  }
0xca: {  	[tilespmem:s20+$0xFFFFFFB0] =	vst v36  }
0xcb: {  	v21 =	vmul.f32 v19, v28;
	v25 =	vld [tilespmem:s19+$0xFFFFFFE0];
	v19 =	vpop (erf);
	[tilespmem:s17+$0xFFFFFF80] =	vst v1  }
0xcc: {  	v27 =	vmul.f32 v29, v27;
	v28 =	vld [tilespmem:s16+$0xFFFFFFC0];
	[tilespmem:s25+$0x40] =	vst v19  }
0xcd: {  	[tilespmem:s20+$0x10] =	vst v21;
	v31 =	vmul.f32 v15, v31;
	v63 =	vld [tilespmem:s18+$0x0]  }
0xce: {  	v18 =	vbroadcast v18, $0x7;
	v62 =	vbroadcast v16, $0x5;
	[tilespmem:s20+$0x50] =	vst v27;
	v1 =	vpop (erf)  }
0xcf: {  	v39 =	vld [tilespmem:s16+$0xFFFFFF70];
	v29 =	vbroadcast v19, $0x0;
	v42 =	vbroadcast v19, $0x1;
	[tilespmem:s17+$0x30] =	vst v31;
	v15 =	vpop (erf)  }
0xd0: {  	v3 =	vsel vm0, v5, v3;
	v23 =	vsel vm0, v24, v23;
	v60 =	vld [tilespmem:s19+$0xFFFFFF90];
	v5 =	vmul.f32 v13, v30;
	v21 =	vpop (erf);
	[tilespmem:s25+$0x90] =	vst v15  }
0xd1: {  	v29 =	vsel vm0, v29, v42;
	v3 =	vmul.f32 v3, v25;
	v23 =	vmul.f32 v23, v28;
	[tilespmem:s25+$0xFFFFFFF0] =	vst v21;
	v13 =	vld [tilespmem:s18+$0x50]  }
0xd2: {  	v25 =	vbroadcast v1, $0x1;
	[tilespmem:s25+$0xFFFFFFA0] =	vst v1;
	v29 =	vmul.f32 v29, v63;
	v30 =	vld [tilespmem:s18+$0xFFFFFFB0]  }
0xd3: {  	[tilespmem:s17+$0x80] =	vst v5;
	v24 =	vld [tilespmem:s18+$0xFFFFFF60];
	v27 =	vbroadcast v15, $0x1;
	v37 =	vbroadcast v15, $0x0  }
0xd4: {  	v31 =	vld [tilespmem:s16+$0x60];
	[tilespmem:s17+$0xFFFFFFE0] =	vst v3;
	v43 =	vbroadcast v21, $0x1;
	v38 =	vbroadcast v21, $0x0  }
0xd5: {  	v5 =	vbroadcast v1, $0x0;
	v11 =	vmul.f32 v11, v60;
	[tilespmem:s20+$0xFFFFFFC0] =	vst v23;
	v27 =	vsel vm0, v37, v27  }
0xd6: {  	v61 =	vbroadcast v19, $0x2;
	[tilespmem:s25+$0x0] =	vst v29;
	v3 =	vsel vm0, v38, v43;
	v13 =	vmul.f32 v27, v13  }
0xd7: {  	v17 =	vmul.f32 v17, v39;
	v5 =	vsel vm0, v5, v25;
	[tilespmem:s17+$0xFFFFFF90] =	vst v11;
	v28 =	vld [tilespmem:s18+$0x10];
	v3 =	vmul.f32 v3, v30  }
0xd8: {  	v25 =	vbroadcast v19, $0x3;
	v5 =	vmul.f32 v5, v24;
	v27 =	vld [tilespmem:s16+$0x20];
	[tilespmem:s25+$0x50] =	vst v13  }
0xd9: {  	v11 =	vbroadcast v1, $0x3;
	v13 =	vmul.f32 v22, v31;
	[tilespmem:s25+$0xFFFFFFB0] =	vst v3;
	v3 =	vld [tilespmem:s18+$0x60]  }
0xda: {  	v23 =	vsel vm0, v61, v25;
	v25 =	vbroadcast v21, $0x3;
	v24 =	vbroadcast v15, $0x2;
	[tilespmem:s25+$0xFFFFFF60] =	vst v5;
	v5 =	vld [tilespmem:s18+$0xFFFFFFC0]  }
0xdb: {  	v29 =	vld [tilespmem:s18+$0xFFFFFF70];
	v30 =	vbroadcast v21, $0x2;
	[tilespmem:s20+$0x60] =	vst v13;
	v13 =	vbroadcast v15, $0x3  }
0xdc: {  	v44 =	vld [tilespmem:s16+$0xFFFFFFD0];
	v23 =	vmul.f32 v23, v28;
	v22 =	vbroadcast v1, $0x2  }
0xdd: {  	v16 =	vbroadcast v16, $0x4;
	[tilespmem:s20+$0xFFFFFF70] =	vst v17;
	v31 =	vld [tilespmem:s16+$0x70];
	v8 =	vmul.f32 v8, v27;
	v13 =	vsel vm0, v24, v13  }
0xde: {  	v17 =	vsel vm0, v30, v25;
	[tilespmem:s25+$0x10] =	vst v23;
	v11 =	vsel vm0, v22, v11;
	v22 =	vld [tilespmem:s16+$0xFFFFFF80];
	v3 =	vmul.f32 v13, v3  }
0xdf: {  	v6 =	vsel vm0, v7, v6;
	v7 =	vbroadcast v15, $0x5;
	v23 =	vld [tilespmem:s18+$0x20];
	[tilespmem:s20+$0x20] =	vst v8;
	v5 =	vmul.f32 v17, v5  }
0xe0: {  	v24 =	vbroadcast v1, $0x4;
	v11 =	vmul.f32 v11, v29;
	v25 =	vld [tilespmem:s16+$0x30];
	[tilespmem:s25+$0x60] =	vst v3  }
0xe1: {  	v16 =	vsel vm0, v16, v62;
	v8 =	vbroadcast v15, $0x4;
	v13 =	vbroadcast v19, $0x4;
	[tilespmem:s25+$0xFFFFFFC0] =	vst v5;
	v5 =	vld [tilespmem:s18+$0x70]  }
0xe2: {  	[tilespmem:s25+$0xFFFFFF70] =	vst v11;
	v17 =	vbroadcast v19, $0x5;
	v3 =	vsel vm0, v12, v14;
	v14 =	vmul.f32 v16, v31;
	v11 =	vld [tilespmem:s18+$0xFFFFFFD0]  }
0xe3: {  	v4 =	vsel vm0, v26, v4;
	v6 =	vmul.f32 v6, v22;
	v16 =	vld [tilespmem:s18+$0xFFFFFF80];
	v3 =	vmul.f32 v3, v44  }
0xe4: {  	v12 =	vbroadcast v21, $0x4;
	v13 =	vsel vm0, v13, v17;
	v17 =	vbroadcast v21, $0x5;
	[tilespmem:s20+$0x70] =	vst v14  }
0xe5: {  	v14 =	vbroadcast v1, $0x5;
	v22 =	vld [tilespmem:s16+$0x80];
	[tilespmem:s20+$0xFFFFFFD0] =	vst v3;
	v3 =	vsel vm0, v8, v7;
	v7 =	vmul.f32 v13, v23  }
0xe6: {  	[tilespmem:s20+$0xFFFFFF80] =	vst v6;
	v8 =	vbroadcast v19, $0x7;
	v6 =	vsel vm0, v12, v17;
	v13 =	vld [tilespmem:s16+$0xFFFFFFE0];
	v3 =	vmul.f32 v3, v5  }
0xe7: {  	v12 =	vld [tilespmem:s16+$0xFFFFFF90];
	v4 =	vmul.f32 v4, v25;
	v14 =	vsel vm0, v24, v14;
	[tilespmem:s25+$0x20] =	vst v7;
	v6 =	vmul.f32 v6, v11  }
0xe8: {  	v7 =	vbroadcast v21, $0x7;
	v11 =	vld [tilespmem:s18+$0x30];
	[tilespmem:s25+$0x70] =	vst v3;
	v3 =	vmul.f32 v14, v16  }
0xe9: {  	v5 =	vbroadcast v1, $0x6;
	v14 =	vbroadcast v15, $0x7;
	v16 =	vld [tilespmem:s18+$0x80];
	[tilespmem:s25+$0xFFFFFFD0] =	vst v6  }
0xea: {  	v9 =	vsel vm0, v10, v9;
	v10 =	vmul.f32 v20, v22;
	v6 =	vbroadcast v19, $0x6;
	v17 =	vld [tilespmem:s18+$0xFFFFFFE0];
	[tilespmem:s25+$0xFFFFFF80] =	vst v3  }
0xeb: {  	v2 =	vsel vm0, v2, v18;
	[tilespmem:s20+$0x30] =	vst v4;
	v4 =	vmul.f32 v9, v13;
	v3 =	vbroadcast v15, $0x6;
	v9 =	vld [tilespmem:s18+$0xFFFFFF90]  }
0xec: {  	v2 =	vmul.f32 v2, v12;
	v13 =	vbroadcast v21, $0x6;
	[tilespmem:s20+$0x80] =	vst v10;
	v6 =	vsel vm0, v6, v8  }
0xed: {  	v1 =	vbroadcast v1, $0x7;
	[tilespmem:s20+$0xFFFFFFE0] =	vst v4;
	v3 =	vsel vm0, v3, v14;
	v4 =	vmul.f32 v6, v11  }
0xee: {  	[tilespmem:s20+$0xFFFFFF90] =	vst v2;
	v2 =	vsel vm0, v13, v7;
	v3 =	vmul.f32 v3, v16  }
0xef: {  	v1 =	vsel vm0, v5, v1;
	[tilespmem:s25+$0x30] =	vst v4;
	v2 =	vmul.f32 v2, v17  }
0xf0: {  	[tilespmem:s25+$0x80] =	vst v3;
	v1 =	vmul.f32 v1, v9  }
0xf1: {  	s7 =	sand.u32 $0x3FFFFF00, s15;
	[tilespmem:s25+$0xFFFFFFE0] =	vst v2  }
0xf2: {  	s7 =	sadd.s32 $0xD900, s7;
	[tilespmem:s25+$0xFFFFFF90] =	vst v1  }
0xf3: {  	[spmem:s4] =	stream.indirect.scatter.add.f32 [tilespmem:s26], [sflag:$0x5], $0x50, s7, s28, $0xb8;
	[tilespmem:$0x1EF10] =	vst v63  }
0xf4: {  	_ =	swait.ge [sflag:s24], $0x2800  }
0xf5: {  	[sflag:s24] =	ssyncset.done $0x0  }
0xf6: {  	[sflag:s24] =	ssyncadd.s32 $0xFFFFD800  }
0xf7: {  	p0 =	seq.s32 s21, $0x28;
	_ =	swait.ge [sflag:s29], $0x800  }
0xf8: {  	s10 =	simm.s32 @!p0 $0x80;
	[sflag:s29] =	ssyncset.done $0x0  }
0xf9: {  	s11 =	simm.s32 @!p0 $0x0;
	s7 =	sadd.s32 @!p0 $0xB100, s15;
	[sflag:s29] =	ssyncadd.s32 $0xFFFFF800  }
0xfa: {  	[tilespmem:s11], [sflag:$0x1] =	stream.indirect.gather @!p0 [hbm4b:s6+s10], $0x50, s7, s10, $0xb8;
	[tilespmem:$0x1EF10] =	vst v63  }
0xfb: {  	p1 =	seq.s32 @!p0 s21, $0x0;
	s7 =	sadd.s32 @!p0 $0xDA00, s15;
	s11 =	simm.s32 @!p0 $0x5000  }
0xfc: {  	[tilespmem:s11], [sflag:$0x3] =	stream.indirect.gather @!p0 [spmem:s3], $0x10, s7, s10, $0xb8;
	[tilespmem:$0x1EF10] =	vst v63  }
0xfd: {  	p0 =	por p0, !p1  }
0xfe: {  	_ =	swait.ge @p0 [sflag:s8], $0x2800  }
0xff: {  	[sflag:s8] =	ssyncset.done @p0 $0x0  }
0x100: {  	s19 =	simm.s32 $0x5820;
	[sflag:s8] =	ssyncadd.s32 @p0 $0xFFFFD800  }
0x101: {  	s18 =	simm.s32 $0x28A0;
	v2 =	vld [tilespmem:s19+$0x0]  }
0x102: {  	v3 =	vld [tilespmem:s18+$0x40];
	_ =	sdelay $0x1  }
0x103: {  	v1 =	vld [tilespmem:$0x10200]  }
0x104: {  	v4 =	vld [tilespmem:s19+$0xFFFFFFE0]  }
0x105: {  	v5 =	vld [tilespmem:s18+$0xFFFFFFA0]  }
0x106: {  	v6 =	vld [tilespmem:s18+$0xFFFFFFF0];
	v2 =	vadd.f32 v2, v3  }
0x107: {  	v7 =	vld [tilespmem:s19+$0x10]  }
0x108: {  	v3 =	vld [tilespmem:s18+$0x90];
	v9 =	vmul.f32 $2.000000030e-01, v2  }
0x109: {  	v8 =	vld [tilespmem:s19+$0xFFFFFFF0]  }
0x10a: {  	v4 =	vadd.f32 v4, v5;
	v2 =	vmax.f32 v2, v9  }
0x10b: {  	v2 =	vsub.f32 v2, v1  }
0x10c: {  	v5 =	vmul.f32 $2.000000030e-01, v4  }
0x10d: {  	v3 =	vadd.f32 v7, v3;
	v2 =	vmul.f32 $1.442695020e+00, v2  }
0x10e: {  	v6 =	vadd.f32 v8, v6;
	v4 =	vmax.f32 v4, v5  }
0x10f: {  	s20 =	simm.s32 $0x5860;
	v4 =	vsub.f32 v4, v1;
	v5 =	vmul.f32 $2.000000030e-01, v3;
	(erf) = vpow2.f32 v2  }
0x110: {  	s15 =	simm.s32 $0x29E0;
	v15 =	vld [tilespmem:s20+$0xFFFFFFE0]  }
0x111: {  	v23 =	vld [tilespmem:s15+$0xFFFFFFA0];
	v7 =	vmul.f32 $2.000000030e-01, v6;
	v2 =	vmax.f32 v3, v5;
	v3 =	vmul.f32 $1.442695020e+00, v4;
	_ =	sdelay $0x1  }
0x112: {  	v4 =	vmax.f32 v6, v7;
	v2 =	vsub.f32 v2, v1;
	(erf) = vpow2.f32 v3  }
0x113: {  	v4 =	vsub.f32 v4, v1  }
0x114: {  	v2 =	vmul.f32 $1.442695020e+00, v2  }
0x115: {  	v11 =	vld [tilespmem:s15+$0x90];
	v15 =	vadd.f32 v15, v23;
	v3 =	vmul.f32 $1.442695020e+00, v4  }
0x116: {  	v19 =	vld [tilespmem:s20+$0xFFFFFFF0];
	(erf) = vpow2.f32 v2  }
0x117: {  	v45 =	vmul.f32 $2.000000030e-01, v15;
	v2 =	vld [tilespmem:s20+$0x0];
	(erf) = vpow2.f32 v3;
	v4 =	vpop (erf)  }
0x118: {  	v3 =	vld [tilespmem:s15+$0x40];
	v7 =	vbroadcast v4, $0x0;
	v9 =	vbroadcast v4, $0x2  }
0x119: {  	v6 =	vld [tilespmem:s15+$0xFFFFFFF0];
	v10 =	vbroadcast v4, $0x1;
	v12 =	vbroadcast v4, $0x7  }
0x11a: {  	s16 =	simm.s32 $0x88A0;
	v8 =	vld [tilespmem:s20+$0x10];
	v13 =	vbroadcast v4, $0x3;
	v22 =	vbroadcast v4, $0x4  }
0x11b: {  	v26 =	vbroadcast v4, $0x5;
	[tilespmem:s16+$0x40] =	vst v4;
	v4 =	vbroadcast v4, $0x6;
	v14 =	vpop (erf)  }
0x11c: {  	v15 =	vmax.f32 v15, v45;
	v16 =	vbroadcast v14, $0x1;
	v17 =	vbroadcast v14, $0x6  }
0x11d: {  	v2 =	vadd.f32 v2, v3;
	v18 =	vbroadcast v14, $0x2;
	v20 =	vbroadcast v14, $0x4  }
0x11e: {  	v6 =	vadd.f32 v19, v6;
	v24 =	vbroadcast v14, $0x5;
	v27 =	vbroadcast v14, $0x3  }
0x11f: {  	v8 =	vadd.f32 v8, v11;
	v28 =	vbroadcast v14, $0x0;
	v11 =	vmul.f32 $2.000000030e-01, v2;
	v21 =	vpop (erf)  }
0x120: {  	v9 =	vsel vm0, v9, v13;
	v13 =	vmul.f32 $2.000000030e-01, v6;
	v19 =	vbroadcast v21, $0x2  }
0x121: {  	v29 =	vld [tilespmem:s18+$0x0];
	v2 =	vmax.f32 v2, v11;
	v11 =	vmul.f32 $2.000000030e-01, v8;
	v47 =	vbroadcast v21, $0x1  }
0x122: {  	v25 =	vpop (erf);
	v48 =	vbroadcast v21, $0x6;
	v50 =	vbroadcast v21, $0x3;
	v2 =	vsub.f32 v2, v1  }
0x123: {  	v7 =	vsel vm0, v7, v10;
	v3 =	vbroadcast v25, $0x7;
	v5 =	vbroadcast v25, $0x6  }
0x124: {  	v6 =	vmax.f32 v6, v13;
	v30 =	vbroadcast v25, $0x3;
	v2 =	vmul.f32 $1.442695020e+00, v2  }
0x125: {  	v6 =	vsub.f32 v6, v1;
	v31 =	vbroadcast v25, $0x4;
	v23 =	vbroadcast v25, $0x5;
	[tilespmem:s16+$0xFFFFFFF0] =	vst v25  }
0x126: {  	[tilespmem:s16+$0xFFFFFFA0] =	vst v14;
	v7 =	vmul.f32 v7, v29;
	v29 =	vld [tilespmem:s18+$0xFFFFFFB0];
	(erf) = vpow2.f32 v2;
	v2 =	vsub.f32 v15, v1  }
0x127: {  	v10 =	vbroadcast v25, $0x2;
	v46 =	vbroadcast v25, $0x1;
	v8 =	vmax.f32 v8, v11;
	v11 =	vld [tilespmem:s18+$0xFFFFFF60]  }
0x128: {  	v6 =	vmul.f32 $1.442695020e+00, v6;
	v2 =	vmul.f32 $1.442695020e+00, v2  }
0x129: {  	s17 =	simm.s32 $0x2B20;
	v8 =	vsub.f32 v8, v1;
	[tilespmem:s16+$0x0] =	vst v7;
	v7 =	vbroadcast v25, $0x0;
	v25 =	vbroadcast v21, $0x0  }
0x12a: {  	v60 =	vld [tilespmem:s17+$0x40];
	v22 =	vsel vm0, v22, v26;
	v15 =	vbroadcast v21, $0x7;
	(erf) = vpow2.f32 v2  }
0x12b: {  	[tilespmem:s16+$0x90] =	vst v21;
	v13 =	vld [tilespmem:s18+$0x10];
	v2 =	vsel vm0, v7, v46;
	v7 =	vmul.f32 $1.442695020e+00, v8;
	v8 =	vsel vm0, v28, v16  }
0x12c: {  	s25 =	simm.s32 $0x58A0;
	v49 =	vld [tilespmem:s18+$0x50];
	v10 =	vsel vm0, v10, v30;
	v2 =	vmul.f32 v2, v29;
	v8 =	vmul.f32 v8, v11  }
0x12d: {  	v16 =	vsel vm0, v18, v27;
	v28 =	vld [tilespmem:s25+$0x0];
	v29 =	vbroadcast v21, $0x5;
	v21 =	vbroadcast v21, $0x4  }
0x12e: {  	v30 =	vld [tilespmem:s25+$0x10];
	v27 =	vsel vm0, v19, v50;
	(erf) = vpow2.f32 v7;
	v7 =	vbroadcast v14, $0x7  }
0x12f: {  	[tilespmem:s16+$0xFFFFFFB0] =	vst v2;
	v2 =	vsel vm0, v25, v47;
	(erf) = vpow2.f32 v6;
	v63 =	vsel vm0, v21, v29;
	v29 =	vld [tilespmem:s25+$0xFFFFFFE0]  }
0x130: {  	v25 =	vmul.f32 v9, v13;
	v13 =	vsel vm0, v48, v15;
	[tilespmem:s16+$0xFFFFFF60] =	vst v8;
	v15 =	vsel vm0, v4, v12;
	v6 =	vld [tilespmem:s18+$0xFFFFFFC0];
	v26 =	vpop (erf)  }
0x131: {  	v21 =	vsel vm0, v20, v24;
	v8 =	vmul.f32 v2, v49;
	v9 =	vld [tilespmem:s18+$0xFFFFFF70];
	v2 =	vbroadcast v26, $0x0  }
0x132: {  	v20 =	vld [tilespmem:s17+$0xFFFFFFA0];
	v28 =	vadd.f32 v28, v60;
	v14 =	vbroadcast v26, $0x2;
	v19 =	vbroadcast v26, $0x1  }
0x133: {  	v11 =	vsel vm0, v17, v7;
	v17 =	vld [tilespmem:s17+$0x90];
	v4 =	vbroadcast v26, $0x7;
	v62 =	vbroadcast v26, $0x4  }
0x134: {  	[tilespmem:s16+$0x10] =	vst v25;
	v41 =	vbroadcast v26, $0x5;
	v44 =	vmul.f32 $2.000000030e-01, v28  }
0x135: {  	s19 =	simm.s32 $0x89E0;
	[tilespmem:s16+$0x50] =	vst v8;
	v51 =	vmul.f32 v10, v6;
	v6 =	vbroadcast v26, $0x3  }
0x136: {  	[tilespmem:s19+$0x40] =	vst v26;
	v57 =	vld [tilespmem:s18+$0x20];
	v59 =	vsel vm0, v2, v19;
	v18 =	vpop (erf);
	v37 =	vmul.f32 v16, v9;
	v26 =	vbroadcast v26, $0x6  }
0x137: {  	v42 =	vld [tilespmem:s18+$0x60];
	v20 =	vadd.f32 v29, v20;
	v34 =	vbroadcast v18, $0x1;
	v2 =	vbroadcast v18, $0x6  }
0x138: {  	v52 =	vld [tilespmem:s15+$0x0];
	v30 =	vadd.f32 v30, v17;
	v61 =	vbroadcast v18, $0x2;
	v7 =	vbroadcast v18, $0x4  }
0x139: {  	v28 =	vmax.f32 v28, v44;
	v24 =	vbroadcast v18, $0x3;
	v43 =	vbroadcast v18, $0x0  }
0x13a: {  	v58 =	vmul.f32 $2.000000030e-01, v20;
	v19 =	vsel vm0, v14, v6;
	v6 =	vbroadcast v18, $0x5  }
0x13b: {  	v25 =	vsub.f32 v28, v1;
	v16 =	vpop (erf);
	v29 =	vmul.f32 $2.000000030e-01, v30;
	v22 =	vmul.f32 v22, v57  }
0x13c: {  	v54 =	vbroadcast v16, $0x2;
	v27 =	vmul.f32 v27, v42  }
0x13d: {  	v12 =	vld [tilespmem:s17+$0xFFFFFFF0];
	v28 =	vmul.f32 v59, v52;
	v25 =	vmul.f32 $1.442695020e+00, v25  }
0x13e: {  	v31 =	vsel vm0, v31, v23;
	v14 =	vld [tilespmem:s25+$0xFFFFFFF0];
	v40 =	vpop (erf);
	v59 =	vbroadcast v16, $0x1;
	v60 =	vbroadcast v16, $0x0  }
0x13f: {  	v8 =	vsel vm0, v62, v41;
	v48 =	vbroadcast v16, $0x3;
	v9 =	vbroadcast v40, $0x7  }
0x140: {  	v17 =	vsel vm0, v61, v24;
	v10 =	vbroadcast v40, $0x6;
	v23 =	vbroadcast v40, $0x3  }
0x141: {  	v20 =	vmax.f32 v20, v58;
	v24 =	vbroadcast v40, $0x2;
	v56 =	vbroadcast v40, $0x1;
	[tilespmem:s16+$0x60] =	vst v27  }
0x142: {  	[tilespmem:s19+$0xFFFFFFA0] =	vst v18;
	v29 =	vmax.f32 v30, v29;
	v30 =	vbroadcast v16, $0x7;
	v20 =	vsub.f32 v20, v1;
	v45 =	vld [tilespmem:s18+$0x70]  }
0x143: {  	[tilespmem:s16+$0xFFFFFFC0] =	vst v51;
	v46 =	vld [tilespmem:s15+$0xFFFFFF60];
	(erf) = vpow2.f32 v25;
	v25 =	vbroadcast v16, $0x6;
	v53 =	vadd.f32 v14, v12  }
0x144: {  	v61 =	vld [tilespmem:s18+$0xFFFFFFD0];
	[tilespmem:s19+$0xFFFFFFF0] =	vst v40;
	v29 =	vsub.f32 v29, v1;
	v62 =	vmul.f32 $1.442695020e+00, v20;
	v12 =	vbroadcast v40, $0x4  }
0x145: {  	[tilespmem:s16+$0xFFFFFF70] =	vst v37;
	v47 =	vld [tilespmem:s15+$0xFFFFFFB0];
	v14 =	vbroadcast v40, $0x5;
	v55 =	vmul.f32 $2.000000030e-01, v53  }
0x146: {  	v43 =	vsel vm0, v43, v34;
	v33 =	vld [tilespmem:s18+$0xFFFFFF80];
	[tilespmem:s19+$0x0] =	vst v28;
	v40 =	vbroadcast v40, $0x0;
	v32 =	vmul.f32 $1.442695020e+00, v29  }
0x147: {  	[tilespmem:s19+$0x90] =	vst v16;
	v28 =	vld [tilespmem:s15+$0x10];
	v29 =	vsel vm0, v60, v59;
	v27 =	vmax.f32 v53, v55;
	v39 =	vmul.f32 v63, v45  }
0x148: {  	[tilespmem:s16+$0x20] =	vst v22;
	v20 =	vsel vm0, v25, v30;
	v63 =	vmul.f32 v43, v46;
	v36 =	vsub.f32 v27, v1;
	v27 =	vld [tilespmem:s15+$0x50]  }
0x149: {  	s10 =	simm.s32 $0x58E0;
	(erf) = vpow2.f32 v62;
	v35 =	vmul.f32 v31, v61;
	v31 =	vld [tilespmem:s18+$0x30];
	v22 =	vsel vm0, v40, v56;
	[tilespmem:s16+$0x70] =	vst v39  }
0x14a: {  	s7 =	simm.s32 $0x8;
	s11 =	simm.s32 $0x2C60;
	s20 =	simm.s32 $0x8B20;
	[tilespmem:s19+$0xFFFFFF60] =	vst v63;
	v34 =	vmul.f32 $1.442695020e+00, v36;
	v36 =	vmul.f32 v22, v47;
	v22 =	vsel vm0, v54, v48;
	v30 =	vld [tilespmem:s18+$0x80]  }
.LBB2_7:
0x14b: {  	s7 =	sadd.s32 $0x4, s7;
	(erf) = vpow2.f32 v32;
	v32 =	vld [tilespmem:s15+$0xFFFFFF70];
	v23 =	vsel vm0, v24, v23;
	v21 =	vmul.f32 v21, v33;
	[tilespmem:s16+$0xFFFFFFD0] =	vst v35  }
0x14c: {  	v19 =	vmul.f32 v19, v28;
	p0 =	slt.u32 s7, $0x7C;
	(erf) = vpow2.f32 v34;
	[tilespmem:s19+$0xFFFFFFB0] =	vst v36;
	v24 =	vld [tilespmem:s18+$0xFFFFFFE0]  }
0x14d: {  	v28 =	vbroadcast v18, $0x7;
	v18 =	vmul.f32 v29, v27;
	v4 =	vsel vm0, v26, v4;
	v25 =	vpop (erf);
	v33 =	vld [tilespmem:s15+$0xFFFFFFC0];
	[tilespmem:s16+$0xFFFFFF80] =	vst v21  }
0x14e: {  	v21 =	vbroadcast v25, $0x0;
	[tilespmem:s19+$0x10] =	vst v19;
	v19 =	vld [tilespmem:s18+$0xFFFFFF90];
	v26 =	vmul.f32 v15, v31;
	v15 =	vmov v4;
	s18 =	smov.u32 s15;
	s15 =	smov.u32 s17;
	s17 =	smov.u32 s11  }
0x14f: {  	v29 =	vbroadcast v25, $0x2;
	v31 =	vbroadcast v16, $0x5;
	v27 =	vld [tilespmem:s10+$0x0];
	[tilespmem:s19+$0x50] =	vst v18  }
0x150: {  	v35 =	vbroadcast v25, $0x1;
	v4 =	vsel vm0, v5, v3;
	v3 =	vmovc v9;
	v34 =	vld [tilespmem:s11+$0xFFFFFFF0];
	[tilespmem:s16+$0x30] =	vst v26;
	v26 =	vmul.f32 v13, v30  }
0x151: {  	v9 =	vbroadcast v16, $0x4;
	v5 =	vmovc v10;
	v13 =	vmov v20;
	v30 =	vld [tilespmem:s10+$0x10];
	v36 =	vmul.f32 v4, v24  }
0x152: {  	v2 =	vsel vm0, v2, v28;
	v4 =	vbroadcast v25, $0x7;
	v20 =	vld [tilespmem:s11+$0x90];
	v18 =	vpop (erf);
	v10 =	vmul.f32 v23, v33;
	[tilespmem:s16+$0x80] =	vst v26  }
0x153: {  	v26 =	vsel vm0, v21, v35;
	v21 =	vbroadcast v25, $0x3;
	v23 =	vld [tilespmem:s11+$0x40];
	v24 =	vmul.f32 v11, v19;
	[tilespmem:s16+$0xFFFFFFE0] =	vst v36;
	v11 =	vmovc v2  }
0x154: {  	v35 =	vbroadcast v18, $0x1;
	v2 =	vbroadcast v18, $0x6;
	v28 =	vld [tilespmem:s10+$0xFFFFFFE0];
	v16 =	vpop (erf);
	[tilespmem:s19+$0xFFFFFFC0] =	vst v10  }
0x155: {  	v33 =	vbroadcast v18, $0x2;
	v19 =	vsel vm0, v29, v21;
	v10 =	vmul.f32 v17, v32;
	v29 =	vpop (erf);
	v32 =	vld [tilespmem:s18+$0x60];
	[tilespmem:s16+$0xFFFFFF90] =	vst v24;
	s16 =	smov.u32 s19;
	s19 =	smov.u32 s20  }
0x156: {  	v31 =	vsel vm0, v9, v31;
	v36 =	vbroadcast v25, $0x4;
	v24 =	vbroadcast v18, $0x4;
	v17 =	vld [tilespmem:s10+$0xFFFFFFF0]  }
0x157: {  	v38 =	vbroadcast v25, $0x5;
	v21 =	vsel vm0, v7, v6;
	v6 =	vbroadcast v18, $0x5;
	v37 =	vld [tilespmem:s11+$0xFFFFFFA0];
	[tilespmem:s16+$0xFFFFFF70] =	vst v10  }
0x158: {  	v40 =	vsel vm0, v12, v14;
	v39 =	vbroadcast v18, $0x3;
	v9 =	vbroadcast v29, $0x7;
	v7 =	vmovc v24;
	[tilespmem:s20+$0x40] =	vst v25  }
0x159: {  	v41 =	vbroadcast v18, $0x0;
	v36 =	vsel vm0, v36, v38;
	v10 =	vbroadcast v29, $0x6;
	[tilespmem:s20+$0xFFFFFFF0] =	vst v29;
	v42 =	vld [tilespmem:s15+$0x0]  }
0x15a: {  	v20 =	vadd.f32 v30, v20;
	v38 =	vadd.f32 v27, v23;
	v23 =	vbroadcast v29, $0x3;
	v30 =	vld [tilespmem:s15+$0xFFFFFFB0];
	[tilespmem:s20+$0x90] =	vst v16  }
0x15b: {  	v43 =	vbroadcast v16, $0x2;
	v12 =	vbroadcast v29, $0x4;
	v34 =	vadd.f32 v17, v34;
	[tilespmem:s20+$0xFFFFFFA0] =	vst v18;
	v44 =	vld [tilespmem:s18+$0x20]  }
0x15c: {  	v14 =	vbroadcast v29, $0x5;
	v45 =	vmul.f32 $2.000000030e-01, v38;
	v17 =	vsel vm0, v33, v39;
	v46 =	vld [tilespmem:s15+$0xFFFFFF60]  }
0x15d: {  	v24 =	vbroadcast v29, $0x2;
	v33 =	vmul.f32 $2.000000030e-01, v20;
	v28 =	vadd.f32 v28, v37;
	v27 =	vld [tilespmem:s15+$0x50]  }
0x15e: {  	v22 =	vmul.f32 v22, v32;
	v38 =	vmax.f32 v38, v45;
	v37 =	vmul.f32 $2.000000030e-01, v34  }
0x15f: {  	v32 =	vsub.f32 v38, v1;
	v38 =	vbroadcast v29, $0x1;
	v26 =	vmul.f32 v26, v42  }
0x160: {  	v20 =	vmax.f32 v20, v33;
	v39 =	vmul.f32 $2.000000030e-01, v28;
	v42 =	vbroadcast v16, $0x7;
	[tilespmem:s16+$0x60] =	vst v22  }
0x161: {  	v20 =	vsub.f32 v20, v1;
	v22 =	vmul.f32 $1.442695020e+00, v32;
	[tilespmem:s20+$0x0] =	vst v26;
	v26 =	vbroadcast v16, $0x1;
	v45 =	vld [tilespmem:s18+$0x70]  }
0x162: {  	v33 =	vmax.f32 v34, v37;
	v34 =	vbroadcast v16, $0x0;
	v32 =	vmax.f32 v28, v39;
	s20 =	sadd.s32 $0x140, s20;
	v28 =	vld [tilespmem:s15+$0x10]  }
0x163: {  	v37 =	vsub.f32 v33, v1;
	(erf) = vpow2.f32 v22;
	v22 =	vbroadcast v16, $0x6;
	v39 =	vld [tilespmem:s18+$0xFFFFFFD0]  }
0x164: {  	v49 =	vbroadcast v16, $0x3;
	v48 =	vbroadcast v29, $0x0;
	v47 =	vsub.f32 v32, v1;
	v33 =	vld [tilespmem:s18+$0xFFFFFF80]  }
.Ltmp2:
0x165: {  	v32 =	vmul.f32 $1.442695020e+00, v20;
	v20 =	vsel vm0, v41, v35;
	v35 =	vmul.f32 v8, v44;
	v8 =	vmovc v36;
	(pc) =	sbr.rel @p0 .LBB2_7-.Ltmp2, $4  }
0x166: {  	v36 =	vmul.f32 $1.442695020e+00, v47;
	v29 =	vsel vm0, v34, v26;
	v26 =	vmul.f32 v31, v45  }
0x167: {  	v34 =	vmul.f32 $1.442695020e+00, v37;
	v37 =	vmul.f32 v20, v46;
	v20 =	vsel vm0, v22, v42;
	[tilespmem:s16+$0x20] =	vst v35  }
0x168: {  	v22 =	vsel vm0, v48, v38;
	(erf) = vpow2.f32 v36;
	v35 =	vmul.f32 v40, v39;
	v31 =	vld [tilespmem:s18+$0x30];
	[tilespmem:s16+$0x70] =	vst v26  }
0x169: {  	s10 =	sadd.s32 $0x40, s10;
	s11 =	sadd.s32 $0x140, s11;
	v36 =	vmul.f32 v22, v30;
	v26 =	vbroadcast v25, $0x6;
	v22 =	vsel vm0, v43, v49;
	[tilespmem:s19+$0xFFFFFF60] =	vst v37;
	v30 =	vld [tilespmem:s18+$0x80]  }
0x16a: {  	(erf) = vpow2.f32 v32  }
0x16b: {  	(erf) = vpow2.f32 v34;
	_ =	sdelay $0x2  }
0x16c: {  	v1 =	vmul.f32 v21, v33  }
0x16d: {  	[tilespmem:s16+$0xFFFFFFD0] =	vst v35  }
0x16e: {  	v53 =	vmul.f32 v19, v28;
	v39 =	vld [tilespmem:s15+$0xFFFFFF70];
	[tilespmem:s19+$0xFFFFFFB0] =	vst v36  }
0x16f: {  	v25 =	vld [tilespmem:s18+$0xFFFFFFE0];
	v19 =	vpop (erf);
	[tilespmem:s16+$0xFFFFFF80] =	vst v1  }
0x170: {  	v18 =	vbroadcast v18, $0x7;
	v27 =	vmul.f32 v29, v27;
	v54 =	vld [tilespmem:s15+$0xFFFFFFC0];
	[tilespmem:s19+$0x10] =	vst v53;
	v1 =	vpop (erf)  }
0x171: {  	v47 =	vbroadcast v16, $0x4;
	v56 =	vld [tilespmem:s18+$0xFFFFFF90];
	v31 =	vmul.f32 v15, v31;
	[tilespmem:s20+$0x40] =	vst v19;
	v15 =	vpop (erf)  }
0x172: {  	v55 =	vbroadcast v19, $0x0;
	v59 =	vbroadcast v19, $0x1;
	v58 =	vld [tilespmem:s17+$0x0];
	v21 =	vpop (erf);
	[tilespmem:s20+$0x90] =	vst v15  }
0x173: {  	v3 =	vsel vm0, v5, v3;
	v60 =	vmul.f32 v13, v30;
	v17 =	vmul.f32 v17, v39;
	[tilespmem:s20+$0xFFFFFFF0] =	vst v21;
	v61 =	vld [tilespmem:s17+$0x50]  }
0x174: {  	v3 =	vmul.f32 v3, v25;
	v62 =	vbroadcast v1, $0x1;
	[tilespmem:s20+$0xFFFFFFA0] =	vst v1;
	v63 =	vld [tilespmem:s17+$0xFFFFFFB0]  }
0x175: {  	v23 =	vsel vm0, v24, v23;
	[tilespmem:s19+$0x50] =	vst v27;
	v42 =	vld [tilespmem:s17+$0xFFFFFF60];
	v43 =	vbroadcast v15, $0x1;
	v37 =	vbroadcast v15, $0x0  }
0x176: {  	v44 =	vld [tilespmem:s15+$0x60];
	v29 =	vsel vm0, v55, v59;
	[tilespmem:s16+$0x80] =	vst v60;
	v45 =	vbroadcast v21, $0x1;
	v38 =	vbroadcast v21, $0x0  }
0x177: {  	v48 =	vld [tilespmem:s15+$0x20];
	[tilespmem:s19+$0xFFFFFF70] =	vst v17;
	v46 =	vbroadcast v1, $0x0;
	v29 =	vmul.f32 v29, v58;
	v27 =	vsel vm0, v37, v43  }
0x178: {  	v57 =	vbroadcast v19, $0x2;
	[tilespmem:s16+$0xFFFFFFE0] =	vst v3;
	v3 =	vsel vm0, v38, v45;
	v13 =	vmul.f32 v27, v61  }
0x179: {  	v49 =	vbroadcast v19, $0x3;
	v5 =	vsel vm0, v46, v62;
	[tilespmem:s20+$0x0] =	vst v29;
	v3 =	vmul.f32 v3, v63  }
0x17a: {  	v23 =	vmul.f32 v23, v54;
	v50 =	vld [tilespmem:s17+$0x10];
	v5 =	vmul.f32 v5, v42;
	[tilespmem:s20+$0x50] =	vst v13  }
0x17b: {  	v11 =	vmul.f32 v11, v56;
	v51 =	vmul.f32 v22, v44;
	[tilespmem:s20+$0xFFFFFFB0] =	vst v3;
	v3 =	vld [tilespmem:s17+$0x60]  }
0x17c: {  	v52 =	vbroadcast v1, $0x2;
	v8 =	vmul.f32 v8, v48;
	[tilespmem:s20+$0xFFFFFF60] =	vst v5;
	v53 =	vld [tilespmem:s17+$0xFFFFFFC0]  }
0x17d: {  	[tilespmem:s19+$0xFFFFFFC0] =	vst v23;
	v54 =	vbroadcast v15, $0x2;
	v55 =	vbroadcast v15, $0x3;
	v56 =	vld [tilespmem:s17+$0xFFFFFF70]  }
0x17e: {  	v57 =	vsel vm0, v57, v49;
	v33 =	vld [tilespmem:s15+$0xFFFFFF80];
	[tilespmem:s19+$0x60] =	vst v51;
	v58 =	vbroadcast v21, $0x3;
	v59 =	vbroadcast v21, $0x2  }
0x17f: {  	[tilespmem:s16+$0xFFFFFF90] =	vst v11;
	v60 =	vld [tilespmem:s15+$0x70];
	v61 =	vbroadcast v1, $0x3;
	v23 =	vmul.f32 v57, v50;
	v13 =	vsel vm0, v54, v55  }
0x180: {  	v34 =	vbroadcast v16, $0x5;
	v62 =	vld [tilespmem:s15+$0xFFFFFFD0];
	[tilespmem:s19+$0x20] =	vst v8;
	v28 =	vsel vm0, v59, v58;
	v3 =	vmul.f32 v13, v3  }
0x181: {  	v35 =	vbroadcast v19, $0x5;
	v44 =	vld [tilespmem:s15+$0x30];
	v11 =	vsel vm0, v52, v61;
	[tilespmem:s20+$0x10] =	vst v23;
	v5 =	vmul.f32 v28, v53  }
0x182: {  	v6 =	vsel vm0, v7, v6;
	v30 =	vbroadcast v19, $0x4;
	v23 =	vld [tilespmem:s17+$0x20];
	v11 =	vmul.f32 v11, v56;
	[tilespmem:s20+$0x60] =	vst v3  }
0x183: {  	v16 =	vsel vm0, v47, v34;
	v40 =	vbroadcast v15, $0x5;
	v6 =	vmul.f32 v6, v33;
	[tilespmem:s20+$0xFFFFFFC0] =	vst v5;
	v37 =	vld [tilespmem:s17+$0x70]  }
0x184: {  	v41 =	vbroadcast v15, $0x4;
	v38 =	vmul.f32 v16, v60;
	[tilespmem:s20+$0xFFFFFF70] =	vst v11;
	v3 =	vsel vm0, v12, v14;
	v39 =	vld [tilespmem:s17+$0xFFFFFFD0]  }
0x185: {  	v4 =	vsel vm0, v26, v4;
	v36 =	vbroadcast v21, $0x4;
	[tilespmem:s19+$0xFFFFFF80] =	vst v6;
	v42 =	vld [tilespmem:s17+$0xFFFFFF80];
	v3 =	vmul.f32 v3, v62  }
0x186: {  	v43 =	vbroadcast v21, $0x5;
	v45 =	vbroadcast v1, $0x5;
	[tilespmem:s19+$0x70] =	vst v38;
	v52 =	vld [tilespmem:s15+$0xFFFFFF90];
	v13 =	vsel vm0, v30, v35  }
0x187: {  	v63 =	vbroadcast v1, $0x4;
	v46 =	vld [tilespmem:s15+$0x80];
	v47 =	vmul.f32 v13, v23;
	[tilespmem:s19+$0xFFFFFFD0] =	vst v3;
	v3 =	vsel vm0, v41, v40  }
0x188: {  	[tilespmem:s16+$0x30] =	vst v31;
	v48 =	vbroadcast v19, $0x7;
	v50 =	vsel vm0, v36, v43;
	v3 =	vmul.f32 v3, v37  }
0x189: {  	v51 =	vbroadcast v1, $0x6;
	v14 =	vsel vm0, v63, v45;
	[tilespmem:s20+$0x20] =	vst v47;
	v49 =	vld [tilespmem:s15+$0xFFFFFFE0];
	v6 =	vmul.f32 v50, v39  }
0x18a: {  	v4 =	vmul.f32 v4, v44;
	v54 =	vld [tilespmem:s17+$0x30];
	[tilespmem:s20+$0x70] =	vst v3;
	v3 =	vmul.f32 v14, v42  }
0x18b: {  	v2 =	vsel vm0, v2, v18;
	v57 =	vbroadcast v19, $0x6;
	v55 =	vbroadcast v15, $0x7;
	v56 =	vld [tilespmem:s17+$0x80];
	[tilespmem:s20+$0xFFFFFFD0] =	vst v6  }
0x18c: {  	v2 =	vmul.f32 v2, v52;
	v58 =	vmul.f32 v20, v46;
	v59 =	vld [tilespmem:s17+$0xFFFFFFE0];
	[tilespmem:s20+$0xFFFFFF80] =	vst v3  }
0x18d: {  	v9 =	vsel vm0, v10, v9;
	[tilespmem:s19+$0x30] =	vst v4;
	v53 =	vbroadcast v21, $0x7;
	v3 =	vbroadcast v15, $0x6;
	v61 =	vld [tilespmem:s17+$0xFFFFFF90]  }
0x18e: {  	[tilespmem:s19+$0xFFFFFF90] =	vst v2;
	v62 =	vbroadcast v21, $0x6;
	v60 =	vmul.f32 v9, v49;
	v6 =	vsel vm0, v57, v48  }
0x18f: {  	s21 =	sadd.s32 $0x1, s21;
	v1 =	vbroadcast v1, $0x7;
	[tilespmem:s19+$0x80] =	vst v58;
	v63 =	vmul.f32 v6, v54;
	v3 =	vsel vm0, v3, v55  }
0x190: {  	p0 =	sne.s32 s21, $0x29;
	v2 =	vsel vm0, v62, v53;
	[tilespmem:s19+$0xFFFFFFE0] =	vst v60;
	v3 =	vmul.f32 v3, v56  }
.Ltmp3:
0x191: {  	v1 =	vsel vm0, v51, v1;
	[tilespmem:s20+$0x30] =	vst v63;
	v2 =	vmul.f32 v2, v59;
	(pc) =	sbr.rel @p0 .LBB2_4-.Ltmp3, $4  }
0x192: {  	[tilespmem:s20+$0x80] =	vst v3;
	v1 =	vmul.f32 v1, v61  }
0x193: {  	[tilespmem:s20+$0xFFFFFFE0] =	vst v2  }
0x194: {  	[tilespmem:s20+$0xFFFFFF90] =	vst v1  }
0x195: {  	[spmem:s4] =	stream.indirect.scatter.add.f32 [tilespmem:s1], [sflag:$0x6], $0x50, s23, s28, $0xb8;
	[tilespmem:$0x1EF10] =	vst v63  }
0x196: {  	s7 =	simm.s32 $0x5  }
0x197: {  	_ =	swait.ge [sflag:s7], $0x2800  }
0x198: {  	[sflag:s7] =	ssyncset.done $0x0  }
0x199: {  	[sflag:s7] =	ssyncadd.s32 $0xFFFFD800  }
0x19a: {  	_ =	swait.ge [sflag:s8], $0x2800  }
0x19b: {  	[sflag:s8] =	ssyncset.done $0x0  }
0x19c: {  	[sflag:s8] =	ssyncadd.s32 $0xFFFFD800  }
0x19d: {  	[bflag:$0x0] =	sbarrier.arrive $0xFFFF  }
0x19e: {  	[tilespmem:s5], [sflag:$0x7] =	stream.linear.gather [spmem:s12], $0x2800, $0x38;
	[tilespmem:$0x1EF10] =	vst v63  }
0x19f: {  	_ =	swait.ge [sflag:s22], $0x2800  }
0x1a0: {  	[sflag:s22] =	ssyncset.done $0x0  }
0x1a1: {  	s18 =	rddreg [dreg:$0xa];
	[sflag:s22] =	ssyncadd.s32 $0xFFFFD800  }
0x1a2: {  	[hbm4b:s18+s5] =	stream.linear.scatter [tilespmem:s5], [sflag:$0x7], $0x2800, $0x38;
	[tilespmem:$0x1EF10] =	vst v63  }
0x1a3: {  	_ =	swait.ge [sflag:s22], $0x2800  }
0x1a4: {  	[sflag:s22] =	ssyncset.done $0x0  }
0x1a5: {  	[sflag:s22] =	ssyncadd.s32 $0xFFFFD800  }
0x1a6: {  	[tilespmem:s5], [sflag:$0x7] =	stream.linear.gather [spmem:s13], $0x2800, $0x38;
	[tilespmem:$0x1EF10] =	vst v63  }
0x1a7: {  	_ =	swait.ge [sflag:s22], $0x2800  }
0x1a8: {  	[sflag:s22] =	ssyncset.done $0x0  }
0x1a9: {  	s19 =	rddreg [dreg:$0xb];
	[sflag:s22] =	ssyncadd.s32 $0xFFFFD800  }
0x1aa: {  	[hbm4b:s19+s5] =	stream.linear.scatter [tilespmem:s5], [sflag:$0x7], $0x2800, $0x38;
	[tilespmem:$0x1EF10] =	vst v63  }
0x1ab: {  	_ =	swait.ge [sflag:s22], $0x2800  }
0x1ac: {  	[sflag:s22] =	ssyncset.done $0x0  }
0x1ad: {  	[sflag:s22] =	ssyncadd.s32 $0xFFFFD800  }
0x1ae: {  	[tilespmem:s5], [sflag:$0x7] =	stream.linear.gather [spmem:s14], $0x2800, $0x38;
	[tilespmem:$0x1EF10] =	vst v63  }
0x1af: {  	_ =	swait.ge [sflag:s22], $0x2800  }
0x1b0: {  	[sflag:s22] =	ssyncset.done $0x0  }
0x1b1: {  	s20 =	rddreg [dreg:$0xc];
	[sflag:s22] =	ssyncadd.s32 $0xFFFFD800  }
0x1b2: {  	[hbm4b:s20+s5] =	stream.linear.scatter [tilespmem:s5], [sflag:$0x7], $0x2800, $0x38;
	[tilespmem:$0x1EF10] =	vst v63  }
0x1b3: {  	_ =	swait.ge [sflag:s22], $0x2800  }
0x1b4: {  	[sflag:s22] =	ssyncset.done $0x0  }
0x1b5: {  	s19 =	rddreg [dreg:$0x8];
	[sflag:s22] =	ssyncadd.s32 $0xFFFFD800  }
0x1b6: {  	[tilespmem:s5], [sflag:$0x7] =	stream.linear.gather [spmem:s19], $0x2800, $0x38;
	[tilespmem:$0x1EF10] =	vst v63  }
0x1b7: {  	_ =	swait.ge [sflag:s22], $0x2800  }
0x1b8: {  	[sflag:s22] =	ssyncset.done $0x0  }
0x1b9: {  	s21 =	rddreg [dreg:$0xd];
	[sflag:s22] =	ssyncadd.s32 $0xFFFFD800  }
0x1ba: {  	[hbm4b:s21+s5] =	stream.linear.scatter [tilespmem:s5], [sflag:$0x7], $0x2800, $0x38;
	[tilespmem:$0x1EF10] =	vst v63  }
0x1bb: {  	_ =	swait.ge [sflag:s22], $0x2800  }
0x1bc: {  	[sflag:s22] =	ssyncset.done $0x0  }
0x1bd: {  	s20 =	rddreg [dreg:$0x9];
	[sflag:s22] =	ssyncadd.s32 $0xFFFFD800  }
0x1be: {  	[tilespmem:s5], [sflag:$0x7] =	stream.linear.gather [spmem:s20], $0x2580, $0x38;
	[tilespmem:$0x1EF10] =	vst v63  }
0x1bf: {  	_ =	swait.ge [sflag:s22], $0x2580  }
0x1c0: {  	[sflag:s22] =	ssyncset.done $0x0  }
0x1c1: {  	s23 =	rddreg [dreg:$0xe];
	[sflag:s22] =	ssyncadd.s32 $0xFFFFDA80  }
0x1c2: {  	[hbm4b:s23+s5] =	stream.linear.scatter [tilespmem:s5], [sflag:$0x7], $0x2580, $0x38;
	[tilespmem:$0x1EF10] =	vst v63  }
0x1c3: {  	_ =	swait.ge [sflag:s22], $0x2580  }
0x1c4: {  	s9 =	sadd.s32 $0x1, s9;
	s25 =	rddreg [dreg:$0xf]  }
0x1c5: {  	p0 =	sne.s32 s9, s25  }
.Ltmp4:
0x1c6: {  	_ = 	snop;
	(pc) =	sbr.rel @p0 .LBB2_1-.Ltmp4, $4  }
0x1c7: {  	_ = 	snop  }
0x1c8: {  	s16 =	smov.u32 s12  }
0x1c9: {  	s17 =	smov.u32 s13;
	s15 =	simm.s32 $0xB000;
	[sflag:s22] =	ssyncset.done $0x0  }
0x1ca: {  	s18 =	smov.u32 s14;
	s23 =	simm.s32 $0xD900;
	[sflag:s22] =	ssyncadd.s32 $0xFFFFDA80  }
0x1cb: {  	_ =	sfence.sel $0x180000  }
0x1cc: {  	[bflag:$0x0] =	sbarrier.arrive $0xFFFF  }
0x1cd: {  	_ =	strace $0x90000047  }
0x1ce: {  	s0 =	stileid.u32;
	[bflag:$0x2] =	sbarrier.arrive $0xFFFF  }
0x1cf: {  	p0 =	sne.s32 s0, $0x0;
	s0 =	rddreg [dreg:$0x4]  }
0x1d0: {  	s0 =	sadd.s32 @!p0 $0x100000, s0  }
0x1d1: {  	[sflag:s0] =	ssyncadd.tile.s32 @!p0 $0x1;
	_ =	shalt  }
.Lfunc_end2:
_tile_overlayer_lowered:
.L_overlay_start_2:
0x1d2: {  	(tag) =	ssettag $0x2  }
0x1d3: {  	s0 =	rddreg [dreg:$0x0];
	s2 =	stileid.u32  }
0x1d4: {  	s1 =	rddreg [dreg:$0x1];
	p0 =	sne.s32 s2, $0x0  }
0x1d5: {  	s3 =	rddreg [dreg:$0x2];
	[bflag:$0x3] =	sbarrier.arrive $0xFFFF;
	s2 =	simm.s32 @!p0 $0x1C07  }
0x1d6: {  	[timem:s3], [sflag:s2] =	dma.local @!p0 [hbm:s0], s1  }
0x1d7: {  	s0 =	simm.s32 @!p0 $0x7  }
0x1d8: {  	_ =	swait.ge @!p0 [sflag:s0], s1  }
0x1d9: {  	s1 =	ssub.s32 @!p0 $0x0, s1;
	[sflag:s0] =	ssyncset.done @!p0 $0x0  }
0x1da: {  	[sflag:s0] =	ssyncadd.s32 @!p0 s1  }
0x1db: {  	[bflag:$0x3] =	sbarrier.arrive $0xFFFF  }
0x1dc: {  	_ =	shalt  }

</sc_bundles>
